<compile_context>
chip_gen: v7x
topology: tpu7x:2x2x1
jax: 0.10.2.dev20260603
libtpu: 0.0.44.dev20260713+nightly
codegen_flags: <defaults>
</compile_context>

<pallas_src>
import functools

import jax
import jax.numpy as jnp
from jax import lax
from jax.experimental import pallas as pl
from jax.experimental.pallas import tpu as pltpu
from jax.experimental.pallas import tpu_sc as plsc

B, N = 16, 1024
NC, NS, L = 2, 16, 16
NW = NC * NS
WPG = NW // B
RPW = N // WPG
C = 16
NK = N // L

Q1, Q2 = 0.94057222, -0.25181309

_mesh = plsc.VectorSubcoreMesh(core_axis_name="c", subcore_axis_name="s")


@functools.partial(
    pl.kernel,
    out_type=[
        jax.ShapeDtypeStruct((NW, L), jnp.float32),
        jax.ShapeDtypeStruct((NW, L), jnp.float32),
    ],
    mesh=_mesh,
    scratch_types=[
        pltpu.VMEM((N,), jnp.float32),
        pltpu.VMEM((C, N), jnp.float32),
        pltpu.VMEM((C, N), jnp.int32),
        pltpu.VMEM((C, N), jnp.float32),
        pltpu.VMEM((C, N), jnp.int32),
        pltpu.VMEM((C, N), jnp.float32),
        pltpu.VMEM((C, N), jnp.int32),
        pltpu.VMEM((RPW // C + 2, L), jnp.int32),
        pltpu.VMEM((1, L), jnp.float32),
        pltpu.VMEM((L,), jnp.float32),
        pltpu.SMEM((RPW + C,), jnp.int32),
        pltpu.SemaphoreType.DMA,
        pltpu.SemaphoreType.DMA,
        pltpu.SemaphoreType.DMA,
    ],
)
def _sc_loss(maskf_hbm, pred_hbm, true_hbm, osum_hbm, ocnt_hbm,
             cm_v, pa_v, ta_v, pb_v, tb_v, pc_v, tc_v, idx_v, acc_v, st_v,
             ism, semA, semB, semC):
    cid = lax.axis_index("c")
    sid = lax.axis_index("s")
    wid = sid * NC + cid
    b = wid // WPG
    h = wid % WPG
    row0 = b * N + h * RPW

    pltpu.sync_copy(maskf_hbm.at[b], cm_v)

    iota = lax.iota(jnp.int32, L)
    zvec = jnp.zeros((L,), jnp.float32)

    def cc_body(k, acc):
        return acc + cm_v[pl.ds(k * L, L)]

    ccacc = lax.fori_loop(0, NK, cc_body, zvec)

    def comp_body(k, cnt):
        v = cm_v[pl.ds(h * RPW + k * L, L)]
        for j in range(L):
            ism[cnt] = row0 + k * L + j
            cnt = cnt + jnp.where(v[j] > 0.5, 1, 0)
        return cnt

    cnt = lax.fori_loop(0, RPW // L, comp_body, 0)

    for j in range(C):
        ism[cnt + j] = row0

    ng = (cnt + C - 1) // C

    acc_v[0] = zvec

    def bi_body(g, _):
        idx = jnp.zeros((L,), jnp.int32)
        for j in range(L):
            idx = jnp.where(iota == j, ism[g * C + j], idx)
        idx_v[g] = idx
        return 0

    lax.fori_loop(0, ng, bi_body, 0)

    def _issue(g, p_buf, t_buf, sem):
        pltpu.async_copy(pred_hbm.at[idx_v.at[g]], p_buf, sem)
        pltpu.async_copy(true_hbm.at[idx_v.at[g]], t_buf, sem)

    def _wait(p_buf, t_buf, sem):
        pltpu.make_async_copy(pred_hbm.at[pl.ds(0, C)], p_buf, sem).wait()
        pltpu.make_async_copy(true_hbm.at[pl.ds(0, C)], t_buf, sem).wait()

    def _chunk(g, p_buf, t_buf, sem, np_buf, nt_buf, nsem):
        @pl.when(g + 2 < ng)
        def _():
            _issue(g + 2, np_buf, nt_buf, nsem)

        _wait(p_buf, t_buf, sem)

        rlo = jnp.clip(cnt - g * C, 0, C)

        def z_body(r, _):
            def zk_body(k, _):
                p_buf[r, pl.ds(k * L, L)] = zvec
                t_buf[r, pl.ds(k * L, L)] = jnp.zeros((L,), jnp.int32)
                return 0
            return lax.fori_loop(0, NK, zk_body, 0)

        lax.fori_loop(rlo, C, z_body, 0)

        def col_body(k, acc):
            cf = cm_v[pl.ds(k * L, L)]
            bs = [zvec, zvec, zvec, zvec]
            for r in range(C):
                x = p_buf[r, pl.ds(k * L, L)]
                z = t_buf[r, pl.ds(k * L, L)]
                xi = lax.bitcast_convert_type(x, jnp.int32)
                y = lax.bitcast_convert_type(xi ^ (z << 31), jnp.float32)
                m = jnp.maximum(y, 0.0)
                nay = lax.bitcast_convert_type(
                    xi | jnp.int32(-2147483648), jnp.float32)
                u = jnp.exp(nay)
                e = m + u * (Q1 + u * Q2)
                bs[r % 4] = bs[r % 4] + e
            srow = (bs[0] + bs[1]) + (bs[2] + bs[3])
            return acc + srow * cf

        accs = lax.fori_loop(0, NK, col_body, zvec)
        acc_v[0] = acc_v[0] + accs

    @pl.when(ng > 0)
    def _():
        _issue(0, pa_v, ta_v, semA)

    @pl.when(ng > 1)
    def _():
        _issue(1, pb_v, tb_v, semB)

    def tri_body(g3, _):
        g = g3 * 3

        @pl.when(g < ng)
        def _():
            _chunk(g, pa_v, ta_v, semA, pc_v, tc_v, semC)

        @pl.when(g + 1 < ng)
        def _():
            _chunk(g + 1, pb_v, tb_v, semB, pa_v, ta_v, semA)

        @pl.when(g + 2 < ng)
        def _():
            _chunk(g + 2, pc_v, tc_v, semC, pb_v, tb_v, semB)

        return 0

    lax.fori_loop(0, (RPW // C + 2) // 3, tri_body, 0)

    vacc = acc_v[0]
    psum = Q1 + Q2
    npad = (ng * C - cnt).astype(jnp.float32)
    vacc = vacc - ccacc * (npad * psum)

    st_v[...] = vacc
    pltpu.sync_copy(st_v, osum_hbm.at[wid])
    st_v[...] = ccacc * cnt.astype(jnp.float32)
    pltpu.sync_copy(st_v, ocnt_hbm.at[wid])


def kernel(mask, edge_features_true, edge_features_pred):
    maskf = mask.astype(jnp.float32)
    pred = edge_features_pred.reshape(B * N, N)
    true_ = edge_features_true.astype(jnp.int32).reshape(B * N, N)
    osum, ocnt = _sc_loss(maskf, pred, true_)
    return jnp.sum(osum) / jnp.maximum(jnp.sum(ocnt), 1.0)

# --- scband reference (transcript-rebuilt; emitter-appended) ---
"""Pipeline reference for scband-graph-reconstruction-loss-91173565760091 (READ-ONLY COPY).

The authoritative reference and input builder live on the scoring server;
editing this copy changes nothing except your own understanding.
"""

import jax, jax.numpy as jnp
import numpy as np

B, N = 16, 1024

def setup_inputs(seed: int = 0) -> dict:
    key = jax.random.key(seed)
    k1, k2, k3 = jax.random.split(key, 3)
    mask = jax.random.randint(k1, (B, N), 0, 2).astype(bool)
    edge_features_true = jax.random.randint(k2, (B, N, N), 0, 2).astype(jnp.int64)
    edge_features_pred = jax.random.normal(k3, (B, N, N), dtype=jnp.float32)
    return {"mask": mask, "edge_features_true": edge_features_true, "edge_features_pred": edge_features_pred}


def reference(mask, edge_features_true, edge_features_pred):
    # adj_mask = mask.unsqueeze(1) * mask.unsqueeze(2)  -> [B, N, N]
    adj_mask = mask[:, None, :] & mask[:, :, None]
    m = adj_mask.astype(jnp.float32)
    # edges_true = (graph_true.edge_features[adj_mask] == 1).float()
    z = (edge_features_true == 1).astype(jnp.float32)
    # edges_pred = graph_pred.edge_features[adj_mask]
    x = edge_features_pred
    # BCEWithLogitsLoss (mean over masked elements), numerically stable form:
    # l = max(x, 0) - x*z + log(1 + exp(-|x|))
    per_elem = jnp.maximum(x, 0.0) - x * z + jnp.log1p(jnp.exp(-jnp.abs(x)))
    count = jnp.sum(m)
    edge_loss = jnp.sum(per_elem * m) / jnp.maximum(count, 1.0)
    # original returns {'edge_loss': edge_loss, 'loss': edge_loss}; both are the same scalar
    return edge_loss

if __name__ == "__main__":
    import jax
    _d = setup_inputs()
    print(jax.jit(kernel)(*tuple(_d.values())))

</pallas_src>

<mosaic_0001>
#map = affine_map<(d0, d1) -> (0, 0)>
module attributes {stable_mosaic.version = 14 : i64} {
  func.func @_sc_loss(%arg0: i32, %arg1: i32, %arg2: memref<16x1024xf32, #tpu.memory_space<hbm>>, %arg3: memref<16384x1024xf32, #tpu.memory_space<hbm>>, %arg4: memref<16384x1024xi32, #tpu.memory_space<hbm>>, %arg5: memref<32x16xf32, #tpu.memory_space<hbm>>, %arg6: memref<32x16xf32, #tpu.memory_space<hbm>>, %arg7: memref<1024xf32, #tpu.memory_space<vmem>>, %arg8: memref<16x1024xf32, #tpu.memory_space<vmem>>, %arg9: memref<16x1024xi32, #tpu.memory_space<vmem>>, %arg10: memref<16x1024xf32, #tpu.memory_space<vmem>>, %arg11: memref<16x1024xi32, #tpu.memory_space<vmem>>, %arg12: memref<16x1024xf32, #tpu.memory_space<vmem>>, %arg13: memref<16x1024xi32, #tpu.memory_space<vmem>>, %arg14: memref<34x16xi32, #tpu.memory_space<vmem>>, %arg15: memref<1x16xf32, #tpu.memory_space<vmem>>, %arg16: memref<16xf32, #tpu.memory_space<vmem>>, %arg17: memref<528xi32, #tpu.memory_space<smem>>, %arg18: memref<!tpu.dma_semaphore, #tpu.memory_space<semaphore_mem>>, %arg19: memref<!tpu.dma_semaphore, #tpu.memory_space<semaphore_mem>>, %arg20: memref<!tpu.dma_semaphore, #tpu.memory_space<semaphore_mem>>) attributes {dimension_semantics = [#tpu.dimension_semantics<core_parallel>, #tpu.dimension_semantics<subcore_parallel>], iteration_bounds = array<i64: 2, 16>, scalar_prefetch = 0 : i64, scratch_operands = 14 : i64, tpu.core_type = #tpu.core_type<sc_vector_subcore>, window_params = [{transform_indices = #map}, {transform_indices = #map}, {transform_indices = #map}, {transform_indices = #map}, {transform_indices = #map}]} {
    %mul3A = arith.constant 2 : i32
    %mul3A_0 = arith.muli %arg1, %mul3A : i32
    %add3A = arith.addi %mul3A_0, %arg0 : i32
    %jit3A = arith.constant 2 : i32
    %div3A = arith.divsi %add3A, %jit3A : i32
    %sign3A = arith.constant 0 : i32
    %sign3A_1 = arith.cmpi sgt, %add3A, %sign3A : i32
    %sign3A_2 = arith.extui %sign3A_1 : i1 to i32
    %sign3A_3 = arith.constant 0 : i32
    %sign3A_4 = arith.cmpi slt, %add3A, %sign3A_3 : i32
    %sign3A_5 = arith.extui %sign3A_4 : i1 to i32
    %sign3A_6 = arith.subi %sign3A_2, %sign3A_5 : i32
    %sign3A_7 = arith.constant 0 : i32
    %sign3A_8 = arith.cmpi sgt, %jit3A, %sign3A_7 : i32
    %sign3A_9 = arith.extui %sign3A_8 : i1 to i32
    %sign3A_10 = arith.constant 0 : i32
    %sign3A_11 = arith.cmpi slt, %jit3A, %sign3A_10 : i32
    %sign3A_12 = arith.extui %sign3A_11 : i1 to i32
    %sign3A_13 = arith.subi %sign3A_9, %sign3A_12 : i32
    %ne3A = arith.cmpi ne, %sign3A_6, %sign3A_13 : i32
    %rem3A = arith.remsi %add3A, %jit3A : i32
    %ne3A_14 = arith.constant 0 : i32
    %ne3A_15 = arith.cmpi ne, %rem3A, %ne3A_14 : i32
    %and3A = arith.andi %ne3A, %ne3A_15 : i1
    %sub3A = arith.constant 1 : i32
    %sub3A_16 = arith.subi %div3A, %sub3A : i32
    %select_n3A = arith.select %and3A, %sub3A_16, %div3A : i32
    %jit3A_17 = arith.constant 2 : i32
    %eq3A = arith.constant 0 : i32
    %eq3A_18 = arith.cmpi eq, %jit3A_17, %eq3A : i32
    %jit3A_19 = arith.constant 1 : i32
    %select_n3A_20 = arith.select %eq3A_18, %jit3A_19, %jit3A_17 : i32
    %rem3A_21 = arith.remsi %add3A, %select_n3A_20 : i32
    %ne3A_22 = arith.constant 0 : i32
    %ne3A_23 = arith.cmpi ne, %rem3A_21, %ne3A_22 : i32
    %lt3A = arith.constant 0 : i32
    %lt3A_24 = arith.cmpi slt, %rem3A_21, %lt3A : i32
    %lt3A_25 = arith.constant 0 : i32
    %lt3A_26 = arith.cmpi slt, %select_n3A_20, %lt3A_25 : i32
    %ne3A_27 = arith.xori %lt3A_24, %lt3A_26 : i1
    %and3A_28 = arith.andi %ne3A_27, %ne3A_23 : i1
    %add3A_29 = arith.addi %rem3A_21, %select_n3A_20 : i32
    %select_n3A_30 = arith.select %and3A_28, %add3A_29, %rem3A_21 : i32
    %mul3A_31 = arith.constant 1024 : i32
    %mul3A_32 = arith.muli %select_n3A, %mul3A_31 : i32
    %mul3A_33 = arith.constant 512 : i32
    %mul3A_34 = arith.muli %select_n3A_30, %mul3A_33 : i32
    %add3A_35 = arith.addi %mul3A_32, %mul3A_34 : i32
    "tpu.region"() ({
      %run_scoped3A = tpu.sem_alloc : memref<!tpu.dma_semaphore, #tpu.memory_space<semaphore_mem>>
      %dma_start3A = arith.constant 0 : i32
      %dma_start3A_195 = tpu.memref_slice %arg2[%select_n3A, %dma_start3A] : memref<16x1024xf32, #tpu.memory_space<hbm>> -> memref<1x1024xf32, #tpu.memory_space<hbm>>
      %dma_start3A_196 = tpu.memref_squeeze %dma_start3A_195 : memref<1x1024xf32, #tpu.memory_space<hbm>> -> memref<1024xf32, #tpu.memory_space<hbm>>
      %dma_start3A_197 = arith.constant 0 : i32
      %dma_start3A_198 = tpu.memref_slice %arg2[%select_n3A, %dma_start3A_197] : memref<16x1024xf32, #tpu.memory_space<hbm>> -> memref<1x1024xf32, #tpu.memory_space<hbm>>
      %dma_start3A_199 = tpu.memref_squeeze %dma_start3A_198 : memref<1x1024xf32, #tpu.memory_space<hbm>> -> memref<1024xf32, #tpu.memory_space<hbm>>
      tpu.enqueue_dma source(%dma_start3A_199 : memref<1024xf32, #tpu.memory_space<hbm>>) target(%arg7 : memref<1024xf32, #tpu.memory_space<vmem>>) target_semaphore(%run_scoped3A : memref<!tpu.dma_semaphore, #tpu.memory_space<semaphore_mem>>)
      %dma_wait3A = arith.constant 0 : i32
      %dma_wait3A_200 = tpu.memref_slice %arg2[%select_n3A, %dma_wait3A] : memref<16x1024xf32, #tpu.memory_space<hbm>> -> memref<1x1024xf32, #tpu.memory_space<hbm>>
      %dma_wait3A_201 = tpu.memref_squeeze %dma_wait3A_200 : memref<1x1024xf32, #tpu.memory_space<hbm>> -> memref<1024xf32, #tpu.memory_space<hbm>>
      %dma_wait3A_202 = arith.constant 0 : i32
      %dma_wait3A_203 = tpu.memref_slice %arg2[%select_n3A, %dma_wait3A_202] : memref<16x1024xf32, #tpu.memory_space<hbm>> -> memref<1x1024xf32, #tpu.memory_space<hbm>>
      %dma_wait3A_204 = tpu.memref_squeeze %dma_wait3A_203 : memref<1x1024xf32, #tpu.memory_space<hbm>> -> memref<1024xf32, #tpu.memory_space<hbm>>
      tpu.wait_dma2 semaphore(%run_scoped3A : memref<!tpu.dma_semaphore, #tpu.memory_space<semaphore_mem>>) src(%dma_wait3A_204 : memref<1024xf32, #tpu.memory_space<hbm>>) dst(%arg7 : memref<1024xf32, #tpu.memory_space<vmem>>)
      tpu.yield
    }) : () -> ()
    %iota3A = tpu.iota {dimensions = array<i32: 0>} : vector<16xi32>
    %broadcast_in_dim3A = arith.constant 0.000000e+00 : f32
    %broadcast_in_dim3A_36 = vector.broadcast %broadcast_in_dim3A : f32 to vector<16xf32>
    %scan3A = arith.constant 0 : i32
    %scan3A_37 = arith.constant 64 : i32
    %scan3A_38 = arith.addi %scan3A, %scan3A_37 : i32
    %scan3A_39 = arith.constant 1 : i32
    %scan3A_40 = scf.for %scan3A_195 = %scan3A to %scan3A_38 step %scan3A_39 iter_args(%scan3A_196 = %broadcast_in_dim3A_36) -> (vector<16xf32>)  : i32 {
      %mul3A_197 = arith.constant 16 : i32
      %mul3A_198 = arith.muli %scan3A_195, %mul3A_197 : i32
      %get3A_199 = arith.index_cast %mul3A_198 : i32 to index
      %get3A_200 = tpu.vector_load %arg7[%get3A_199] {strides = array<i32>} : memref<1024xf32, #tpu.memory_space<vmem>>, vector<16xf32>,
      %get3A_201 = vector.shape_cast %get3A_200 : vector<16xf32> to vector<16xf32>
      %add3A_202 = arith.addf %scan3A_196, %get3A_201 : vector<16xf32>
      scf.yield %add3A_202 : vector<16xf32>
    }
    %scan3A_41 = arith.constant 64 : i32
    %scan3A_42 = arith.constant 0 : i32
    %scan3A_43 = arith.constant 0 : i32
    %scan3A_44 = arith.constant 32 : i32
    %scan3A_45 = arith.addi %scan3A_43, %scan3A_44 : i32
    %scan3A_46 = arith.constant 1 : i32
    %scan3A_47 = scf.for %scan3A_195 = %scan3A_43 to %scan3A_45 step %scan3A_46 iter_args(%scan3A_196 = %scan3A_42) -> (i32)  : i32 {
      %mul3A_197 = arith.constant 512 : i32
      %mul3A_198 = arith.muli %select_n3A_30, %mul3A_197 : i32
      %mul3A_199 = arith.constant 16 : i32
      %mul3A_200 = arith.muli %scan3A_195, %mul3A_199 : i32
      %add3A_201 = arith.addi %mul3A_198, %mul3A_200 : i32
      %get3A_202 = arith.index_cast %add3A_201 : i32 to index
      %get3A_203 = tpu.vector_load %arg7[%get3A_202] {strides = array<i32>} : memref<1024xf32, #tpu.memory_space<vmem>>, vector<16xf32>,
      %get3A_204 = vector.shape_cast %get3A_203 : vector<16xf32> to vector<16xf32>
      %mul3A_205 = arith.constant 16 : i32
      %mul3A_206 = arith.muli %scan3A_195, %mul3A_205 : i32
      %add3A_207 = arith.addi %add3A_35, %mul3A_206 : i32
      %add3A_208 = arith.constant 0 : i32
      %add3A_209 = arith.addi %add3A_207, %add3A_208 : i32
      %swap3A_210 = arith.index_cast %scan3A_196 : i32 to index
      %swap3A_211 = memref.load %arg17[%swap3A_210] : memref<528xi32, #tpu.memory_space<smem>>
      memref.store %add3A_209, %arg17[%swap3A_210] : memref<528xi32, #tpu.memory_space<smem>>
      %slice3A = vector.extract_strided_slice %get3A_204 {offsets = [0], sizes = [1], strides = [1]} : vector<16xf32> to vector<1xf32>
      %squeeze3A = vector.extract %slice3A[0] : f32 from vector<1xf32>
      %gt3A_212 = arith.constant 5.000000e-01 : f32
      %gt3A_213 = arith.cmpf ogt, %squeeze3A, %gt3A_212 : f32
      %jit3A_214 = arith.constant 1 : i32
      %jit3A_215 = arith.constant 0 : i32
      %select_n3A_216 = arith.select %gt3A_213, %jit3A_214, %jit3A_215 : i32
      %add3A_217 = arith.addi %scan3A_196, %select_n3A_216 : i32
      %mul3A_218 = arith.constant 16 : i32
      %mul3A_219 = arith.muli %scan3A_195, %mul3A_218 : i32
      %add3A_220 = arith.addi %add3A_35, %mul3A_219 : i32
      %add3A_221 = arith.constant 1 : i32
      %add3A_222 = arith.addi %add3A_220, %add3A_221 : i32
      %swap3A_223 = arith.index_cast %add3A_217 : i32 to index
      %swap3A_224 = memref.load %arg17[%swap3A_223] : memref<528xi32, #tpu.memory_space<smem>>
      memref.store %add3A_222, %arg17[%swap3A_223] : memref<528xi32, #tpu.memory_space<smem>>
      %slice3A_225 = vector.extract_strided_slice %get3A_204 {offsets = [1], sizes = [1], strides = [1]} : vector<16xf32> to vector<1xf32>
      %squeeze3A_226 = vector.extract %slice3A_225[0] : f32 from vector<1xf32>
      %gt3A_227 = arith.constant 5.000000e-01 : f32
      %gt3A_228 = arith.cmpf ogt, %squeeze3A_226, %gt3A_227 : f32
      %jit3A_229 = arith.constant 1 : i32
      %jit3A_230 = arith.constant 0 : i32
      %select_n3A_231 = arith.select %gt3A_228, %jit3A_229, %jit3A_230 : i32
      %add3A_232 = arith.addi %add3A_217, %select_n3A_231 : i32
      %mul3A_233 = arith.constant 16 : i32
      %mul3A_234 = arith.muli %scan3A_195, %mul3A_233 : i32
      %add3A_235 = arith.addi %add3A_35, %mul3A_234 : i32
      %add3A_236 = arith.constant 2 : i32
      %add3A_237 = arith.addi %add3A_235, %add3A_236 : i32
      %swap3A_238 = arith.index_cast %add3A_232 : i32 to index
      %swap3A_239 = memref.load %arg17[%swap3A_238] : memref<528xi32, #tpu.memory_space<smem>>
      memref.store %add3A_237, %arg17[%swap3A_238] : memref<528xi32, #tpu.memory_space<smem>>
      %slice3A_240 = vector.extract_strided_slice %get3A_204 {offsets = [2], sizes = [1], strides = [1]} : vector<16xf32> to vector<1xf32>
      %squeeze3A_241 = vector.extract %slice3A_240[0] : f32 from vector<1xf32>
      %gt3A_242 = arith.constant 5.000000e-01 : f32
      %gt3A_243 = arith.cmpf ogt, %squeeze3A_241, %gt3A_242 : f32
      %jit3A_244 = arith.constant 1 : i32
      %jit3A_245 = arith.constant 0 : i32
      %select_n3A_246 = arith.select %gt3A_243, %jit3A_244, %jit3A_245 : i32
      %add3A_247 = arith.addi %add3A_232, %select_n3A_246 : i32
      %mul3A_248 = arith.constant 16 : i32
      %mul3A_249 = arith.muli %scan3A_195, %mul3A_248 : i32
      %add3A_250 = arith.addi %add3A_35, %mul3A_249 : i32
      %add3A_251 = arith.constant 3 : i32
      %add3A_252 = arith.addi %add3A_250, %add3A_251 : i32
      %swap3A_253 = arith.index_cast %add3A_247 : i32 to index
      %swap3A_254 = memref.load %arg17[%swap3A_253] : memref<528xi32, #tpu.memory_space<smem>>
      memref.store %add3A_252, %arg17[%swap3A_253] : memref<528xi32, #tpu.memory_space<smem>>
      %slice3A_255 = vector.extract_strided_slice %get3A_204 {offsets = [3], sizes = [1], strides = [1]} : vector<16xf32> to vector<1xf32>
      %squeeze3A_256 = vector.extract %slice3A_255[0] : f32 from vector<1xf32>
      %gt3A_257 = arith.constant 5.000000e-01 : f32
      %gt3A_258 = arith.cmpf ogt, %squeeze3A_256, %gt3A_257 : f32
      %jit3A_259 = arith.constant 1 : i32
      %jit3A_260 = arith.constant 0 : i32
      %select_n3A_261 = arith.select %gt3A_258, %jit3A_259, %jit3A_260 : i32
      %add3A_262 = arith.addi %add3A_247, %select_n3A_261 : i32
      %mul3A_263 = arith.constant 16 : i32
      %mul3A_264 = arith.muli %scan3A_195, %mul3A_263 : i32
      %add3A_265 = arith.addi %add3A_35, %mul3A_264 : i32
      %add3A_266 = arith.constant 4 : i32
      %add3A_267 = arith.addi %add3A_265, %add3A_266 : i32
      %swap3A_268 = arith.index_cast %add3A_262 : i32 to index
      %swap3A_269 = memref.load %arg17[%swap3A_268] : memref<528xi32, #tpu.memory_space<smem>>
      memref.store %add3A_267, %arg17[%swap3A_268] : memref<528xi32, #tpu.memory_space<smem>>
      %slice3A_270 = vector.extract_strided_slice %get3A_204 {offsets = [4], sizes = [1], strides = [1]} : vector<16xf32> to vector<1xf32>
      %squeeze3A_271 = vector.extract %slice3A_270[0] : f32 from vector<1xf32>
      %gt3A_272 = arith.constant 5.000000e-01 : f32
      %gt3A_273 = arith.cmpf ogt, %squeeze3A_271, %gt3A_272 : f32
      %jit3A_274 = arith.constant 1 : i32
      %jit3A_275 = arith.constant 0 : i32
      %select_n3A_276 = arith.select %gt3A_273, %jit3A_274, %jit3A_275 : i32
      %add3A_277 = arith.addi %add3A_262, %select_n3A_276 : i32
      %mul3A_278 = arith.constant 16 : i32
      %mul3A_279 = arith.muli %scan3A_195, %mul3A_278 : i32
      %add3A_280 = arith.addi %add3A_35, %mul3A_279 : i32
      %add3A_281 = arith.constant 5 : i32
      %add3A_282 = arith.addi %add3A_280, %add3A_281 : i32
      %swap3A_283 = arith.index_cast %add3A_277 : i32 to index
      %swap3A_284 = memref.load %arg17[%swap3A_283] : memref<528xi32, #tpu.memory_space<smem>>
      memref.store %add3A_282, %arg17[%swap3A_283] : memref<528xi32, #tpu.memory_space<smem>>
      %slice3A_285 = vector.extract_strided_slice %get3A_204 {offsets = [5], sizes = [1], strides = [1]} : vector<16xf32> to vector<1xf32>
      %squeeze3A_286 = vector.extract %slice3A_285[0] : f32 from vector<1xf32>
      %gt3A_287 = arith.constant 5.000000e-01 : f32
      %gt3A_288 = arith.cmpf ogt, %squeeze3A_286, %gt3A_287 : f32
      %jit3A_289 = arith.constant 1 : i32
      %jit3A_290 = arith.constant 0 : i32
      %select_n3A_291 = arith.select %gt3A_288, %jit3A_289, %jit3A_290 : i32
      %add3A_292 = arith.addi %add3A_277, %select_n3A_291 : i32
      %mul3A_293 = arith.constant 16 : i32
      %mul3A_294 = arith.muli %scan3A_195, %mul3A_293 : i32
      %add3A_295 = arith.addi %add3A_35, %mul3A_294 : i32
      %add3A_296 = arith.constant 6 : i32
      %add3A_297 = arith.addi %add3A_295, %add3A_296 : i32
      %swap3A_298 = arith.index_cast %add3A_292 : i32 to index
      %swap3A_299 = memref.load %arg17[%swap3A_298] : memref<528xi32, #tpu.memory_space<smem>>
      memref.store %add3A_297, %arg17[%swap3A_298] : memref<528xi32, #tpu.memory_space<smem>>
      %slice3A_300 = vector.extract_strided_slice %get3A_204 {offsets = [6], sizes = [1], strides = [1]} : vector<16xf32> to vector<1xf32>
      %squeeze3A_301 = vector.extract %slice3A_300[0] : f32 from vector<1xf32>
      %gt3A_302 = arith.constant 5.000000e-01 : f32
      %gt3A_303 = arith.cmpf ogt, %squeeze3A_301, %gt3A_302 : f32
      %jit3A_304 = arith.constant 1 : i32
      %jit3A_305 = arith.constant 0 : i32
      %select_n3A_306 = arith.select %gt3A_303, %jit3A_304, %jit3A_305 : i32
      %add3A_307 = arith.addi %add3A_292, %select_n3A_306 : i32
      %mul3A_308 = arith.constant 16 : i32
      %mul3A_309 = arith.muli %scan3A_195, %mul3A_308 : i32
      %add3A_310 = arith.addi %add3A_35, %mul3A_309 : i32
      %add3A_311 = arith.constant 7 : i32
      %add3A_312 = arith.addi %add3A_310, %add3A_311 : i32
      %swap3A_313 = arith.index_cast %add3A_307 : i32 to index
      %swap3A_314 = memref.load %arg17[%swap3A_313] : memref<528xi32, #tpu.memory_space<smem>>
      memref.store %add3A_312, %arg17[%swap3A_313] : memref<528xi32, #tpu.memory_space<smem>>
      %slice3A_315 = vector.extract_strided_slice %get3A_204 {offsets = [7], sizes = [1], strides = [1]} : vector<16xf32> to vector<1xf32>
      %squeeze3A_316 = vector.extract %slice3A_315[0] : f32 from vector<1xf32>
      %gt3A_317 = arith.constant 5.000000e-01 : f32
      %gt3A_318 = arith.cmpf ogt, %squeeze3A_316, %gt3A_317 : f32
      %jit3A_319 = arith.constant 1 : i32
      %jit3A_320 = arith.constant 0 : i32
      %select_n3A_321 = arith.select %gt3A_318, %jit3A_319, %jit3A_320 : i32
      %add3A_322 = arith.addi %add3A_307, %select_n3A_321 : i32
      %mul3A_323 = arith.constant 16 : i32
      %mul3A_324 = arith.muli %scan3A_195, %mul3A_323 : i32
      %add3A_325 = arith.addi %add3A_35, %mul3A_324 : i32
      %add3A_326 = arith.constant 8 : i32
      %add3A_327 = arith.addi %add3A_325, %add3A_326 : i32
      %swap3A_328 = arith.index_cast %add3A_322 : i32 to index
      %swap3A_329 = memref.load %arg17[%swap3A_328] : memref<528xi32, #tpu.memory_space<smem>>
      memref.store %add3A_327, %arg17[%swap3A_328] : memref<528xi32, #tpu.memory_space<smem>>
      %slice3A_330 = vector.extract_strided_slice %get3A_204 {offsets = [8], sizes = [1], strides = [1]} : vector<16xf32> to vector<1xf32>
      %squeeze3A_331 = vector.extract %slice3A_330[0] : f32 from vector<1xf32>
      %gt3A_332 = arith.constant 5.000000e-01 : f32
      %gt3A_333 = arith.cmpf ogt, %squeeze3A_331, %gt3A_332 : f32
      %jit3A_334 = arith.constant 1 : i32
      %jit3A_335 = arith.constant 0 : i32
      %select_n3A_336 = arith.select %gt3A_333, %jit3A_334, %jit3A_335 : i32
      %add3A_337 = arith.addi %add3A_322, %select_n3A_336 : i32
      %mul3A_338 = arith.constant 16 : i32
      %mul3A_339 = arith.muli %scan3A_195, %mul3A_338 : i32
      %add3A_340 = arith.addi %add3A_35, %mul3A_339 : i32
      %add3A_341 = arith.constant 9 : i32
      %add3A_342 = arith.addi %add3A_340, %add3A_341 : i32
      %swap3A_343 = arith.index_cast %add3A_337 : i32 to index
      %swap3A_344 = memref.load %arg17[%swap3A_343] : memref<528xi32, #tpu.memory_space<smem>>
      memref.store %add3A_342, %arg17[%swap3A_343] : memref<528xi32, #tpu.memory_space<smem>>
      %slice3A_345 = vector.extract_strided_slice %get3A_204 {offsets = [9], sizes = [1], strides = [1]} : vector<16xf32> to vector<1xf32>
      %squeeze3A_346 = vector.extract %slice3A_345[0] : f32 from vector<1xf32>
      %gt3A_347 = arith.constant 5.000000e-01 : f32
      %gt3A_348 = arith.cmpf ogt, %squeeze3A_346, %gt3A_347 : f32
      %jit3A_349 = arith.constant 1 : i32
      %jit3A_350 = arith.constant 0 : i32
      %select_n3A_351 = arith.select %gt3A_348, %jit3A_349, %jit3A_350 : i32
      %add3A_352 = arith.addi %add3A_337, %select_n3A_351 : i32
      %mul3A_353 = arith.constant 16 : i32
      %mul3A_354 = arith.muli %scan3A_195, %mul3A_353 : i32
      %add3A_355 = arith.addi %add3A_35, %mul3A_354 : i32
      %add3A_356 = arith.constant 10 : i32
      %add3A_357 = arith.addi %add3A_355, %add3A_356 : i32
      %swap3A_358 = arith.index_cast %add3A_352 : i32 to index
      %swap3A_359 = memref.load %arg17[%swap3A_358] : memref<528xi32, #tpu.memory_space<smem>>
      memref.store %add3A_357, %arg17[%swap3A_358] : memref<528xi32, #tpu.memory_space<smem>>
      %slice3A_360 = vector.extract_strided_slice %get3A_204 {offsets = [10], sizes = [1], strides = [1]} : vector<16xf32> to vector<1xf32>
      %squeeze3A_361 = vector.extract %slice3A_360[0] : f32 from vector<1xf32>
      %gt3A_362 = arith.constant 5.000000e-01 : f32
      %gt3A_363 = arith.cmpf ogt, %squeeze3A_361, %gt3A_362 : f32
      %jit3A_364 = arith.constant 1 : i32
      %jit3A_365 = arith.constant 0 : i32
      %select_n3A_366 = arith.select %gt3A_363, %jit3A_364, %jit3A_365 : i32
      %add3A_367 = arith.addi %add3A_352, %select_n3A_366 : i32
      %mul3A_368 = arith.constant 16 : i32
      %mul3A_369 = arith.muli %scan3A_195, %mul3A_368 : i32
      %add3A_370 = arith.addi %add3A_35, %mul3A_369 : i32
      %add3A_371 = arith.constant 11 : i32
      %add3A_372 = arith.addi %add3A_370, %add3A_371 : i32
      %swap3A_373 = arith.index_cast %add3A_367 : i32 to index
      %swap3A_374 = memref.load %arg17[%swap3A_373] : memref<528xi32, #tpu.memory_space<smem>>
      memref.store %add3A_372, %arg17[%swap3A_373] : memref<528xi32, #tpu.memory_space<smem>>
      %slice3A_375 = vector.extract_strided_slice %get3A_204 {offsets = [11], sizes = [1], strides = [1]} : vector<16xf32> to vector<1xf32>
      %squeeze3A_376 = vector.extract %slice3A_375[0] : f32 from vector<1xf32>
      %gt3A_377 = arith.constant 5.000000e-01 : f32
      %gt3A_378 = arith.cmpf ogt, %squeeze3A_376, %gt3A_377 : f32
      %jit3A_379 = arith.constant 1 : i32
      %jit3A_380 = arith.constant 0 : i32
      %select_n3A_381 = arith.select %gt3A_378, %jit3A_379, %jit3A_380 : i32
      %add3A_382 = arith.addi %add3A_367, %select_n3A_381 : i32
      %mul3A_383 = arith.constant 16 : i32
      %mul3A_384 = arith.muli %scan3A_195, %mul3A_383 : i32
      %add3A_385 = arith.addi %add3A_35, %mul3A_384 : i32
      %add3A_386 = arith.constant 12 : i32
      %add3A_387 = arith.addi %add3A_385, %add3A_386 : i32
      %swap3A_388 = arith.index_cast %add3A_382 : i32 to index
      %swap3A_389 = memref.load %arg17[%swap3A_388] : memref<528xi32, #tpu.memory_space<smem>>
      memref.store %add3A_387, %arg17[%swap3A_388] : memref<528xi32, #tpu.memory_space<smem>>
      %slice3A_390 = vector.extract_strided_slice %get3A_204 {offsets = [12], sizes = [1], strides = [1]} : vector<16xf32> to vector<1xf32>
      %squeeze3A_391 = vector.extract %slice3A_390[0] : f32 from vector<1xf32>
      %gt3A_392 = arith.constant 5.000000e-01 : f32
      %gt3A_393 = arith.cmpf ogt, %squeeze3A_391, %gt3A_392 : f32
      %jit3A_394 = arith.constant 1 : i32
      %jit3A_395 = arith.constant 0 : i32
      %select_n3A_396 = arith.select %gt3A_393, %jit3A_394, %jit3A_395 : i32
      %add3A_397 = arith.addi %add3A_382, %select_n3A_396 : i32
      %mul3A_398 = arith.constant 16 : i32
      %mul3A_399 = arith.muli %scan3A_195, %mul3A_398 : i32
      %add3A_400 = arith.addi %add3A_35, %mul3A_399 : i32
      %add3A_401 = arith.constant 13 : i32
      %add3A_402 = arith.addi %add3A_400, %add3A_401 : i32
      %swap3A_403 = arith.index_cast %add3A_397 : i32 to index
      %swap3A_404 = memref.load %arg17[%swap3A_403] : memref<528xi32, #tpu.memory_space<smem>>
      memref.store %add3A_402, %arg17[%swap3A_403] : memref<528xi32, #tpu.memory_space<smem>>
      %slice3A_405 = vector.extract_strided_slice %get3A_204 {offsets = [13], sizes = [1], strides = [1]} : vector<16xf32> to vector<1xf32>
      %squeeze3A_406 = vector.extract %slice3A_405[0] : f32 from vector<1xf32>
      %gt3A_407 = arith.constant 5.000000e-01 : f32
      %gt3A_408 = arith.cmpf ogt, %squeeze3A_406, %gt3A_407 : f32
      %jit3A_409 = arith.constant 1 : i32
      %jit3A_410 = arith.constant 0 : i32
      %select_n3A_411 = arith.select %gt3A_408, %jit3A_409, %jit3A_410 : i32
      %add3A_412 = arith.addi %add3A_397, %select_n3A_411 : i32
      %mul3A_413 = arith.constant 16 : i32
      %mul3A_414 = arith.muli %scan3A_195, %mul3A_413 : i32
      %add3A_415 = arith.addi %add3A_35, %mul3A_414 : i32
      %add3A_416 = arith.constant 14 : i32
      %add3A_417 = arith.addi %add3A_415, %add3A_416 : i32
      %swap3A_418 = arith.index_cast %add3A_412 : i32 to index
      %swap3A_419 = memref.load %arg17[%swap3A_418] : memref<528xi32, #tpu.memory_space<smem>>
      memref.store %add3A_417, %arg17[%swap3A_418] : memref<528xi32, #tpu.memory_space<smem>>
      %slice3A_420 = vector.extract_strided_slice %get3A_204 {offsets = [14], sizes = [1], strides = [1]} : vector<16xf32> to vector<1xf32>
      %squeeze3A_421 = vector.extract %slice3A_420[0] : f32 from vector<1xf32>
      %gt3A_422 = arith.constant 5.000000e-01 : f32
      %gt3A_423 = arith.cmpf ogt, %squeeze3A_421, %gt3A_422 : f32
      %jit3A_424 = arith.constant 1 : i32
      %jit3A_425 = arith.constant 0 : i32
      %select_n3A_426 = arith.select %gt3A_423, %jit3A_424, %jit3A_425 : i32
      %add3A_427 = arith.addi %add3A_412, %select_n3A_426 : i32
      %mul3A_428 = arith.constant 16 : i32
      %mul3A_429 = arith.muli %scan3A_195, %mul3A_428 : i32
      %add3A_430 = arith.addi %add3A_35, %mul3A_429 : i32
      %add3A_431 = arith.constant 15 : i32
      %add3A_432 = arith.addi %add3A_430, %add3A_431 : i32
      %swap3A_433 = arith.index_cast %add3A_427 : i32 to index
      %swap3A_434 = memref.load %arg17[%swap3A_433] : memref<528xi32, #tpu.memory_space<smem>>
      memref.store %add3A_432, %arg17[%swap3A_433] : memref<528xi32, #tpu.memory_space<smem>>
      %slice3A_435 = vector.extract_strided_slice %get3A_204 {offsets = [15], sizes = [1], strides = [1]} : vector<16xf32> to vector<1xf32>
      %squeeze3A_436 = vector.extract %slice3A_435[0] : f32 from vector<1xf32>
      %gt3A_437 = arith.constant 5.000000e-01 : f32
      %gt3A_438 = arith.cmpf ogt, %squeeze3A_436, %gt3A_437 : f32
      %jit3A_439 = arith.constant 1 : i32
      %jit3A_440 = arith.constant 0 : i32
      %select_n3A_441 = arith.select %gt3A_438, %jit3A_439, %jit3A_440 : i32
      %add3A_442 = arith.addi %add3A_427, %select_n3A_441 : i32
      scf.yield %add3A_442 : i32
    }
    %scan3A_48 = arith.constant 32 : i32
    %add3A_49 = arith.constant 0 : i32
    %add3A_50 = arith.addi %scan3A_47, %add3A_49 : i32
    %swap3A = arith.index_cast %add3A_50 : i32 to index
    %swap3A_51 = memref.load %arg17[%swap3A] : memref<528xi32, #tpu.memory_space<smem>>
    memref.store %add3A_35, %arg17[%swap3A] : memref<528xi32, #tpu.memory_space<smem>>
    %add3A_52 = arith.constant 1 : i32
    %add3A_53 = arith.addi %scan3A_47, %add3A_52 : i32
    %swap3A_54 = arith.index_cast %add3A_53 : i32 to index
    %swap3A_55 = memref.load %arg17[%swap3A_54] : memref<528xi32, #tpu.memory_space<smem>>
    memref.store %add3A_35, %arg17[%swap3A_54] : memref<528xi32, #tpu.memory_space<smem>>
    %add3A_56 = arith.constant 2 : i32
    %add3A_57 = arith.addi %scan3A_47, %add3A_56 : i32
    %swap3A_58 = arith.index_cast %add3A_57 : i32 to index
    %swap3A_59 = memref.load %arg17[%swap3A_58] : memref<528xi32, #tpu.memory_space<smem>>
    memref.store %add3A_35, %arg17[%swap3A_58] : memref<528xi32, #tpu.memory_space<smem>>
    %add3A_60 = arith.constant 3 : i32
    %add3A_61 = arith.addi %scan3A_47, %add3A_60 : i32
    %swap3A_62 = arith.index_cast %add3A_61 : i32 to index
    %swap3A_63 = memref.load %arg17[%swap3A_62] : memref<528xi32, #tpu.memory_space<smem>>
    memref.store %add3A_35, %arg17[%swap3A_62] : memref<528xi32, #tpu.memory_space<smem>>
    %add3A_64 = arith.constant 4 : i32
    %add3A_65 = arith.addi %scan3A_47, %add3A_64 : i32
    %swap3A_66 = arith.index_cast %add3A_65 : i32 to index
    %swap3A_67 = memref.load %arg17[%swap3A_66] : memref<528xi32, #tpu.memory_space<smem>>
    memref.store %add3A_35, %arg17[%swap3A_66] : memref<528xi32, #tpu.memory_space<smem>>
    %add3A_68 = arith.constant 5 : i32
    %add3A_69 = arith.addi %scan3A_47, %add3A_68 : i32
    %swap3A_70 = arith.index_cast %add3A_69 : i32 to index
    %swap3A_71 = memref.load %arg17[%swap3A_70] : memref<528xi32, #tpu.memory_space<smem>>
    memref.store %add3A_35, %arg17[%swap3A_70] : memref<528xi32, #tpu.memory_space<smem>>
    %add3A_72 = arith.constant 6 : i32
    %add3A_73 = arith.addi %scan3A_47, %add3A_72 : i32
    %swap3A_74 = arith.index_cast %add3A_73 : i32 to index
    %swap3A_75 = memref.load %arg17[%swap3A_74] : memref<528xi32, #tpu.memory_space<smem>>
    memref.store %add3A_35, %arg17[%swap3A_74] : memref<528xi32, #tpu.memory_space<smem>>
    %add3A_76 = arith.constant 7 : i32
    %add3A_77 = arith.addi %scan3A_47, %add3A_76 : i32
    %swap3A_78 = arith.index_cast %add3A_77 : i32 to index
    %swap3A_79 = memref.load %arg17[%swap3A_78] : memref<528xi32, #tpu.memory_space<smem>>
    memref.store %add3A_35, %arg17[%swap3A_78] : memref<528xi32, #tpu.memory_space<smem>>
    %add3A_80 = arith.constant 8 : i32
    %add3A_81 = arith.addi %scan3A_47, %add3A_80 : i32
    %swap3A_82 = arith.index_cast %add3A_81 : i32 to index
    %swap3A_83 = memref.load %arg17[%swap3A_82] : memref<528xi32, #tpu.memory_space<smem>>
    memref.store %add3A_35, %arg17[%swap3A_82] : memref<528xi32, #tpu.memory_space<smem>>
    %add3A_84 = arith.constant 9 : i32
    %add3A_85 = arith.addi %scan3A_47, %add3A_84 : i32
    %swap3A_86 = arith.index_cast %add3A_85 : i32 to index
    %swap3A_87 = memref.load %arg17[%swap3A_86] : memref<528xi32, #tpu.memory_space<smem>>
    memref.store %add3A_35, %arg17[%swap3A_86] : memref<528xi32, #tpu.memory_space<smem>>
    %add3A_88 = arith.constant 10 : i32
    %add3A_89 = arith.addi %scan3A_47, %add3A_88 : i32
    %swap3A_90 = arith.index_cast %add3A_89 : i32 to index
    %swap3A_91 = memref.load %arg17[%swap3A_90] : memref<528xi32, #tpu.memory_space<smem>>
    memref.store %add3A_35, %arg17[%swap3A_90] : memref<528xi32, #tpu.memory_space<smem>>
    %add3A_92 = arith.constant 11 : i32
    %add3A_93 = arith.addi %scan3A_47, %add3A_92 : i32
    %swap3A_94 = arith.index_cast %add3A_93 : i32 to index
    %swap3A_95 = memref.load %arg17[%swap3A_94] : memref<528xi32, #tpu.memory_space<smem>>
    memref.store %add3A_35, %arg17[%swap3A_94] : memref<528xi32, #tpu.memory_space<smem>>
    %add3A_96 = arith.constant 12 : i32
    %add3A_97 = arith.addi %scan3A_47, %add3A_96 : i32
    %swap3A_98 = arith.index_cast %add3A_97 : i32 to index
    %swap3A_99 = memref.load %arg17[%swap3A_98] : memref<528xi32, #tpu.memory_space<smem>>
    memref.store %add3A_35, %arg17[%swap3A_98] : memref<528xi32, #tpu.memory_space<smem>>
    %add3A_100 = arith.constant 13 : i32
    %add3A_101 = arith.addi %scan3A_47, %add3A_100 : i32
    %swap3A_102 = arith.index_cast %add3A_101 : i32 to index
    %swap3A_103 = memref.load %arg17[%swap3A_102] : memref<528xi32, #tpu.memory_space<smem>>
    memref.store %add3A_35, %arg17[%swap3A_102] : memref<528xi32, #tpu.memory_space<smem>>
    %add3A_104 = arith.constant 14 : i32
    %add3A_105 = arith.addi %scan3A_47, %add3A_104 : i32
    %swap3A_106 = arith.index_cast %add3A_105 : i32 to index
    %swap3A_107 = memref.load %arg17[%swap3A_106] : memref<528xi32, #tpu.memory_space<smem>>
    memref.store %add3A_35, %arg17[%swap3A_106] : memref<528xi32, #tpu.memory_space<smem>>
    %add3A_108 = arith.constant 15 : i32
    %add3A_109 = arith.addi %scan3A_47, %add3A_108 : i32
    %swap3A_110 = arith.index_cast %add3A_109 : i32 to index
    %swap3A_111 = memref.load %arg17[%swap3A_110] : memref<528xi32, #tpu.memory_space<smem>>
    memref.store %add3A_35, %arg17[%swap3A_110] : memref<528xi32, #tpu.memory_space<smem>>
    %add3A_112 = arith.constant 16 : i32
    %add3A_113 = arith.addi %scan3A_47, %add3A_112 : i32
    %sub3A_114 = arith.constant 1 : i32
    %sub3A_115 = arith.subi %add3A_113, %sub3A_114 : i32
    %jit3A_116 = arith.constant 16 : i32
    %div3A_117 = arith.divsi %sub3A_115, %jit3A_116 : i32
    %sign3A_118 = arith.constant 0 : i32
    %sign3A_119 = arith.cmpi sgt, %sub3A_115, %sign3A_118 : i32
    %sign3A_120 = arith.extui %sign3A_119 : i1 to i32
    %sign3A_121 = arith.constant 0 : i32
    %sign3A_122 = arith.cmpi slt, %sub3A_115, %sign3A_121 : i32
    %sign3A_123 = arith.extui %sign3A_122 : i1 to i32
    %sign3A_124 = arith.subi %sign3A_120, %sign3A_123 : i32
    %sign3A_125 = arith.constant 0 : i32
    %sign3A_126 = arith.cmpi sgt, %jit3A_116, %sign3A_125 : i32
    %sign3A_127 = arith.extui %sign3A_126 : i1 to i32
    %sign3A_128 = arith.constant 0 : i32
    %sign3A_129 = arith.cmpi slt, %jit3A_116, %sign3A_128 : i32
    %sign3A_130 = arith.extui %sign3A_129 : i1 to i32
    %sign3A_131 = arith.subi %sign3A_127, %sign3A_130 : i32
    %ne3A_132 = arith.cmpi ne, %sign3A_124, %sign3A_131 : i32
    %rem3A_133 = arith.remsi %sub3A_115, %jit3A_116 : i32
    %ne3A_134 = arith.constant 0 : i32
    %ne3A_135 = arith.cmpi ne, %rem3A_133, %ne3A_134 : i32
    %and3A_136 = arith.andi %ne3A_132, %ne3A_135 : i1
    %sub3A_137 = arith.constant 1 : i32
    %sub3A_138 = arith.subi %div3A_117, %sub3A_137 : i32
    %select_n3A_139 = arith.select %and3A_136, %sub3A_138, %div3A_117 : i32
    %swap3A_140 = arith.constant 0 : i32
    %swap3A_141 = arith.index_cast %swap3A_140 : i32 to index
    %swap3A_142 = arith.constant 0 : index
    %swap3A_143 = tpu.vector_load %arg15[%swap3A_141, %swap3A_142] {strides = array<i32>} : memref<1x16xf32, #tpu.memory_space<vmem>>, vector<1x16xf32>,
    %swap3A_144 = vector.shape_cast %swap3A_143 : vector<1x16xf32> to vector<16xf32>
    %swap3A_145 = vector.shape_cast %broadcast_in_dim3A_36 : vector<16xf32> to vector<1x16xf32>
    tpu.vector_store %arg15[%swap3A_141, %swap3A_142], %swap3A_145 {strides = array<i32>} : memref<1x16xf32, #tpu.memory_space<vmem>>, vector<1x16xf32>,
    %while3A = arith.constant 0 : i32
    %while3A_146 = arith.constant 0 : i32
    %while3A_147 = arith.subi %select_n3A_139, %while3A : i32
    %while3A_148 = arith.addi %while3A, %while3A_147 : i32
    %while3A_149 = arith.constant 1 : i32
    %while3A_150 = arith.divsi %while3A_147, %while3A_149 : i32
    %while3A_151 = arith.muli %while3A_150, %while3A_149 : i32
    %while3A_152 = arith.addi %while3A, %while3A_151 : i32
    %while3A_153 = arith.constant 1 : i32
    %while3A_154 = scf.for %while3A_195 = %while3A to %while3A_152 step %while3A_153 iter_args(%while3A_196 = %while3A_146) -> (i32)  : i32 {
      %broadcast_in_dim3A_197 = arith.constant 0 : i32
      %broadcast_in_dim3A_198 = vector.broadcast %broadcast_in_dim3A_197 : i32 to vector<16xi32>
      %eq3A_199 = arith.constant 0 : i32
      %eq3A_200 = vector.broadcast %eq3A_199 : i32 to vector<16xi32>
      %eq3A_201 = arith.cmpi eq, %iota3A, %eq3A_200 : vector<16xi32>
      %mul3A_202 = arith.constant 16 : i32
      %mul3A_203 = arith.muli %while3A_195, %mul3A_202 : i32
      %add3A_204 = arith.constant 0 : i32
      %add3A_205 = arith.addi %mul3A_203, %add3A_204 : i32
      %get3A_206 = arith.index_cast %add3A_205 : i32 to index
      %get3A_207 = memref.load %arg17[%get3A_206] : memref<528xi32, #tpu.memory_space<smem>>
      %broadcast_in_dim3A_208 = vector.broadcast %get3A_207 : i32 to vector<16xi32>
      %select_n3A_209 = arith.select %eq3A_201, %broadcast_in_dim3A_208, %broadcast_in_dim3A_198 : vector<16xi1>, vector<16xi32>
      %eq3A_210 = arith.constant 1 : i32
      %eq3A_211 = vector.broadcast %eq3A_210 : i32 to vector<16xi32>
      %eq3A_212 = arith.cmpi eq, %iota3A, %eq3A_211 : vector<16xi32>
      %mul3A_213 = arith.constant 16 : i32
      %mul3A_214 = arith.muli %while3A_195, %mul3A_213 : i32
      %add3A_215 = arith.constant 1 : i32
      %add3A_216 = arith.addi %mul3A_214, %add3A_215 : i32
      %get3A_217 = arith.index_cast %add3A_216 : i32 to index
      %get3A_218 = memref.load %arg17[%get3A_217] : memref<528xi32, #tpu.memory_space<smem>>
      %broadcast_in_dim3A_219 = vector.broadcast %get3A_218 : i32 to vector<16xi32>
      %select_n3A_220 = arith.select %eq3A_212, %broadcast_in_dim3A_219, %select_n3A_209 : vector<16xi1>, vector<16xi32>
      %eq3A_221 = arith.constant 2 : i32
      %eq3A_222 = vector.broadcast %eq3A_221 : i32 to vector<16xi32>
      %eq3A_223 = arith.cmpi eq, %iota3A, %eq3A_222 : vector<16xi32>
      %mul3A_224 = arith.constant 16 : i32
      %mul3A_225 = arith.muli %while3A_195, %mul3A_224 : i32
      %add3A_226 = arith.constant 2 : i32
      %add3A_227 = arith.addi %mul3A_225, %add3A_226 : i32
      %get3A_228 = arith.index_cast %add3A_227 : i32 to index
      %get3A_229 = memref.load %arg17[%get3A_228] : memref<528xi32, #tpu.memory_space<smem>>
      %broadcast_in_dim3A_230 = vector.broadcast %get3A_229 : i32 to vector<16xi32>
      %select_n3A_231 = arith.select %eq3A_223, %broadcast_in_dim3A_230, %select_n3A_220 : vector<16xi1>, vector<16xi32>
      %eq3A_232 = arith.constant 3 : i32
      %eq3A_233 = vector.broadcast %eq3A_232 : i32 to vector<16xi32>
      %eq3A_234 = arith.cmpi eq, %iota3A, %eq3A_233 : vector<16xi32>
      %mul3A_235 = arith.constant 16 : i32
      %mul3A_236 = arith.muli %while3A_195, %mul3A_235 : i32
      %add3A_237 = arith.constant 3 : i32
      %add3A_238 = arith.addi %mul3A_236, %add3A_237 : i32
      %get3A_239 = arith.index_cast %add3A_238 : i32 to index
      %get3A_240 = memref.load %arg17[%get3A_239] : memref<528xi32, #tpu.memory_space<smem>>
      %broadcast_in_dim3A_241 = vector.broadcast %get3A_240 : i32 to vector<16xi32>
      %select_n3A_242 = arith.select %eq3A_234, %broadcast_in_dim3A_241, %select_n3A_231 : vector<16xi1>, vector<16xi32>
      %eq3A_243 = arith.constant 4 : i32
      %eq3A_244 = vector.broadcast %eq3A_243 : i32 to vector<16xi32>
      %eq3A_245 = arith.cmpi eq, %iota3A, %eq3A_244 : vector<16xi32>
      %mul3A_246 = arith.constant 16 : i32
      %mul3A_247 = arith.muli %while3A_195, %mul3A_246 : i32
      %add3A_248 = arith.constant 4 : i32
      %add3A_249 = arith.addi %mul3A_247, %add3A_248 : i32
      %get3A_250 = arith.index_cast %add3A_249 : i32 to index
      %get3A_251 = memref.load %arg17[%get3A_250] : memref<528xi32, #tpu.memory_space<smem>>
      %broadcast_in_dim3A_252 = vector.broadcast %get3A_251 : i32 to vector<16xi32>
      %select_n3A_253 = arith.select %eq3A_245, %broadcast_in_dim3A_252, %select_n3A_242 : vector<16xi1>, vector<16xi32>
      %eq3A_254 = arith.constant 5 : i32
      %eq3A_255 = vector.broadcast %eq3A_254 : i32 to vector<16xi32>
      %eq3A_256 = arith.cmpi eq, %iota3A, %eq3A_255 : vector<16xi32>
      %mul3A_257 = arith.constant 16 : i32
      %mul3A_258 = arith.muli %while3A_195, %mul3A_257 : i32
      %add3A_259 = arith.constant 5 : i32
      %add3A_260 = arith.addi %mul3A_258, %add3A_259 : i32
      %get3A_261 = arith.index_cast %add3A_260 : i32 to index
      %get3A_262 = memref.load %arg17[%get3A_261] : memref<528xi32, #tpu.memory_space<smem>>
      %broadcast_in_dim3A_263 = vector.broadcast %get3A_262 : i32 to vector<16xi32>
      %select_n3A_264 = arith.select %eq3A_256, %broadcast_in_dim3A_263, %select_n3A_253 : vector<16xi1>, vector<16xi32>
      %eq3A_265 = arith.constant 6 : i32
      %eq3A_266 = vector.broadcast %eq3A_265 : i32 to vector<16xi32>
      %eq3A_267 = arith.cmpi eq, %iota3A, %eq3A_266 : vector<16xi32>
      %mul3A_268 = arith.constant 16 : i32
      %mul3A_269 = arith.muli %while3A_195, %mul3A_268 : i32
      %add3A_270 = arith.constant 6 : i32
      %add3A_271 = arith.addi %mul3A_269, %add3A_270 : i32
      %get3A_272 = arith.index_cast %add3A_271 : i32 to index
      %get3A_273 = memref.load %arg17[%get3A_272] : memref<528xi32, #tpu.memory_space<smem>>
      %broadcast_in_dim3A_274 = vector.broadcast %get3A_273 : i32 to vector<16xi32>
      %select_n3A_275 = arith.select %eq3A_267, %broadcast_in_dim3A_274, %select_n3A_264 : vector<16xi1>, vector<16xi32>
      %eq3A_276 = arith.constant 7 : i32
      %eq3A_277 = vector.broadcast %eq3A_276 : i32 to vector<16xi32>
      %eq3A_278 = arith.cmpi eq, %iota3A, %eq3A_277 : vector<16xi32>
      %mul3A_279 = arith.constant 16 : i32
      %mul3A_280 = arith.muli %while3A_195, %mul3A_279 : i32
      %add3A_281 = arith.constant 7 : i32
      %add3A_282 = arith.addi %mul3A_280, %add3A_281 : i32
      %get3A_283 = arith.index_cast %add3A_282 : i32 to index
      %get3A_284 = memref.load %arg17[%get3A_283] : memref<528xi32, #tpu.memory_space<smem>>
      %broadcast_in_dim3A_285 = vector.broadcast %get3A_284 : i32 to vector<16xi32>
      %select_n3A_286 = arith.select %eq3A_278, %broadcast_in_dim3A_285, %select_n3A_275 : vector<16xi1>, vector<16xi32>
      %eq3A_287 = arith.constant 8 : i32
      %eq3A_288 = vector.broadcast %eq3A_287 : i32 to vector<16xi32>
      %eq3A_289 = arith.cmpi eq, %iota3A, %eq3A_288 : vector<16xi32>
      %mul3A_290 = arith.constant 16 : i32
      %mul3A_291 = arith.muli %while3A_195, %mul3A_290 : i32
      %add3A_292 = arith.constant 8 : i32
      %add3A_293 = arith.addi %mul3A_291, %add3A_292 : i32
      %get3A_294 = arith.index_cast %add3A_293 : i32 to index
      %get3A_295 = memref.load %arg17[%get3A_294] : memref<528xi32, #tpu.memory_space<smem>>
      %broadcast_in_dim3A_296 = vector.broadcast %get3A_295 : i32 to vector<16xi32>
      %select_n3A_297 = arith.select %eq3A_289, %broadcast_in_dim3A_296, %select_n3A_286 : vector<16xi1>, vector<16xi32>
      %eq3A_298 = arith.constant 9 : i32
      %eq3A_299 = vector.broadcast %eq3A_298 : i32 to vector<16xi32>
      %eq3A_300 = arith.cmpi eq, %iota3A, %eq3A_299 : vector<16xi32>
      %mul3A_301 = arith.constant 16 : i32
      %mul3A_302 = arith.muli %while3A_195, %mul3A_301 : i32
      %add3A_303 = arith.constant 9 : i32
      %add3A_304 = arith.addi %mul3A_302, %add3A_303 : i32
      %get3A_305 = arith.index_cast %add3A_304 : i32 to index
      %get3A_306 = memref.load %arg17[%get3A_305] : memref<528xi32, #tpu.memory_space<smem>>
      %broadcast_in_dim3A_307 = vector.broadcast %get3A_306 : i32 to vector<16xi32>
      %select_n3A_308 = arith.select %eq3A_300, %broadcast_in_dim3A_307, %select_n3A_297 : vector<16xi1>, vector<16xi32>
      %eq3A_309 = arith.constant 10 : i32
      %eq3A_310 = vector.broadcast %eq3A_309 : i32 to vector<16xi32>
      %eq3A_311 = arith.cmpi eq, %iota3A, %eq3A_310 : vector<16xi32>
      %mul3A_312 = arith.constant 16 : i32
      %mul3A_313 = arith.muli %while3A_195, %mul3A_312 : i32
      %add3A_314 = arith.constant 10 : i32
      %add3A_315 = arith.addi %mul3A_313, %add3A_314 : i32
      %get3A_316 = arith.index_cast %add3A_315 : i32 to index
      %get3A_317 = memref.load %arg17[%get3A_316] : memref<528xi32, #tpu.memory_space<smem>>
      %broadcast_in_dim3A_318 = vector.broadcast %get3A_317 : i32 to vector<16xi32>
      %select_n3A_319 = arith.select %eq3A_311, %broadcast_in_dim3A_318, %select_n3A_308 : vector<16xi1>, vector<16xi32>
      %eq3A_320 = arith.constant 11 : i32
      %eq3A_321 = vector.broadcast %eq3A_320 : i32 to vector<16xi32>
      %eq3A_322 = arith.cmpi eq, %iota3A, %eq3A_321 : vector<16xi32>
      %mul3A_323 = arith.constant 16 : i32
      %mul3A_324 = arith.muli %while3A_195, %mul3A_323 : i32
      %add3A_325 = arith.constant 11 : i32
      %add3A_326 = arith.addi %mul3A_324, %add3A_325 : i32
      %get3A_327 = arith.index_cast %add3A_326 : i32 to index
      %get3A_328 = memref.load %arg17[%get3A_327] : memref<528xi32, #tpu.memory_space<smem>>
      %broadcast_in_dim3A_329 = vector.broadcast %get3A_328 : i32 to vector<16xi32>
      %select_n3A_330 = arith.select %eq3A_322, %broadcast_in_dim3A_329, %select_n3A_319 : vector<16xi1>, vector<16xi32>
      %eq3A_331 = arith.constant 12 : i32
      %eq3A_332 = vector.broadcast %eq3A_331 : i32 to vector<16xi32>
      %eq3A_333 = arith.cmpi eq, %iota3A, %eq3A_332 : vector<16xi32>
      %mul3A_334 = arith.constant 16 : i32
      %mul3A_335 = arith.muli %while3A_195, %mul3A_334 : i32
      %add3A_336 = arith.constant 12 : i32
      %add3A_337 = arith.addi %mul3A_335, %add3A_336 : i32
      %get3A_338 = arith.index_cast %add3A_337 : i32 to index
      %get3A_339 = memref.load %arg17[%get3A_338] : memref<528xi32, #tpu.memory_space<smem>>
      %broadcast_in_dim3A_340 = vector.broadcast %get3A_339 : i32 to vector<16xi32>
      %select_n3A_341 = arith.select %eq3A_333, %broadcast_in_dim3A_340, %select_n3A_330 : vector<16xi1>, vector<16xi32>
      %eq3A_342 = arith.constant 13 : i32
      %eq3A_343 = vector.broadcast %eq3A_342 : i32 to vector<16xi32>
      %eq3A_344 = arith.cmpi eq, %iota3A, %eq3A_343 : vector<16xi32>
      %mul3A_345 = arith.constant 16 : i32
      %mul3A_346 = arith.muli %while3A_195, %mul3A_345 : i32
      %add3A_347 = arith.constant 13 : i32
      %add3A_348 = arith.addi %mul3A_346, %add3A_347 : i32
      %get3A_349 = arith.index_cast %add3A_348 : i32 to index
      %get3A_350 = memref.load %arg17[%get3A_349] : memref<528xi32, #tpu.memory_space<smem>>
      %broadcast_in_dim3A_351 = vector.broadcast %get3A_350 : i32 to vector<16xi32>
      %select_n3A_352 = arith.select %eq3A_344, %broadcast_in_dim3A_351, %select_n3A_341 : vector<16xi1>, vector<16xi32>
      %eq3A_353 = arith.constant 14 : i32
      %eq3A_354 = vector.broadcast %eq3A_353 : i32 to vector<16xi32>
      %eq3A_355 = arith.cmpi eq, %iota3A, %eq3A_354 : vector<16xi32>
      %mul3A_356 = arith.constant 16 : i32
      %mul3A_357 = arith.muli %while3A_195, %mul3A_356 : i32
      %add3A_358 = arith.constant 14 : i32
      %add3A_359 = arith.addi %mul3A_357, %add3A_358 : i32
      %get3A_360 = arith.index_cast %add3A_359 : i32 to index
      %get3A_361 = memref.load %arg17[%get3A_360] : memref<528xi32, #tpu.memory_space<smem>>
      %broadcast_in_dim3A_362 = vector.broadcast %get3A_361 : i32 to vector<16xi32>
      %select_n3A_363 = arith.select %eq3A_355, %broadcast_in_dim3A_362, %select_n3A_352 : vector<16xi1>, vector<16xi32>
      %eq3A_364 = arith.constant 15 : i32
      %eq3A_365 = vector.broadcast %eq3A_364 : i32 to vector<16xi32>
      %eq3A_366 = arith.cmpi eq, %iota3A, %eq3A_365 : vector<16xi32>
      %mul3A_367 = arith.constant 16 : i32
      %mul3A_368 = arith.muli %while3A_195, %mul3A_367 : i32
      %add3A_369 = arith.constant 15 : i32
      %add3A_370 = arith.addi %mul3A_368, %add3A_369 : i32
      %get3A_371 = arith.index_cast %add3A_370 : i32 to index
      %get3A_372 = memref.load %arg17[%get3A_371] : memref<528xi32, #tpu.memory_space<smem>>
      %broadcast_in_dim3A_373 = vector.broadcast %get3A_372 : i32 to vector<16xi32>
      %select_n3A_374 = arith.select %eq3A_366, %broadcast_in_dim3A_373, %select_n3A_363 : vector<16xi1>, vector<16xi32>
      %swap3A_375 = arith.index_cast %while3A_195 : i32 to index
      %swap3A_376 = arith.constant 0 : index
      %swap3A_377 = tpu.vector_load %arg14[%swap3A_375, %swap3A_376] {strides = array<i32>} : memref<34x16xi32, #tpu.memory_space<vmem>>, vector<1x16xi32>,
      %swap3A_378 = vector.shape_cast %swap3A_377 : vector<1x16xi32> to vector<16xi32>
      %swap3A_379 = vector.shape_cast %select_n3A_374 : vector<16xi32> to vector<1x16xi32>
      tpu.vector_store %arg14[%swap3A_375, %swap3A_376], %swap3A_379 {strides = array<i32>} : memref<34x16xi32, #tpu.memory_space<vmem>>, vector<1x16xi32>,
      %while3A_380 = arith.constant 0 : i32
      scf.yield %while3A_380 : i32
    }
    %while3A_155 = arith.constant 1 : i32
    %while3A_156 = scf.for %while3A_195 = %while3A_152 to %while3A_148 step %while3A_155 iter_args(%while3A_196 = %while3A_154) -> (i32)  : i32 {
      %broadcast_in_dim3A_197 = arith.constant 0 : i32
      %broadcast_in_dim3A_198 = vector.broadcast %broadcast_in_dim3A_197 : i32 to vector<16xi32>
      %eq3A_199 = arith.constant 0 : i32
      %eq3A_200 = vector.broadcast %eq3A_199 : i32 to vector<16xi32>
      %eq3A_201 = arith.cmpi eq, %iota3A, %eq3A_200 : vector<16xi32>
      %mul3A_202 = arith.constant 16 : i32
      %mul3A_203 = arith.muli %while3A_195, %mul3A_202 : i32
      %add3A_204 = arith.constant 0 : i32
      %add3A_205 = arith.addi %mul3A_203, %add3A_204 : i32
      %get3A_206 = arith.index_cast %add3A_205 : i32 to index
      %get3A_207 = memref.load %arg17[%get3A_206] : memref<528xi32, #tpu.memory_space<smem>>
      %broadcast_in_dim3A_208 = vector.broadcast %get3A_207 : i32 to vector<16xi32>
      %select_n3A_209 = arith.select %eq3A_201, %broadcast_in_dim3A_208, %broadcast_in_dim3A_198 : vector<16xi1>, vector<16xi32>
      %eq3A_210 = arith.constant 1 : i32
      %eq3A_211 = vector.broadcast %eq3A_210 : i32 to vector<16xi32>
      %eq3A_212 = arith.cmpi eq, %iota3A, %eq3A_211 : vector<16xi32>
      %mul3A_213 = arith.constant 16 : i32
      %mul3A_214 = arith.muli %while3A_195, %mul3A_213 : i32
      %add3A_215 = arith.constant 1 : i32
      %add3A_216 = arith.addi %mul3A_214, %add3A_215 : i32
      %get3A_217 = arith.index_cast %add3A_216 : i32 to index
      %get3A_218 = memref.load %arg17[%get3A_217] : memref<528xi32, #tpu.memory_space<smem>>
      %broadcast_in_dim3A_219 = vector.broadcast %get3A_218 : i32 to vector<16xi32>
      %select_n3A_220 = arith.select %eq3A_212, %broadcast_in_dim3A_219, %select_n3A_209 : vector<16xi1>, vector<16xi32>
      %eq3A_221 = arith.constant 2 : i32
      %eq3A_222 = vector.broadcast %eq3A_221 : i32 to vector<16xi32>
      %eq3A_223 = arith.cmpi eq, %iota3A, %eq3A_222 : vector<16xi32>
      %mul3A_224 = arith.constant 16 : i32
      %mul3A_225 = arith.muli %while3A_195, %mul3A_224 : i32
      %add3A_226 = arith.constant 2 : i32
      %add3A_227 = arith.addi %mul3A_225, %add3A_226 : i32
      %get3A_228 = arith.index_cast %add3A_227 : i32 to index
      %get3A_229 = memref.load %arg17[%get3A_228] : memref<528xi32, #tpu.memory_space<smem>>
      %broadcast_in_dim3A_230 = vector.broadcast %get3A_229 : i32 to vector<16xi32>
      %select_n3A_231 = arith.select %eq3A_223, %broadcast_in_dim3A_230, %select_n3A_220 : vector<16xi1>, vector<16xi32>
      %eq3A_232 = arith.constant 3 : i32
      %eq3A_233 = vector.broadcast %eq3A_232 : i32 to vector<16xi32>
      %eq3A_234 = arith.cmpi eq, %iota3A, %eq3A_233 : vector<16xi32>
      %mul3A_235 = arith.constant 16 : i32
      %mul3A_236 = arith.muli %while3A_195, %mul3A_235 : i32
      %add3A_237 = arith.constant 3 : i32
      %add3A_238 = arith.addi %mul3A_236, %add3A_237 : i32
      %get3A_239 = arith.index_cast %add3A_238 : i32 to index
      %get3A_240 = memref.load %arg17[%get3A_239] : memref<528xi32, #tpu.memory_space<smem>>
      %broadcast_in_dim3A_241 = vector.broadcast %get3A_240 : i32 to vector<16xi32>
      %select_n3A_242 = arith.select %eq3A_234, %broadcast_in_dim3A_241, %select_n3A_231 : vector<16xi1>, vector<16xi32>
      %eq3A_243 = arith.constant 4 : i32
      %eq3A_244 = vector.broadcast %eq3A_243 : i32 to vector<16xi32>
      %eq3A_245 = arith.cmpi eq, %iota3A, %eq3A_244 : vector<16xi32>
      %mul3A_246 = arith.constant 16 : i32
      %mul3A_247 = arith.muli %while3A_195, %mul3A_246 : i32
      %add3A_248 = arith.constant 4 : i32
      %add3A_249 = arith.addi %mul3A_247, %add3A_248 : i32
      %get3A_250 = arith.index_cast %add3A_249 : i32 to index
      %get3A_251 = memref.load %arg17[%get3A_250] : memref<528xi32, #tpu.memory_space<smem>>
      %broadcast_in_dim3A_252 = vector.broadcast %get3A_251 : i32 to vector<16xi32>
      %select_n3A_253 = arith.select %eq3A_245, %broadcast_in_dim3A_252, %select_n3A_242 : vector<16xi1>, vector<16xi32>
      %eq3A_254 = arith.constant 5 : i32
      %eq3A_255 = vector.broadcast %eq3A_254 : i32 to vector<16xi32>
      %eq3A_256 = arith.cmpi eq, %iota3A, %eq3A_255 : vector<16xi32>
      %mul3A_257 = arith.constant 16 : i32
      %mul3A_258 = arith.muli %while3A_195, %mul3A_257 : i32
      %add3A_259 = arith.constant 5 : i32
      %add3A_260 = arith.addi %mul3A_258, %add3A_259 : i32
      %get3A_261 = arith.index_cast %add3A_260 : i32 to index
      %get3A_262 = memref.load %arg17[%get3A_261] : memref<528xi32, #tpu.memory_space<smem>>
      %broadcast_in_dim3A_263 = vector.broadcast %get3A_262 : i32 to vector<16xi32>
      %select_n3A_264 = arith.select %eq3A_256, %broadcast_in_dim3A_263, %select_n3A_253 : vector<16xi1>, vector<16xi32>
      %eq3A_265 = arith.constant 6 : i32
      %eq3A_266 = vector.broadcast %eq3A_265 : i32 to vector<16xi32>
      %eq3A_267 = arith.cmpi eq, %iota3A, %eq3A_266 : vector<16xi32>
      %mul3A_268 = arith.constant 16 : i32
      %mul3A_269 = arith.muli %while3A_195, %mul3A_268 : i32
      %add3A_270 = arith.constant 6 : i32
      %add3A_271 = arith.addi %mul3A_269, %add3A_270 : i32
      %get3A_272 = arith.index_cast %add3A_271 : i32 to index
      %get3A_273 = memref.load %arg17[%get3A_272] : memref<528xi32, #tpu.memory_space<smem>>
      %broadcast_in_dim3A_274 = vector.broadcast %get3A_273 : i32 to vector<16xi32>
      %select_n3A_275 = arith.select %eq3A_267, %broadcast_in_dim3A_274, %select_n3A_264 : vector<16xi1>, vector<16xi32>
      %eq3A_276 = arith.constant 7 : i32
      %eq3A_277 = vector.broadcast %eq3A_276 : i32 to vector<16xi32>
      %eq3A_278 = arith.cmpi eq, %iota3A, %eq3A_277 : vector<16xi32>
      %mul3A_279 = arith.constant 16 : i32
      %mul3A_280 = arith.muli %while3A_195, %mul3A_279 : i32
      %add3A_281 = arith.constant 7 : i32
      %add3A_282 = arith.addi %mul3A_280, %add3A_281 : i32
      %get3A_283 = arith.index_cast %add3A_282 : i32 to index
      %get3A_284 = memref.load %arg17[%get3A_283] : memref<528xi32, #tpu.memory_space<smem>>
      %broadcast_in_dim3A_285 = vector.broadcast %get3A_284 : i32 to vector<16xi32>
      %select_n3A_286 = arith.select %eq3A_278, %broadcast_in_dim3A_285, %select_n3A_275 : vector<16xi1>, vector<16xi32>
      %eq3A_287 = arith.constant 8 : i32
      %eq3A_288 = vector.broadcast %eq3A_287 : i32 to vector<16xi32>
      %eq3A_289 = arith.cmpi eq, %iota3A, %eq3A_288 : vector<16xi32>
      %mul3A_290 = arith.constant 16 : i32
      %mul3A_291 = arith.muli %while3A_195, %mul3A_290 : i32
      %add3A_292 = arith.constant 8 : i32
      %add3A_293 = arith.addi %mul3A_291, %add3A_292 : i32
      %get3A_294 = arith.index_cast %add3A_293 : i32 to index
      %get3A_295 = memref.load %arg17[%get3A_294] : memref<528xi32, #tpu.memory_space<smem>>
      %broadcast_in_dim3A_296 = vector.broadcast %get3A_295 : i32 to vector<16xi32>
      %select_n3A_297 = arith.select %eq3A_289, %broadcast_in_dim3A_296, %select_n3A_286 : vector<16xi1>, vector<16xi32>
      %eq3A_298 = arith.constant 9 : i32
      %eq3A_299 = vector.broadcast %eq3A_298 : i32 to vector<16xi32>
      %eq3A_300 = arith.cmpi eq, %iota3A, %eq3A_299 : vector<16xi32>
      %mul3A_301 = arith.constant 16 : i32
      %mul3A_302 = arith.muli %while3A_195, %mul3A_301 : i32
      %add3A_303 = arith.constant 9 : i32
      %add3A_304 = arith.addi %mul3A_302, %add3A_303 : i32
      %get3A_305 = arith.index_cast %add3A_304 : i32 to index
      %get3A_306 = memref.load %arg17[%get3A_305] : memref<528xi32, #tpu.memory_space<smem>>
      %broadcast_in_dim3A_307 = vector.broadcast %get3A_306 : i32 to vector<16xi32>
      %select_n3A_308 = arith.select %eq3A_300, %broadcast_in_dim3A_307, %select_n3A_297 : vector<16xi1>, vector<16xi32>
      %eq3A_309 = arith.constant 10 : i32
      %eq3A_310 = vector.broadcast %eq3A_309 : i32 to vector<16xi32>
      %eq3A_311 = arith.cmpi eq, %iota3A, %eq3A_310 : vector<16xi32>
      %mul3A_312 = arith.constant 16 : i32
      %mul3A_313 = arith.muli %while3A_195, %mul3A_312 : i32
      %add3A_314 = arith.constant 10 : i32
      %add3A_315 = arith.addi %mul3A_313, %add3A_314 : i32
      %get3A_316 = arith.index_cast %add3A_315 : i32 to index
      %get3A_317 = memref.load %arg17[%get3A_316] : memref<528xi32, #tpu.memory_space<smem>>
      %broadcast_in_dim3A_318 = vector.broadcast %get3A_317 : i32 to vector<16xi32>
      %select_n3A_319 = arith.select %eq3A_311, %broadcast_in_dim3A_318, %select_n3A_308 : vector<16xi1>, vector<16xi32>
      %eq3A_320 = arith.constant 11 : i32
      %eq3A_321 = vector.broadcast %eq3A_320 : i32 to vector<16xi32>
      %eq3A_322 = arith.cmpi eq, %iota3A, %eq3A_321 : vector<16xi32>
      %mul3A_323 = arith.constant 16 : i32
      %mul3A_324 = arith.muli %while3A_195, %mul3A_323 : i32
      %add3A_325 = arith.constant 11 : i32
      %add3A_326 = arith.addi %mul3A_324, %add3A_325 : i32
      %get3A_327 = arith.index_cast %add3A_326 : i32 to index
      %get3A_328 = memref.load %arg17[%get3A_327] : memref<528xi32, #tpu.memory_space<smem>>
      %broadcast_in_dim3A_329 = vector.broadcast %get3A_328 : i32 to vector<16xi32>
      %select_n3A_330 = arith.select %eq3A_322, %broadcast_in_dim3A_329, %select_n3A_319 : vector<16xi1>, vector<16xi32>
      %eq3A_331 = arith.constant 12 : i32
      %eq3A_332 = vector.broadcast %eq3A_331 : i32 to vector<16xi32>
      %eq3A_333 = arith.cmpi eq, %iota3A, %eq3A_332 : vector<16xi32>
      %mul3A_334 = arith.constant 16 : i32
      %mul3A_335 = arith.muli %while3A_195, %mul3A_334 : i32
      %add3A_336 = arith.constant 12 : i32
      %add3A_337 = arith.addi %mul3A_335, %add3A_336 : i32
      %get3A_338 = arith.index_cast %add3A_337 : i32 to index
      %get3A_339 = memref.load %arg17[%get3A_338] : memref<528xi32, #tpu.memory_space<smem>>
      %broadcast_in_dim3A_340 = vector.broadcast %get3A_339 : i32 to vector<16xi32>
      %select_n3A_341 = arith.select %eq3A_333, %broadcast_in_dim3A_340, %select_n3A_330 : vector<16xi1>, vector<16xi32>
      %eq3A_342 = arith.constant 13 : i32
      %eq3A_343 = vector.broadcast %eq3A_342 : i32 to vector<16xi32>
      %eq3A_344 = arith.cmpi eq, %iota3A, %eq3A_343 : vector<16xi32>
      %mul3A_345 = arith.constant 16 : i32
      %mul3A_346 = arith.muli %while3A_195, %mul3A_345 : i32
      %add3A_347 = arith.constant 13 : i32
      %add3A_348 = arith.addi %mul3A_346, %add3A_347 : i32
      %get3A_349 = arith.index_cast %add3A_348 : i32 to index
      %get3A_350 = memref.load %arg17[%get3A_349] : memref<528xi32, #tpu.memory_space<smem>>
      %broadcast_in_dim3A_351 = vector.broadcast %get3A_350 : i32 to vector<16xi32>
      %select_n3A_352 = arith.select %eq3A_344, %broadcast_in_dim3A_351, %select_n3A_341 : vector<16xi1>, vector<16xi32>
      %eq3A_353 = arith.constant 14 : i32
      %eq3A_354 = vector.broadcast %eq3A_353 : i32 to vector<16xi32>
      %eq3A_355 = arith.cmpi eq, %iota3A, %eq3A_354 : vector<16xi32>
      %mul3A_356 = arith.constant 16 : i32
      %mul3A_357 = arith.muli %while3A_195, %mul3A_356 : i32
      %add3A_358 = arith.constant 14 : i32
      %add3A_359 = arith.addi %mul3A_357, %add3A_358 : i32
      %get3A_360 = arith.index_cast %add3A_359 : i32 to index
      %get3A_361 = memref.load %arg17[%get3A_360] : memref<528xi32, #tpu.memory_space<smem>>
      %broadcast_in_dim3A_362 = vector.broadcast %get3A_361 : i32 to vector<16xi32>
      %select_n3A_363 = arith.select %eq3A_355, %broadcast_in_dim3A_362, %select_n3A_352 : vector<16xi1>, vector<16xi32>
      %eq3A_364 = arith.constant 15 : i32
      %eq3A_365 = vector.broadcast %eq3A_364 : i32 to vector<16xi32>
      %eq3A_366 = arith.cmpi eq, %iota3A, %eq3A_365 : vector<16xi32>
      %mul3A_367 = arith.constant 16 : i32
      %mul3A_368 = arith.muli %while3A_195, %mul3A_367 : i32
      %add3A_369 = arith.constant 15 : i32
      %add3A_370 = arith.addi %mul3A_368, %add3A_369 : i32
      %get3A_371 = arith.index_cast %add3A_370 : i32 to index
      %get3A_372 = memref.load %arg17[%get3A_371] : memref<528xi32, #tpu.memory_space<smem>>
      %broadcast_in_dim3A_373 = vector.broadcast %get3A_372 : i32 to vector<16xi32>
      %select_n3A_374 = arith.select %eq3A_366, %broadcast_in_dim3A_373, %select_n3A_363 : vector<16xi1>, vector<16xi32>
      %swap3A_375 = arith.index_cast %while3A_195 : i32 to index
      %swap3A_376 = arith.constant 0 : index
      %swap3A_377 = tpu.vector_load %arg14[%swap3A_375, %swap3A_376] {strides = array<i32>} : memref<34x16xi32, #tpu.memory_space<vmem>>, vector<1x16xi32>,
      %swap3A_378 = vector.shape_cast %swap3A_377 : vector<1x16xi32> to vector<16xi32>
      %swap3A_379 = vector.shape_cast %select_n3A_374 : vector<16xi32> to vector<1x16xi32>
      tpu.vector_store %arg14[%swap3A_375, %swap3A_376], %swap3A_379 {strides = array<i32>} : memref<34x16xi32, #tpu.memory_space<vmem>>, vector<1x16xi32>,
      %while3A_380 = arith.constant 0 : i32
      scf.yield %while3A_380 : i32
    }
    %gt3A = arith.constant 0 : i32
    %gt3A_157 = arith.cmpi sgt, %select_n3A_139, %gt3A : i32
    %convert_element_type3A = arith.extui %gt3A_157 : i1 to i32
    %cond3A = arith.constant 0 : i32
    %cond3A_158 = arith.cmpi ne, %convert_element_type3A, %cond3A : i32
    scf.if %cond3A_158 {
      %dma_start3A = arith.constant 0 : i32
      %dma_start3A_195 = arith.constant 0 : i32
      %dma_start3A_196 = tpu.memref_slice %arg14[%dma_start3A, %dma_start3A_195] : memref<34x16xi32, #tpu.memory_space<vmem>> -> memref<1x16xi32, #tpu.memory_space<vmem>>
      %dma_start3A_197 = tpu.memref_squeeze %dma_start3A_196 : memref<1x16xi32, #tpu.memory_space<vmem>> -> memref<16xi32, #tpu.memory_space<vmem>>
      %dma_start3A_198 = arith.constant 0 : i32
      %dma_start3A_199 = arith.constant 0 : i32
      %dma_start3A_200 = tpu.memref_slice %arg3[%dma_start3A_198, %dma_start3A_199] : memref<16384x1024xf32, #tpu.memory_space<hbm>> -> memref<16384x1024xf32, #tpu.memory_space<hbm>>
      tpu.enqueue_indirect_dma source(%dma_start3A_200 : memref<16384x1024xf32, #tpu.memory_space<hbm>>) target(%arg8 : memref<16x1024xf32, #tpu.memory_space<vmem>>) offsets(%dma_start3A_197 : memref<16xi32, #tpu.memory_space<vmem>>) semaphore(%arg18 : memref<!tpu.dma_semaphore, #tpu.memory_space<semaphore_mem>>)
      %dma_start3A_201 = arith.constant 0 : i32
      %dma_start3A_202 = arith.constant 0 : i32
      %dma_start3A_203 = tpu.memref_slice %arg14[%dma_start3A_201, %dma_start3A_202] : memref<34x16xi32, #tpu.memory_space<vmem>> -> memref<1x16xi32, #tpu.memory_space<vmem>>
      %dma_start3A_204 = tpu.memref_squeeze %dma_start3A_203 : memref<1x16xi32, #tpu.memory_space<vmem>> -> memref<16xi32, #tpu.memory_space<vmem>>
      %dma_start3A_205 = arith.constant 0 : i32
      %dma_start3A_206 = arith.constant 0 : i32
      %dma_start3A_207 = tpu.memref_slice %arg4[%dma_start3A_205, %dma_start3A_206] : memref<16384x1024xi32, #tpu.memory_space<hbm>> -> memref<16384x1024xi32, #tpu.memory_space<hbm>>
      tpu.enqueue_indirect_dma source(%dma_start3A_207 : memref<16384x1024xi32, #tpu.memory_space<hbm>>) target(%arg9 : memref<16x1024xi32, #tpu.memory_space<vmem>>) offsets(%dma_start3A_204 : memref<16xi32, #tpu.memory_space<vmem>>) semaphore(%arg18 : memref<!tpu.dma_semaphore, #tpu.memory_space<semaphore_mem>>)
    } else {
    }
    %gt3A_159 = arith.constant 1 : i32
    %gt3A_160 = arith.cmpi sgt, %select_n3A_139, %gt3A_159 : i32
    %convert_element_type3A_161 = arith.extui %gt3A_160 : i1 to i32
    %cond3A_162 = arith.constant 0 : i32
    %cond3A_163 = arith.cmpi ne, %convert_element_type3A_161, %cond3A_162 : i32
    scf.if %cond3A_163 {
      %dma_start3A = arith.constant 1 : i32
      %dma_start3A_195 = arith.constant 0 : i32
      %dma_start3A_196 = tpu.memref_slice %arg14[%dma_start3A, %dma_start3A_195] : memref<34x16xi32, #tpu.memory_space<vmem>> -> memref<1x16xi32, #tpu.memory_space<vmem>>
      %dma_start3A_197 = tpu.memref_squeeze %dma_start3A_196 : memref<1x16xi32, #tpu.memory_space<vmem>> -> memref<16xi32, #tpu.memory_space<vmem>>
      %dma_start3A_198 = arith.constant 0 : i32
      %dma_start3A_199 = arith.constant 0 : i32
      %dma_start3A_200 = tpu.memref_slice %arg3[%dma_start3A_198, %dma_start3A_199] : memref<16384x1024xf32, #tpu.memory_space<hbm>> -> memref<16384x1024xf32, #tpu.memory_space<hbm>>
      tpu.enqueue_indirect_dma source(%dma_start3A_200 : memref<16384x1024xf32, #tpu.memory_space<hbm>>) target(%arg10 : memref<16x1024xf32, #tpu.memory_space<vmem>>) offsets(%dma_start3A_197 : memref<16xi32, #tpu.memory_space<vmem>>) semaphore(%arg19 : memref<!tpu.dma_semaphore, #tpu.memory_space<semaphore_mem>>)
      %dma_start3A_201 = arith.constant 1 : i32
      %dma_start3A_202 = arith.constant 0 : i32
      %dma_start3A_203 = tpu.memref_slice %arg14[%dma_start3A_201, %dma_start3A_202] : memref<34x16xi32, #tpu.memory_space<vmem>> -> memref<1x16xi32, #tpu.memory_space<vmem>>
      %dma_start3A_204 = tpu.memref_squeeze %dma_start3A_203 : memref<1x16xi32, #tpu.memory_space<vmem>> -> memref<16xi32, #tpu.memory_space<vmem>>
      %dma_start3A_205 = arith.constant 0 : i32
      %dma_start3A_206 = arith.constant 0 : i32
      %dma_start3A_207 = tpu.memref_slice %arg4[%dma_start3A_205, %dma_start3A_206] : memref<16384x1024xi32, #tpu.memory_space<hbm>> -> memref<16384x1024xi32, #tpu.memory_space<hbm>>
      tpu.enqueue_indirect_dma source(%dma_start3A_207 : memref<16384x1024xi32, #tpu.memory_space<hbm>>) target(%arg11 : memref<16x1024xi32, #tpu.memory_space<vmem>>) offsets(%dma_start3A_204 : memref<16xi32, #tpu.memory_space<vmem>>) semaphore(%arg19 : memref<!tpu.dma_semaphore, #tpu.memory_space<semaphore_mem>>)
    } else {
    }
    %scan3A_164 = arith.constant 0 : i32
    %scan3A_165 = arith.constant 0 : i32
    %scan3A_166 = arith.constant 11 : i32
    %scan3A_167 = arith.addi %scan3A_165, %scan3A_166 : i32
    %scan3A_168 = arith.constant 1 : i32
    %scan3A_169 = scf.for %scan3A_195 = %scan3A_165 to %scan3A_167 step %scan3A_168 iter_args(%scan3A_196 = %scan3A_164) -> (i32)  : i32 {
      %mul3A_197 = arith.constant 3 : i32
      %mul3A_198 = arith.muli %scan3A_195, %mul3A_197 : i32
      %lt3A_199 = arith.cmpi slt, %mul3A_198, %select_n3A_139 : i32
      %convert_element_type3A_200 = arith.extui %lt3A_199 : i1 to i32
      %cond3A_201 = arith.constant 0 : i32
      %cond3A_202 = arith.cmpi ne, %convert_element_type3A_200, %cond3A_201 : i32
      scf.if %cond3A_202 {
        %add3A_216 = arith.constant 2 : i32
        %add3A_217 = arith.addi %mul3A_198, %add3A_216 : i32
        %lt3A_218 = arith.cmpi slt, %add3A_217, %select_n3A_139 : i32
        %convert_element_type3A_219 = arith.extui %lt3A_218 : i1 to i32
        %cond3A_220 = arith.constant 0 : i32
        %cond3A_221 = arith.cmpi ne, %convert_element_type3A_219, %cond3A_220 : i32
        scf.if %cond3A_221 {
          %add3A_268 = arith.constant 2 : i32
          %add3A_269 = arith.addi %mul3A_198, %add3A_268 : i32
          %dma_start3A = arith.constant 0 : i32
          %dma_start3A_270 = tpu.memref_slice %arg14[%add3A_269, %dma_start3A] : memref<34x16xi32, #tpu.memory_space<vmem>> -> memref<1x16xi32, #tpu.memory_space<vmem>>
          %dma_start3A_271 = tpu.memref_squeeze %dma_start3A_270 : memref<1x16xi32, #tpu.memory_space<vmem>> -> memref<16xi32, #tpu.memory_space<vmem>>
          %dma_start3A_272 = arith.constant 0 : i32
          %dma_start3A_273 = arith.constant 0 : i32
          %dma_start3A_274 = tpu.memref_slice %arg3[%dma_start3A_272, %dma_start3A_273] : memref<16384x1024xf32, #tpu.memory_space<hbm>> -> memref<16384x1024xf32, #tpu.memory_space<hbm>>
          tpu.enqueue_indirect_dma source(%dma_start3A_274 : memref<16384x1024xf32, #tpu.memory_space<hbm>>) target(%arg12 : memref<16x1024xf32, #tpu.memory_space<vmem>>) offsets(%dma_start3A_271 : memref<16xi32, #tpu.memory_space<vmem>>) semaphore(%arg20 : memref<!tpu.dma_semaphore, #tpu.memory_space<semaphore_mem>>)
          %dma_start3A_275 = arith.constant 0 : i32
          %dma_start3A_276 = tpu.memref_slice %arg14[%add3A_269, %dma_start3A_275] : memref<34x16xi32, #tpu.memory_space<vmem>> -> memref<1x16xi32, #tpu.memory_space<vmem>>
          %dma_start3A_277 = tpu.memref_squeeze %dma_start3A_276 : memref<1x16xi32, #tpu.memory_space<vmem>> -> memref<16xi32, #tpu.memory_space<vmem>>
          %dma_start3A_278 = arith.constant 0 : i32
          %dma_start3A_279 = arith.constant 0 : i32
          %dma_start3A_280 = tpu.memref_slice %arg4[%dma_start3A_278, %dma_start3A_279] : memref<16384x1024xi32, #tpu.memory_space<hbm>> -> memref<16384x1024xi32, #tpu.memory_space<hbm>>
          tpu.enqueue_indirect_dma source(%dma_start3A_280 : memref<16384x1024xi32, #tpu.memory_space<hbm>>) target(%arg13 : memref<16x1024xi32, #tpu.memory_space<vmem>>) offsets(%dma_start3A_277 : memref<16xi32, #tpu.memory_space<vmem>>) semaphore(%arg20 : memref<!tpu.dma_semaphore, #tpu.memory_space<semaphore_mem>>)
        } else {
        }
        %dma_wait3A = arith.constant 0 : i32
        %dma_wait3A_222 = arith.constant 0 : i32
        %dma_wait3A_223 = tpu.memref_slice %arg3[%dma_wait3A, %dma_wait3A_222] : memref<16384x1024xf32, #tpu.memory_space<hbm>> -> memref<16x1024xf32, #tpu.memory_space<hbm>>
        %dma_wait3A_224 = arith.constant 0 : i32
        %dma_wait3A_225 = arith.constant 0 : i32
        %dma_wait3A_226 = tpu.memref_slice %arg3[%dma_wait3A_224, %dma_wait3A_225] : memref<16384x1024xf32, #tpu.memory_space<hbm>> -> memref<16x1024xf32, #tpu.memory_space<hbm>>
        tpu.wait_dma2 semaphore(%arg18 : memref<!tpu.dma_semaphore, #tpu.memory_space<semaphore_mem>>) src(%dma_wait3A_226 : memref<16x1024xf32, #tpu.memory_space<hbm>>) dst(%arg8 : memref<16x1024xf32, #tpu.memory_space<vmem>>)
        %dma_wait3A_227 = arith.constant 0 : i32
        %dma_wait3A_228 = arith.constant 0 : i32
        %dma_wait3A_229 = tpu.memref_slice %arg4[%dma_wait3A_227, %dma_wait3A_228] : memref<16384x1024xi32, #tpu.memory_space<hbm>> -> memref<16x1024xi32, #tpu.memory_space<hbm>>
        %dma_wait3A_230 = arith.constant 0 : i32
        %dma_wait3A_231 = arith.constant 0 : i32
        %dma_wait3A_232 = tpu.memref_slice %arg4[%dma_wait3A_230, %dma_wait3A_231] : memref<16384x1024xi32, #tpu.memory_space<hbm>> -> memref<16x1024xi32, #tpu.memory_space<hbm>>
        tpu.wait_dma2 semaphore(%arg18 : memref<!tpu.dma_semaphore, #tpu.memory_space<semaphore_mem>>) src(%dma_wait3A_232 : memref<16x1024xi32, #tpu.memory_space<hbm>>) dst(%arg9 : memref<16x1024xi32, #tpu.memory_space<vmem>>)
        %mul3A_233 = arith.constant 16 : i32
        %mul3A_234 = arith.muli %mul3A_198, %mul3A_233 : i32
        %sub3A_235 = arith.subi %scan3A_47, %mul3A_234 : i32
        %jit3A_236 = arith.constant 0 : i32
        %jit3A_237 = arith.constant 16 : i32
        %max3A = arith.maxsi %jit3A_236, %sub3A_235 : i32
        %min3A = arith.minsi %jit3A_237, %max3A : i32
        %while3A_238 = arith.constant 16 : i32
        %while3A_239 = arith.constant 0 : i32
        %while3A_240 = arith.subi %while3A_238, %min3A : i32
        %while3A_241 = arith.addi %min3A, %while3A_240 : i32
        %while3A_242 = arith.constant 1 : i32
        %while3A_243 = arith.divsi %while3A_240, %while3A_242 : i32
        %while3A_244 = arith.muli %while3A_243, %while3A_242 : i32
        %while3A_245 = arith.addi %min3A, %while3A_244 : i32
        %while3A_246 = arith.constant 1 : i32
        %while3A_247 = scf.for %while3A_268 = %min3A to %while3A_245 step %while3A_246 iter_args(%while3A_269 = %while3A_239) -> (i32)  : i32 {
          %scan3A_270 = arith.constant 0 : i32
          %scan3A_271 = arith.constant 0 : i32
          %scan3A_272 = arith.constant 64 : i32
          %scan3A_273 = arith.addi %scan3A_271, %scan3A_272 : i32
          %scan3A_274 = arith.constant 1 : i32
          %scan3A_275 = scf.for %scan3A_277 = %scan3A_271 to %scan3A_273 step %scan3A_274 iter_args(%scan3A_278 = %scan3A_270) -> (i32)  : i32 {
            %mul3A_279 = arith.constant 16 : i32
            %mul3A_280 = arith.muli %scan3A_277, %mul3A_279 : i32
            %swap3A_281 = arith.index_cast %while3A_268 : i32 to index
            %swap3A_282 = arith.index_cast %mul3A_280 : i32 to index
            %swap3A_283 = tpu.vector_load %arg8[%swap3A_281, %swap3A_282] {strides = array<i32>} : memref<16x1024xf32, #tpu.memory_space<vmem>>, vector<1x16xf32>,
            %swap3A_284 = vector.shape_cast %swap3A_283 : vector<1x16xf32> to vector<16xf32>
            %swap3A_285 = vector.shape_cast %broadcast_in_dim3A_36 : vector<16xf32> to vector<1x16xf32>
            tpu.vector_store %arg8[%swap3A_281, %swap3A_282], %swap3A_285 {strides = array<i32>} : memref<16x1024xf32, #tpu.memory_space<vmem>>, vector<1x16xf32>,
            %broadcast_in_dim3A_286 = arith.constant 0 : i32
            %broadcast_in_dim3A_287 = vector.broadcast %broadcast_in_dim3A_286 : i32 to vector<16xi32>
            %mul3A_288 = arith.constant 16 : i32
            %mul3A_289 = arith.muli %scan3A_277, %mul3A_288 : i32
            %swap3A_290 = arith.index_cast %while3A_268 : i32 to index
            %swap3A_291 = arith.index_cast %mul3A_289 : i32 to index
            %swap3A_292 = tpu.vector_load %arg9[%swap3A_290, %swap3A_291] {strides = array<i32>} : memref<16x1024xi32, #tpu.memory_space<vmem>>, vector<1x16xi32>,
            %swap3A_293 = vector.shape_cast %swap3A_292 : vector<1x16xi32> to vector<16xi32>
            %swap3A_294 = vector.shape_cast %broadcast_in_dim3A_287 : vector<16xi32> to vector<1x16xi32>
            tpu.vector_store %arg9[%swap3A_290, %swap3A_291], %swap3A_294 {strides = array<i32>} : memref<16x1024xi32, #tpu.memory_space<vmem>>, vector<1x16xi32>,
            %scan3A_295 = arith.constant 0 : i32
            scf.yield %scan3A_295 : i32
          }
          %scan3A_276 = arith.constant 64 : i32
          scf.yield %scan3A_275 : i32
        }
        %while3A_248 = arith.constant 1 : i32
        %while3A_249 = scf.for %while3A_268 = %while3A_245 to %while3A_241 step %while3A_248 iter_args(%while3A_269 = %while3A_247) -> (i32)  : i32 {
          %scan3A_270 = arith.constant 0 : i32
          %scan3A_271 = arith.constant 0 : i32
          %scan3A_272 = arith.constant 64 : i32
          %scan3A_273 = arith.addi %scan3A_271, %scan3A_272 : i32
          %scan3A_274 = arith.constant 1 : i32
          %scan3A_275 = scf.for %scan3A_277 = %scan3A_271 to %scan3A_273 step %scan3A_274 iter_args(%scan3A_278 = %scan3A_270) -> (i32)  : i32 {
            %mul3A_279 = arith.constant 16 : i32
            %mul3A_280 = arith.muli %scan3A_277, %mul3A_279 : i32
            %swap3A_281 = arith.index_cast %while3A_268 : i32 to index
            %swap3A_282 = arith.index_cast %mul3A_280 : i32 to index
            %swap3A_283 = tpu.vector_load %arg8[%swap3A_281, %swap3A_282] {strides = array<i32>} : memref<16x1024xf32, #tpu.memory_space<vmem>>, vector<1x16xf32>,
            %swap3A_284 = vector.shape_cast %swap3A_283 : vector<1x16xf32> to vector<16xf32>
            %swap3A_285 = vector.shape_cast %broadcast_in_dim3A_36 : vector<16xf32> to vector<1x16xf32>
            tpu.vector_store %arg8[%swap3A_281, %swap3A_282], %swap3A_285 {strides = array<i32>} : memref<16x1024xf32, #tpu.memory_space<vmem>>, vector<1x16xf32>,
            %broadcast_in_dim3A_286 = arith.constant 0 : i32
            %broadcast_in_dim3A_287 = vector.broadcast %broadcast_in_dim3A_286 : i32 to vector<16xi32>
            %mul3A_288 = arith.constant 16 : i32
            %mul3A_289 = arith.muli %scan3A_277, %mul3A_288 : i32
            %swap3A_290 = arith.index_cast %while3A_268 : i32 to index
            %swap3A_291 = arith.index_cast %mul3A_289 : i32 to index
            %swap3A_292 = tpu.vector_load %arg9[%swap3A_290, %swap3A_291] {strides = array<i32>} : memref<16x1024xi32, #tpu.memory_space<vmem>>, vector<1x16xi32>,
            %swap3A_293 = vector.shape_cast %swap3A_292 : vector<1x16xi32> to vector<16xi32>
            %swap3A_294 = vector.shape_cast %broadcast_in_dim3A_287 : vector<16xi32> to vector<1x16xi32>
            tpu.vector_store %arg9[%swap3A_290, %swap3A_291], %swap3A_294 {strides = array<i32>} : memref<16x1024xi32, #tpu.memory_space<vmem>>, vector<1x16xi32>,
            %scan3A_295 = arith.constant 0 : i32
            scf.yield %scan3A_295 : i32
          }
          %scan3A_276 = arith.constant 64 : i32
          scf.yield %scan3A_275 : i32
        }
        %scan3A_250 = arith.constant 0 : i32
        %scan3A_251 = arith.constant 64 : i32
        %scan3A_252 = arith.addi %scan3A_250, %scan3A_251 : i32
        %scan3A_253 = arith.constant 1 : i32
        %scan3A_254 = scf.for %scan3A_268 = %scan3A_250 to %scan3A_252 step %scan3A_253 iter_args(%scan3A_269 = %broadcast_in_dim3A_36) -> (vector<16xf32>)  : i32 {
          %mul3A_270 = arith.constant 16 : i32
          %mul3A_271 = arith.muli %scan3A_268, %mul3A_270 : i32
          %get3A_272 = arith.index_cast %mul3A_271 : i32 to index
          %get3A_273 = tpu.vector_load %arg7[%get3A_272] {strides = array<i32>} : memref<1024xf32, #tpu.memory_space<vmem>>, vector<16xf32>,
          %get3A_274 = vector.shape_cast %get3A_273 : vector<16xf32> to vector<16xf32>
          %mul3A_275 = arith.constant 16 : i32
          %mul3A_276 = arith.muli %scan3A_268, %mul3A_275 : i32
          %get3A_277 = arith.constant 0 : i32
          %get3A_278 = arith.index_cast %get3A_277 : i32 to index
          %get3A_279 = arith.index_cast %mul3A_276 : i32 to index
          %get3A_280 = tpu.vector_load %arg8[%get3A_278, %get3A_279] {strides = array<i32>} : memref<16x1024xf32, #tpu.memory_space<vmem>>, vector<1x16xf32>,
          %get3A_281 = vector.shape_cast %get3A_280 : vector<1x16xf32> to vector<16xf32>
          %mul3A_282 = arith.constant 16 : i32
          %mul3A_283 = arith.muli %scan3A_268, %mul3A_282 : i32
          %get3A_284 = arith.constant 0 : i32
          %get3A_285 = arith.index_cast %get3A_284 : i32 to index
          %get3A_286 = arith.index_cast %mul3A_283 : i32 to index
          %get3A_287 = tpu.vector_load %arg9[%get3A_285, %get3A_286] {strides = array<i32>} : memref<16x1024xi32, #tpu.memory_space<vmem>>, vector<1x16xi32>,
          %get3A_288 = vector.shape_cast %get3A_287 : vector<1x16xi32> to vector<16xi32>
          %bitcast_convert_type3A = tpu.bitcast %get3A_281 : vector<16xf32> -> vector<16xi32>
          %shift_left3A = arith.constant 31 : i32
          %shift_left3A_289 = vector.broadcast %shift_left3A : i32 to vector<16xi32>
          %shift_left3A_290 = arith.shli %get3A_288, %shift_left3A_289 : vector<16xi32>
          %xor3A = arith.xori %bitcast_convert_type3A, %shift_left3A_290 : vector<16xi32>
          %bitcast_convert_type3A_291 = tpu.bitcast %xor3A : vector<16xi32> -> vector<16xf32>
          %max3A_292 = arith.constant 0.000000e+00 : f32
          %max3A_293 = vector.broadcast %max3A_292 : f32 to vector<16xf32>
          %max3A_294 = arith.maximumf %bitcast_convert_type3A_291, %max3A_293 : vector<16xf32>
          %or3A = arith.constant -2147483648 : i32
          %or3A_295 = vector.broadcast %or3A : i32 to vector<16xi32>
          %or3A_296 = arith.ori %bitcast_convert_type3A, %or3A_295 : vector<16xi32>
          %bitcast_convert_type3A_297 = tpu.bitcast %or3A_296 : vector<16xi32> -> vector<16xf32>
          %exp3A = math.exp %bitcast_convert_type3A_297 : vector<16xf32>
          %mul3A_298 = arith.constant -0.251813084 : f32
          %mul3A_299 = vector.broadcast %mul3A_298 : f32 to vector<16xf32>
          %mul3A_300 = arith.mulf %exp3A, %mul3A_299 : vector<16xf32>
          %add3A_301 = arith.constant 0.940572202 : f32
          %add3A_302 = vector.broadcast %add3A_301 : f32 to vector<16xf32>
          %add3A_303 = arith.addf %add3A_302, %mul3A_300 : vector<16xf32>
          %mul3A_304 = arith.mulf %exp3A, %add3A_303 : vector<16xf32>
          %add3A_305 = arith.addf %max3A_294, %mul3A_304 : vector<16xf32>
          %add3A_306 = arith.addf %broadcast_in_dim3A_36, %add3A_305 : vector<16xf32>
          %mul3A_307 = arith.constant 16 : i32
          %mul3A_308 = arith.muli %scan3A_268, %mul3A_307 : i32
          %get3A_309 = arith.constant 1 : i32
          %get3A_310 = arith.index_cast %get3A_309 : i32 to index
          %get3A_311 = arith.index_cast %mul3A_308 : i32 to index
          %get3A_312 = tpu.vector_load %arg8[%get3A_310, %get3A_311] {strides = array<i32>} : memref<16x1024xf32, #tpu.memory_space<vmem>>, vector<1x16xf32>,
          %get3A_313 = vector.shape_cast %get3A_312 : vector<1x16xf32> to vector<16xf32>
          %mul3A_314 = arith.constant 16 : i32
          %mul3A_315 = arith.muli %scan3A_268, %mul3A_314 : i32
          %get3A_316 = arith.constant 1 : i32
          %get3A_317 = arith.index_cast %get3A_316 : i32 to index
          %get3A_318 = arith.index_cast %mul3A_315 : i32 to index
          %get3A_319 = tpu.vector_load %arg9[%get3A_317, %get3A_318] {strides = array<i32>} : memref<16x1024xi32, #tpu.memory_space<vmem>>, vector<1x16xi32>,
          %get3A_320 = vector.shape_cast %get3A_319 : vector<1x16xi32> to vector<16xi32>
          %bitcast_convert_type3A_321 = tpu.bitcast %get3A_313 : vector<16xf32> -> vector<16xi32>
          %shift_left3A_322 = arith.constant 31 : i32
          %shift_left3A_323 = vector.broadcast %shift_left3A_322 : i32 to vector<16xi32>
          %shift_left3A_324 = arith.shli %get3A_320, %shift_left3A_323 : vector<16xi32>
          %xor3A_325 = arith.xori %bitcast_convert_type3A_321, %shift_left3A_324 : vector<16xi32>
          %bitcast_convert_type3A_326 = tpu.bitcast %xor3A_325 : vector<16xi32> -> vector<16xf32>
          %max3A_327 = arith.constant 0.000000e+00 : f32
          %max3A_328 = vector.broadcast %max3A_327 : f32 to vector<16xf32>
          %max3A_329 = arith.maximumf %bitcast_convert_type3A_326, %max3A_328 : vector<16xf32>
          %or3A_330 = arith.constant -2147483648 : i32
          %or3A_331 = vector.broadcast %or3A_330 : i32 to vector<16xi32>
          %or3A_332 = arith.ori %bitcast_convert_type3A_321, %or3A_331 : vector<16xi32>
          %bitcast_convert_type3A_333 = tpu.bitcast %or3A_332 : vector<16xi32> -> vector<16xf32>
          %exp3A_334 = math.exp %bitcast_convert_type3A_333 : vector<16xf32>
          %mul3A_335 = arith.constant -0.251813084 : f32
          %mul3A_336 = vector.broadcast %mul3A_335 : f32 to vector<16xf32>
          %mul3A_337 = arith.mulf %exp3A_334, %mul3A_336 : vector<16xf32>
          %add3A_338 = arith.constant 0.940572202 : f32
          %add3A_339 = vector.broadcast %add3A_338 : f32 to vector<16xf32>
          %add3A_340 = arith.addf %add3A_339, %mul3A_337 : vector<16xf32>
          %mul3A_341 = arith.mulf %exp3A_334, %add3A_340 : vector<16xf32>
          %add3A_342 = arith.addf %max3A_329, %mul3A_341 : vector<16xf32>
          %add3A_343 = arith.addf %broadcast_in_dim3A_36, %add3A_342 : vector<16xf32>
          %mul3A_344 = arith.constant 16 : i32
          %mul3A_345 = arith.muli %scan3A_268, %mul3A_344 : i32
          %get3A_346 = arith.constant 2 : i32
          %get3A_347 = arith.index_cast %get3A_346 : i32 to index
          %get3A_348 = arith.index_cast %mul3A_345 : i32 to index
          %get3A_349 = tpu.vector_load %arg8[%get3A_347, %get3A_348] {strides = array<i32>} : memref<16x1024xf32, #tpu.memory_space<vmem>>, vector<1x16xf32>,
          %get3A_350 = vector.shape_cast %get3A_349 : vector<1x16xf32> to vector<16xf32>
          %mul3A_351 = arith.constant 16 : i32
          %mul3A_352 = arith.muli %scan3A_268, %mul3A_351 : i32
          %get3A_353 = arith.constant 2 : i32
          %get3A_354 = arith.index_cast %get3A_353 : i32 to index
          %get3A_355 = arith.index_cast %mul3A_352 : i32 to index
          %get3A_356 = tpu.vector_load %arg9[%get3A_354, %get3A_355] {strides = array<i32>} : memref<16x1024xi32, #tpu.memory_space<vmem>>, vector<1x16xi32>,
          %get3A_357 = vector.shape_cast %get3A_356 : vector<1x16xi32> to vector<16xi32>
          %bitcast_convert_type3A_358 = tpu.bitcast %get3A_350 : vector<16xf32> -> vector<16xi32>
          %shift_left3A_359 = arith.constant 31 : i32
          %shift_left3A_360 = vector.broadcast %shift_left3A_359 : i32 to vector<16xi32>
          %shift_left3A_361 = arith.shli %get3A_357, %shift_left3A_360 : vector<16xi32>
          %xor3A_362 = arith.xori %bitcast_convert_type3A_358, %shift_left3A_361 : vector<16xi32>
          %bitcast_convert_type3A_363 = tpu.bitcast %xor3A_362 : vector<16xi32> -> vector<16xf32>
          %max3A_364 = arith.constant 0.000000e+00 : f32
          %max3A_365 = vector.broadcast %max3A_364 : f32 to vector<16xf32>
          %max3A_366 = arith.maximumf %bitcast_convert_type3A_363, %max3A_365 : vector<16xf32>
          %or3A_367 = arith.constant -2147483648 : i32
          %or3A_368 = vector.broadcast %or3A_367 : i32 to vector<16xi32>
          %or3A_369 = arith.ori %bitcast_convert_type3A_358, %or3A_368 : vector<16xi32>
          %bitcast_convert_type3A_370 = tpu.bitcast %or3A_369 : vector<16xi32> -> vector<16xf32>
          %exp3A_371 = math.exp %bitcast_convert_type3A_370 : vector<16xf32>
          %mul3A_372 = arith.constant -0.251813084 : f32
          %mul3A_373 = vector.broadcast %mul3A_372 : f32 to vector<16xf32>
          %mul3A_374 = arith.mulf %exp3A_371, %mul3A_373 : vector<16xf32>
          %add3A_375 = arith.constant 0.940572202 : f32
          %add3A_376 = vector.broadcast %add3A_375 : f32 to vector<16xf32>
          %add3A_377 = arith.addf %add3A_376, %mul3A_374 : vector<16xf32>
          %mul3A_378 = arith.mulf %exp3A_371, %add3A_377 : vector<16xf32>
          %add3A_379 = arith.addf %max3A_366, %mul3A_378 : vector<16xf32>
          %add3A_380 = arith.addf %broadcast_in_dim3A_36, %add3A_379 : vector<16xf32>
          %mul3A_381 = arith.constant 16 : i32
          %mul3A_382 = arith.muli %scan3A_268, %mul3A_381 : i32
          %get3A_383 = arith.constant 3 : i32
          %get3A_384 = arith.index_cast %get3A_383 : i32 to index
          %get3A_385 = arith.index_cast %mul3A_382 : i32 to index
          %get3A_386 = tpu.vector_load %arg8[%get3A_384, %get3A_385] {strides = array<i32>} : memref<16x1024xf32, #tpu.memory_space<vmem>>, vector<1x16xf32>,
          %get3A_387 = vector.shape_cast %get3A_386 : vector<1x16xf32> to vector<16xf32>
          %mul3A_388 = arith.constant 16 : i32
          %mul3A_389 = arith.muli %scan3A_268, %mul3A_388 : i32
          %get3A_390 = arith.constant 3 : i32
          %get3A_391 = arith.index_cast %get3A_390 : i32 to index
          %get3A_392 = arith.index_cast %mul3A_389 : i32 to index
          %get3A_393 = tpu.vector_load %arg9[%get3A_391, %get3A_392] {strides = array<i32>} : memref<16x1024xi32, #tpu.memory_space<vmem>>, vector<1x16xi32>,
          %get3A_394 = vector.shape_cast %get3A_393 : vector<1x16xi32> to vector<16xi32>
          %bitcast_convert_type3A_395 = tpu.bitcast %get3A_387 : vector<16xf32> -> vector<16xi32>
          %shift_left3A_396 = arith.constant 31 : i32
          %shift_left3A_397 = vector.broadcast %shift_left3A_396 : i32 to vector<16xi32>
          %shift_left3A_398 = arith.shli %get3A_394, %shift_left3A_397 : vector<16xi32>
          %xor3A_399 = arith.xori %bitcast_convert_type3A_395, %shift_left3A_398 : vector<16xi32>
          %bitcast_convert_type3A_400 = tpu.bitcast %xor3A_399 : vector<16xi32> -> vector<16xf32>
          %max3A_401 = arith.constant 0.000000e+00 : f32
          %max3A_402 = vector.broadcast %max3A_401 : f32 to vector<16xf32>
          %max3A_403 = arith.maximumf %bitcast_convert_type3A_400, %max3A_402 : vector<16xf32>
          %or3A_404 = arith.constant -2147483648 : i32
          %or3A_405 = vector.broadcast %or3A_404 : i32 to vector<16xi32>
          %or3A_406 = arith.ori %bitcast_convert_type3A_395, %or3A_405 : vector<16xi32>
          %bitcast_convert_type3A_407 = tpu.bitcast %or3A_406 : vector<16xi32> -> vector<16xf32>
          %exp3A_408 = math.exp %bitcast_convert_type3A_407 : vector<16xf32>
          %mul3A_409 = arith.constant -0.251813084 : f32
          %mul3A_410 = vector.broadcast %mul3A_409 : f32 to vector<16xf32>
          %mul3A_411 = arith.mulf %exp3A_408, %mul3A_410 : vector<16xf32>
          %add3A_412 = arith.constant 0.940572202 : f32
          %add3A_413 = vector.broadcast %add3A_412 : f32 to vector<16xf32>
          %add3A_414 = arith.addf %add3A_413, %mul3A_411 : vector<16xf32>
          %mul3A_415 = arith.mulf %exp3A_408, %add3A_414 : vector<16xf32>
          %add3A_416 = arith.addf %max3A_403, %mul3A_415 : vector<16xf32>
          %add3A_417 = arith.addf %broadcast_in_dim3A_36, %add3A_416 : vector<16xf32>
          %mul3A_418 = arith.constant 16 : i32
          %mul3A_419 = arith.muli %scan3A_268, %mul3A_418 : i32
          %get3A_420 = arith.constant 4 : i32
          %get3A_421 = arith.index_cast %get3A_420 : i32 to index
          %get3A_422 = arith.index_cast %mul3A_419 : i32 to index
          %get3A_423 = tpu.vector_load %arg8[%get3A_421, %get3A_422] {strides = array<i32>} : memref<16x1024xf32, #tpu.memory_space<vmem>>, vector<1x16xf32>,
          %get3A_424 = vector.shape_cast %get3A_423 : vector<1x16xf32> to vector<16xf32>
          %mul3A_425 = arith.constant 16 : i32
          %mul3A_426 = arith.muli %scan3A_268, %mul3A_425 : i32
          %get3A_427 = arith.constant 4 : i32
          %get3A_428 = arith.index_cast %get3A_427 : i32 to index
          %get3A_429 = arith.index_cast %mul3A_426 : i32 to index
          %get3A_430 = tpu.vector_load %arg9[%get3A_428, %get3A_429] {strides = array<i32>} : memref<16x1024xi32, #tpu.memory_space<vmem>>, vector<1x16xi32>,
          %get3A_431 = vector.shape_cast %get3A_430 : vector<1x16xi32> to vector<16xi32>
          %bitcast_convert_type3A_432 = tpu.bitcast %get3A_424 : vector<16xf32> -> vector<16xi32>
          %shift_left3A_433 = arith.constant 31 : i32
          %shift_left3A_434 = vector.broadcast %shift_left3A_433 : i32 to vector<16xi32>
          %shift_left3A_435 = arith.shli %get3A_431, %shift_left3A_434 : vector<16xi32>
          %xor3A_436 = arith.xori %bitcast_convert_type3A_432, %shift_left3A_435 : vector<16xi32>
          %bitcast_convert_type3A_437 = tpu.bitcast %xor3A_436 : vector<16xi32> -> vector<16xf32>
          %max3A_438 = arith.constant 0.000000e+00 : f32
          %max3A_439 = vector.broadcast %max3A_438 : f32 to vector<16xf32>
          %max3A_440 = arith.maximumf %bitcast_convert_type3A_437, %max3A_439 : vector<16xf32>
          %or3A_441 = arith.constant -2147483648 : i32
          %or3A_442 = vector.broadcast %or3A_441 : i32 to vector<16xi32>
          %or3A_443 = arith.ori %bitcast_convert_type3A_432, %or3A_442 : vector<16xi32>
          %bitcast_convert_type3A_444 = tpu.bitcast %or3A_443 : vector<16xi32> -> vector<16xf32>
          %exp3A_445 = math.exp %bitcast_convert_type3A_444 : vector<16xf32>
          %mul3A_446 = arith.constant -0.251813084 : f32
          %mul3A_447 = vector.broadcast %mul3A_446 : f32 to vector<16xf32>
          %mul3A_448 = arith.mulf %exp3A_445, %mul3A_447 : vector<16xf32>
          %add3A_449 = arith.constant 0.940572202 : f32
          %add3A_450 = vector.broadcast %add3A_449 : f32 to vector<16xf32>
          %add3A_451 = arith.addf %add3A_450, %mul3A_448 : vector<16xf32>
          %mul3A_452 = arith.mulf %exp3A_445, %add3A_451 : vector<16xf32>
          %add3A_453 = arith.addf %max3A_440, %mul3A_452 : vector<16xf32>
          %add3A_454 = arith.addf %add3A_306, %add3A_453 : vector<16xf32>
          %mul3A_455 = arith.constant 16 : i32
          %mul3A_456 = arith.muli %scan3A_268, %mul3A_455 : i32
          %get3A_457 = arith.constant 5 : i32
          %get3A_458 = arith.index_cast %get3A_457 : i32 to index
          %get3A_459 = arith.index_cast %mul3A_456 : i32 to index
          %get3A_460 = tpu.vector_load %arg8[%get3A_458, %get3A_459] {strides = array<i32>} : memref<16x1024xf32, #tpu.memory_space<vmem>>, vector<1x16xf32>,
          %get3A_461 = vector.shape_cast %get3A_460 : vector<1x16xf32> to vector<16xf32>
          %mul3A_462 = arith.constant 16 : i32
          %mul3A_463 = arith.muli %scan3A_268, %mul3A_462 : i32
          %get3A_464 = arith.constant 5 : i32
          %get3A_465 = arith.index_cast %get3A_464 : i32 to index
          %get3A_466 = arith.index_cast %mul3A_463 : i32 to index
          %get3A_467 = tpu.vector_load %arg9[%get3A_465, %get3A_466] {strides = array<i32>} : memref<16x1024xi32, #tpu.memory_space<vmem>>, vector<1x16xi32>,
          %get3A_468 = vector.shape_cast %get3A_467 : vector<1x16xi32> to vector<16xi32>
          %bitcast_convert_type3A_469 = tpu.bitcast %get3A_461 : vector<16xf32> -> vector<16xi32>
          %shift_left3A_470 = arith.constant 31 : i32
          %shift_left3A_471 = vector.broadcast %shift_left3A_470 : i32 to vector<16xi32>
          %shift_left3A_472 = arith.shli %get3A_468, %shift_left3A_471 : vector<16xi32>
          %xor3A_473 = arith.xori %bitcast_convert_type3A_469, %shift_left3A_472 : vector<16xi32>
          %bitcast_convert_type3A_474 = tpu.bitcast %xor3A_473 : vector<16xi32> -> vector<16xf32>
          %max3A_475 = arith.constant 0.000000e+00 : f32
          %max3A_476 = vector.broadcast %max3A_475 : f32 to vector<16xf32>
          %max3A_477 = arith.maximumf %bitcast_convert_type3A_474, %max3A_476 : vector<16xf32>
          %or3A_478 = arith.constant -2147483648 : i32
          %or3A_479 = vector.broadcast %or3A_478 : i32 to vector<16xi32>
          %or3A_480 = arith.ori %bitcast_convert_type3A_469, %or3A_479 : vector<16xi32>
          %bitcast_convert_type3A_481 = tpu.bitcast %or3A_480 : vector<16xi32> -> vector<16xf32>
          %exp3A_482 = math.exp %bitcast_convert_type3A_481 : vector<16xf32>
          %mul3A_483 = arith.constant -0.251813084 : f32
          %mul3A_484 = vector.broadcast %mul3A_483 : f32 to vector<16xf32>
          %mul3A_485 = arith.mulf %exp3A_482, %mul3A_484 : vector<16xf32>
          %add3A_486 = arith.constant 0.940572202 : f32
          %add3A_487 = vector.broadcast %add3A_486 : f32 to vector<16xf32>
          %add3A_488 = arith.addf %add3A_487, %mul3A_485 : vector<16xf32>
          %mul3A_489 = arith.mulf %exp3A_482, %add3A_488 : vector<16xf32>
          %add3A_490 = arith.addf %max3A_477, %mul3A_489 : vector<16xf32>
          %add3A_491 = arith.addf %add3A_343, %add3A_490 : vector<16xf32>
          %mul3A_492 = arith.constant 16 : i32
          %mul3A_493 = arith.muli %scan3A_268, %mul3A_492 : i32
          %get3A_494 = arith.constant 6 : i32
          %get3A_495 = arith.index_cast %get3A_494 : i32 to index
          %get3A_496 = arith.index_cast %mul3A_493 : i32 to index
          %get3A_497 = tpu.vector_load %arg8[%get3A_495, %get3A_496] {strides = array<i32>} : memref<16x1024xf32, #tpu.memory_space<vmem>>, vector<1x16xf32>,
          %get3A_498 = vector.shape_cast %get3A_497 : vector<1x16xf32> to vector<16xf32>
          %mul3A_499 = arith.constant 16 : i32
          %mul3A_500 = arith.muli %scan3A_268, %mul3A_499 : i32
          %get3A_501 = arith.constant 6 : i32
          %get3A_502 = arith.index_cast %get3A_501 : i32 to index
          %get3A_503 = arith.index_cast %mul3A_500 : i32 to index
          %get3A_504 = tpu.vector_load %arg9[%get3A_502, %get3A_503] {strides = array<i32>} : memref<16x1024xi32, #tpu.memory_space<vmem>>, vector<1x16xi32>,
          %get3A_505 = vector.shape_cast %get3A_504 : vector<1x16xi32> to vector<16xi32>
          %bitcast_convert_type3A_506 = tpu.bitcast %get3A_498 : vector<16xf32> -> vector<16xi32>
          %shift_left3A_507 = arith.constant 31 : i32
          %shift_left3A_508 = vector.broadcast %shift_left3A_507 : i32 to vector<16xi32>
          %shift_left3A_509 = arith.shli %get3A_505, %shift_left3A_508 : vector<16xi32>
          %xor3A_510 = arith.xori %bitcast_convert_type3A_506, %shift_left3A_509 : vector<16xi32>
          %bitcast_convert_type3A_511 = tpu.bitcast %xor3A_510 : vector<16xi32> -> vector<16xf32>
          %max3A_512 = arith.constant 0.000000e+00 : f32
          %max3A_513 = vector.broadcast %max3A_512 : f32 to vector<16xf32>
          %max3A_514 = arith.maximumf %bitcast_convert_type3A_511, %max3A_513 : vector<16xf32>
          %or3A_515 = arith.constant -2147483648 : i32
          %or3A_516 = vector.broadcast %or3A_515 : i32 to vector<16xi32>
          %or3A_517 = arith.ori %bitcast_convert_type3A_506, %or3A_516 : vector<16xi32>
          %bitcast_convert_type3A_518 = tpu.bitcast %or3A_517 : vector<16xi32> -> vector<16xf32>
          %exp3A_519 = math.exp %bitcast_convert_type3A_518 : vector<16xf32>
          %mul3A_520 = arith.constant -0.251813084 : f32
          %mul3A_521 = vector.broadcast %mul3A_520 : f32 to vector<16xf32>
          %mul3A_522 = arith.mulf %exp3A_519, %mul3A_521 : vector<16xf32>
          %add3A_523 = arith.constant 0.940572202 : f32
          %add3A_524 = vector.broadcast %add3A_523 : f32 to vector<16xf32>
          %add3A_525 = arith.addf %add3A_524, %mul3A_522 : vector<16xf32>
          %mul3A_526 = arith.mulf %exp3A_519, %add3A_525 : vector<16xf32>
          %add3A_527 = arith.addf %max3A_514, %mul3A_526 : vector<16xf32>
          %add3A_528 = arith.addf %add3A_380, %add3A_527 : vector<16xf32>
          %mul3A_529 = arith.constant 16 : i32
          %mul3A_530 = arith.muli %scan3A_268, %mul3A_529 : i32
          %get3A_531 = arith.constant 7 : i32
          %get3A_532 = arith.index_cast %get3A_531 : i32 to index
          %get3A_533 = arith.index_cast %mul3A_530 : i32 to index
          %get3A_534 = tpu.vector_load %arg8[%get3A_532, %get3A_533] {strides = array<i32>} : memref<16x1024xf32, #tpu.memory_space<vmem>>, vector<1x16xf32>,
          %get3A_535 = vector.shape_cast %get3A_534 : vector<1x16xf32> to vector<16xf32>
          %mul3A_536 = arith.constant 16 : i32
          %mul3A_537 = arith.muli %scan3A_268, %mul3A_536 : i32
          %get3A_538 = arith.constant 7 : i32
          %get3A_539 = arith.index_cast %get3A_538 : i32 to index
          %get3A_540 = arith.index_cast %mul3A_537 : i32 to index
          %get3A_541 = tpu.vector_load %arg9[%get3A_539, %get3A_540] {strides = array<i32>} : memref<16x1024xi32, #tpu.memory_space<vmem>>, vector<1x16xi32>,
          %get3A_542 = vector.shape_cast %get3A_541 : vector<1x16xi32> to vector<16xi32>
          %bitcast_convert_type3A_543 = tpu.bitcast %get3A_535 : vector<16xf32> -> vector<16xi32>
          %shift_left3A_544 = arith.constant 31 : i32
          %shift_left3A_545 = vector.broadcast %shift_left3A_544 : i32 to vector<16xi32>
          %shift_left3A_546 = arith.shli %get3A_542, %shift_left3A_545 : vector<16xi32>
          %xor3A_547 = arith.xori %bitcast_convert_type3A_543, %shift_left3A_546 : vector<16xi32>
          %bitcast_convert_type3A_548 = tpu.bitcast %xor3A_547 : vector<16xi32> -> vector<16xf32>
          %max3A_549 = arith.constant 0.000000e+00 : f32
          %max3A_550 = vector.broadcast %max3A_549 : f32 to vector<16xf32>
          %max3A_551 = arith.maximumf %bitcast_convert_type3A_548, %max3A_550 : vector<16xf32>
          %or3A_552 = arith.constant -2147483648 : i32
          %or3A_553 = vector.broadcast %or3A_552 : i32 to vector<16xi32>
          %or3A_554 = arith.ori %bitcast_convert_type3A_543, %or3A_553 : vector<16xi32>
          %bitcast_convert_type3A_555 = tpu.bitcast %or3A_554 : vector<16xi32> -> vector<16xf32>
          %exp3A_556 = math.exp %bitcast_convert_type3A_555 : vector<16xf32>
          %mul3A_557 = arith.constant -0.251813084 : f32
          %mul3A_558 = vector.broadcast %mul3A_557 : f32 to vector<16xf32>
          %mul3A_559 = arith.mulf %exp3A_556, %mul3A_558 : vector<16xf32>
          %add3A_560 = arith.constant 0.940572202 : f32
          %add3A_561 = vector.broadcast %add3A_560 : f32 to vector<16xf32>
          %add3A_562 = arith.addf %add3A_561, %mul3A_559 : vector<16xf32>
          %mul3A_563 = arith.mulf %exp3A_556, %add3A_562 : vector<16xf32>
          %add3A_564 = arith.addf %max3A_551, %mul3A_563 : vector<16xf32>
          %add3A_565 = arith.addf %add3A_417, %add3A_564 : vector<16xf32>
          %mul3A_566 = arith.constant 16 : i32
          %mul3A_567 = arith.muli %scan3A_268, %mul3A_566 : i32
          %get3A_568 = arith.constant 8 : i32
          %get3A_569 = arith.index_cast %get3A_568 : i32 to index
          %get3A_570 = arith.index_cast %mul3A_567 : i32 to index
          %get3A_571 = tpu.vector_load %arg8[%get3A_569, %get3A_570] {strides = array<i32>} : memref<16x1024xf32, #tpu.memory_space<vmem>>, vector<1x16xf32>,
          %get3A_572 = vector.shape_cast %get3A_571 : vector<1x16xf32> to vector<16xf32>
          %mul3A_573 = arith.constant 16 : i32
          %mul3A_574 = arith.muli %scan3A_268, %mul3A_573 : i32
          %get3A_575 = arith.constant 8 : i32
          %get3A_576 = arith.index_cast %get3A_575 : i32 to index
          %get3A_577 = arith.index_cast %mul3A_574 : i32 to index
          %get3A_578 = tpu.vector_load %arg9[%get3A_576, %get3A_577] {strides = array<i32>} : memref<16x1024xi32, #tpu.memory_space<vmem>>, vector<1x16xi32>,
          %get3A_579 = vector.shape_cast %get3A_578 : vector<1x16xi32> to vector<16xi32>
          %bitcast_convert_type3A_580 = tpu.bitcast %get3A_572 : vector<16xf32> -> vector<16xi32>
          %shift_left3A_581 = arith.constant 31 : i32
          %shift_left3A_582 = vector.broadcast %shift_left3A_581 : i32 to vector<16xi32>
          %shift_left3A_583 = arith.shli %get3A_579, %shift_left3A_582 : vector<16xi32>
          %xor3A_584 = arith.xori %bitcast_convert_type3A_580, %shift_left3A_583 : vector<16xi32>
          %bitcast_convert_type3A_585 = tpu.bitcast %xor3A_584 : vector<16xi32> -> vector<16xf32>
          %max3A_586 = arith.constant 0.000000e+00 : f32
          %max3A_587 = vector.broadcast %max3A_586 : f32 to vector<16xf32>
          %max3A_588 = arith.maximumf %bitcast_convert_type3A_585, %max3A_587 : vector<16xf32>
          %or3A_589 = arith.constant -2147483648 : i32
          %or3A_590 = vector.broadcast %or3A_589 : i32 to vector<16xi32>
          %or3A_591 = arith.ori %bitcast_convert_type3A_580, %or3A_590 : vector<16xi32>
          %bitcast_convert_type3A_592 = tpu.bitcast %or3A_591 : vector<16xi32> -> vector<16xf32>
          %exp3A_593 = math.exp %bitcast_convert_type3A_592 : vector<16xf32>
          %mul3A_594 = arith.constant -0.251813084 : f32
          %mul3A_595 = vector.broadcast %mul3A_594 : f32 to vector<16xf32>
          %mul3A_596 = arith.mulf %exp3A_593, %mul3A_595 : vector<16xf32>
          %add3A_597 = arith.constant 0.940572202 : f32
          %add3A_598 = vector.broadcast %add3A_597 : f32 to vector<16xf32>
          %add3A_599 = arith.addf %add3A_598, %mul3A_596 : vector<16xf32>
          %mul3A_600 = arith.mulf %exp3A_593, %add3A_599 : vector<16xf32>
          %add3A_601 = arith.addf %max3A_588, %mul3A_600 : vector<16xf32>
          %add3A_602 = arith.addf %add3A_454, %add3A_601 : vector<16xf32>
          %mul3A_603 = arith.constant 16 : i32
          %mul3A_604 = arith.muli %scan3A_268, %mul3A_603 : i32
          %get3A_605 = arith.constant 9 : i32
          %get3A_606 = arith.index_cast %get3A_605 : i32 to index
          %get3A_607 = arith.index_cast %mul3A_604 : i32 to index
          %get3A_608 = tpu.vector_load %arg8[%get3A_606, %get3A_607] {strides = array<i32>} : memref<16x1024xf32, #tpu.memory_space<vmem>>, vector<1x16xf32>,
          %get3A_609 = vector.shape_cast %get3A_608 : vector<1x16xf32> to vector<16xf32>
          %mul3A_610 = arith.constant 16 : i32
          %mul3A_611 = arith.muli %scan3A_268, %mul3A_610 : i32
          %get3A_612 = arith.constant 9 : i32
          %get3A_613 = arith.index_cast %get3A_612 : i32 to index
          %get3A_614 = arith.index_cast %mul3A_611 : i32 to index
          %get3A_615 = tpu.vector_load %arg9[%get3A_613, %get3A_614] {strides = array<i32>} : memref<16x1024xi32, #tpu.memory_space<vmem>>, vector<1x16xi32>,
          %get3A_616 = vector.shape_cast %get3A_615 : vector<1x16xi32> to vector<16xi32>
          %bitcast_convert_type3A_617 = tpu.bitcast %get3A_609 : vector<16xf32> -> vector<16xi32>
          %shift_left3A_618 = arith.constant 31 : i32
          %shift_left3A_619 = vector.broadcast %shift_left3A_618 : i32 to vector<16xi32>
          %shift_left3A_620 = arith.shli %get3A_616, %shift_left3A_619 : vector<16xi32>
          %xor3A_621 = arith.xori %bitcast_convert_type3A_617, %shift_left3A_620 : vector<16xi32>
          %bitcast_convert_type3A_622 = tpu.bitcast %xor3A_621 : vector<16xi32> -> vector<16xf32>
          %max3A_623 = arith.constant 0.000000e+00 : f32
          %max3A_624 = vector.broadcast %max3A_623 : f32 to vector<16xf32>
          %max3A_625 = arith.maximumf %bitcast_convert_type3A_622, %max3A_624 : vector<16xf32>
          %or3A_626 = arith.constant -2147483648 : i32
          %or3A_627 = vector.broadcast %or3A_626 : i32 to vector<16xi32>
          %or3A_628 = arith.ori %bitcast_convert_type3A_617, %or3A_627 : vector<16xi32>
          %bitcast_convert_type3A_629 = tpu.bitcast %or3A_628 : vector<16xi32> -> vector<16xf32>
          %exp3A_630 = math.exp %bitcast_convert_type3A_629 : vector<16xf32>
          %mul3A_631 = arith.constant -0.251813084 : f32
          %mul3A_632 = vector.broadcast %mul3A_631 : f32 to vector<16xf32>
          %mul3A_633 = arith.mulf %exp3A_630, %mul3A_632 : vector<16xf32>
          %add3A_634 = arith.constant 0.940572202 : f32
          %add3A_635 = vector.broadcast %add3A_634 : f32 to vector<16xf32>
          %add3A_636 = arith.addf %add3A_635, %mul3A_633 : vector<16xf32>
          %mul3A_637 = arith.mulf %exp3A_630, %add3A_636 : vector<16xf32>
          %add3A_638 = arith.addf %max3A_625, %mul3A_637 : vector<16xf32>
          %add3A_639 = arith.addf %add3A_491, %add3A_638 : vector<16xf32>
          %mul3A_640 = arith.constant 16 : i32
          %mul3A_641 = arith.muli %scan3A_268, %mul3A_640 : i32
          %get3A_642 = arith.constant 10 : i32
          %get3A_643 = arith.index_cast %get3A_642 : i32 to index
          %get3A_644 = arith.index_cast %mul3A_641 : i32 to index
          %get3A_645 = tpu.vector_load %arg8[%get3A_643, %get3A_644] {strides = array<i32>} : memref<16x1024xf32, #tpu.memory_space<vmem>>, vector<1x16xf32>,
          %get3A_646 = vector.shape_cast %get3A_645 : vector<1x16xf32> to vector<16xf32>
          %mul3A_647 = arith.constant 16 : i32
          %mul3A_648 = arith.muli %scan3A_268, %mul3A_647 : i32
          %get3A_649 = arith.constant 10 : i32
          %get3A_650 = arith.index_cast %get3A_649 : i32 to index
          %get3A_651 = arith.index_cast %mul3A_648 : i32 to index
          %get3A_652 = tpu.vector_load %arg9[%get3A_650, %get3A_651] {strides = array<i32>} : memref<16x1024xi32, #tpu.memory_space<vmem>>, vector<1x16xi32>,
          %get3A_653 = vector.shape_cast %get3A_652 : vector<1x16xi32> to vector<16xi32>
          %bitcast_convert_type3A_654 = tpu.bitcast %get3A_646 : vector<16xf32> -> vector<16xi32>
          %shift_left3A_655 = arith.constant 31 : i32
          %shift_left3A_656 = vector.broadcast %shift_left3A_655 : i32 to vector<16xi32>
          %shift_left3A_657 = arith.shli %get3A_653, %shift_left3A_656 : vector<16xi32>
          %xor3A_658 = arith.xori %bitcast_convert_type3A_654, %shift_left3A_657 : vector<16xi32>
          %bitcast_convert_type3A_659 = tpu.bitcast %xor3A_658 : vector<16xi32> -> vector<16xf32>
          %max3A_660 = arith.constant 0.000000e+00 : f32
          %max3A_661 = vector.broadcast %max3A_660 : f32 to vector<16xf32>
          %max3A_662 = arith.maximumf %bitcast_convert_type3A_659, %max3A_661 : vector<16xf32>
          %or3A_663 = arith.constant -2147483648 : i32
          %or3A_664 = vector.broadcast %or3A_663 : i32 to vector<16xi32>
          %or3A_665 = arith.ori %bitcast_convert_type3A_654, %or3A_664 : vector<16xi32>
          %bitcast_convert_type3A_666 = tpu.bitcast %or3A_665 : vector<16xi32> -> vector<16xf32>
          %exp3A_667 = math.exp %bitcast_convert_type3A_666 : vector<16xf32>
          %mul3A_668 = arith.constant -0.251813084 : f32
          %mul3A_669 = vector.broadcast %mul3A_668 : f32 to vector<16xf32>
          %mul3A_670 = arith.mulf %exp3A_667, %mul3A_669 : vector<16xf32>
          %add3A_671 = arith.constant 0.940572202 : f32
          %add3A_672 = vector.broadcast %add3A_671 : f32 to vector<16xf32>
          %add3A_673 = arith.addf %add3A_672, %mul3A_670 : vector<16xf32>
          %mul3A_674 = arith.mulf %exp3A_667, %add3A_673 : vector<16xf32>
          %add3A_675 = arith.addf %max3A_662, %mul3A_674 : vector<16xf32>
          %add3A_676 = arith.addf %add3A_528, %add3A_675 : vector<16xf32>
          %mul3A_677 = arith.constant 16 : i32
          %mul3A_678 = arith.muli %scan3A_268, %mul3A_677 : i32
          %get3A_679 = arith.constant 11 : i32
          %get3A_680 = arith.index_cast %get3A_679 : i32 to index
          %get3A_681 = arith.index_cast %mul3A_678 : i32 to index
          %get3A_682 = tpu.vector_load %arg8[%get3A_680, %get3A_681] {strides = array<i32>} : memref<16x1024xf32, #tpu.memory_space<vmem>>, vector<1x16xf32>,
          %get3A_683 = vector.shape_cast %get3A_682 : vector<1x16xf32> to vector<16xf32>
          %mul3A_684 = arith.constant 16 : i32
          %mul3A_685 = arith.muli %scan3A_268, %mul3A_684 : i32
          %get3A_686 = arith.constant 11 : i32
          %get3A_687 = arith.index_cast %get3A_686 : i32 to index
          %get3A_688 = arith.index_cast %mul3A_685 : i32 to index
          %get3A_689 = tpu.vector_load %arg9[%get3A_687, %get3A_688] {strides = array<i32>} : memref<16x1024xi32, #tpu.memory_space<vmem>>, vector<1x16xi32>,
          %get3A_690 = vector.shape_cast %get3A_689 : vector<1x16xi32> to vector<16xi32>
          %bitcast_convert_type3A_691 = tpu.bitcast %get3A_683 : vector<16xf32> -> vector<16xi32>
          %shift_left3A_692 = arith.constant 31 : i32
          %shift_left3A_693 = vector.broadcast %shift_left3A_692 : i32 to vector<16xi32>
          %shift_left3A_694 = arith.shli %get3A_690, %shift_left3A_693 : vector<16xi32>
          %xor3A_695 = arith.xori %bitcast_convert_type3A_691, %shift_left3A_694 : vector<16xi32>
          %bitcast_convert_type3A_696 = tpu.bitcast %xor3A_695 : vector<16xi32> -> vector<16xf32>
          %max3A_697 = arith.constant 0.000000e+00 : f32
          %max3A_698 = vector.broadcast %max3A_697 : f32 to vector<16xf32>
          %max3A_699 = arith.maximumf %bitcast_convert_type3A_696, %max3A_698 : vector<16xf32>
          %or3A_700 = arith.constant -2147483648 : i32
          %or3A_701 = vector.broadcast %or3A_700 : i32 to vector<16xi32>
          %or3A_702 = arith.ori %bitcast_convert_type3A_691, %or3A_701 : vector<16xi32>
          %bitcast_convert_type3A_703 = tpu.bitcast %or3A_702 : vector<16xi32> -> vector<16xf32>
          %exp3A_704 = math.exp %bitcast_convert_type3A_703 : vector<16xf32>
          %mul3A_705 = arith.constant -0.251813084 : f32
          %mul3A_706 = vector.broadcast %mul3A_705 : f32 to vector<16xf32>
          %mul3A_707 = arith.mulf %exp3A_704, %mul3A_706 : vector<16xf32>
          %add3A_708 = arith.constant 0.940572202 : f32
          %add3A_709 = vector.broadcast %add3A_708 : f32 to vector<16xf32>
          %add3A_710 = arith.addf %add3A_709, %mul3A_707 : vector<16xf32>
          %mul3A_711 = arith.mulf %exp3A_704, %add3A_710 : vector<16xf32>
          %add3A_712 = arith.addf %max3A_699, %mul3A_711 : vector<16xf32>
          %add3A_713 = arith.addf %add3A_565, %add3A_712 : vector<16xf32>
          %mul3A_714 = arith.constant 16 : i32
          %mul3A_715 = arith.muli %scan3A_268, %mul3A_714 : i32
          %get3A_716 = arith.constant 12 : i32
          %get3A_717 = arith.index_cast %get3A_716 : i32 to index
          %get3A_718 = arith.index_cast %mul3A_715 : i32 to index
          %get3A_719 = tpu.vector_load %arg8[%get3A_717, %get3A_718] {strides = array<i32>} : memref<16x1024xf32, #tpu.memory_space<vmem>>, vector<1x16xf32>,
          %get3A_720 = vector.shape_cast %get3A_719 : vector<1x16xf32> to vector<16xf32>
          %mul3A_721 = arith.constant 16 : i32
          %mul3A_722 = arith.muli %scan3A_268, %mul3A_721 : i32
          %get3A_723 = arith.constant 12 : i32
          %get3A_724 = arith.index_cast %get3A_723 : i32 to index
          %get3A_725 = arith.index_cast %mul3A_722 : i32 to index
          %get3A_726 = tpu.vector_load %arg9[%get3A_724, %get3A_725] {strides = array<i32>} : memref<16x1024xi32, #tpu.memory_space<vmem>>, vector<1x16xi32>,
          %get3A_727 = vector.shape_cast %get3A_726 : vector<1x16xi32> to vector<16xi32>
          %bitcast_convert_type3A_728 = tpu.bitcast %get3A_720 : vector<16xf32> -> vector<16xi32>
          %shift_left3A_729 = arith.constant 31 : i32
          %shift_left3A_730 = vector.broadcast %shift_left3A_729 : i32 to vector<16xi32>
          %shift_left3A_731 = arith.shli %get3A_727, %shift_left3A_730 : vector<16xi32>
          %xor3A_732 = arith.xori %bitcast_convert_type3A_728, %shift_left3A_731 : vector<16xi32>
          %bitcast_convert_type3A_733 = tpu.bitcast %xor3A_732 : vector<16xi32> -> vector<16xf32>
          %max3A_734 = arith.constant 0.000000e+00 : f32
          %max3A_735 = vector.broadcast %max3A_734 : f32 to vector<16xf32>
          %max3A_736 = arith.maximumf %bitcast_convert_type3A_733, %max3A_735 : vector<16xf32>
          %or3A_737 = arith.constant -2147483648 : i32
          %or3A_738 = vector.broadcast %or3A_737 : i32 to vector<16xi32>
          %or3A_739 = arith.ori %bitcast_convert_type3A_728, %or3A_738 : vector<16xi32>
          %bitcast_convert_type3A_740 = tpu.bitcast %or3A_739 : vector<16xi32> -> vector<16xf32>
          %exp3A_741 = math.exp %bitcast_convert_type3A_740 : vector<16xf32>
          %mul3A_742 = arith.constant -0.251813084 : f32
          %mul3A_743 = vector.broadcast %mul3A_742 : f32 to vector<16xf32>
          %mul3A_744 = arith.mulf %exp3A_741, %mul3A_743 : vector<16xf32>
          %add3A_745 = arith.constant 0.940572202 : f32
          %add3A_746 = vector.broadcast %add3A_745 : f32 to vector<16xf32>
          %add3A_747 = arith.addf %add3A_746, %mul3A_744 : vector<16xf32>
          %mul3A_748 = arith.mulf %exp3A_741, %add3A_747 : vector<16xf32>
          %add3A_749 = arith.addf %max3A_736, %mul3A_748 : vector<16xf32>
          %add3A_750 = arith.addf %add3A_602, %add3A_749 : vector<16xf32>
          %mul3A_751 = arith.constant 16 : i32
          %mul3A_752 = arith.muli %scan3A_268, %mul3A_751 : i32
          %get3A_753 = arith.constant 13 : i32
          %get3A_754 = arith.index_cast %get3A_753 : i32 to index
          %get3A_755 = arith.index_cast %mul3A_752 : i32 to index
          %get3A_756 = tpu.vector_load %arg8[%get3A_754, %get3A_755] {strides = array<i32>} : memref<16x1024xf32, #tpu.memory_space<vmem>>, vector<1x16xf32>,
          %get3A_757 = vector.shape_cast %get3A_756 : vector<1x16xf32> to vector<16xf32>
          %mul3A_758 = arith.constant 16 : i32
          %mul3A_759 = arith.muli %scan3A_268, %mul3A_758 : i32
          %get3A_760 = arith.constant 13 : i32
          %get3A_761 = arith.index_cast %get3A_760 : i32 to index
          %get3A_762 = arith.index_cast %mul3A_759 : i32 to index
          %get3A_763 = tpu.vector_load %arg9[%get3A_761, %get3A_762] {strides = array<i32>} : memref<16x1024xi32, #tpu.memory_space<vmem>>, vector<1x16xi32>,
          %get3A_764 = vector.shape_cast %get3A_763 : vector<1x16xi32> to vector<16xi32>
          %bitcast_convert_type3A_765 = tpu.bitcast %get3A_757 : vector<16xf32> -> vector<16xi32>
          %shift_left3A_766 = arith.constant 31 : i32
          %shift_left3A_767 = vector.broadcast %shift_left3A_766 : i32 to vector<16xi32>
          %shift_left3A_768 = arith.shli %get3A_764, %shift_left3A_767 : vector<16xi32>
          %xor3A_769 = arith.xori %bitcast_convert_type3A_765, %shift_left3A_768 : vector<16xi32>
          %bitcast_convert_type3A_770 = tpu.bitcast %xor3A_769 : vector<16xi32> -> vector<16xf32>
          %max3A_771 = arith.constant 0.000000e+00 : f32
          %max3A_772 = vector.broadcast %max3A_771 : f32 to vector<16xf32>
          %max3A_773 = arith.maximumf %bitcast_convert_type3A_770, %max3A_772 : vector<16xf32>
          %or3A_774 = arith.constant -2147483648 : i32
          %or3A_775 = vector.broadcast %or3A_774 : i32 to vector<16xi32>
          %or3A_776 = arith.ori %bitcast_convert_type3A_765, %or3A_775 : vector<16xi32>
          %bitcast_convert_type3A_777 = tpu.bitcast %or3A_776 : vector<16xi32> -> vector<16xf32>
          %exp3A_778 = math.exp %bitcast_convert_type3A_777 : vector<16xf32>
          %mul3A_779 = arith.constant -0.251813084 : f32
          %mul3A_780 = vector.broadcast %mul3A_779 : f32 to vector<16xf32>
          %mul3A_781 = arith.mulf %exp3A_778, %mul3A_780 : vector<16xf32>
          %add3A_782 = arith.constant 0.940572202 : f32
          %add3A_783 = vector.broadcast %add3A_782 : f32 to vector<16xf32>
          %add3A_784 = arith.addf %add3A_783, %mul3A_781 : vector<16xf32>
          %mul3A_785 = arith.mulf %exp3A_778, %add3A_784 : vector<16xf32>
          %add3A_786 = arith.addf %max3A_773, %mul3A_785 : vector<16xf32>
          %add3A_787 = arith.addf %add3A_639, %add3A_786 : vector<16xf32>
          %mul3A_788 = arith.constant 16 : i32
          %mul3A_789 = arith.muli %scan3A_268, %mul3A_788 : i32
          %get3A_790 = arith.constant 14 : i32
          %get3A_791 = arith.index_cast %get3A_790 : i32 to index
          %get3A_792 = arith.index_cast %mul3A_789 : i32 to index
          %get3A_793 = tpu.vector_load %arg8[%get3A_791, %get3A_792] {strides = array<i32>} : memref<16x1024xf32, #tpu.memory_space<vmem>>, vector<1x16xf32>,
          %get3A_794 = vector.shape_cast %get3A_793 : vector<1x16xf32> to vector<16xf32>
          %mul3A_795 = arith.constant 16 : i32
          %mul3A_796 = arith.muli %scan3A_268, %mul3A_795 : i32
          %get3A_797 = arith.constant 14 : i32
          %get3A_798 = arith.index_cast %get3A_797 : i32 to index
          %get3A_799 = arith.index_cast %mul3A_796 : i32 to index
          %get3A_800 = tpu.vector_load %arg9[%get3A_798, %get3A_799] {strides = array<i32>} : memref<16x1024xi32, #tpu.memory_space<vmem>>, vector<1x16xi32>,
          %get3A_801 = vector.shape_cast %get3A_800 : vector<1x16xi32> to vector<16xi32>
          %bitcast_convert_type3A_802 = tpu.bitcast %get3A_794 : vector<16xf32> -> vector<16xi32>
          %shift_left3A_803 = arith.constant 31 : i32
          %shift_left3A_804 = vector.broadcast %shift_left3A_803 : i32 to vector<16xi32>
          %shift_left3A_805 = arith.shli %get3A_801, %shift_left3A_804 : vector<16xi32>
          %xor3A_806 = arith.xori %bitcast_convert_type3A_802, %shift_left3A_805 : vector<16xi32>
          %bitcast_convert_type3A_807 = tpu.bitcast %xor3A_806 : vector<16xi32> -> vector<16xf32>
          %max3A_808 = arith.constant 0.000000e+00 : f32
          %max3A_809 = vector.broadcast %max3A_808 : f32 to vector<16xf32>
          %max3A_810 = arith.maximumf %bitcast_convert_type3A_807, %max3A_809 : vector<16xf32>
          %or3A_811 = arith.constant -2147483648 : i32
          %or3A_812 = vector.broadcast %or3A_811 : i32 to vector<16xi32>
          %or3A_813 = arith.ori %bitcast_convert_type3A_802, %or3A_812 : vector<16xi32>
          %bitcast_convert_type3A_814 = tpu.bitcast %or3A_813 : vector<16xi32> -> vector<16xf32>
          %exp3A_815 = math.exp %bitcast_convert_type3A_814 : vector<16xf32>
          %mul3A_816 = arith.constant -0.251813084 : f32
          %mul3A_817 = vector.broadcast %mul3A_816 : f32 to vector<16xf32>
          %mul3A_818 = arith.mulf %exp3A_815, %mul3A_817 : vector<16xf32>
          %add3A_819 = arith.constant 0.940572202 : f32
          %add3A_820 = vector.broadcast %add3A_819 : f32 to vector<16xf32>
          %add3A_821 = arith.addf %add3A_820, %mul3A_818 : vector<16xf32>
          %mul3A_822 = arith.mulf %exp3A_815, %add3A_821 : vector<16xf32>
          %add3A_823 = arith.addf %max3A_810, %mul3A_822 : vector<16xf32>
          %add3A_824 = arith.addf %add3A_676, %add3A_823 : vector<16xf32>
          %mul3A_825 = arith.constant 16 : i32
          %mul3A_826 = arith.muli %scan3A_268, %mul3A_825 : i32
          %get3A_827 = arith.constant 15 : i32
          %get3A_828 = arith.index_cast %get3A_827 : i32 to index
          %get3A_829 = arith.index_cast %mul3A_826 : i32 to index
          %get3A_830 = tpu.vector_load %arg8[%get3A_828, %get3A_829] {strides = array<i32>} : memref<16x1024xf32, #tpu.memory_space<vmem>>, vector<1x16xf32>,
          %get3A_831 = vector.shape_cast %get3A_830 : vector<1x16xf32> to vector<16xf32>
          %mul3A_832 = arith.constant 16 : i32
          %mul3A_833 = arith.muli %scan3A_268, %mul3A_832 : i32
          %get3A_834 = arith.constant 15 : i32
          %get3A_835 = arith.index_cast %get3A_834 : i32 to index
          %get3A_836 = arith.index_cast %mul3A_833 : i32 to index
          %get3A_837 = tpu.vector_load %arg9[%get3A_835, %get3A_836] {strides = array<i32>} : memref<16x1024xi32, #tpu.memory_space<vmem>>, vector<1x16xi32>,
          %get3A_838 = vector.shape_cast %get3A_837 : vector<1x16xi32> to vector<16xi32>
          %bitcast_convert_type3A_839 = tpu.bitcast %get3A_831 : vector<16xf32> -> vector<16xi32>
          %shift_left3A_840 = arith.constant 31 : i32
          %shift_left3A_841 = vector.broadcast %shift_left3A_840 : i32 to vector<16xi32>
          %shift_left3A_842 = arith.shli %get3A_838, %shift_left3A_841 : vector<16xi32>
          %xor3A_843 = arith.xori %bitcast_convert_type3A_839, %shift_left3A_842 : vector<16xi32>
          %bitcast_convert_type3A_844 = tpu.bitcast %xor3A_843 : vector<16xi32> -> vector<16xf32>
          %max3A_845 = arith.constant 0.000000e+00 : f32
          %max3A_846 = vector.broadcast %max3A_845 : f32 to vector<16xf32>
          %max3A_847 = arith.maximumf %bitcast_convert_type3A_844, %max3A_846 : vector<16xf32>
          %or3A_848 = arith.constant -2147483648 : i32
          %or3A_849 = vector.broadcast %or3A_848 : i32 to vector<16xi32>
          %or3A_850 = arith.ori %bitcast_convert_type3A_839, %or3A_849 : vector<16xi32>
          %bitcast_convert_type3A_851 = tpu.bitcast %or3A_850 : vector<16xi32> -> vector<16xf32>
          %exp3A_852 = math.exp %bitcast_convert_type3A_851 : vector<16xf32>
          %mul3A_853 = arith.constant -0.251813084 : f32
          %mul3A_854 = vector.broadcast %mul3A_853 : f32 to vector<16xf32>
          %mul3A_855 = arith.mulf %exp3A_852, %mul3A_854 : vector<16xf32>
          %add3A_856 = arith.constant 0.940572202 : f32
          %add3A_857 = vector.broadcast %add3A_856 : f32 to vector<16xf32>
          %add3A_858 = arith.addf %add3A_857, %mul3A_855 : vector<16xf32>
          %mul3A_859 = arith.mulf %exp3A_852, %add3A_858 : vector<16xf32>
          %add3A_860 = arith.addf %max3A_847, %mul3A_859 : vector<16xf32>
          %add3A_861 = arith.addf %add3A_713, %add3A_860 : vector<16xf32>
          %add3A_862 = arith.addf %add3A_750, %add3A_787 : vector<16xf32>
          %add3A_863 = arith.addf %add3A_824, %add3A_861 : vector<16xf32>
          %add3A_864 = arith.addf %add3A_862, %add3A_863 : vector<16xf32>
          %mul3A_865 = arith.mulf %add3A_864, %get3A_274 : vector<16xf32>
          %add3A_866 = arith.addf %scan3A_269, %mul3A_865 : vector<16xf32>
          scf.yield %add3A_866 : vector<16xf32>
        }
        %scan3A_255 = arith.constant 64 : i32
        %get3A_256 = arith.constant 0 : i32
        %get3A_257 = arith.index_cast %get3A_256 : i32 to index
        %get3A_258 = arith.constant 0 : index
        %get3A_259 = tpu.vector_load %arg15[%get3A_257, %get3A_258] {strides = array<i32>} : memref<1x16xf32, #tpu.memory_space<vmem>>, vector<1x16xf32>,
        %get3A_260 = vector.shape_cast %get3A_259 : vector<1x16xf32> to vector<16xf32>
        %add3A_261 = arith.addf %get3A_260, %scan3A_254 : vector<16xf32>
        %swap3A_262 = arith.constant 0 : i32
        %swap3A_263 = arith.index_cast %swap3A_262 : i32 to index
        %swap3A_264 = arith.constant 0 : index
        %swap3A_265 = tpu.vector_load %arg15[%swap3A_263, %swap3A_264] {strides = array<i32>} : memref<1x16xf32, #tpu.memory_space<vmem>>, vector<1x16xf32>,
        %swap3A_266 = vector.shape_cast %swap3A_265 : vector<1x16xf32> to vector<16xf32>
        %swap3A_267 = vector.shape_cast %add3A_261 : vector<16xf32> to vector<1x16xf32>
        tpu.vector_store %arg15[%swap3A_263, %swap3A_264], %swap3A_267 {strides = array<i32>} : memref<1x16xf32, #tpu.memory_space<vmem>>, vector<1x16xf32>,
      } else {
      }
      %add3A_203 = arith.constant 1 : i32
      %add3A_204 = arith.addi %mul3A_198, %add3A_203 : i32
      %lt3A_205 = arith.cmpi slt, %add3A_204, %select_n3A_139 : i32
      %convert_element_type3A_206 = arith.extui %lt3A_205 : i1 to i32
      %cond3A_207 = arith.constant 0 : i32
      %cond3A_208 = arith.cmpi ne, %convert_element_type3A_206, %cond3A_207 : i32
      scf.if %cond3A_208 {
        %add3A_216 = arith.constant 1 : i32
        %add3A_217 = arith.addi %mul3A_198, %add3A_216 : i32
        %add3A_218 = arith.constant 2 : i32
        %add3A_219 = arith.addi %add3A_217, %add3A_218 : i32
        %lt3A_220 = arith.cmpi slt, %add3A_219, %select_n3A_139 : i32
        %convert_element_type3A_221 = arith.extui %lt3A_220 : i1 to i32
        %cond3A_222 = arith.constant 0 : i32
        %cond3A_223 = arith.cmpi ne, %convert_element_type3A_221, %cond3A_222 : i32
        scf.if %cond3A_223 {
          %add3A_270 = arith.constant 2 : i32
          %add3A_271 = arith.addi %add3A_217, %add3A_270 : i32
          %dma_start3A = arith.constant 0 : i32
          %dma_start3A_272 = tpu.memref_slice %arg14[%add3A_271, %dma_start3A] : memref<34x16xi32, #tpu.memory_space<vmem>> -> memref<1x16xi32, #tpu.memory_space<vmem>>
          %dma_start3A_273 = tpu.memref_squeeze %dma_start3A_272 : memref<1x16xi32, #tpu.memory_space<vmem>> -> memref<16xi32, #tpu.memory_space<vmem>>
          %dma_start3A_274 = arith.constant 0 : i32
          %dma_start3A_275 = arith.constant 0 : i32
          %dma_start3A_276 = tpu.memref_slice %arg3[%dma_start3A_274, %dma_start3A_275] : memref<16384x1024xf32, #tpu.memory_space<hbm>> -> memref<16384x1024xf32, #tpu.memory_space<hbm>>
          tpu.enqueue_indirect_dma source(%dma_start3A_276 : memref<16384x1024xf32, #tpu.memory_space<hbm>>) target(%arg8 : memref<16x1024xf32, #tpu.memory_space<vmem>>) offsets(%dma_start3A_273 : memref<16xi32, #tpu.memory_space<vmem>>) semaphore(%arg18 : memref<!tpu.dma_semaphore, #tpu.memory_space<semaphore_mem>>)
          %dma_start3A_277 = arith.constant 0 : i32
          %dma_start3A_278 = tpu.memref_slice %arg14[%add3A_271, %dma_start3A_277] : memref<34x16xi32, #tpu.memory_space<vmem>> -> memref<1x16xi32, #tpu.memory_space<vmem>>
          %dma_start3A_279 = tpu.memref_squeeze %dma_start3A_278 : memref<1x16xi32, #tpu.memory_space<vmem>> -> memref<16xi32, #tpu.memory_space<vmem>>
          %dma_start3A_280 = arith.constant 0 : i32
          %dma_start3A_281 = arith.constant 0 : i32
          %dma_start3A_282 = tpu.memref_slice %arg4[%dma_start3A_280, %dma_start3A_281] : memref<16384x1024xi32, #tpu.memory_space<hbm>> -> memref<16384x1024xi32, #tpu.memory_space<hbm>>
          tpu.enqueue_indirect_dma source(%dma_start3A_282 : memref<16384x1024xi32, #tpu.memory_space<hbm>>) target(%arg9 : memref<16x1024xi32, #tpu.memory_space<vmem>>) offsets(%dma_start3A_279 : memref<16xi32, #tpu.memory_space<vmem>>) semaphore(%arg18 : memref<!tpu.dma_semaphore, #tpu.memory_space<semaphore_mem>>)
        } else {
        }
        %dma_wait3A = arith.constant 0 : i32
        %dma_wait3A_224 = arith.constant 0 : i32
        %dma_wait3A_225 = tpu.memref_slice %arg3[%dma_wait3A, %dma_wait3A_224] : memref<16384x1024xf32, #tpu.memory_space<hbm>> -> memref<16x1024xf32, #tpu.memory_space<hbm>>
        %dma_wait3A_226 = arith.constant 0 : i32
        %dma_wait3A_227 = arith.constant 0 : i32
        %dma_wait3A_228 = tpu.memref_slice %arg3[%dma_wait3A_226, %dma_wait3A_227] : memref<16384x1024xf32, #tpu.memory_space<hbm>> -> memref<16x1024xf32, #tpu.memory_space<hbm>>
        tpu.wait_dma2 semaphore(%arg19 : memref<!tpu.dma_semaphore, #tpu.memory_space<semaphore_mem>>) src(%dma_wait3A_228 : memref<16x1024xf32, #tpu.memory_space<hbm>>) dst(%arg10 : memref<16x1024xf32, #tpu.memory_space<vmem>>)
        %dma_wait3A_229 = arith.constant 0 : i32
        %dma_wait3A_230 = arith.constant 0 : i32
        %dma_wait3A_231 = tpu.memref_slice %arg4[%dma_wait3A_229, %dma_wait3A_230] : memref<16384x1024xi32, #tpu.memory_space<hbm>> -> memref<16x1024xi32, #tpu.memory_space<hbm>>
        %dma_wait3A_232 = arith.constant 0 : i32
        %dma_wait3A_233 = arith.constant 0 : i32
        %dma_wait3A_234 = tpu.memref_slice %arg4[%dma_wait3A_232, %dma_wait3A_233] : memref<16384x1024xi32, #tpu.memory_space<hbm>> -> memref<16x1024xi32, #tpu.memory_space<hbm>>
        tpu.wait_dma2 semaphore(%arg19 : memref<!tpu.dma_semaphore, #tpu.memory_space<semaphore_mem>>) src(%dma_wait3A_234 : memref<16x1024xi32, #tpu.memory_space<hbm>>) dst(%arg11 : memref<16x1024xi32, #tpu.memory_space<vmem>>)
        %mul3A_235 = arith.constant 16 : i32
        %mul3A_236 = arith.muli %add3A_217, %mul3A_235 : i32
        %sub3A_237 = arith.subi %scan3A_47, %mul3A_236 : i32
        %jit3A_238 = arith.constant 0 : i32
        %jit3A_239 = arith.constant 16 : i32
        %max3A = arith.maxsi %jit3A_238, %sub3A_237 : i32
        %min3A = arith.minsi %jit3A_239, %max3A : i32
        %while3A_240 = arith.constant 16 : i32
        %while3A_241 = arith.constant 0 : i32
        %while3A_242 = arith.subi %while3A_240, %min3A : i32
        %while3A_243 = arith.addi %min3A, %while3A_242 : i32
        %while3A_244 = arith.constant 1 : i32
        %while3A_245 = arith.divsi %while3A_242, %while3A_244 : i32
        %while3A_246 = arith.muli %while3A_245, %while3A_244 : i32
        %while3A_247 = arith.addi %min3A, %while3A_246 : i32
        %while3A_248 = arith.constant 1 : i32
        %while3A_249 = scf.for %while3A_270 = %min3A to %while3A_247 step %while3A_248 iter_args(%while3A_271 = %while3A_241) -> (i32)  : i32 {
          %scan3A_272 = arith.constant 0 : i32
          %scan3A_273 = arith.constant 0 : i32
          %scan3A_274 = arith.constant 64 : i32
          %scan3A_275 = arith.addi %scan3A_273, %scan3A_274 : i32
          %scan3A_276 = arith.constant 1 : i32
          %scan3A_277 = scf.for %scan3A_279 = %scan3A_273 to %scan3A_275 step %scan3A_276 iter_args(%scan3A_280 = %scan3A_272) -> (i32)  : i32 {
            %mul3A_281 = arith.constant 16 : i32
            %mul3A_282 = arith.muli %scan3A_279, %mul3A_281 : i32
            %swap3A_283 = arith.index_cast %while3A_270 : i32 to index
            %swap3A_284 = arith.index_cast %mul3A_282 : i32 to index
            %swap3A_285 = tpu.vector_load %arg10[%swap3A_283, %swap3A_284] {strides = array<i32>} : memref<16x1024xf32, #tpu.memory_space<vmem>>, vector<1x16xf32>,
            %swap3A_286 = vector.shape_cast %swap3A_285 : vector<1x16xf32> to vector<16xf32>
            %swap3A_287 = vector.shape_cast %broadcast_in_dim3A_36 : vector<16xf32> to vector<1x16xf32>
            tpu.vector_store %arg10[%swap3A_283, %swap3A_284], %swap3A_287 {strides = array<i32>} : memref<16x1024xf32, #tpu.memory_space<vmem>>, vector<1x16xf32>,
            %broadcast_in_dim3A_288 = arith.constant 0 : i32
            %broadcast_in_dim3A_289 = vector.broadcast %broadcast_in_dim3A_288 : i32 to vector<16xi32>
            %mul3A_290 = arith.constant 16 : i32
            %mul3A_291 = arith.muli %scan3A_279, %mul3A_290 : i32
            %swap3A_292 = arith.index_cast %while3A_270 : i32 to index
            %swap3A_293 = arith.index_cast %mul3A_291 : i32 to index
            %swap3A_294 = tpu.vector_load %arg11[%swap3A_292, %swap3A_293] {strides = array<i32>} : memref<16x1024xi32, #tpu.memory_space<vmem>>, vector<1x16xi32>,
            %swap3A_295 = vector.shape_cast %swap3A_294 : vector<1x16xi32> to vector<16xi32>
            %swap3A_296 = vector.shape_cast %broadcast_in_dim3A_289 : vector<16xi32> to vector<1x16xi32>
            tpu.vector_store %arg11[%swap3A_292, %swap3A_293], %swap3A_296 {strides = array<i32>} : memref<16x1024xi32, #tpu.memory_space<vmem>>, vector<1x16xi32>,
            %scan3A_297 = arith.constant 0 : i32
            scf.yield %scan3A_297 : i32
          }
          %scan3A_278 = arith.constant 64 : i32
          scf.yield %scan3A_277 : i32
        }
        %while3A_250 = arith.constant 1 : i32
        %while3A_251 = scf.for %while3A_270 = %while3A_247 to %while3A_243 step %while3A_250 iter_args(%while3A_271 = %while3A_249) -> (i32)  : i32 {
          %scan3A_272 = arith.constant 0 : i32
          %scan3A_273 = arith.constant 0 : i32
          %scan3A_274 = arith.constant 64 : i32
          %scan3A_275 = arith.addi %scan3A_273, %scan3A_274 : i32
          %scan3A_276 = arith.constant 1 : i32
          %scan3A_277 = scf.for %scan3A_279 = %scan3A_273 to %scan3A_275 step %scan3A_276 iter_args(%scan3A_280 = %scan3A_272) -> (i32)  : i32 {
            %mul3A_281 = arith.constant 16 : i32
            %mul3A_282 = arith.muli %scan3A_279, %mul3A_281 : i32
            %swap3A_283 = arith.index_cast %while3A_270 : i32 to index
            %swap3A_284 = arith.index_cast %mul3A_282 : i32 to index
            %swap3A_285 = tpu.vector_load %arg10[%swap3A_283, %swap3A_284] {strides = array<i32>} : memref<16x1024xf32, #tpu.memory_space<vmem>>, vector<1x16xf32>,
            %swap3A_286 = vector.shape_cast %swap3A_285 : vector<1x16xf32> to vector<16xf32>
            %swap3A_287 = vector.shape_cast %broadcast_in_dim3A_36 : vector<16xf32> to vector<1x16xf32>
            tpu.vector_store %arg10[%swap3A_283, %swap3A_284], %swap3A_287 {strides = array<i32>} : memref<16x1024xf32, #tpu.memory_space<vmem>>, vector<1x16xf32>,
            %broadcast_in_dim3A_288 = arith.constant 0 : i32
            %broadcast_in_dim3A_289 = vector.broadcast %broadcast_in_dim3A_288 : i32 to vector<16xi32>
            %mul3A_290 = arith.constant 16 : i32
            %mul3A_291 = arith.muli %scan3A_279, %mul3A_290 : i32
            %swap3A_292 = arith.index_cast %while3A_270 : i32 to index
            %swap3A_293 = arith.index_cast %mul3A_291 : i32 to index
            %swap3A_294 = tpu.vector_load %arg11[%swap3A_292, %swap3A_293] {strides = array<i32>} : memref<16x1024xi32, #tpu.memory_space<vmem>>, vector<1x16xi32>,
            %swap3A_295 = vector.shape_cast %swap3A_294 : vector<1x16xi32> to vector<16xi32>
            %swap3A_296 = vector.shape_cast %broadcast_in_dim3A_289 : vector<16xi32> to vector<1x16xi32>
            tpu.vector_store %arg11[%swap3A_292, %swap3A_293], %swap3A_296 {strides = array<i32>} : memref<16x1024xi32, #tpu.memory_space<vmem>>, vector<1x16xi32>,
            %scan3A_297 = arith.constant 0 : i32
            scf.yield %scan3A_297 : i32
          }
          %scan3A_278 = arith.constant 64 : i32
          scf.yield %scan3A_277 : i32
        }
        %scan3A_252 = arith.constant 0 : i32
        %scan3A_253 = arith.constant 64 : i32
        %scan3A_254 = arith.addi %scan3A_252, %scan3A_253 : i32
        %scan3A_255 = arith.constant 1 : i32
        %scan3A_256 = scf.for %scan3A_270 = %scan3A_252 to %scan3A_254 step %scan3A_255 iter_args(%scan3A_271 = %broadcast_in_dim3A_36) -> (vector<16xf32>)  : i32 {
          %mul3A_272 = arith.constant 16 : i32
          %mul3A_273 = arith.muli %scan3A_270, %mul3A_272 : i32
          %get3A_274 = arith.index_cast %mul3A_273 : i32 to index
          %get3A_275 = tpu.vector_load %arg7[%get3A_274] {strides = array<i32>} : memref<1024xf32, #tpu.memory_space<vmem>>, vector<16xf32>,
          %get3A_276 = vector.shape_cast %get3A_275 : vector<16xf32> to vector<16xf32>
          %mul3A_277 = arith.constant 16 : i32
          %mul3A_278 = arith.muli %scan3A_270, %mul3A_277 : i32
          %get3A_279 = arith.constant 0 : i32
          %get3A_280 = arith.index_cast %get3A_279 : i32 to index
          %get3A_281 = arith.index_cast %mul3A_278 : i32 to index
          %get3A_282 = tpu.vector_load %arg10[%get3A_280, %get3A_281] {strides = array<i32>} : memref<16x1024xf32, #tpu.memory_space<vmem>>, vector<1x16xf32>,
          %get3A_283 = vector.shape_cast %get3A_282 : vector<1x16xf32> to vector<16xf32>
          %mul3A_284 = arith.constant 16 : i32
          %mul3A_285 = arith.muli %scan3A_270, %mul3A_284 : i32
          %get3A_286 = arith.constant 0 : i32
          %get3A_287 = arith.index_cast %get3A_286 : i32 to index
          %get3A_288 = arith.index_cast %mul3A_285 : i32 to index
          %get3A_289 = tpu.vector_load %arg11[%get3A_287, %get3A_288] {strides = array<i32>} : memref<16x1024xi32, #tpu.memory_space<vmem>>, vector<1x16xi32>,
          %get3A_290 = vector.shape_cast %get3A_289 : vector<1x16xi32> to vector<16xi32>
          %bitcast_convert_type3A = tpu.bitcast %get3A_283 : vector<16xf32> -> vector<16xi32>
          %shift_left3A = arith.constant 31 : i32
          %shift_left3A_291 = vector.broadcast %shift_left3A : i32 to vector<16xi32>
          %shift_left3A_292 = arith.shli %get3A_290, %shift_left3A_291 : vector<16xi32>
          %xor3A = arith.xori %bitcast_convert_type3A, %shift_left3A_292 : vector<16xi32>
          %bitcast_convert_type3A_293 = tpu.bitcast %xor3A : vector<16xi32> -> vector<16xf32>
          %max3A_294 = arith.constant 0.000000e+00 : f32
          %max3A_295 = vector.broadcast %max3A_294 : f32 to vector<16xf32>
          %max3A_296 = arith.maximumf %bitcast_convert_type3A_293, %max3A_295 : vector<16xf32>
          %or3A = arith.constant -2147483648 : i32
          %or3A_297 = vector.broadcast %or3A : i32 to vector<16xi32>
          %or3A_298 = arith.ori %bitcast_convert_type3A, %or3A_297 : vector<16xi32>
          %bitcast_convert_type3A_299 = tpu.bitcast %or3A_298 : vector<16xi32> -> vector<16xf32>
          %exp3A = math.exp %bitcast_convert_type3A_299 : vector<16xf32>
          %mul3A_300 = arith.constant -0.251813084 : f32
          %mul3A_301 = vector.broadcast %mul3A_300 : f32 to vector<16xf32>
          %mul3A_302 = arith.mulf %exp3A, %mul3A_301 : vector<16xf32>
          %add3A_303 = arith.constant 0.940572202 : f32
          %add3A_304 = vector.broadcast %add3A_303 : f32 to vector<16xf32>
          %add3A_305 = arith.addf %add3A_304, %mul3A_302 : vector<16xf32>
          %mul3A_306 = arith.mulf %exp3A, %add3A_305 : vector<16xf32>
          %add3A_307 = arith.addf %max3A_296, %mul3A_306 : vector<16xf32>
          %add3A_308 = arith.addf %broadcast_in_dim3A_36, %add3A_307 : vector<16xf32>
          %mul3A_309 = arith.constant 16 : i32
          %mul3A_310 = arith.muli %scan3A_270, %mul3A_309 : i32
          %get3A_311 = arith.constant 1 : i32
          %get3A_312 = arith.index_cast %get3A_311 : i32 to index
          %get3A_313 = arith.index_cast %mul3A_310 : i32 to index
          %get3A_314 = tpu.vector_load %arg10[%get3A_312, %get3A_313] {strides = array<i32>} : memref<16x1024xf32, #tpu.memory_space<vmem>>, vector<1x16xf32>,
          %get3A_315 = vector.shape_cast %get3A_314 : vector<1x16xf32> to vector<16xf32>
          %mul3A_316 = arith.constant 16 : i32
          %mul3A_317 = arith.muli %scan3A_270, %mul3A_316 : i32
          %get3A_318 = arith.constant 1 : i32
          %get3A_319 = arith.index_cast %get3A_318 : i32 to index
          %get3A_320 = arith.index_cast %mul3A_317 : i32 to index
          %get3A_321 = tpu.vector_load %arg11[%get3A_319, %get3A_320] {strides = array<i32>} : memref<16x1024xi32, #tpu.memory_space<vmem>>, vector<1x16xi32>,
          %get3A_322 = vector.shape_cast %get3A_321 : vector<1x16xi32> to vector<16xi32>
          %bitcast_convert_type3A_323 = tpu.bitcast %get3A_315 : vector<16xf32> -> vector<16xi32>
          %shift_left3A_324 = arith.constant 31 : i32
          %shift_left3A_325 = vector.broadcast %shift_left3A_324 : i32 to vector<16xi32>
          %shift_left3A_326 = arith.shli %get3A_322, %shift_left3A_325 : vector<16xi32>
          %xor3A_327 = arith.xori %bitcast_convert_type3A_323, %shift_left3A_326 : vector<16xi32>
          %bitcast_convert_type3A_328 = tpu.bitcast %xor3A_327 : vector<16xi32> -> vector<16xf32>
          %max3A_329 = arith.constant 0.000000e+00 : f32
          %max3A_330 = vector.broadcast %max3A_329 : f32 to vector<16xf32>
          %max3A_331 = arith.maximumf %bitcast_convert_type3A_328, %max3A_330 : vector<16xf32>
          %or3A_332 = arith.constant -2147483648 : i32
          %or3A_333 = vector.broadcast %or3A_332 : i32 to vector<16xi32>
          %or3A_334 = arith.ori %bitcast_convert_type3A_323, %or3A_333 : vector<16xi32>
          %bitcast_convert_type3A_335 = tpu.bitcast %or3A_334 : vector<16xi32> -> vector<16xf32>
          %exp3A_336 = math.exp %bitcast_convert_type3A_335 : vector<16xf32>
          %mul3A_337 = arith.constant -0.251813084 : f32
          %mul3A_338 = vector.broadcast %mul3A_337 : f32 to vector<16xf32>
          %mul3A_339 = arith.mulf %exp3A_336, %mul3A_338 : vector<16xf32>
          %add3A_340 = arith.constant 0.940572202 : f32
          %add3A_341 = vector.broadcast %add3A_340 : f32 to vector<16xf32>
          %add3A_342 = arith.addf %add3A_341, %mul3A_339 : vector<16xf32>
          %mul3A_343 = arith.mulf %exp3A_336, %add3A_342 : vector<16xf32>
          %add3A_344 = arith.addf %max3A_331, %mul3A_343 : vector<16xf32>
          %add3A_345 = arith.addf %broadcast_in_dim3A_36, %add3A_344 : vector<16xf32>
          %mul3A_346 = arith.constant 16 : i32
          %mul3A_347 = arith.muli %scan3A_270, %mul3A_346 : i32
          %get3A_348 = arith.constant 2 : i32
          %get3A_349 = arith.index_cast %get3A_348 : i32 to index
          %get3A_350 = arith.index_cast %mul3A_347 : i32 to index
          %get3A_351 = tpu.vector_load %arg10[%get3A_349, %get3A_350] {strides = array<i32>} : memref<16x1024xf32, #tpu.memory_space<vmem>>, vector<1x16xf32>,
          %get3A_352 = vector.shape_cast %get3A_351 : vector<1x16xf32> to vector<16xf32>
          %mul3A_353 = arith.constant 16 : i32
          %mul3A_354 = arith.muli %scan3A_270, %mul3A_353 : i32
          %get3A_355 = arith.constant 2 : i32
          %get3A_356 = arith.index_cast %get3A_355 : i32 to index
          %get3A_357 = arith.index_cast %mul3A_354 : i32 to index
          %get3A_358 = tpu.vector_load %arg11[%get3A_356, %get3A_357] {strides = array<i32>} : memref<16x1024xi32, #tpu.memory_space<vmem>>, vector<1x16xi32>,
          %get3A_359 = vector.shape_cast %get3A_358 : vector<1x16xi32> to vector<16xi32>
          %bitcast_convert_type3A_360 = tpu.bitcast %get3A_352 : vector<16xf32> -> vector<16xi32>
          %shift_left3A_361 = arith.constant 31 : i32
          %shift_left3A_362 = vector.broadcast %shift_left3A_361 : i32 to vector<16xi32>
          %shift_left3A_363 = arith.shli %get3A_359, %shift_left3A_362 : vector<16xi32>
          %xor3A_364 = arith.xori %bitcast_convert_type3A_360, %shift_left3A_363 : vector<16xi32>
          %bitcast_convert_type3A_365 = tpu.bitcast %xor3A_364 : vector<16xi32> -> vector<16xf32>
          %max3A_366 = arith.constant 0.000000e+00 : f32
          %max3A_367 = vector.broadcast %max3A_366 : f32 to vector<16xf32>
          %max3A_368 = arith.maximumf %bitcast_convert_type3A_365, %max3A_367 : vector<16xf32>
          %or3A_369 = arith.constant -2147483648 : i32
          %or3A_370 = vector.broadcast %or3A_369 : i32 to vector<16xi32>
          %or3A_371 = arith.ori %bitcast_convert_type3A_360, %or3A_370 : vector<16xi32>
          %bitcast_convert_type3A_372 = tpu.bitcast %or3A_371 : vector<16xi32> -> vector<16xf32>
          %exp3A_373 = math.exp %bitcast_convert_type3A_372 : vector<16xf32>
          %mul3A_374 = arith.constant -0.251813084 : f32
          %mul3A_375 = vector.broadcast %mul3A_374 : f32 to vector<16xf32>
          %mul3A_376 = arith.mulf %exp3A_373, %mul3A_375 : vector<16xf32>
          %add3A_377 = arith.constant 0.940572202 : f32
          %add3A_378 = vector.broadcast %add3A_377 : f32 to vector<16xf32>
          %add3A_379 = arith.addf %add3A_378, %mul3A_376 : vector<16xf32>
          %mul3A_380 = arith.mulf %exp3A_373, %add3A_379 : vector<16xf32>
          %add3A_381 = arith.addf %max3A_368, %mul3A_380 : vector<16xf32>
          %add3A_382 = arith.addf %broadcast_in_dim3A_36, %add3A_381 : vector<16xf32>
          %mul3A_383 = arith.constant 16 : i32
          %mul3A_384 = arith.muli %scan3A_270, %mul3A_383 : i32
          %get3A_385 = arith.constant 3 : i32
          %get3A_386 = arith.index_cast %get3A_385 : i32 to index
          %get3A_387 = arith.index_cast %mul3A_384 : i32 to index
          %get3A_388 = tpu.vector_load %arg10[%get3A_386, %get3A_387] {strides = array<i32>} : memref<16x1024xf32, #tpu.memory_space<vmem>>, vector<1x16xf32>,
          %get3A_389 = vector.shape_cast %get3A_388 : vector<1x16xf32> to vector<16xf32>
          %mul3A_390 = arith.constant 16 : i32
          %mul3A_391 = arith.muli %scan3A_270, %mul3A_390 : i32
          %get3A_392 = arith.constant 3 : i32
          %get3A_393 = arith.index_cast %get3A_392 : i32 to index
          %get3A_394 = arith.index_cast %mul3A_391 : i32 to index
          %get3A_395 = tpu.vector_load %arg11[%get3A_393, %get3A_394] {strides = array<i32>} : memref<16x1024xi32, #tpu.memory_space<vmem>>, vector<1x16xi32>,
          %get3A_396 = vector.shape_cast %get3A_395 : vector<1x16xi32> to vector<16xi32>
          %bitcast_convert_type3A_397 = tpu.bitcast %get3A_389 : vector<16xf32> -> vector<16xi32>
          %shift_left3A_398 = arith.constant 31 : i32
          %shift_left3A_399 = vector.broadcast %shift_left3A_398 : i32 to vector<16xi32>
          %shift_left3A_400 = arith.shli %get3A_396, %shift_left3A_399 : vector<16xi32>
          %xor3A_401 = arith.xori %bitcast_convert_type3A_397, %shift_left3A_400 : vector<16xi32>
          %bitcast_convert_type3A_402 = tpu.bitcast %xor3A_401 : vector<16xi32> -> vector<16xf32>
          %max3A_403 = arith.constant 0.000000e+00 : f32
          %max3A_404 = vector.broadcast %max3A_403 : f32 to vector<16xf32>
          %max3A_405 = arith.maximumf %bitcast_convert_type3A_402, %max3A_404 : vector<16xf32>
          %or3A_406 = arith.constant -2147483648 : i32
          %or3A_407 = vector.broadcast %or3A_406 : i32 to vector<16xi32>
          %or3A_408 = arith.ori %bitcast_convert_type3A_397, %or3A_407 : vector<16xi32>
          %bitcast_convert_type3A_409 = tpu.bitcast %or3A_408 : vector<16xi32> -> vector<16xf32>
          %exp3A_410 = math.exp %bitcast_convert_type3A_409 : vector<16xf32>
          %mul3A_411 = arith.constant -0.251813084 : f32
          %mul3A_412 = vector.broadcast %mul3A_411 : f32 to vector<16xf32>
          %mul3A_413 = arith.mulf %exp3A_410, %mul3A_412 : vector<16xf32>
          %add3A_414 = arith.constant 0.940572202 : f32
          %add3A_415 = vector.broadcast %add3A_414 : f32 to vector<16xf32>
          %add3A_416 = arith.addf %add3A_415, %mul3A_413 : vector<16xf32>
          %mul3A_417 = arith.mulf %exp3A_410, %add3A_416 : vector<16xf32>
          %add3A_418 = arith.addf %max3A_405, %mul3A_417 : vector<16xf32>
          %add3A_419 = arith.addf %broadcast_in_dim3A_36, %add3A_418 : vector<16xf32>
          %mul3A_420 = arith.constant 16 : i32
          %mul3A_421 = arith.muli %scan3A_270, %mul3A_420 : i32
          %get3A_422 = arith.constant 4 : i32
          %get3A_423 = arith.index_cast %get3A_422 : i32 to index
          %get3A_424 = arith.index_cast %mul3A_421 : i32 to index
          %get3A_425 = tpu.vector_load %arg10[%get3A_423, %get3A_424] {strides = array<i32>} : memref<16x1024xf32, #tpu.memory_space<vmem>>, vector<1x16xf32>,
          %get3A_426 = vector.shape_cast %get3A_425 : vector<1x16xf32> to vector<16xf32>
          %mul3A_427 = arith.constant 16 : i32
          %mul3A_428 = arith.muli %scan3A_270, %mul3A_427 : i32
          %get3A_429 = arith.constant 4 : i32
          %get3A_430 = arith.index_cast %get3A_429 : i32 to index
          %get3A_431 = arith.index_cast %mul3A_428 : i32 to index
          %get3A_432 = tpu.vector_load %arg11[%get3A_430, %get3A_431] {strides = array<i32>} : memref<16x1024xi32, #tpu.memory_space<vmem>>, vector<1x16xi32>,
          %get3A_433 = vector.shape_cast %get3A_432 : vector<1x16xi32> to vector<16xi32>
          %bitcast_convert_type3A_434 = tpu.bitcast %get3A_426 : vector<16xf32> -> vector<16xi32>
          %shift_left3A_435 = arith.constant 31 : i32
          %shift_left3A_436 = vector.broadcast %shift_left3A_435 : i32 to vector<16xi32>
          %shift_left3A_437 = arith.shli %get3A_433, %shift_left3A_436 : vector<16xi32>
          %xor3A_438 = arith.xori %bitcast_convert_type3A_434, %shift_left3A_437 : vector<16xi32>
          %bitcast_convert_type3A_439 = tpu.bitcast %xor3A_438 : vector<16xi32> -> vector<16xf32>
          %max3A_440 = arith.constant 0.000000e+00 : f32
          %max3A_441 = vector.broadcast %max3A_440 : f32 to vector<16xf32>
          %max3A_442 = arith.maximumf %bitcast_convert_type3A_439, %max3A_441 : vector<16xf32>
          %or3A_443 = arith.constant -2147483648 : i32
          %or3A_444 = vector.broadcast %or3A_443 : i32 to vector<16xi32>
          %or3A_445 = arith.ori %bitcast_convert_type3A_434, %or3A_444 : vector<16xi32>
          %bitcast_convert_type3A_446 = tpu.bitcast %or3A_445 : vector<16xi32> -> vector<16xf32>
          %exp3A_447 = math.exp %bitcast_convert_type3A_446 : vector<16xf32>
          %mul3A_448 = arith.constant -0.251813084 : f32
          %mul3A_449 = vector.broadcast %mul3A_448 : f32 to vector<16xf32>
          %mul3A_450 = arith.mulf %exp3A_447, %mul3A_449 : vector<16xf32>
          %add3A_451 = arith.constant 0.940572202 : f32
          %add3A_452 = vector.broadcast %add3A_451 : f32 to vector<16xf32>
          %add3A_453 = arith.addf %add3A_452, %mul3A_450 : vector<16xf32>
          %mul3A_454 = arith.mulf %exp3A_447, %add3A_453 : vector<16xf32>
          %add3A_455 = arith.addf %max3A_442, %mul3A_454 : vector<16xf32>
          %add3A_456 = arith.addf %add3A_308, %add3A_455 : vector<16xf32>
          %mul3A_457 = arith.constant 16 : i32
          %mul3A_458 = arith.muli %scan3A_270, %mul3A_457 : i32
          %get3A_459 = arith.constant 5 : i32
          %get3A_460 = arith.index_cast %get3A_459 : i32 to index
          %get3A_461 = arith.index_cast %mul3A_458 : i32 to index
          %get3A_462 = tpu.vector_load %arg10[%get3A_460, %get3A_461] {strides = array<i32>} : memref<16x1024xf32, #tpu.memory_space<vmem>>, vector<1x16xf32>,
          %get3A_463 = vector.shape_cast %get3A_462 : vector<1x16xf32> to vector<16xf32>
          %mul3A_464 = arith.constant 16 : i32
          %mul3A_465 = arith.muli %scan3A_270, %mul3A_464 : i32
          %get3A_466 = arith.constant 5 : i32
          %get3A_467 = arith.index_cast %get3A_466 : i32 to index
          %get3A_468 = arith.index_cast %mul3A_465 : i32 to index
          %get3A_469 = tpu.vector_load %arg11[%get3A_467, %get3A_468] {strides = array<i32>} : memref<16x1024xi32, #tpu.memory_space<vmem>>, vector<1x16xi32>,
          %get3A_470 = vector.shape_cast %get3A_469 : vector<1x16xi32> to vector<16xi32>
          %bitcast_convert_type3A_471 = tpu.bitcast %get3A_463 : vector<16xf32> -> vector<16xi32>
          %shift_left3A_472 = arith.constant 31 : i32
          %shift_left3A_473 = vector.broadcast %shift_left3A_472 : i32 to vector<16xi32>
          %shift_left3A_474 = arith.shli %get3A_470, %shift_left3A_473 : vector<16xi32>
          %xor3A_475 = arith.xori %bitcast_convert_type3A_471, %shift_left3A_474 : vector<16xi32>
          %bitcast_convert_type3A_476 = tpu.bitcast %xor3A_475 : vector<16xi32> -> vector<16xf32>
          %max3A_477 = arith.constant 0.000000e+00 : f32
          %max3A_478 = vector.broadcast %max3A_477 : f32 to vector<16xf32>
          %max3A_479 = arith.maximumf %bitcast_convert_type3A_476, %max3A_478 : vector<16xf32>
          %or3A_480 = arith.constant -2147483648 : i32
          %or3A_481 = vector.broadcast %or3A_480 : i32 to vector<16xi32>
          %or3A_482 = arith.ori %bitcast_convert_type3A_471, %or3A_481 : vector<16xi32>
          %bitcast_convert_type3A_483 = tpu.bitcast %or3A_482 : vector<16xi32> -> vector<16xf32>
          %exp3A_484 = math.exp %bitcast_convert_type3A_483 : vector<16xf32>
          %mul3A_485 = arith.constant -0.251813084 : f32
          %mul3A_486 = vector.broadcast %mul3A_485 : f32 to vector<16xf32>
          %mul3A_487 = arith.mulf %exp3A_484, %mul3A_486 : vector<16xf32>
          %add3A_488 = arith.constant 0.940572202 : f32
          %add3A_489 = vector.broadcast %add3A_488 : f32 to vector<16xf32>
          %add3A_490 = arith.addf %add3A_489, %mul3A_487 : vector<16xf32>
          %mul3A_491 = arith.mulf %exp3A_484, %add3A_490 : vector<16xf32>
          %add3A_492 = arith.addf %max3A_479, %mul3A_491 : vector<16xf32>
          %add3A_493 = arith.addf %add3A_345, %add3A_492 : vector<16xf32>
          %mul3A_494 = arith.constant 16 : i32
          %mul3A_495 = arith.muli %scan3A_270, %mul3A_494 : i32
          %get3A_496 = arith.constant 6 : i32
          %get3A_497 = arith.index_cast %get3A_496 : i32 to index
          %get3A_498 = arith.index_cast %mul3A_495 : i32 to index
          %get3A_499 = tpu.vector_load %arg10[%get3A_497, %get3A_498] {strides = array<i32>} : memref<16x1024xf32, #tpu.memory_space<vmem>>, vector<1x16xf32>,
          %get3A_500 = vector.shape_cast %get3A_499 : vector<1x16xf32> to vector<16xf32>
          %mul3A_501 = arith.constant 16 : i32
          %mul3A_502 = arith.muli %scan3A_270, %mul3A_501 : i32
          %get3A_503 = arith.constant 6 : i32
          %get3A_504 = arith.index_cast %get3A_503 : i32 to index
          %get3A_505 = arith.index_cast %mul3A_502 : i32 to index
          %get3A_506 = tpu.vector_load %arg11[%get3A_504, %get3A_505] {strides = array<i32>} : memref<16x1024xi32, #tpu.memory_space<vmem>>, vector<1x16xi32>,
          %get3A_507 = vector.shape_cast %get3A_506 : vector<1x16xi32> to vector<16xi32>
          %bitcast_convert_type3A_508 = tpu.bitcast %get3A_500 : vector<16xf32> -> vector<16xi32>
          %shift_left3A_509 = arith.constant 31 : i32
          %shift_left3A_510 = vector.broadcast %shift_left3A_509 : i32 to vector<16xi32>
          %shift_left3A_511 = arith.shli %get3A_507, %shift_left3A_510 : vector<16xi32>
          %xor3A_512 = arith.xori %bitcast_convert_type3A_508, %shift_left3A_511 : vector<16xi32>
          %bitcast_convert_type3A_513 = tpu.bitcast %xor3A_512 : vector<16xi32> -> vector<16xf32>
          %max3A_514 = arith.constant 0.000000e+00 : f32
          %max3A_515 = vector.broadcast %max3A_514 : f32 to vector<16xf32>
          %max3A_516 = arith.maximumf %bitcast_convert_type3A_513, %max3A_515 : vector<16xf32>
          %or3A_517 = arith.constant -2147483648 : i32
          %or3A_518 = vector.broadcast %or3A_517 : i32 to vector<16xi32>
          %or3A_519 = arith.ori %bitcast_convert_type3A_508, %or3A_518 : vector<16xi32>
          %bitcast_convert_type3A_520 = tpu.bitcast %or3A_519 : vector<16xi32> -> vector<16xf32>
          %exp3A_521 = math.exp %bitcast_convert_type3A_520 : vector<16xf32>
          %mul3A_522 = arith.constant -0.251813084 : f32
          %mul3A_523 = vector.broadcast %mul3A_522 : f32 to vector<16xf32>
          %mul3A_524 = arith.mulf %exp3A_521, %mul3A_523 : vector<16xf32>
          %add3A_525 = arith.constant 0.940572202 : f32
          %add3A_526 = vector.broadcast %add3A_525 : f32 to vector<16xf32>
          %add3A_527 = arith.addf %add3A_526, %mul3A_524 : vector<16xf32>
          %mul3A_528 = arith.mulf %exp3A_521, %add3A_527 : vector<16xf32>
          %add3A_529 = arith.addf %max3A_516, %mul3A_528 : vector<16xf32>
          %add3A_530 = arith.addf %add3A_382, %add3A_529 : vector<16xf32>
          %mul3A_531 = arith.constant 16 : i32
          %mul3A_532 = arith.muli %scan3A_270, %mul3A_531 : i32
          %get3A_533 = arith.constant 7 : i32
          %get3A_534 = arith.index_cast %get3A_533 : i32 to index
          %get3A_535 = arith.index_cast %mul3A_532 : i32 to index
          %get3A_536 = tpu.vector_load %arg10[%get3A_534, %get3A_535] {strides = array<i32>} : memref<16x1024xf32, #tpu.memory_space<vmem>>, vector<1x16xf32>,
          %get3A_537 = vector.shape_cast %get3A_536 : vector<1x16xf32> to vector<16xf32>
          %mul3A_538 = arith.constant 16 : i32
          %mul3A_539 = arith.muli %scan3A_270, %mul3A_538 : i32
          %get3A_540 = arith.constant 7 : i32
          %get3A_541 = arith.index_cast %get3A_540 : i32 to index
          %get3A_542 = arith.index_cast %mul3A_539 : i32 to index
          %get3A_543 = tpu.vector_load %arg11[%get3A_541, %get3A_542] {strides = array<i32>} : memref<16x1024xi32, #tpu.memory_space<vmem>>, vector<1x16xi32>,
          %get3A_544 = vector.shape_cast %get3A_543 : vector<1x16xi32> to vector<16xi32>
          %bitcast_convert_type3A_545 = tpu.bitcast %get3A_537 : vector<16xf32> -> vector<16xi32>
          %shift_left3A_546 = arith.constant 31 : i32
          %shift_left3A_547 = vector.broadcast %shift_left3A_546 : i32 to vector<16xi32>
          %shift_left3A_548 = arith.shli %get3A_544, %shift_left3A_547 : vector<16xi32>
          %xor3A_549 = arith.xori %bitcast_convert_type3A_545, %shift_left3A_548 : vector<16xi32>
          %bitcast_convert_type3A_550 = tpu.bitcast %xor3A_549 : vector<16xi32> -> vector<16xf32>
          %max3A_551 = arith.constant 0.000000e+00 : f32
          %max3A_552 = vector.broadcast %max3A_551 : f32 to vector<16xf32>
          %max3A_553 = arith.maximumf %bitcast_convert_type3A_550, %max3A_552 : vector<16xf32>
          %or3A_554 = arith.constant -2147483648 : i32
          %or3A_555 = vector.broadcast %or3A_554 : i32 to vector<16xi32>
          %or3A_556 = arith.ori %bitcast_convert_type3A_545, %or3A_555 : vector<16xi32>
          %bitcast_convert_type3A_557 = tpu.bitcast %or3A_556 : vector<16xi32> -> vector<16xf32>
          %exp3A_558 = math.exp %bitcast_convert_type3A_557 : vector<16xf32>
          %mul3A_559 = arith.constant -0.251813084 : f32
          %mul3A_560 = vector.broadcast %mul3A_559 : f32 to vector<16xf32>
          %mul3A_561 = arith.mulf %exp3A_558, %mul3A_560 : vector<16xf32>
          %add3A_562 = arith.constant 0.940572202 : f32
          %add3A_563 = vector.broadcast %add3A_562 : f32 to vector<16xf32>
          %add3A_564 = arith.addf %add3A_563, %mul3A_561 : vector<16xf32>
          %mul3A_565 = arith.mulf %exp3A_558, %add3A_564 : vector<16xf32>
          %add3A_566 = arith.addf %max3A_553, %mul3A_565 : vector<16xf32>
          %add3A_567 = arith.addf %add3A_419, %add3A_566 : vector<16xf32>
          %mul3A_568 = arith.constant 16 : i32
          %mul3A_569 = arith.muli %scan3A_270, %mul3A_568 : i32
          %get3A_570 = arith.constant 8 : i32
          %get3A_571 = arith.index_cast %get3A_570 : i32 to index
          %get3A_572 = arith.index_cast %mul3A_569 : i32 to index
          %get3A_573 = tpu.vector_load %arg10[%get3A_571, %get3A_572] {strides = array<i32>} : memref<16x1024xf32, #tpu.memory_space<vmem>>, vector<1x16xf32>,
          %get3A_574 = vector.shape_cast %get3A_573 : vector<1x16xf32> to vector<16xf32>
          %mul3A_575 = arith.constant 16 : i32
          %mul3A_576 = arith.muli %scan3A_270, %mul3A_575 : i32
          %get3A_577 = arith.constant 8 : i32
          %get3A_578 = arith.index_cast %get3A_577 : i32 to index
          %get3A_579 = arith.index_cast %mul3A_576 : i32 to index
          %get3A_580 = tpu.vector_load %arg11[%get3A_578, %get3A_579] {strides = array<i32>} : memref<16x1024xi32, #tpu.memory_space<vmem>>, vector<1x16xi32>,
          %get3A_581 = vector.shape_cast %get3A_580 : vector<1x16xi32> to vector<16xi32>
          %bitcast_convert_type3A_582 = tpu.bitcast %get3A_574 : vector<16xf32> -> vector<16xi32>
          %shift_left3A_583 = arith.constant 31 : i32
          %shift_left3A_584 = vector.broadcast %shift_left3A_583 : i32 to vector<16xi32>
          %shift_left3A_585 = arith.shli %get3A_581, %shift_left3A_584 : vector<16xi32>
          %xor3A_586 = arith.xori %bitcast_convert_type3A_582, %shift_left3A_585 : vector<16xi32>
          %bitcast_convert_type3A_587 = tpu.bitcast %xor3A_586 : vector<16xi32> -> vector<16xf32>
          %max3A_588 = arith.constant 0.000000e+00 : f32
          %max3A_589 = vector.broadcast %max3A_588 : f32 to vector<16xf32>
          %max3A_590 = arith.maximumf %bitcast_convert_type3A_587, %max3A_589 : vector<16xf32>
          %or3A_591 = arith.constant -2147483648 : i32
          %or3A_592 = vector.broadcast %or3A_591 : i32 to vector<16xi32>
          %or3A_593 = arith.ori %bitcast_convert_type3A_582, %or3A_592 : vector<16xi32>
          %bitcast_convert_type3A_594 = tpu.bitcast %or3A_593 : vector<16xi32> -> vector<16xf32>
          %exp3A_595 = math.exp %bitcast_convert_type3A_594 : vector<16xf32>
          %mul3A_596 = arith.constant -0.251813084 : f32
          %mul3A_597 = vector.broadcast %mul3A_596 : f32 to vector<16xf32>
          %mul3A_598 = arith.mulf %exp3A_595, %mul3A_597 : vector<16xf32>
          %add3A_599 = arith.constant 0.940572202 : f32
          %add3A_600 = vector.broadcast %add3A_599 : f32 to vector<16xf32>
          %add3A_601 = arith.addf %add3A_600, %mul3A_598 : vector<16xf32>
          %mul3A_602 = arith.mulf %exp3A_595, %add3A_601 : vector<16xf32>
          %add3A_603 = arith.addf %max3A_590, %mul3A_602 : vector<16xf32>
          %add3A_604 = arith.addf %add3A_456, %add3A_603 : vector<16xf32>
          %mul3A_605 = arith.constant 16 : i32
          %mul3A_606 = arith.muli %scan3A_270, %mul3A_605 : i32
          %get3A_607 = arith.constant 9 : i32
          %get3A_608 = arith.index_cast %get3A_607 : i32 to index
          %get3A_609 = arith.index_cast %mul3A_606 : i32 to index
          %get3A_610 = tpu.vector_load %arg10[%get3A_608, %get3A_609] {strides = array<i32>} : memref<16x1024xf32, #tpu.memory_space<vmem>>, vector<1x16xf32>,
          %get3A_611 = vector.shape_cast %get3A_610 : vector<1x16xf32> to vector<16xf32>
          %mul3A_612 = arith.constant 16 : i32
          %mul3A_613 = arith.muli %scan3A_270, %mul3A_612 : i32
          %get3A_614 = arith.constant 9 : i32
          %get3A_615 = arith.index_cast %get3A_614 : i32 to index
          %get3A_616 = arith.index_cast %mul3A_613 : i32 to index
          %get3A_617 = tpu.vector_load %arg11[%get3A_615, %get3A_616] {strides = array<i32>} : memref<16x1024xi32, #tpu.memory_space<vmem>>, vector<1x16xi32>,
          %get3A_618 = vector.shape_cast %get3A_617 : vector<1x16xi32> to vector<16xi32>
          %bitcast_convert_type3A_619 = tpu.bitcast %get3A_611 : vector<16xf32> -> vector<16xi32>
          %shift_left3A_620 = arith.constant 31 : i32
          %shift_left3A_621 = vector.broadcast %shift_left3A_620 : i32 to vector<16xi32>
          %shift_left3A_622 = arith.shli %get3A_618, %shift_left3A_621 : vector<16xi32>
          %xor3A_623 = arith.xori %bitcast_convert_type3A_619, %shift_left3A_622 : vector<16xi32>
          %bitcast_convert_type3A_624 = tpu.bitcast %xor3A_623 : vector<16xi32> -> vector<16xf32>
          %max3A_625 = arith.constant 0.000000e+00 : f32
          %max3A_626 = vector.broadcast %max3A_625 : f32 to vector<16xf32>
          %max3A_627 = arith.maximumf %bitcast_convert_type3A_624, %max3A_626 : vector<16xf32>
          %or3A_628 = arith.constant -2147483648 : i32
          %or3A_629 = vector.broadcast %or3A_628 : i32 to vector<16xi32>
          %or3A_630 = arith.ori %bitcast_convert_type3A_619, %or3A_629 : vector<16xi32>
          %bitcast_convert_type3A_631 = tpu.bitcast %or3A_630 : vector<16xi32> -> vector<16xf32>
          %exp3A_632 = math.exp %bitcast_convert_type3A_631 : vector<16xf32>
          %mul3A_633 = arith.constant -0.251813084 : f32
          %mul3A_634 = vector.broadcast %mul3A_633 : f32 to vector<16xf32>
          %mul3A_635 = arith.mulf %exp3A_632, %mul3A_634 : vector<16xf32>
          %add3A_636 = arith.constant 0.940572202 : f32
          %add3A_637 = vector.broadcast %add3A_636 : f32 to vector<16xf32>
          %add3A_638 = arith.addf %add3A_637, %mul3A_635 : vector<16xf32>
          %mul3A_639 = arith.mulf %exp3A_632, %add3A_638 : vector<16xf32>
          %add3A_640 = arith.addf %max3A_627, %mul3A_639 : vector<16xf32>
          %add3A_641 = arith.addf %add3A_493, %add3A_640 : vector<16xf32>
          %mul3A_642 = arith.constant 16 : i32
          %mul3A_643 = arith.muli %scan3A_270, %mul3A_642 : i32
          %get3A_644 = arith.constant 10 : i32
          %get3A_645 = arith.index_cast %get3A_644 : i32 to index
          %get3A_646 = arith.index_cast %mul3A_643 : i32 to index
          %get3A_647 = tpu.vector_load %arg10[%get3A_645, %get3A_646] {strides = array<i32>} : memref<16x1024xf32, #tpu.memory_space<vmem>>, vector<1x16xf32>,
          %get3A_648 = vector.shape_cast %get3A_647 : vector<1x16xf32> to vector<16xf32>
          %mul3A_649 = arith.constant 16 : i32
          %mul3A_650 = arith.muli %scan3A_270, %mul3A_649 : i32
          %get3A_651 = arith.constant 10 : i32
          %get3A_652 = arith.index_cast %get3A_651 : i32 to index
          %get3A_653 = arith.index_cast %mul3A_650 : i32 to index
          %get3A_654 = tpu.vector_load %arg11[%get3A_652, %get3A_653] {strides = array<i32>} : memref<16x1024xi32, #tpu.memory_space<vmem>>, vector<1x16xi32>,
          %get3A_655 = vector.shape_cast %get3A_654 : vector<1x16xi32> to vector<16xi32>
          %bitcast_convert_type3A_656 = tpu.bitcast %get3A_648 : vector<16xf32> -> vector<16xi32>
          %shift_left3A_657 = arith.constant 31 : i32
          %shift_left3A_658 = vector.broadcast %shift_left3A_657 : i32 to vector<16xi32>
          %shift_left3A_659 = arith.shli %get3A_655, %shift_left3A_658 : vector<16xi32>
          %xor3A_660 = arith.xori %bitcast_convert_type3A_656, %shift_left3A_659 : vector<16xi32>
          %bitcast_convert_type3A_661 = tpu.bitcast %xor3A_660 : vector<16xi32> -> vector<16xf32>
          %max3A_662 = arith.constant 0.000000e+00 : f32
          %max3A_663 = vector.broadcast %max3A_662 : f32 to vector<16xf32>
          %max3A_664 = arith.maximumf %bitcast_convert_type3A_661, %max3A_663 : vector<16xf32>
          %or3A_665 = arith.constant -2147483648 : i32
          %or3A_666 = vector.broadcast %or3A_665 : i32 to vector<16xi32>
          %or3A_667 = arith.ori %bitcast_convert_type3A_656, %or3A_666 : vector<16xi32>
          %bitcast_convert_type3A_668 = tpu.bitcast %or3A_667 : vector<16xi32> -> vector<16xf32>
          %exp3A_669 = math.exp %bitcast_convert_type3A_668 : vector<16xf32>
          %mul3A_670 = arith.constant -0.251813084 : f32
          %mul3A_671 = vector.broadcast %mul3A_670 : f32 to vector<16xf32>
          %mul3A_672 = arith.mulf %exp3A_669, %mul3A_671 : vector<16xf32>
          %add3A_673 = arith.constant 0.940572202 : f32
          %add3A_674 = vector.broadcast %add3A_673 : f32 to vector<16xf32>
          %add3A_675 = arith.addf %add3A_674, %mul3A_672 : vector<16xf32>
          %mul3A_676 = arith.mulf %exp3A_669, %add3A_675 : vector<16xf32>
          %add3A_677 = arith.addf %max3A_664, %mul3A_676 : vector<16xf32>
          %add3A_678 = arith.addf %add3A_530, %add3A_677 : vector<16xf32>
          %mul3A_679 = arith.constant 16 : i32
          %mul3A_680 = arith.muli %scan3A_270, %mul3A_679 : i32
          %get3A_681 = arith.constant 11 : i32
          %get3A_682 = arith.index_cast %get3A_681 : i32 to index
          %get3A_683 = arith.index_cast %mul3A_680 : i32 to index
          %get3A_684 = tpu.vector_load %arg10[%get3A_682, %get3A_683] {strides = array<i32>} : memref<16x1024xf32, #tpu.memory_space<vmem>>, vector<1x16xf32>,
          %get3A_685 = vector.shape_cast %get3A_684 : vector<1x16xf32> to vector<16xf32>
          %mul3A_686 = arith.constant 16 : i32
          %mul3A_687 = arith.muli %scan3A_270, %mul3A_686 : i32
          %get3A_688 = arith.constant 11 : i32
          %get3A_689 = arith.index_cast %get3A_688 : i32 to index
          %get3A_690 = arith.index_cast %mul3A_687 : i32 to index
          %get3A_691 = tpu.vector_load %arg11[%get3A_689, %get3A_690] {strides = array<i32>} : memref<16x1024xi32, #tpu.memory_space<vmem>>, vector<1x16xi32>,
          %get3A_692 = vector.shape_cast %get3A_691 : vector<1x16xi32> to vector<16xi32>
          %bitcast_convert_type3A_693 = tpu.bitcast %get3A_685 : vector<16xf32> -> vector<16xi32>
          %shift_left3A_694 = arith.constant 31 : i32
          %shift_left3A_695 = vector.broadcast %shift_left3A_694 : i32 to vector<16xi32>
          %shift_left3A_696 = arith.shli %get3A_692, %shift_left3A_695 : vector<16xi32>
          %xor3A_697 = arith.xori %bitcast_convert_type3A_693, %shift_left3A_696 : vector<16xi32>
          %bitcast_convert_type3A_698 = tpu.bitcast %xor3A_697 : vector<16xi32> -> vector<16xf32>
          %max3A_699 = arith.constant 0.000000e+00 : f32
          %max3A_700 = vector.broadcast %max3A_699 : f32 to vector<16xf32>
          %max3A_701 = arith.maximumf %bitcast_convert_type3A_698, %max3A_700 : vector<16xf32>
          %or3A_702 = arith.constant -2147483648 : i32
          %or3A_703 = vector.broadcast %or3A_702 : i32 to vector<16xi32>
          %or3A_704 = arith.ori %bitcast_convert_type3A_693, %or3A_703 : vector<16xi32>
          %bitcast_convert_type3A_705 = tpu.bitcast %or3A_704 : vector<16xi32> -> vector<16xf32>
          %exp3A_706 = math.exp %bitcast_convert_type3A_705 : vector<16xf32>
          %mul3A_707 = arith.constant -0.251813084 : f32
          %mul3A_708 = vector.broadcast %mul3A_707 : f32 to vector<16xf32>
          %mul3A_709 = arith.mulf %exp3A_706, %mul3A_708 : vector<16xf32>
          %add3A_710 = arith.constant 0.940572202 : f32
          %add3A_711 = vector.broadcast %add3A_710 : f32 to vector<16xf32>
          %add3A_712 = arith.addf %add3A_711, %mul3A_709 : vector<16xf32>
          %mul3A_713 = arith.mulf %exp3A_706, %add3A_712 : vector<16xf32>
          %add3A_714 = arith.addf %max3A_701, %mul3A_713 : vector<16xf32>
          %add3A_715 = arith.addf %add3A_567, %add3A_714 : vector<16xf32>
          %mul3A_716 = arith.constant 16 : i32
          %mul3A_717 = arith.muli %scan3A_270, %mul3A_716 : i32
          %get3A_718 = arith.constant 12 : i32
          %get3A_719 = arith.index_cast %get3A_718 : i32 to index
          %get3A_720 = arith.index_cast %mul3A_717 : i32 to index
          %get3A_721 = tpu.vector_load %arg10[%get3A_719, %get3A_720] {strides = array<i32>} : memref<16x1024xf32, #tpu.memory_space<vmem>>, vector<1x16xf32>,
          %get3A_722 = vector.shape_cast %get3A_721 : vector<1x16xf32> to vector<16xf32>
          %mul3A_723 = arith.constant 16 : i32
          %mul3A_724 = arith.muli %scan3A_270, %mul3A_723 : i32
          %get3A_725 = arith.constant 12 : i32
          %get3A_726 = arith.index_cast %get3A_725 : i32 to index
          %get3A_727 = arith.index_cast %mul3A_724 : i32 to index
          %get3A_728 = tpu.vector_load %arg11[%get3A_726, %get3A_727] {strides = array<i32>} : memref<16x1024xi32, #tpu.memory_space<vmem>>, vector<1x16xi32>,
          %get3A_729 = vector.shape_cast %get3A_728 : vector<1x16xi32> to vector<16xi32>
          %bitcast_convert_type3A_730 = tpu.bitcast %get3A_722 : vector<16xf32> -> vector<16xi32>
          %shift_left3A_731 = arith.constant 31 : i32
          %shift_left3A_732 = vector.broadcast %shift_left3A_731 : i32 to vector<16xi32>
          %shift_left3A_733 = arith.shli %get3A_729, %shift_left3A_732 : vector<16xi32>
          %xor3A_734 = arith.xori %bitcast_convert_type3A_730, %shift_left3A_733 : vector<16xi32>
          %bitcast_convert_type3A_735 = tpu.bitcast %xor3A_734 : vector<16xi32> -> vector<16xf32>
          %max3A_736 = arith.constant 0.000000e+00 : f32
          %max3A_737 = vector.broadcast %max3A_736 : f32 to vector<16xf32>
          %max3A_738 = arith.maximumf %bitcast_convert_type3A_735, %max3A_737 : vector<16xf32>
          %or3A_739 = arith.constant -2147483648 : i32
          %or3A_740 = vector.broadcast %or3A_739 : i32 to vector<16xi32>
          %or3A_741 = arith.ori %bitcast_convert_type3A_730, %or3A_740 : vector<16xi32>
          %bitcast_convert_type3A_742 = tpu.bitcast %or3A_741 : vector<16xi32> -> vector<16xf32>
          %exp3A_743 = math.exp %bitcast_convert_type3A_742 : vector<16xf32>
          %mul3A_744 = arith.constant -0.251813084 : f32
          %mul3A_745 = vector.broadcast %mul3A_744 : f32 to vector<16xf32>
          %mul3A_746 = arith.mulf %exp3A_743, %mul3A_745 : vector<16xf32>
          %add3A_747 = arith.constant 0.940572202 : f32
          %add3A_748 = vector.broadcast %add3A_747 : f32 to vector<16xf32>
          %add3A_749 = arith.addf %add3A_748, %mul3A_746 : vector<16xf32>
          %mul3A_750 = arith.mulf %exp3A_743, %add3A_749 : vector<16xf32>
          %add3A_751 = arith.addf %max3A_738, %mul3A_750 : vector<16xf32>
          %add3A_752 = arith.addf %add3A_604, %add3A_751 : vector<16xf32>
          %mul3A_753 = arith.constant 16 : i32
          %mul3A_754 = arith.muli %scan3A_270, %mul3A_753 : i32
          %get3A_755 = arith.constant 13 : i32
          %get3A_756 = arith.index_cast %get3A_755 : i32 to index
          %get3A_757 = arith.index_cast %mul3A_754 : i32 to index
          %get3A_758 = tpu.vector_load %arg10[%get3A_756, %get3A_757] {strides = array<i32>} : memref<16x1024xf32, #tpu.memory_space<vmem>>, vector<1x16xf32>,
          %get3A_759 = vector.shape_cast %get3A_758 : vector<1x16xf32> to vector<16xf32>
          %mul3A_760 = arith.constant 16 : i32
          %mul3A_761 = arith.muli %scan3A_270, %mul3A_760 : i32
          %get3A_762 = arith.constant 13 : i32
          %get3A_763 = arith.index_cast %get3A_762 : i32 to index
          %get3A_764 = arith.index_cast %mul3A_761 : i32 to index
          %get3A_765 = tpu.vector_load %arg11[%get3A_763, %get3A_764] {strides = array<i32>} : memref<16x1024xi32, #tpu.memory_space<vmem>>, vector<1x16xi32>,
          %get3A_766 = vector.shape_cast %get3A_765 : vector<1x16xi32> to vector<16xi32>
          %bitcast_convert_type3A_767 = tpu.bitcast %get3A_759 : vector<16xf32> -> vector<16xi32>
          %shift_left3A_768 = arith.constant 31 : i32
          %shift_left3A_769 = vector.broadcast %shift_left3A_768 : i32 to vector<16xi32>
          %shift_left3A_770 = arith.shli %get3A_766, %shift_left3A_769 : vector<16xi32>
          %xor3A_771 = arith.xori %bitcast_convert_type3A_767, %shift_left3A_770 : vector<16xi32>
          %bitcast_convert_type3A_772 = tpu.bitcast %xor3A_771 : vector<16xi32> -> vector<16xf32>
          %max3A_773 = arith.constant 0.000000e+00 : f32
          %max3A_774 = vector.broadcast %max3A_773 : f32 to vector<16xf32>
          %max3A_775 = arith.maximumf %bitcast_convert_type3A_772, %max3A_774 : vector<16xf32>
          %or3A_776 = arith.constant -2147483648 : i32
          %or3A_777 = vector.broadcast %or3A_776 : i32 to vector<16xi32>
          %or3A_778 = arith.ori %bitcast_convert_type3A_767, %or3A_777 : vector<16xi32>
          %bitcast_convert_type3A_779 = tpu.bitcast %or3A_778 : vector<16xi32> -> vector<16xf32>
          %exp3A_780 = math.exp %bitcast_convert_type3A_779 : vector<16xf32>
          %mul3A_781 = arith.constant -0.251813084 : f32
          %mul3A_782 = vector.broadcast %mul3A_781 : f32 to vector<16xf32>
          %mul3A_783 = arith.mulf %exp3A_780, %mul3A_782 : vector<16xf32>
          %add3A_784 = arith.constant 0.940572202 : f32
          %add3A_785 = vector.broadcast %add3A_784 : f32 to vector<16xf32>
          %add3A_786 = arith.addf %add3A_785, %mul3A_783 : vector<16xf32>
          %mul3A_787 = arith.mulf %exp3A_780, %add3A_786 : vector<16xf32>
          %add3A_788 = arith.addf %max3A_775, %mul3A_787 : vector<16xf32>
          %add3A_789 = arith.addf %add3A_641, %add3A_788 : vector<16xf32>
          %mul3A_790 = arith.constant 16 : i32
          %mul3A_791 = arith.muli %scan3A_270, %mul3A_790 : i32
          %get3A_792 = arith.constant 14 : i32
          %get3A_793 = arith.index_cast %get3A_792 : i32 to index
          %get3A_794 = arith.index_cast %mul3A_791 : i32 to index
          %get3A_795 = tpu.vector_load %arg10[%get3A_793, %get3A_794] {strides = array<i32>} : memref<16x1024xf32, #tpu.memory_space<vmem>>, vector<1x16xf32>,
          %get3A_796 = vector.shape_cast %get3A_795 : vector<1x16xf32> to vector<16xf32>
          %mul3A_797 = arith.constant 16 : i32
          %mul3A_798 = arith.muli %scan3A_270, %mul3A_797 : i32
          %get3A_799 = arith.constant 14 : i32
          %get3A_800 = arith.index_cast %get3A_799 : i32 to index
          %get3A_801 = arith.index_cast %mul3A_798 : i32 to index
          %get3A_802 = tpu.vector_load %arg11[%get3A_800, %get3A_801] {strides = array<i32>} : memref<16x1024xi32, #tpu.memory_space<vmem>>, vector<1x16xi32>,
          %get3A_803 = vector.shape_cast %get3A_802 : vector<1x16xi32> to vector<16xi32>
          %bitcast_convert_type3A_804 = tpu.bitcast %get3A_796 : vector<16xf32> -> vector<16xi32>
          %shift_left3A_805 = arith.constant 31 : i32
          %shift_left3A_806 = vector.broadcast %shift_left3A_805 : i32 to vector<16xi32>
          %shift_left3A_807 = arith.shli %get3A_803, %shift_left3A_806 : vector<16xi32>
          %xor3A_808 = arith.xori %bitcast_convert_type3A_804, %shift_left3A_807 : vector<16xi32>
          %bitcast_convert_type3A_809 = tpu.bitcast %xor3A_808 : vector<16xi32> -> vector<16xf32>
          %max3A_810 = arith.constant 0.000000e+00 : f32
          %max3A_811 = vector.broadcast %max3A_810 : f32 to vector<16xf32>
          %max3A_812 = arith.maximumf %bitcast_convert_type3A_809, %max3A_811 : vector<16xf32>
          %or3A_813 = arith.constant -2147483648 : i32
          %or3A_814 = vector.broadcast %or3A_813 : i32 to vector<16xi32>
          %or3A_815 = arith.ori %bitcast_convert_type3A_804, %or3A_814 : vector<16xi32>
          %bitcast_convert_type3A_816 = tpu.bitcast %or3A_815 : vector<16xi32> -> vector<16xf32>
          %exp3A_817 = math.exp %bitcast_convert_type3A_816 : vector<16xf32>
          %mul3A_818 = arith.constant -0.251813084 : f32
          %mul3A_819 = vector.broadcast %mul3A_818 : f32 to vector<16xf32>
          %mul3A_820 = arith.mulf %exp3A_817, %mul3A_819 : vector<16xf32>
          %add3A_821 = arith.constant 0.940572202 : f32
          %add3A_822 = vector.broadcast %add3A_821 : f32 to vector<16xf32>
          %add3A_823 = arith.addf %add3A_822, %mul3A_820 : vector<16xf32>
          %mul3A_824 = arith.mulf %exp3A_817, %add3A_823 : vector<16xf32>
          %add3A_825 = arith.addf %max3A_812, %mul3A_824 : vector<16xf32>
          %add3A_826 = arith.addf %add3A_678, %add3A_825 : vector<16xf32>
          %mul3A_827 = arith.constant 16 : i32
          %mul3A_828 = arith.muli %scan3A_270, %mul3A_827 : i32
          %get3A_829 = arith.constant 15 : i32
          %get3A_830 = arith.index_cast %get3A_829 : i32 to index
          %get3A_831 = arith.index_cast %mul3A_828 : i32 to index
          %get3A_832 = tpu.vector_load %arg10[%get3A_830, %get3A_831] {strides = array<i32>} : memref<16x1024xf32, #tpu.memory_space<vmem>>, vector<1x16xf32>,
          %get3A_833 = vector.shape_cast %get3A_832 : vector<1x16xf32> to vector<16xf32>
          %mul3A_834 = arith.constant 16 : i32
          %mul3A_835 = arith.muli %scan3A_270, %mul3A_834 : i32
          %get3A_836 = arith.constant 15 : i32
          %get3A_837 = arith.index_cast %get3A_836 : i32 to index
          %get3A_838 = arith.index_cast %mul3A_835 : i32 to index
          %get3A_839 = tpu.vector_load %arg11[%get3A_837, %get3A_838] {strides = array<i32>} : memref<16x1024xi32, #tpu.memory_space<vmem>>, vector<1x16xi32>,
          %get3A_840 = vector.shape_cast %get3A_839 : vector<1x16xi32> to vector<16xi32>
          %bitcast_convert_type3A_841 = tpu.bitcast %get3A_833 : vector<16xf32> -> vector<16xi32>
          %shift_left3A_842 = arith.constant 31 : i32
          %shift_left3A_843 = vector.broadcast %shift_left3A_842 : i32 to vector<16xi32>
          %shift_left3A_844 = arith.shli %get3A_840, %shift_left3A_843 : vector<16xi32>
          %xor3A_845 = arith.xori %bitcast_convert_type3A_841, %shift_left3A_844 : vector<16xi32>
          %bitcast_convert_type3A_846 = tpu.bitcast %xor3A_845 : vector<16xi32> -> vector<16xf32>
          %max3A_847 = arith.constant 0.000000e+00 : f32
          %max3A_848 = vector.broadcast %max3A_847 : f32 to vector<16xf32>
          %max3A_849 = arith.maximumf %bitcast_convert_type3A_846, %max3A_848 : vector<16xf32>
          %or3A_850 = arith.constant -2147483648 : i32
          %or3A_851 = vector.broadcast %or3A_850 : i32 to vector<16xi32>
          %or3A_852 = arith.ori %bitcast_convert_type3A_841, %or3A_851 : vector<16xi32>
          %bitcast_convert_type3A_853 = tpu.bitcast %or3A_852 : vector<16xi32> -> vector<16xf32>
          %exp3A_854 = math.exp %bitcast_convert_type3A_853 : vector<16xf32>
          %mul3A_855 = arith.constant -0.251813084 : f32
          %mul3A_856 = vector.broadcast %mul3A_855 : f32 to vector<16xf32>
          %mul3A_857 = arith.mulf %exp3A_854, %mul3A_856 : vector<16xf32>
          %add3A_858 = arith.constant 0.940572202 : f32
          %add3A_859 = vector.broadcast %add3A_858 : f32 to vector<16xf32>
          %add3A_860 = arith.addf %add3A_859, %mul3A_857 : vector<16xf32>
          %mul3A_861 = arith.mulf %exp3A_854, %add3A_860 : vector<16xf32>
          %add3A_862 = arith.addf %max3A_849, %mul3A_861 : vector<16xf32>
          %add3A_863 = arith.addf %add3A_715, %add3A_862 : vector<16xf32>
          %add3A_864 = arith.addf %add3A_752, %add3A_789 : vector<16xf32>
          %add3A_865 = arith.addf %add3A_826, %add3A_863 : vector<16xf32>
          %add3A_866 = arith.addf %add3A_864, %add3A_865 : vector<16xf32>
          %mul3A_867 = arith.mulf %add3A_866, %get3A_276 : vector<16xf32>
          %add3A_868 = arith.addf %scan3A_271, %mul3A_867 : vector<16xf32>
          scf.yield %add3A_868 : vector<16xf32>
        }
        %scan3A_257 = arith.constant 64 : i32
        %get3A_258 = arith.constant 0 : i32
        %get3A_259 = arith.index_cast %get3A_258 : i32 to index
        %get3A_260 = arith.constant 0 : index
        %get3A_261 = tpu.vector_load %arg15[%get3A_259, %get3A_260] {strides = array<i32>} : memref<1x16xf32, #tpu.memory_space<vmem>>, vector<1x16xf32>,
        %get3A_262 = vector.shape_cast %get3A_261 : vector<1x16xf32> to vector<16xf32>
        %add3A_263 = arith.addf %get3A_262, %scan3A_256 : vector<16xf32>
        %swap3A_264 = arith.constant 0 : i32
        %swap3A_265 = arith.index_cast %swap3A_264 : i32 to index
        %swap3A_266 = arith.constant 0 : index
        %swap3A_267 = tpu.vector_load %arg15[%swap3A_265, %swap3A_266] {strides = array<i32>} : memref<1x16xf32, #tpu.memory_space<vmem>>, vector<1x16xf32>,
        %swap3A_268 = vector.shape_cast %swap3A_267 : vector<1x16xf32> to vector<16xf32>
        %swap3A_269 = vector.shape_cast %add3A_263 : vector<16xf32> to vector<1x16xf32>
        tpu.vector_store %arg15[%swap3A_265, %swap3A_266], %swap3A_269 {strides = array<i32>} : memref<1x16xf32, #tpu.memory_space<vmem>>, vector<1x16xf32>,
      } else {
      }
      %add3A_209 = arith.constant 2 : i32
      %add3A_210 = arith.addi %mul3A_198, %add3A_209 : i32
      %lt3A_211 = arith.cmpi slt, %add3A_210, %select_n3A_139 : i32
      %convert_element_type3A_212 = arith.extui %lt3A_211 : i1 to i32
      %cond3A_213 = arith.constant 0 : i32
      %cond3A_214 = arith.cmpi ne, %convert_element_type3A_212, %cond3A_213 : i32
      scf.if %cond3A_214 {
        %add3A_216 = arith.constant 2 : i32
        %add3A_217 = arith.addi %mul3A_198, %add3A_216 : i32
        %add3A_218 = arith.constant 2 : i32
        %add3A_219 = arith.addi %add3A_217, %add3A_218 : i32
        %lt3A_220 = arith.cmpi slt, %add3A_219, %select_n3A_139 : i32
        %convert_element_type3A_221 = arith.extui %lt3A_220 : i1 to i32
        %cond3A_222 = arith.constant 0 : i32
        %cond3A_223 = arith.cmpi ne, %convert_element_type3A_221, %cond3A_222 : i32
        scf.if %cond3A_223 {
          %add3A_270 = arith.constant 2 : i32
          %add3A_271 = arith.addi %add3A_217, %add3A_270 : i32
          %dma_start3A = arith.constant 0 : i32
          %dma_start3A_272 = tpu.memref_slice %arg14[%add3A_271, %dma_start3A] : memref<34x16xi32, #tpu.memory_space<vmem>> -> memref<1x16xi32, #tpu.memory_space<vmem>>
          %dma_start3A_273 = tpu.memref_squeeze %dma_start3A_272 : memref<1x16xi32, #tpu.memory_space<vmem>> -> memref<16xi32, #tpu.memory_space<vmem>>
          %dma_start3A_274 = arith.constant 0 : i32
          %dma_start3A_275 = arith.constant 0 : i32
          %dma_start3A_276 = tpu.memref_slice %arg3[%dma_start3A_274, %dma_start3A_275] : memref<16384x1024xf32, #tpu.memory_space<hbm>> -> memref<16384x1024xf32, #tpu.memory_space<hbm>>
          tpu.enqueue_indirect_dma source(%dma_start3A_276 : memref<16384x1024xf32, #tpu.memory_space<hbm>>) target(%arg10 : memref<16x1024xf32, #tpu.memory_space<vmem>>) offsets(%dma_start3A_273 : memref<16xi32, #tpu.memory_space<vmem>>) semaphore(%arg19 : memref<!tpu.dma_semaphore, #tpu.memory_space<semaphore_mem>>)
          %dma_start3A_277 = arith.constant 0 : i32
          %dma_start3A_278 = tpu.memref_slice %arg14[%add3A_271, %dma_start3A_277] : memref<34x16xi32, #tpu.memory_space<vmem>> -> memref<1x16xi32, #tpu.memory_space<vmem>>
          %dma_start3A_279 = tpu.memref_squeeze %dma_start3A_278 : memref<1x16xi32, #tpu.memory_space<vmem>> -> memref<16xi32, #tpu.memory_space<vmem>>
          %dma_start3A_280 = arith.constant 0 : i32
          %dma_start3A_281 = arith.constant 0 : i32
          %dma_start3A_282 = tpu.memref_slice %arg4[%dma_start3A_280, %dma_start3A_281] : memref<16384x1024xi32, #tpu.memory_space<hbm>> -> memref<16384x1024xi32, #tpu.memory_space<hbm>>
          tpu.enqueue_indirect_dma source(%dma_start3A_282 : memref<16384x1024xi32, #tpu.memory_space<hbm>>) target(%arg11 : memref<16x1024xi32, #tpu.memory_space<vmem>>) offsets(%dma_start3A_279 : memref<16xi32, #tpu.memory_space<vmem>>) semaphore(%arg19 : memref<!tpu.dma_semaphore, #tpu.memory_space<semaphore_mem>>)
        } else {
        }
        %dma_wait3A = arith.constant 0 : i32
        %dma_wait3A_224 = arith.constant 0 : i32
        %dma_wait3A_225 = tpu.memref_slice %arg3[%dma_wait3A, %dma_wait3A_224] : memref<16384x1024xf32, #tpu.memory_space<hbm>> -> memref<16x1024xf32, #tpu.memory_space<hbm>>
        %dma_wait3A_226 = arith.constant 0 : i32
        %dma_wait3A_227 = arith.constant 0 : i32
        %dma_wait3A_228 = tpu.memref_slice %arg3[%dma_wait3A_226, %dma_wait3A_227] : memref<16384x1024xf32, #tpu.memory_space<hbm>> -> memref<16x1024xf32, #tpu.memory_space<hbm>>
        tpu.wait_dma2 semaphore(%arg20 : memref<!tpu.dma_semaphore, #tpu.memory_space<semaphore_mem>>) src(%dma_wait3A_228 : memref<16x1024xf32, #tpu.memory_space<hbm>>) dst(%arg12 : memref<16x1024xf32, #tpu.memory_space<vmem>>)
        %dma_wait3A_229 = arith.constant 0 : i32
        %dma_wait3A_230 = arith.constant 0 : i32
        %dma_wait3A_231 = tpu.memref_slice %arg4[%dma_wait3A_229, %dma_wait3A_230] : memref<16384x1024xi32, #tpu.memory_space<hbm>> -> memref<16x1024xi32, #tpu.memory_space<hbm>>
        %dma_wait3A_232 = arith.constant 0 : i32
        %dma_wait3A_233 = arith.constant 0 : i32
        %dma_wait3A_234 = tpu.memref_slice %arg4[%dma_wait3A_232, %dma_wait3A_233] : memref<16384x1024xi32, #tpu.memory_space<hbm>> -> memref<16x1024xi32, #tpu.memory_space<hbm>>
        tpu.wait_dma2 semaphore(%arg20 : memref<!tpu.dma_semaphore, #tpu.memory_space<semaphore_mem>>) src(%dma_wait3A_234 : memref<16x1024xi32, #tpu.memory_space<hbm>>) dst(%arg13 : memref<16x1024xi32, #tpu.memory_space<vmem>>)
        %mul3A_235 = arith.constant 16 : i32
        %mul3A_236 = arith.muli %add3A_217, %mul3A_235 : i32
        %sub3A_237 = arith.subi %scan3A_47, %mul3A_236 : i32
        %jit3A_238 = arith.constant 0 : i32
        %jit3A_239 = arith.constant 16 : i32
        %max3A = arith.maxsi %jit3A_238, %sub3A_237 : i32
        %min3A = arith.minsi %jit3A_239, %max3A : i32
        %while3A_240 = arith.constant 16 : i32
        %while3A_241 = arith.constant 0 : i32
        %while3A_242 = arith.subi %while3A_240, %min3A : i32
        %while3A_243 = arith.addi %min3A, %while3A_242 : i32
        %while3A_244 = arith.constant 1 : i32
        %while3A_245 = arith.divsi %while3A_242, %while3A_244 : i32
        %while3A_246 = arith.muli %while3A_245, %while3A_244 : i32
        %while3A_247 = arith.addi %min3A, %while3A_246 : i32
        %while3A_248 = arith.constant 1 : i32
        %while3A_249 = scf.for %while3A_270 = %min3A to %while3A_247 step %while3A_248 iter_args(%while3A_271 = %while3A_241) -> (i32)  : i32 {
          %scan3A_272 = arith.constant 0 : i32
          %scan3A_273 = arith.constant 0 : i32
          %scan3A_274 = arith.constant 64 : i32
          %scan3A_275 = arith.addi %scan3A_273, %scan3A_274 : i32
          %scan3A_276 = arith.constant 1 : i32
          %scan3A_277 = scf.for %scan3A_279 = %scan3A_273 to %scan3A_275 step %scan3A_276 iter_args(%scan3A_280 = %scan3A_272) -> (i32)  : i32 {
            %mul3A_281 = arith.constant 16 : i32
            %mul3A_282 = arith.muli %scan3A_279, %mul3A_281 : i32
            %swap3A_283 = arith.index_cast %while3A_270 : i32 to index
            %swap3A_284 = arith.index_cast %mul3A_282 : i32 to index
            %swap3A_285 = tpu.vector_load %arg12[%swap3A_283, %swap3A_284] {strides = array<i32>} : memref<16x1024xf32, #tpu.memory_space<vmem>>, vector<1x16xf32>,
            %swap3A_286 = vector.shape_cast %swap3A_285 : vector<1x16xf32> to vector<16xf32>
            %swap3A_287 = vector.shape_cast %broadcast_in_dim3A_36 : vector<16xf32> to vector<1x16xf32>
            tpu.vector_store %arg12[%swap3A_283, %swap3A_284], %swap3A_287 {strides = array<i32>} : memref<16x1024xf32, #tpu.memory_space<vmem>>, vector<1x16xf32>,
            %broadcast_in_dim3A_288 = arith.constant 0 : i32
            %broadcast_in_dim3A_289 = vector.broadcast %broadcast_in_dim3A_288 : i32 to vector<16xi32>
            %mul3A_290 = arith.constant 16 : i32
            %mul3A_291 = arith.muli %scan3A_279, %mul3A_290 : i32
            %swap3A_292 = arith.index_cast %while3A_270 : i32 to index
            %swap3A_293 = arith.index_cast %mul3A_291 : i32 to index
            %swap3A_294 = tpu.vector_load %arg13[%swap3A_292, %swap3A_293] {strides = array<i32>} : memref<16x1024xi32, #tpu.memory_space<vmem>>, vector<1x16xi32>,
            %swap3A_295 = vector.shape_cast %swap3A_294 : vector<1x16xi32> to vector<16xi32>
            %swap3A_296 = vector.shape_cast %broadcast_in_dim3A_289 : vector<16xi32> to vector<1x16xi32>
            tpu.vector_store %arg13[%swap3A_292, %swap3A_293], %swap3A_296 {strides = array<i32>} : memref<16x1024xi32, #tpu.memory_space<vmem>>, vector<1x16xi32>,
            %scan3A_297 = arith.constant 0 : i32
            scf.yield %scan3A_297 : i32
          }
          %scan3A_278 = arith.constant 64 : i32
          scf.yield %scan3A_277 : i32
        }
        %while3A_250 = arith.constant 1 : i32
        %while3A_251 = scf.for %while3A_270 = %while3A_247 to %while3A_243 step %while3A_250 iter_args(%while3A_271 = %while3A_249) -> (i32)  : i32 {
          %scan3A_272 = arith.constant 0 : i32
          %scan3A_273 = arith.constant 0 : i32
          %scan3A_274 = arith.constant 64 : i32
          %scan3A_275 = arith.addi %scan3A_273, %scan3A_274 : i32
          %scan3A_276 = arith.constant 1 : i32
          %scan3A_277 = scf.for %scan3A_279 = %scan3A_273 to %scan3A_275 step %scan3A_276 iter_args(%scan3A_280 = %scan3A_272) -> (i32)  : i32 {
            %mul3A_281 = arith.constant 16 : i32
            %mul3A_282 = arith.muli %scan3A_279, %mul3A_281 : i32
            %swap3A_283 = arith.index_cast %while3A_270 : i32 to index
            %swap3A_284 = arith.index_cast %mul3A_282 : i32 to index
            %swap3A_285 = tpu.vector_load %arg12[%swap3A_283, %swap3A_284] {strides = array<i32>} : memref<16x1024xf32, #tpu.memory_space<vmem>>, vector<1x16xf32>,
            %swap3A_286 = vector.shape_cast %swap3A_285 : vector<1x16xf32> to vector<16xf32>
            %swap3A_287 = vector.shape_cast %broadcast_in_dim3A_36 : vector<16xf32> to vector<1x16xf32>
            tpu.vector_store %arg12[%swap3A_283, %swap3A_284], %swap3A_287 {strides = array<i32>} : memref<16x1024xf32, #tpu.memory_space<vmem>>, vector<1x16xf32>,
            %broadcast_in_dim3A_288 = arith.constant 0 : i32
            %broadcast_in_dim3A_289 = vector.broadcast %broadcast_in_dim3A_288 : i32 to vector<16xi32>
            %mul3A_290 = arith.constant 16 : i32
            %mul3A_291 = arith.muli %scan3A_279, %mul3A_290 : i32
            %swap3A_292 = arith.index_cast %while3A_270 : i32 to index
            %swap3A_293 = arith.index_cast %mul3A_291 : i32 to index
            %swap3A_294 = tpu.vector_load %arg13[%swap3A_292, %swap3A_293] {strides = array<i32>} : memref<16x1024xi32, #tpu.memory_space<vmem>>, vector<1x16xi32>,
            %swap3A_295 = vector.shape_cast %swap3A_294 : vector<1x16xi32> to vector<16xi32>
            %swap3A_296 = vector.shape_cast %broadcast_in_dim3A_289 : vector<16xi32> to vector<1x16xi32>
            tpu.vector_store %arg13[%swap3A_292, %swap3A_293], %swap3A_296 {strides = array<i32>} : memref<16x1024xi32, #tpu.memory_space<vmem>>, vector<1x16xi32>,
            %scan3A_297 = arith.constant 0 : i32
            scf.yield %scan3A_297 : i32
          }
          %scan3A_278 = arith.constant 64 : i32
          scf.yield %scan3A_277 : i32
        }
        %scan3A_252 = arith.constant 0 : i32
        %scan3A_253 = arith.constant 64 : i32
        %scan3A_254 = arith.addi %scan3A_252, %scan3A_253 : i32
        %scan3A_255 = arith.constant 1 : i32
        %scan3A_256 = scf.for %scan3A_270 = %scan3A_252 to %scan3A_254 step %scan3A_255 iter_args(%scan3A_271 = %broadcast_in_dim3A_36) -> (vector<16xf32>)  : i32 {
          %mul3A_272 = arith.constant 16 : i32
          %mul3A_273 = arith.muli %scan3A_270, %mul3A_272 : i32
          %get3A_274 = arith.index_cast %mul3A_273 : i32 to index
          %get3A_275 = tpu.vector_load %arg7[%get3A_274] {strides = array<i32>} : memref<1024xf32, #tpu.memory_space<vmem>>, vector<16xf32>,
          %get3A_276 = vector.shape_cast %get3A_275 : vector<16xf32> to vector<16xf32>
          %mul3A_277 = arith.constant 16 : i32
          %mul3A_278 = arith.muli %scan3A_270, %mul3A_277 : i32
          %get3A_279 = arith.constant 0 : i32
          %get3A_280 = arith.index_cast %get3A_279 : i32 to index
          %get3A_281 = arith.index_cast %mul3A_278 : i32 to index
          %get3A_282 = tpu.vector_load %arg12[%get3A_280, %get3A_281] {strides = array<i32>} : memref<16x1024xf32, #tpu.memory_space<vmem>>, vector<1x16xf32>,
          %get3A_283 = vector.shape_cast %get3A_282 : vector<1x16xf32> to vector<16xf32>
          %mul3A_284 = arith.constant 16 : i32
          %mul3A_285 = arith.muli %scan3A_270, %mul3A_284 : i32
          %get3A_286 = arith.constant 0 : i32
          %get3A_287 = arith.index_cast %get3A_286 : i32 to index
          %get3A_288 = arith.index_cast %mul3A_285 : i32 to index
          %get3A_289 = tpu.vector_load %arg13[%get3A_287, %get3A_288] {strides = array<i32>} : memref<16x1024xi32, #tpu.memory_space<vmem>>, vector<1x16xi32>,
          %get3A_290 = vector.shape_cast %get3A_289 : vector<1x16xi32> to vector<16xi32>
          %bitcast_convert_type3A = tpu.bitcast %get3A_283 : vector<16xf32> -> vector<16xi32>
          %shift_left3A = arith.constant 31 : i32
          %shift_left3A_291 = vector.broadcast %shift_left3A : i32 to vector<16xi32>
          %shift_left3A_292 = arith.shli %get3A_290, %shift_left3A_291 : vector<16xi32>
          %xor3A = arith.xori %bitcast_convert_type3A, %shift_left3A_292 : vector<16xi32>
          %bitcast_convert_type3A_293 = tpu.bitcast %xor3A : vector<16xi32> -> vector<16xf32>
          %max3A_294 = arith.constant 0.000000e+00 : f32
          %max3A_295 = vector.broadcast %max3A_294 : f32 to vector<16xf32>
          %max3A_296 = arith.maximumf %bitcast_convert_type3A_293, %max3A_295 : vector<16xf32>
          %or3A = arith.constant -2147483648 : i32
          %or3A_297 = vector.broadcast %or3A : i32 to vector<16xi32>
          %or3A_298 = arith.ori %bitcast_convert_type3A, %or3A_297 : vector<16xi32>
          %bitcast_convert_type3A_299 = tpu.bitcast %or3A_298 : vector<16xi32> -> vector<16xf32>
          %exp3A = math.exp %bitcast_convert_type3A_299 : vector<16xf32>
          %mul3A_300 = arith.constant -0.251813084 : f32
          %mul3A_301 = vector.broadcast %mul3A_300 : f32 to vector<16xf32>
          %mul3A_302 = arith.mulf %exp3A, %mul3A_301 : vector<16xf32>
          %add3A_303 = arith.constant 0.940572202 : f32
          %add3A_304 = vector.broadcast %add3A_303 : f32 to vector<16xf32>
          %add3A_305 = arith.addf %add3A_304, %mul3A_302 : vector<16xf32>
          %mul3A_306 = arith.mulf %exp3A, %add3A_305 : vector<16xf32>
          %add3A_307 = arith.addf %max3A_296, %mul3A_306 : vector<16xf32>
          %add3A_308 = arith.addf %broadcast_in_dim3A_36, %add3A_307 : vector<16xf32>
          %mul3A_309 = arith.constant 16 : i32
          %mul3A_310 = arith.muli %scan3A_270, %mul3A_309 : i32
          %get3A_311 = arith.constant 1 : i32
          %get3A_312 = arith.index_cast %get3A_311 : i32 to index
          %get3A_313 = arith.index_cast %mul3A_310 : i32 to index
          %get3A_314 = tpu.vector_load %arg12[%get3A_312, %get3A_313] {strides = array<i32>} : memref<16x1024xf32, #tpu.memory_space<vmem>>, vector<1x16xf32>,
          %get3A_315 = vector.shape_cast %get3A_314 : vector<1x16xf32> to vector<16xf32>
          %mul3A_316 = arith.constant 16 : i32
          %mul3A_317 = arith.muli %scan3A_270, %mul3A_316 : i32
          %get3A_318 = arith.constant 1 : i32
          %get3A_319 = arith.index_cast %get3A_318 : i32 to index
          %get3A_320 = arith.index_cast %mul3A_317 : i32 to index
          %get3A_321 = tpu.vector_load %arg13[%get3A_319, %get3A_320] {strides = array<i32>} : memref<16x1024xi32, #tpu.memory_space<vmem>>, vector<1x16xi32>,
          %get3A_322 = vector.shape_cast %get3A_321 : vector<1x16xi32> to vector<16xi32>
          %bitcast_convert_type3A_323 = tpu.bitcast %get3A_315 : vector<16xf32> -> vector<16xi32>
          %shift_left3A_324 = arith.constant 31 : i32
          %shift_left3A_325 = vector.broadcast %shift_left3A_324 : i32 to vector<16xi32>
          %shift_left3A_326 = arith.shli %get3A_322, %shift_left3A_325 : vector<16xi32>
          %xor3A_327 = arith.xori %bitcast_convert_type3A_323, %shift_left3A_326 : vector<16xi32>
          %bitcast_convert_type3A_328 = tpu.bitcast %xor3A_327 : vector<16xi32> -> vector<16xf32>
          %max3A_329 = arith.constant 0.000000e+00 : f32
          %max3A_330 = vector.broadcast %max3A_329 : f32 to vector<16xf32>
          %max3A_331 = arith.maximumf %bitcast_convert_type3A_328, %max3A_330 : vector<16xf32>
          %or3A_332 = arith.constant -2147483648 : i32
          %or3A_333 = vector.broadcast %or3A_332 : i32 to vector<16xi32>
          %or3A_334 = arith.ori %bitcast_convert_type3A_323, %or3A_333 : vector<16xi32>
          %bitcast_convert_type3A_335 = tpu.bitcast %or3A_334 : vector<16xi32> -> vector<16xf32>
          %exp3A_336 = math.exp %bitcast_convert_type3A_335 : vector<16xf32>
          %mul3A_337 = arith.constant -0.251813084 : f32
          %mul3A_338 = vector.broadcast %mul3A_337 : f32 to vector<16xf32>
          %mul3A_339 = arith.mulf %exp3A_336, %mul3A_338 : vector<16xf32>
          %add3A_340 = arith.constant 0.940572202 : f32
          %add3A_341 = vector.broadcast %add3A_340 : f32 to vector<16xf32>
          %add3A_342 = arith.addf %add3A_341, %mul3A_339 : vector<16xf32>
          %mul3A_343 = arith.mulf %exp3A_336, %add3A_342 : vector<16xf32>
          %add3A_344 = arith.addf %max3A_331, %mul3A_343 : vector<16xf32>
          %add3A_345 = arith.addf %broadcast_in_dim3A_36, %add3A_344 : vector<16xf32>
          %mul3A_346 = arith.constant 16 : i32
          %mul3A_347 = arith.muli %scan3A_270, %mul3A_346 : i32
          %get3A_348 = arith.constant 2 : i32
          %get3A_349 = arith.index_cast %get3A_348 : i32 to index
          %get3A_350 = arith.index_cast %mul3A_347 : i32 to index
          %get3A_351 = tpu.vector_load %arg12[%get3A_349, %get3A_350] {strides = array<i32>} : memref<16x1024xf32, #tpu.memory_space<vmem>>, vector<1x16xf32>,
          %get3A_352 = vector.shape_cast %get3A_351 : vector<1x16xf32> to vector<16xf32>
          %mul3A_353 = arith.constant 16 : i32
          %mul3A_354 = arith.muli %scan3A_270, %mul3A_353 : i32
          %get3A_355 = arith.constant 2 : i32
          %get3A_356 = arith.index_cast %get3A_355 : i32 to index
          %get3A_357 = arith.index_cast %mul3A_354 : i32 to index
          %get3A_358 = tpu.vector_load %arg13[%get3A_356, %get3A_357] {strides = array<i32>} : memref<16x1024xi32, #tpu.memory_space<vmem>>, vector<1x16xi32>,
          %get3A_359 = vector.shape_cast %get3A_358 : vector<1x16xi32> to vector<16xi32>
          %bitcast_convert_type3A_360 = tpu.bitcast %get3A_352 : vector<16xf32> -> vector<16xi32>
          %shift_left3A_361 = arith.constant 31 : i32
          %shift_left3A_362 = vector.broadcast %shift_left3A_361 : i32 to vector<16xi32>
          %shift_left3A_363 = arith.shli %get3A_359, %shift_left3A_362 : vector<16xi32>
          %xor3A_364 = arith.xori %bitcast_convert_type3A_360, %shift_left3A_363 : vector<16xi32>
          %bitcast_convert_type3A_365 = tpu.bitcast %xor3A_364 : vector<16xi32> -> vector<16xf32>
          %max3A_366 = arith.constant 0.000000e+00 : f32
          %max3A_367 = vector.broadcast %max3A_366 : f32 to vector<16xf32>
          %max3A_368 = arith.maximumf %bitcast_convert_type3A_365, %max3A_367 : vector<16xf32>
          %or3A_369 = arith.constant -2147483648 : i32
          %or3A_370 = vector.broadcast %or3A_369 : i32 to vector<16xi32>
          %or3A_371 = arith.ori %bitcast_convert_type3A_360, %or3A_370 : vector<16xi32>
          %bitcast_convert_type3A_372 = tpu.bitcast %or3A_371 : vector<16xi32> -> vector<16xf32>
          %exp3A_373 = math.exp %bitcast_convert_type3A_372 : vector<16xf32>
          %mul3A_374 = arith.constant -0.251813084 : f32
          %mul3A_375 = vector.broadcast %mul3A_374 : f32 to vector<16xf32>
          %mul3A_376 = arith.mulf %exp3A_373, %mul3A_375 : vector<16xf32>
          %add3A_377 = arith.constant 0.940572202 : f32
          %add3A_378 = vector.broadcast %add3A_377 : f32 to vector<16xf32>
          %add3A_379 = arith.addf %add3A_378, %mul3A_376 : vector<16xf32>
          %mul3A_380 = arith.mulf %exp3A_373, %add3A_379 : vector<16xf32>
          %add3A_381 = arith.addf %max3A_368, %mul3A_380 : vector<16xf32>
          %add3A_382 = arith.addf %broadcast_in_dim3A_36, %add3A_381 : vector<16xf32>
          %mul3A_383 = arith.constant 16 : i32
          %mul3A_384 = arith.muli %scan3A_270, %mul3A_383 : i32
          %get3A_385 = arith.constant 3 : i32
          %get3A_386 = arith.index_cast %get3A_385 : i32 to index
          %get3A_387 = arith.index_cast %mul3A_384 : i32 to index
          %get3A_388 = tpu.vector_load %arg12[%get3A_386, %get3A_387] {strides = array<i32>} : memref<16x1024xf32, #tpu.memory_space<vmem>>, vector<1x16xf32>,
          %get3A_389 = vector.shape_cast %get3A_388 : vector<1x16xf32> to vector<16xf32>
          %mul3A_390 = arith.constant 16 : i32
          %mul3A_391 = arith.muli %scan3A_270, %mul3A_390 : i32
          %get3A_392 = arith.constant 3 : i32
          %get3A_393 = arith.index_cast %get3A_392 : i32 to index
          %get3A_394 = arith.index_cast %mul3A_391 : i32 to index
          %get3A_395 = tpu.vector_load %arg13[%get3A_393, %get3A_394] {strides = array<i32>} : memref<16x1024xi32, #tpu.memory_space<vmem>>, vector<1x16xi32>,
          %get3A_396 = vector.shape_cast %get3A_395 : vector<1x16xi32> to vector<16xi32>
          %bitcast_convert_type3A_397 = tpu.bitcast %get3A_389 : vector<16xf32> -> vector<16xi32>
          %shift_left3A_398 = arith.constant 31 : i32
          %shift_left3A_399 = vector.broadcast %shift_left3A_398 : i32 to vector<16xi32>
          %shift_left3A_400 = arith.shli %get3A_396, %shift_left3A_399 : vector<16xi32>
          %xor3A_401 = arith.xori %bitcast_convert_type3A_397, %shift_left3A_400 : vector<16xi32>
          %bitcast_convert_type3A_402 = tpu.bitcast %xor3A_401 : vector<16xi32> -> vector<16xf32>
          %max3A_403 = arith.constant 0.000000e+00 : f32
          %max3A_404 = vector.broadcast %max3A_403 : f32 to vector<16xf32>
          %max3A_405 = arith.maximumf %bitcast_convert_type3A_402, %max3A_404 : vector<16xf32>
          %or3A_406 = arith.constant -2147483648 : i32
          %or3A_407 = vector.broadcast %or3A_406 : i32 to vector<16xi32>
          %or3A_408 = arith.ori %bitcast_convert_type3A_397, %or3A_407 : vector<16xi32>
          %bitcast_convert_type3A_409 = tpu.bitcast %or3A_408 : vector<16xi32> -> vector<16xf32>
          %exp3A_410 = math.exp %bitcast_convert_type3A_409 : vector<16xf32>
          %mul3A_411 = arith.constant -0.251813084 : f32
          %mul3A_412 = vector.broadcast %mul3A_411 : f32 to vector<16xf32>
          %mul3A_413 = arith.mulf %exp3A_410, %mul3A_412 : vector<16xf32>
          %add3A_414 = arith.constant 0.940572202 : f32
          %add3A_415 = vector.broadcast %add3A_414 : f32 to vector<16xf32>
          %add3A_416 = arith.addf %add3A_415, %mul3A_413 : vector<16xf32>
          %mul3A_417 = arith.mulf %exp3A_410, %add3A_416 : vector<16xf32>
          %add3A_418 = arith.addf %max3A_405, %mul3A_417 : vector<16xf32>
          %add3A_419 = arith.addf %broadcast_in_dim3A_36, %add3A_418 : vector<16xf32>
          %mul3A_420 = arith.constant 16 : i32
          %mul3A_421 = arith.muli %scan3A_270, %mul3A_420 : i32
          %get3A_422 = arith.constant 4 : i32
          %get3A_423 = arith.index_cast %get3A_422 : i32 to index
          %get3A_424 = arith.index_cast %mul3A_421 : i32 to index
          %get3A_425 = tpu.vector_load %arg12[%get3A_423, %get3A_424] {strides = array<i32>} : memref<16x1024xf32, #tpu.memory_space<vmem>>, vector<1x16xf32>,
          %get3A_426 = vector.shape_cast %get3A_425 : vector<1x16xf32> to vector<16xf32>
          %mul3A_427 = arith.constant 16 : i32
          %mul3A_428 = arith.muli %scan3A_270, %mul3A_427 : i32
          %get3A_429 = arith.constant 4 : i32
          %get3A_430 = arith.index_cast %get3A_429 : i32 to index
          %get3A_431 = arith.index_cast %mul3A_428 : i32 to index
          %get3A_432 = tpu.vector_load %arg13[%get3A_430, %get3A_431] {strides = array<i32>} : memref<16x1024xi32, #tpu.memory_space<vmem>>, vector<1x16xi32>,
          %get3A_433 = vector.shape_cast %get3A_432 : vector<1x16xi32> to vector<16xi32>
          %bitcast_convert_type3A_434 = tpu.bitcast %get3A_426 : vector<16xf32> -> vector<16xi32>
          %shift_left3A_435 = arith.constant 31 : i32
          %shift_left3A_436 = vector.broadcast %shift_left3A_435 : i32 to vector<16xi32>
          %shift_left3A_437 = arith.shli %get3A_433, %shift_left3A_436 : vector<16xi32>
          %xor3A_438 = arith.xori %bitcast_convert_type3A_434, %shift_left3A_437 : vector<16xi32>
          %bitcast_convert_type3A_439 = tpu.bitcast %xor3A_438 : vector<16xi32> -> vector<16xf32>
          %max3A_440 = arith.constant 0.000000e+00 : f32
          %max3A_441 = vector.broadcast %max3A_440 : f32 to vector<16xf32>
          %max3A_442 = arith.maximumf %bitcast_convert_type3A_439, %max3A_441 : vector<16xf32>
          %or3A_443 = arith.constant -2147483648 : i32
          %or3A_444 = vector.broadcast %or3A_443 : i32 to vector<16xi32>
          %or3A_445 = arith.ori %bitcast_convert_type3A_434, %or3A_444 : vector<16xi32>
          %bitcast_convert_type3A_446 = tpu.bitcast %or3A_445 : vector<16xi32> -> vector<16xf32>
          %exp3A_447 = math.exp %bitcast_convert_type3A_446 : vector<16xf32>
          %mul3A_448 = arith.constant -0.251813084 : f32
          %mul3A_449 = vector.broadcast %mul3A_448 : f32 to vector<16xf32>
          %mul3A_450 = arith.mulf %exp3A_447, %mul3A_449 : vector<16xf32>
          %add3A_451 = arith.constant 0.940572202 : f32
          %add3A_452 = vector.broadcast %add3A_451 : f32 to vector<16xf32>
          %add3A_453 = arith.addf %add3A_452, %mul3A_450 : vector<16xf32>
          %mul3A_454 = arith.mulf %exp3A_447, %add3A_453 : vector<16xf32>
          %add3A_455 = arith.addf %max3A_442, %mul3A_454 : vector<16xf32>
          %add3A_456 = arith.addf %add3A_308, %add3A_455 : vector<16xf32>
          %mul3A_457 = arith.constant 16 : i32
          %mul3A_458 = arith.muli %scan3A_270, %mul3A_457 : i32
          %get3A_459 = arith.constant 5 : i32
          %get3A_460 = arith.index_cast %get3A_459 : i32 to index
          %get3A_461 = arith.index_cast %mul3A_458 : i32 to index
          %get3A_462 = tpu.vector_load %arg12[%get3A_460, %get3A_461] {strides = array<i32>} : memref<16x1024xf32, #tpu.memory_space<vmem>>, vector<1x16xf32>,
          %get3A_463 = vector.shape_cast %get3A_462 : vector<1x16xf32> to vector<16xf32>
          %mul3A_464 = arith.constant 16 : i32
          %mul3A_465 = arith.muli %scan3A_270, %mul3A_464 : i32
          %get3A_466 = arith.constant 5 : i32
          %get3A_467 = arith.index_cast %get3A_466 : i32 to index
          %get3A_468 = arith.index_cast %mul3A_465 : i32 to index
          %get3A_469 = tpu.vector_load %arg13[%get3A_467, %get3A_468] {strides = array<i32>} : memref<16x1024xi32, #tpu.memory_space<vmem>>, vector<1x16xi32>,
          %get3A_470 = vector.shape_cast %get3A_469 : vector<1x16xi32> to vector<16xi32>
          %bitcast_convert_type3A_471 = tpu.bitcast %get3A_463 : vector<16xf32> -> vector<16xi32>
          %shift_left3A_472 = arith.constant 31 : i32
          %shift_left3A_473 = vector.broadcast %shift_left3A_472 : i32 to vector<16xi32>
          %shift_left3A_474 = arith.shli %get3A_470, %shift_left3A_473 : vector<16xi32>
          %xor3A_475 = arith.xori %bitcast_convert_type3A_471, %shift_left3A_474 : vector<16xi32>
          %bitcast_convert_type3A_476 = tpu.bitcast %xor3A_475 : vector<16xi32> -> vector<16xf32>
          %max3A_477 = arith.constant 0.000000e+00 : f32
          %max3A_478 = vector.broadcast %max3A_477 : f32 to vector<16xf32>
          %max3A_479 = arith.maximumf %bitcast_convert_type3A_476, %max3A_478 : vector<16xf32>
          %or3A_480 = arith.constant -2147483648 : i32
          %or3A_481 = vector.broadcast %or3A_480 : i32 to vector<16xi32>
          %or3A_482 = arith.ori %bitcast_convert_type3A_471, %or3A_481 : vector<16xi32>
          %bitcast_convert_type3A_483 = tpu.bitcast %or3A_482 : vector<16xi32> -> vector<16xf32>
          %exp3A_484 = math.exp %bitcast_convert_type3A_483 : vector<16xf32>
          %mul3A_485 = arith.constant -0.251813084 : f32
          %mul3A_486 = vector.broadcast %mul3A_485 : f32 to vector<16xf32>
          %mul3A_487 = arith.mulf %exp3A_484, %mul3A_486 : vector<16xf32>
          %add3A_488 = arith.constant 0.940572202 : f32
          %add3A_489 = vector.broadcast %add3A_488 : f32 to vector<16xf32>
          %add3A_490 = arith.addf %add3A_489, %mul3A_487 : vector<16xf32>
          %mul3A_491 = arith.mulf %exp3A_484, %add3A_490 : vector<16xf32>
          %add3A_492 = arith.addf %max3A_479, %mul3A_491 : vector<16xf32>
          %add3A_493 = arith.addf %add3A_345, %add3A_492 : vector<16xf32>
          %mul3A_494 = arith.constant 16 : i32
          %mul3A_495 = arith.muli %scan3A_270, %mul3A_494 : i32
          %get3A_496 = arith.constant 6 : i32
          %get3A_497 = arith.index_cast %get3A_496 : i32 to index
          %get3A_498 = arith.index_cast %mul3A_495 : i32 to index
          %get3A_499 = tpu.vector_load %arg12[%get3A_497, %get3A_498] {strides = array<i32>} : memref<16x1024xf32, #tpu.memory_space<vmem>>, vector<1x16xf32>,
          %get3A_500 = vector.shape_cast %get3A_499 : vector<1x16xf32> to vector<16xf32>
          %mul3A_501 = arith.constant 16 : i32
          %mul3A_502 = arith.muli %scan3A_270, %mul3A_501 : i32
          %get3A_503 = arith.constant 6 : i32
          %get3A_504 = arith.index_cast %get3A_503 : i32 to index
          %get3A_505 = arith.index_cast %mul3A_502 : i32 to index
          %get3A_506 = tpu.vector_load %arg13[%get3A_504, %get3A_505] {strides = array<i32>} : memref<16x1024xi32, #tpu.memory_space<vmem>>, vector<1x16xi32>,
          %get3A_507 = vector.shape_cast %get3A_506 : vector<1x16xi32> to vector<16xi32>
          %bitcast_convert_type3A_508 = tpu.bitcast %get3A_500 : vector<16xf32> -> vector<16xi32>
          %shift_left3A_509 = arith.constant 31 : i32
          %shift_left3A_510 = vector.broadcast %shift_left3A_509 : i32 to vector<16xi32>
          %shift_left3A_511 = arith.shli %get3A_507, %shift_left3A_510 : vector<16xi32>
          %xor3A_512 = arith.xori %bitcast_convert_type3A_508, %shift_left3A_511 : vector<16xi32>
          %bitcast_convert_type3A_513 = tpu.bitcast %xor3A_512 : vector<16xi32> -> vector<16xf32>
          %max3A_514 = arith.constant 0.000000e+00 : f32
          %max3A_515 = vector.broadcast %max3A_514 : f32 to vector<16xf32>
          %max3A_516 = arith.maximumf %bitcast_convert_type3A_513, %max3A_515 : vector<16xf32>
          %or3A_517 = arith.constant -2147483648 : i32
          %or3A_518 = vector.broadcast %or3A_517 : i32 to vector<16xi32>
          %or3A_519 = arith.ori %bitcast_convert_type3A_508, %or3A_518 : vector<16xi32>
          %bitcast_convert_type3A_520 = tpu.bitcast %or3A_519 : vector<16xi32> -> vector<16xf32>
          %exp3A_521 = math.exp %bitcast_convert_type3A_520 : vector<16xf32>
          %mul3A_522 = arith.constant -0.251813084 : f32
          %mul3A_523 = vector.broadcast %mul3A_522 : f32 to vector<16xf32>
          %mul3A_524 = arith.mulf %exp3A_521, %mul3A_523 : vector<16xf32>
          %add3A_525 = arith.constant 0.940572202 : f32
          %add3A_526 = vector.broadcast %add3A_525 : f32 to vector<16xf32>
          %add3A_527 = arith.addf %add3A_526, %mul3A_524 : vector<16xf32>
          %mul3A_528 = arith.mulf %exp3A_521, %add3A_527 : vector<16xf32>
          %add3A_529 = arith.addf %max3A_516, %mul3A_528 : vector<16xf32>
          %add3A_530 = arith.addf %add3A_382, %add3A_529 : vector<16xf32>
          %mul3A_531 = arith.constant 16 : i32
          %mul3A_532 = arith.muli %scan3A_270, %mul3A_531 : i32
          %get3A_533 = arith.constant 7 : i32
          %get3A_534 = arith.index_cast %get3A_533 : i32 to index
          %get3A_535 = arith.index_cast %mul3A_532 : i32 to index
          %get3A_536 = tpu.vector_load %arg12[%get3A_534, %get3A_535] {strides = array<i32>} : memref<16x1024xf32, #tpu.memory_space<vmem>>, vector<1x16xf32>,
          %get3A_537 = vector.shape_cast %get3A_536 : vector<1x16xf32> to vector<16xf32>
          %mul3A_538 = arith.constant 16 : i32
          %mul3A_539 = arith.muli %scan3A_270, %mul3A_538 : i32
          %get3A_540 = arith.constant 7 : i32
          %get3A_541 = arith.index_cast %get3A_540 : i32 to index
          %get3A_542 = arith.index_cast %mul3A_539 : i32 to index
          %get3A_543 = tpu.vector_load %arg13[%get3A_541, %get3A_542] {strides = array<i32>} : memref<16x1024xi32, #tpu.memory_space<vmem>>, vector<1x16xi32>,
          %get3A_544 = vector.shape_cast %get3A_543 : vector<1x16xi32> to vector<16xi32>
          %bitcast_convert_type3A_545 = tpu.bitcast %get3A_537 : vector<16xf32> -> vector<16xi32>
          %shift_left3A_546 = arith.constant 31 : i32
          %shift_left3A_547 = vector.broadcast %shift_left3A_546 : i32 to vector<16xi32>
          %shift_left3A_548 = arith.shli %get3A_544, %shift_left3A_547 : vector<16xi32>
          %xor3A_549 = arith.xori %bitcast_convert_type3A_545, %shift_left3A_548 : vector<16xi32>
          %bitcast_convert_type3A_550 = tpu.bitcast %xor3A_549 : vector<16xi32> -> vector<16xf32>
          %max3A_551 = arith.constant 0.000000e+00 : f32
          %max3A_552 = vector.broadcast %max3A_551 : f32 to vector<16xf32>
          %max3A_553 = arith.maximumf %bitcast_convert_type3A_550, %max3A_552 : vector<16xf32>
          %or3A_554 = arith.constant -2147483648 : i32
          %or3A_555 = vector.broadcast %or3A_554 : i32 to vector<16xi32>
          %or3A_556 = arith.ori %bitcast_convert_type3A_545, %or3A_555 : vector<16xi32>
          %bitcast_convert_type3A_557 = tpu.bitcast %or3A_556 : vector<16xi32> -> vector<16xf32>
          %exp3A_558 = math.exp %bitcast_convert_type3A_557 : vector<16xf32>
          %mul3A_559 = arith.constant -0.251813084 : f32
          %mul3A_560 = vector.broadcast %mul3A_559 : f32 to vector<16xf32>
          %mul3A_561 = arith.mulf %exp3A_558, %mul3A_560 : vector<16xf32>
          %add3A_562 = arith.constant 0.940572202 : f32
          %add3A_563 = vector.broadcast %add3A_562 : f32 to vector<16xf32>
          %add3A_564 = arith.addf %add3A_563, %mul3A_561 : vector<16xf32>
          %mul3A_565 = arith.mulf %exp3A_558, %add3A_564 : vector<16xf32>
          %add3A_566 = arith.addf %max3A_553, %mul3A_565 : vector<16xf32>
          %add3A_567 = arith.addf %add3A_419, %add3A_566 : vector<16xf32>
          %mul3A_568 = arith.constant 16 : i32
          %mul3A_569 = arith.muli %scan3A_270, %mul3A_568 : i32
          %get3A_570 = arith.constant 8 : i32
          %get3A_571 = arith.index_cast %get3A_570 : i32 to index
          %get3A_572 = arith.index_cast %mul3A_569 : i32 to index
          %get3A_573 = tpu.vector_load %arg12[%get3A_571, %get3A_572] {strides = array<i32>} : memref<16x1024xf32, #tpu.memory_space<vmem>>, vector<1x16xf32>,
          %get3A_574 = vector.shape_cast %get3A_573 : vector<1x16xf32> to vector<16xf32>
          %mul3A_575 = arith.constant 16 : i32
          %mul3A_576 = arith.muli %scan3A_270, %mul3A_575 : i32
          %get3A_577 = arith.constant 8 : i32
          %get3A_578 = arith.index_cast %get3A_577 : i32 to index
          %get3A_579 = arith.index_cast %mul3A_576 : i32 to index
          %get3A_580 = tpu.vector_load %arg13[%get3A_578, %get3A_579] {strides = array<i32>} : memref<16x1024xi32, #tpu.memory_space<vmem>>, vector<1x16xi32>,
          %get3A_581 = vector.shape_cast %get3A_580 : vector<1x16xi32> to vector<16xi32>
          %bitcast_convert_type3A_582 = tpu.bitcast %get3A_574 : vector<16xf32> -> vector<16xi32>
          %shift_left3A_583 = arith.constant 31 : i32
          %shift_left3A_584 = vector.broadcast %shift_left3A_583 : i32 to vector<16xi32>
          %shift_left3A_585 = arith.shli %get3A_581, %shift_left3A_584 : vector<16xi32>
          %xor3A_586 = arith.xori %bitcast_convert_type3A_582, %shift_left3A_585 : vector<16xi32>
          %bitcast_convert_type3A_587 = tpu.bitcast %xor3A_586 : vector<16xi32> -> vector<16xf32>
          %max3A_588 = arith.constant 0.000000e+00 : f32
          %max3A_589 = vector.broadcast %max3A_588 : f32 to vector<16xf32>
          %max3A_590 = arith.maximumf %bitcast_convert_type3A_587, %max3A_589 : vector<16xf32>
          %or3A_591 = arith.constant -2147483648 : i32
          %or3A_592 = vector.broadcast %or3A_591 : i32 to vector<16xi32>
          %or3A_593 = arith.ori %bitcast_convert_type3A_582, %or3A_592 : vector<16xi32>
          %bitcast_convert_type3A_594 = tpu.bitcast %or3A_593 : vector<16xi32> -> vector<16xf32>
          %exp3A_595 = math.exp %bitcast_convert_type3A_594 : vector<16xf32>
          %mul3A_596 = arith.constant -0.251813084 : f32
          %mul3A_597 = vector.broadcast %mul3A_596 : f32 to vector<16xf32>
          %mul3A_598 = arith.mulf %exp3A_595, %mul3A_597 : vector<16xf32>
          %add3A_599 = arith.constant 0.940572202 : f32
          %add3A_600 = vector.broadcast %add3A_599 : f32 to vector<16xf32>
          %add3A_601 = arith.addf %add3A_600, %mul3A_598 : vector<16xf32>
          %mul3A_602 = arith.mulf %exp3A_595, %add3A_601 : vector<16xf32>
          %add3A_603 = arith.addf %max3A_590, %mul3A_602 : vector<16xf32>
          %add3A_604 = arith.addf %add3A_456, %add3A_603 : vector<16xf32>
          %mul3A_605 = arith.constant 16 : i32
          %mul3A_606 = arith.muli %scan3A_270, %mul3A_605 : i32
          %get3A_607 = arith.constant 9 : i32
          %get3A_608 = arith.index_cast %get3A_607 : i32 to index
          %get3A_609 = arith.index_cast %mul3A_606 : i32 to index
          %get3A_610 = tpu.vector_load %arg12[%get3A_608, %get3A_609] {strides = array<i32>} : memref<16x1024xf32, #tpu.memory_space<vmem>>, vector<1x16xf32>,
          %get3A_611 = vector.shape_cast %get3A_610 : vector<1x16xf32> to vector<16xf32>
          %mul3A_612 = arith.constant 16 : i32
          %mul3A_613 = arith.muli %scan3A_270, %mul3A_612 : i32
          %get3A_614 = arith.constant 9 : i32
          %get3A_615 = arith.index_cast %get3A_614 : i32 to index
          %get3A_616 = arith.index_cast %mul3A_613 : i32 to index
          %get3A_617 = tpu.vector_load %arg13[%get3A_615, %get3A_616] {strides = array<i32>} : memref<16x1024xi32, #tpu.memory_space<vmem>>, vector<1x16xi32>,
          %get3A_618 = vector.shape_cast %get3A_617 : vector<1x16xi32> to vector<16xi32>
          %bitcast_convert_type3A_619 = tpu.bitcast %get3A_611 : vector<16xf32> -> vector<16xi32>
          %shift_left3A_620 = arith.constant 31 : i32
          %shift_left3A_621 = vector.broadcast %shift_left3A_620 : i32 to vector<16xi32>
          %shift_left3A_622 = arith.shli %get3A_618, %shift_left3A_621 : vector<16xi32>
          %xor3A_623 = arith.xori %bitcast_convert_type3A_619, %shift_left3A_622 : vector<16xi32>
          %bitcast_convert_type3A_624 = tpu.bitcast %xor3A_623 : vector<16xi32> -> vector<16xf32>
          %max3A_625 = arith.constant 0.000000e+00 : f32
          %max3A_626 = vector.broadcast %max3A_625 : f32 to vector<16xf32>
          %max3A_627 = arith.maximumf %bitcast_convert_type3A_624, %max3A_626 : vector<16xf32>
          %or3A_628 = arith.constant -2147483648 : i32
          %or3A_629 = vector.broadcast %or3A_628 : i32 to vector<16xi32>
          %or3A_630 = arith.ori %bitcast_convert_type3A_619, %or3A_629 : vector<16xi32>
          %bitcast_convert_type3A_631 = tpu.bitcast %or3A_630 : vector<16xi32> -> vector<16xf32>
          %exp3A_632 = math.exp %bitcast_convert_type3A_631 : vector<16xf32>
          %mul3A_633 = arith.constant -0.251813084 : f32
          %mul3A_634 = vector.broadcast %mul3A_633 : f32 to vector<16xf32>
          %mul3A_635 = arith.mulf %exp3A_632, %mul3A_634 : vector<16xf32>
          %add3A_636 = arith.constant 0.940572202 : f32
          %add3A_637 = vector.broadcast %add3A_636 : f32 to vector<16xf32>
          %add3A_638 = arith.addf %add3A_637, %mul3A_635 : vector<16xf32>
          %mul3A_639 = arith.mulf %exp3A_632, %add3A_638 : vector<16xf32>
          %add3A_640 = arith.addf %max3A_627, %mul3A_639 : vector<16xf32>
          %add3A_641 = arith.addf %add3A_493, %add3A_640 : vector<16xf32>
          %mul3A_642 = arith.constant 16 : i32
          %mul3A_643 = arith.muli %scan3A_270, %mul3A_642 : i32
          %get3A_644 = arith.constant 10 : i32
          %get3A_645 = arith.index_cast %get3A_644 : i32 to index
          %get3A_646 = arith.index_cast %mul3A_643 : i32 to index
          %get3A_647 = tpu.vector_load %arg12[%get3A_645, %get3A_646] {strides = array<i32>} : memref<16x1024xf32, #tpu.memory_space<vmem>>, vector<1x16xf32>,
          %get3A_648 = vector.shape_cast %get3A_647 : vector<1x16xf32> to vector<16xf32>
          %mul3A_649 = arith.constant 16 : i32
          %mul3A_650 = arith.muli %scan3A_270, %mul3A_649 : i32
          %get3A_651 = arith.constant 10 : i32
          %get3A_652 = arith.index_cast %get3A_651 : i32 to index
          %get3A_653 = arith.index_cast %mul3A_650 : i32 to index
          %get3A_654 = tpu.vector_load %arg13[%get3A_652, %get3A_653] {strides = array<i32>} : memref<16x1024xi32, #tpu.memory_space<vmem>>, vector<1x16xi32>,
          %get3A_655 = vector.shape_cast %get3A_654 : vector<1x16xi32> to vector<16xi32>
          %bitcast_convert_type3A_656 = tpu.bitcast %get3A_648 : vector<16xf32> -> vector<16xi32>
          %shift_left3A_657 = arith.constant 31 : i32
          %shift_left3A_658 = vector.broadcast %shift_left3A_657 : i32 to vector<16xi32>
          %shift_left3A_659 = arith.shli %get3A_655, %shift_left3A_658 : vector<16xi32>
          %xor3A_660 = arith.xori %bitcast_convert_type3A_656, %shift_left3A_659 : vector<16xi32>
          %bitcast_convert_type3A_661 = tpu.bitcast %xor3A_660 : vector<16xi32> -> vector<16xf32>
          %max3A_662 = arith.constant 0.000000e+00 : f32
          %max3A_663 = vector.broadcast %max3A_662 : f32 to vector<16xf32>
          %max3A_664 = arith.maximumf %bitcast_convert_type3A_661, %max3A_663 : vector<16xf32>
          %or3A_665 = arith.constant -2147483648 : i32
          %or3A_666 = vector.broadcast %or3A_665 : i32 to vector<16xi32>
          %or3A_667 = arith.ori %bitcast_convert_type3A_656, %or3A_666 : vector<16xi32>
          %bitcast_convert_type3A_668 = tpu.bitcast %or3A_667 : vector<16xi32> -> vector<16xf32>
          %exp3A_669 = math.exp %bitcast_convert_type3A_668 : vector<16xf32>
          %mul3A_670 = arith.constant -0.251813084 : f32
          %mul3A_671 = vector.broadcast %mul3A_670 : f32 to vector<16xf32>
          %mul3A_672 = arith.mulf %exp3A_669, %mul3A_671 : vector<16xf32>
          %add3A_673 = arith.constant 0.940572202 : f32
          %add3A_674 = vector.broadcast %add3A_673 : f32 to vector<16xf32>
          %add3A_675 = arith.addf %add3A_674, %mul3A_672 : vector<16xf32>
          %mul3A_676 = arith.mulf %exp3A_669, %add3A_675 : vector<16xf32>
          %add3A_677 = arith.addf %max3A_664, %mul3A_676 : vector<16xf32>
          %add3A_678 = arith.addf %add3A_530, %add3A_677 : vector<16xf32>
          %mul3A_679 = arith.constant 16 : i32
          %mul3A_680 = arith.muli %scan3A_270, %mul3A_679 : i32
          %get3A_681 = arith.constant 11 : i32
          %get3A_682 = arith.index_cast %get3A_681 : i32 to index
          %get3A_683 = arith.index_cast %mul3A_680 : i32 to index
          %get3A_684 = tpu.vector_load %arg12[%get3A_682, %get3A_683] {strides = array<i32>} : memref<16x1024xf32, #tpu.memory_space<vmem>>, vector<1x16xf32>,
          %get3A_685 = vector.shape_cast %get3A_684 : vector<1x16xf32> to vector<16xf32>
          %mul3A_686 = arith.constant 16 : i32
          %mul3A_687 = arith.muli %scan3A_270, %mul3A_686 : i32
          %get3A_688 = arith.constant 11 : i32
          %get3A_689 = arith.index_cast %get3A_688 : i32 to index
          %get3A_690 = arith.index_cast %mul3A_687 : i32 to index
          %get3A_691 = tpu.vector_load %arg13[%get3A_689, %get3A_690] {strides = array<i32>} : memref<16x1024xi32, #tpu.memory_space<vmem>>, vector<1x16xi32>,
          %get3A_692 = vector.shape_cast %get3A_691 : vector<1x16xi32> to vector<16xi32>
          %bitcast_convert_type3A_693 = tpu.bitcast %get3A_685 : vector<16xf32> -> vector<16xi32>
          %shift_left3A_694 = arith.constant 31 : i32
          %shift_left3A_695 = vector.broadcast %shift_left3A_694 : i32 to vector<16xi32>
          %shift_left3A_696 = arith.shli %get3A_692, %shift_left3A_695 : vector<16xi32>
          %xor3A_697 = arith.xori %bitcast_convert_type3A_693, %shift_left3A_696 : vector<16xi32>
          %bitcast_convert_type3A_698 = tpu.bitcast %xor3A_697 : vector<16xi32> -> vector<16xf32>
          %max3A_699 = arith.constant 0.000000e+00 : f32
          %max3A_700 = vector.broadcast %max3A_699 : f32 to vector<16xf32>
          %max3A_701 = arith.maximumf %bitcast_convert_type3A_698, %max3A_700 : vector<16xf32>
          %or3A_702 = arith.constant -2147483648 : i32
          %or3A_703 = vector.broadcast %or3A_702 : i32 to vector<16xi32>
          %or3A_704 = arith.ori %bitcast_convert_type3A_693, %or3A_703 : vector<16xi32>
          %bitcast_convert_type3A_705 = tpu.bitcast %or3A_704 : vector<16xi32> -> vector<16xf32>
          %exp3A_706 = math.exp %bitcast_convert_type3A_705 : vector<16xf32>
          %mul3A_707 = arith.constant -0.251813084 : f32
          %mul3A_708 = vector.broadcast %mul3A_707 : f32 to vector<16xf32>
          %mul3A_709 = arith.mulf %exp3A_706, %mul3A_708 : vector<16xf32>
          %add3A_710 = arith.constant 0.940572202 : f32
          %add3A_711 = vector.broadcast %add3A_710 : f32 to vector<16xf32>
          %add3A_712 = arith.addf %add3A_711, %mul3A_709 : vector<16xf32>
          %mul3A_713 = arith.mulf %exp3A_706, %add3A_712 : vector<16xf32>
          %add3A_714 = arith.addf %max3A_701, %mul3A_713 : vector<16xf32>
          %add3A_715 = arith.addf %add3A_567, %add3A_714 : vector<16xf32>
          %mul3A_716 = arith.constant 16 : i32
          %mul3A_717 = arith.muli %scan3A_270, %mul3A_716 : i32
          %get3A_718 = arith.constant 12 : i32
          %get3A_719 = arith.index_cast %get3A_718 : i32 to index
          %get3A_720 = arith.index_cast %mul3A_717 : i32 to index
          %get3A_721 = tpu.vector_load %arg12[%get3A_719, %get3A_720] {strides = array<i32>} : memref<16x1024xf32, #tpu.memory_space<vmem>>, vector<1x16xf32>,
          %get3A_722 = vector.shape_cast %get3A_721 : vector<1x16xf32> to vector<16xf32>
          %mul3A_723 = arith.constant 16 : i32
          %mul3A_724 = arith.muli %scan3A_270, %mul3A_723 : i32
          %get3A_725 = arith.constant 12 : i32
          %get3A_726 = arith.index_cast %get3A_725 : i32 to index
          %get3A_727 = arith.index_cast %mul3A_724 : i32 to index
          %get3A_728 = tpu.vector_load %arg13[%get3A_726, %get3A_727] {strides = array<i32>} : memref<16x1024xi32, #tpu.memory_space<vmem>>, vector<1x16xi32>,
          %get3A_729 = vector.shape_cast %get3A_728 : vector<1x16xi32> to vector<16xi32>
          %bitcast_convert_type3A_730 = tpu.bitcast %get3A_722 : vector<16xf32> -> vector<16xi32>
          %shift_left3A_731 = arith.constant 31 : i32
          %shift_left3A_732 = vector.broadcast %shift_left3A_731 : i32 to vector<16xi32>
          %shift_left3A_733 = arith.shli %get3A_729, %shift_left3A_732 : vector<16xi32>
          %xor3A_734 = arith.xori %bitcast_convert_type3A_730, %shift_left3A_733 : vector<16xi32>
          %bitcast_convert_type3A_735 = tpu.bitcast %xor3A_734 : vector<16xi32> -> vector<16xf32>
          %max3A_736 = arith.constant 0.000000e+00 : f32
          %max3A_737 = vector.broadcast %max3A_736 : f32 to vector<16xf32>
          %max3A_738 = arith.maximumf %bitcast_convert_type3A_735, %max3A_737 : vector<16xf32>
          %or3A_739 = arith.constant -2147483648 : i32
          %or3A_740 = vector.broadcast %or3A_739 : i32 to vector<16xi32>
          %or3A_741 = arith.ori %bitcast_convert_type3A_730, %or3A_740 : vector<16xi32>
          %bitcast_convert_type3A_742 = tpu.bitcast %or3A_741 : vector<16xi32> -> vector<16xf32>
          %exp3A_743 = math.exp %bitcast_convert_type3A_742 : vector<16xf32>
          %mul3A_744 = arith.constant -0.251813084 : f32
          %mul3A_745 = vector.broadcast %mul3A_744 : f32 to vector<16xf32>
          %mul3A_746 = arith.mulf %exp3A_743, %mul3A_745 : vector<16xf32>
          %add3A_747 = arith.constant 0.940572202 : f32
          %add3A_748 = vector.broadcast %add3A_747 : f32 to vector<16xf32>
          %add3A_749 = arith.addf %add3A_748, %mul3A_746 : vector<16xf32>
          %mul3A_750 = arith.mulf %exp3A_743, %add3A_749 : vector<16xf32>
          %add3A_751 = arith.addf %max3A_738, %mul3A_750 : vector<16xf32>
          %add3A_752 = arith.addf %add3A_604, %add3A_751 : vector<16xf32>
          %mul3A_753 = arith.constant 16 : i32
          %mul3A_754 = arith.muli %scan3A_270, %mul3A_753 : i32
          %get3A_755 = arith.constant 13 : i32
          %get3A_756 = arith.index_cast %get3A_755 : i32 to index
          %get3A_757 = arith.index_cast %mul3A_754 : i32 to index
          %get3A_758 = tpu.vector_load %arg12[%get3A_756, %get3A_757] {strides = array<i32>} : memref<16x1024xf32, #tpu.memory_space<vmem>>, vector<1x16xf32>,
          %get3A_759 = vector.shape_cast %get3A_758 : vector<1x16xf32> to vector<16xf32>
          %mul3A_760 = arith.constant 16 : i32
          %mul3A_761 = arith.muli %scan3A_270, %mul3A_760 : i32
          %get3A_762 = arith.constant 13 : i32
          %get3A_763 = arith.index_cast %get3A_762 : i32 to index
          %get3A_764 = arith.index_cast %mul3A_761 : i32 to index
          %get3A_765 = tpu.vector_load %arg13[%get3A_763, %get3A_764] {strides = array<i32>} : memref<16x1024xi32, #tpu.memory_space<vmem>>, vector<1x16xi32>,
          %get3A_766 = vector.shape_cast %get3A_765 : vector<1x16xi32> to vector<16xi32>
          %bitcast_convert_type3A_767 = tpu.bitcast %get3A_759 : vector<16xf32> -> vector<16xi32>
          %shift_left3A_768 = arith.constant 31 : i32
          %shift_left3A_769 = vector.broadcast %shift_left3A_768 : i32 to vector<16xi32>
          %shift_left3A_770 = arith.shli %get3A_766, %shift_left3A_769 : vector<16xi32>
          %xor3A_771 = arith.xori %bitcast_convert_type3A_767, %shift_left3A_770 : vector<16xi32>
          %bitcast_convert_type3A_772 = tpu.bitcast %xor3A_771 : vector<16xi32> -> vector<16xf32>
          %max3A_773 = arith.constant 0.000000e+00 : f32
          %max3A_774 = vector.broadcast %max3A_773 : f32 to vector<16xf32>
          %max3A_775 = arith.maximumf %bitcast_convert_type3A_772, %max3A_774 : vector<16xf32>
          %or3A_776 = arith.constant -2147483648 : i32
          %or3A_777 = vector.broadcast %or3A_776 : i32 to vector<16xi32>
          %or3A_778 = arith.ori %bitcast_convert_type3A_767, %or3A_777 : vector<16xi32>
          %bitcast_convert_type3A_779 = tpu.bitcast %or3A_778 : vector<16xi32> -> vector<16xf32>
          %exp3A_780 = math.exp %bitcast_convert_type3A_779 : vector<16xf32>
          %mul3A_781 = arith.constant -0.251813084 : f32
          %mul3A_782 = vector.broadcast %mul3A_781 : f32 to vector<16xf32>
          %mul3A_783 = arith.mulf %exp3A_780, %mul3A_782 : vector<16xf32>
          %add3A_784 = arith.constant 0.940572202 : f32
          %add3A_785 = vector.broadcast %add3A_784 : f32 to vector<16xf32>
          %add3A_786 = arith.addf %add3A_785, %mul3A_783 : vector<16xf32>
          %mul3A_787 = arith.mulf %exp3A_780, %add3A_786 : vector<16xf32>
          %add3A_788 = arith.addf %max3A_775, %mul3A_787 : vector<16xf32>
          %add3A_789 = arith.addf %add3A_641, %add3A_788 : vector<16xf32>
          %mul3A_790 = arith.constant 16 : i32
          %mul3A_791 = arith.muli %scan3A_270, %mul3A_790 : i32
          %get3A_792 = arith.constant 14 : i32
          %get3A_793 = arith.index_cast %get3A_792 : i32 to index
          %get3A_794 = arith.index_cast %mul3A_791 : i32 to index
          %get3A_795 = tpu.vector_load %arg12[%get3A_793, %get3A_794] {strides = array<i32>} : memref<16x1024xf32, #tpu.memory_space<vmem>>, vector<1x16xf32>,
          %get3A_796 = vector.shape_cast %get3A_795 : vector<1x16xf32> to vector<16xf32>
          %mul3A_797 = arith.constant 16 : i32
          %mul3A_798 = arith.muli %scan3A_270, %mul3A_797 : i32
          %get3A_799 = arith.constant 14 : i32
          %get3A_800 = arith.index_cast %get3A_799 : i32 to index
          %get3A_801 = arith.index_cast %mul3A_798 : i32 to index
          %get3A_802 = tpu.vector_load %arg13[%get3A_800, %get3A_801] {strides = array<i32>} : memref<16x1024xi32, #tpu.memory_space<vmem>>, vector<1x16xi32>,
          %get3A_803 = vector.shape_cast %get3A_802 : vector<1x16xi32> to vector<16xi32>
          %bitcast_convert_type3A_804 = tpu.bitcast %get3A_796 : vector<16xf32> -> vector<16xi32>
          %shift_left3A_805 = arith.constant 31 : i32
          %shift_left3A_806 = vector.broadcast %shift_left3A_805 : i32 to vector<16xi32>
          %shift_left3A_807 = arith.shli %get3A_803, %shift_left3A_806 : vector<16xi32>
          %xor3A_808 = arith.xori %bitcast_convert_type3A_804, %shift_left3A_807 : vector<16xi32>
          %bitcast_convert_type3A_809 = tpu.bitcast %xor3A_808 : vector<16xi32> -> vector<16xf32>
          %max3A_810 = arith.constant 0.000000e+00 : f32
          %max3A_811 = vector.broadcast %max3A_810 : f32 to vector<16xf32>
          %max3A_812 = arith.maximumf %bitcast_convert_type3A_809, %max3A_811 : vector<16xf32>
          %or3A_813 = arith.constant -2147483648 : i32
          %or3A_814 = vector.broadcast %or3A_813 : i32 to vector<16xi32>
          %or3A_815 = arith.ori %bitcast_convert_type3A_804, %or3A_814 : vector<16xi32>
          %bitcast_convert_type3A_816 = tpu.bitcast %or3A_815 : vector<16xi32> -> vector<16xf32>
          %exp3A_817 = math.exp %bitcast_convert_type3A_816 : vector<16xf32>
          %mul3A_818 = arith.constant -0.251813084 : f32
          %mul3A_819 = vector.broadcast %mul3A_818 : f32 to vector<16xf32>
          %mul3A_820 = arith.mulf %exp3A_817, %mul3A_819 : vector<16xf32>
          %add3A_821 = arith.constant 0.940572202 : f32
          %add3A_822 = vector.broadcast %add3A_821 : f32 to vector<16xf32>
          %add3A_823 = arith.addf %add3A_822, %mul3A_820 : vector<16xf32>
          %mul3A_824 = arith.mulf %exp3A_817, %add3A_823 : vector<16xf32>
          %add3A_825 = arith.addf %max3A_812, %mul3A_824 : vector<16xf32>
          %add3A_826 = arith.addf %add3A_678, %add3A_825 : vector<16xf32>
          %mul3A_827 = arith.constant 16 : i32
          %mul3A_828 = arith.muli %scan3A_270, %mul3A_827 : i32
          %get3A_829 = arith.constant 15 : i32
          %get3A_830 = arith.index_cast %get3A_829 : i32 to index
          %get3A_831 = arith.index_cast %mul3A_828 : i32 to index
          %get3A_832 = tpu.vector_load %arg12[%get3A_830, %get3A_831] {strides = array<i32>} : memref<16x1024xf32, #tpu.memory_space<vmem>>, vector<1x16xf32>,
          %get3A_833 = vector.shape_cast %get3A_832 : vector<1x16xf32> to vector<16xf32>
          %mul3A_834 = arith.constant 16 : i32
          %mul3A_835 = arith.muli %scan3A_270, %mul3A_834 : i32
          %get3A_836 = arith.constant 15 : i32
          %get3A_837 = arith.index_cast %get3A_836 : i32 to index
          %get3A_838 = arith.index_cast %mul3A_835 : i32 to index
          %get3A_839 = tpu.vector_load %arg13[%get3A_837, %get3A_838] {strides = array<i32>} : memref<16x1024xi32, #tpu.memory_space<vmem>>, vector<1x16xi32>,
          %get3A_840 = vector.shape_cast %get3A_839 : vector<1x16xi32> to vector<16xi32>
          %bitcast_convert_type3A_841 = tpu.bitcast %get3A_833 : vector<16xf32> -> vector<16xi32>
          %shift_left3A_842 = arith.constant 31 : i32
          %shift_left3A_843 = vector.broadcast %shift_left3A_842 : i32 to vector<16xi32>
          %shift_left3A_844 = arith.shli %get3A_840, %shift_left3A_843 : vector<16xi32>
          %xor3A_845 = arith.xori %bitcast_convert_type3A_841, %shift_left3A_844 : vector<16xi32>
          %bitcast_convert_type3A_846 = tpu.bitcast %xor3A_845 : vector<16xi32> -> vector<16xf32>
          %max3A_847 = arith.constant 0.000000e+00 : f32
          %max3A_848 = vector.broadcast %max3A_847 : f32 to vector<16xf32>
          %max3A_849 = arith.maximumf %bitcast_convert_type3A_846, %max3A_848 : vector<16xf32>
          %or3A_850 = arith.constant -2147483648 : i32
          %or3A_851 = vector.broadcast %or3A_850 : i32 to vector<16xi32>
          %or3A_852 = arith.ori %bitcast_convert_type3A_841, %or3A_851 : vector<16xi32>
          %bitcast_convert_type3A_853 = tpu.bitcast %or3A_852 : vector<16xi32> -> vector<16xf32>
          %exp3A_854 = math.exp %bitcast_convert_type3A_853 : vector<16xf32>
          %mul3A_855 = arith.constant -0.251813084 : f32
          %mul3A_856 = vector.broadcast %mul3A_855 : f32 to vector<16xf32>
          %mul3A_857 = arith.mulf %exp3A_854, %mul3A_856 : vector<16xf32>
          %add3A_858 = arith.constant 0.940572202 : f32
          %add3A_859 = vector.broadcast %add3A_858 : f32 to vector<16xf32>
          %add3A_860 = arith.addf %add3A_859, %mul3A_857 : vector<16xf32>
          %mul3A_861 = arith.mulf %exp3A_854, %add3A_860 : vector<16xf32>
          %add3A_862 = arith.addf %max3A_849, %mul3A_861 : vector<16xf32>
          %add3A_863 = arith.addf %add3A_715, %add3A_862 : vector<16xf32>
          %add3A_864 = arith.addf %add3A_752, %add3A_789 : vector<16xf32>
          %add3A_865 = arith.addf %add3A_826, %add3A_863 : vector<16xf32>
          %add3A_866 = arith.addf %add3A_864, %add3A_865 : vector<16xf32>
          %mul3A_867 = arith.mulf %add3A_866, %get3A_276 : vector<16xf32>
          %add3A_868 = arith.addf %scan3A_271, %mul3A_867 : vector<16xf32>
          scf.yield %add3A_868 : vector<16xf32>
        }
        %scan3A_257 = arith.constant 64 : i32
        %get3A_258 = arith.constant 0 : i32
        %get3A_259 = arith.index_cast %get3A_258 : i32 to index
        %get3A_260 = arith.constant 0 : index
        %get3A_261 = tpu.vector_load %arg15[%get3A_259, %get3A_260] {strides = array<i32>} : memref<1x16xf32, #tpu.memory_space<vmem>>, vector<1x16xf32>,
        %get3A_262 = vector.shape_cast %get3A_261 : vector<1x16xf32> to vector<16xf32>
        %add3A_263 = arith.addf %get3A_262, %scan3A_256 : vector<16xf32>
        %swap3A_264 = arith.constant 0 : i32
        %swap3A_265 = arith.index_cast %swap3A_264 : i32 to index
        %swap3A_266 = arith.constant 0 : index
        %swap3A_267 = tpu.vector_load %arg15[%swap3A_265, %swap3A_266] {strides = array<i32>} : memref<1x16xf32, #tpu.memory_space<vmem>>, vector<1x16xf32>,
        %swap3A_268 = vector.shape_cast %swap3A_267 : vector<1x16xf32> to vector<16xf32>
        %swap3A_269 = vector.shape_cast %add3A_263 : vector<16xf32> to vector<1x16xf32>
        tpu.vector_store %arg15[%swap3A_265, %swap3A_266], %swap3A_269 {strides = array<i32>} : memref<1x16xf32, #tpu.memory_space<vmem>>, vector<1x16xf32>,
      } else {
      }
      %scan3A_215 = arith.constant 0 : i32
      scf.yield %scan3A_215 : i32
    }
    %scan3A_170 = arith.constant 11 : i32
    %get3A = arith.constant 0 : i32
    %get3A_171 = arith.index_cast %get3A : i32 to index
    %get3A_172 = arith.constant 0 : index
    %get3A_173 = tpu.vector_load %arg15[%get3A_171, %get3A_172] {strides = array<i32>} : memref<1x16xf32, #tpu.memory_space<vmem>>, vector<1x16xf32>,
    %get3A_174 = vector.shape_cast %get3A_173 : vector<1x16xf32> to vector<16xf32>
    %mul3A_175 = arith.constant 16 : i32
    %mul3A_176 = arith.muli %select_n3A_139, %mul3A_175 : i32
    %sub3A_177 = arith.subi %mul3A_176, %scan3A_47 : i32
    %convert_element_type3A_178 = arith.sitofp %sub3A_177 : i32 to f32
    %mul3A_179 = arith.constant 0.688759148 : f32
    %mul3A_180 = arith.mulf %convert_element_type3A_178, %mul3A_179 : f32
    %mul3A_181 = vector.broadcast %mul3A_180 : f32 to vector<16xf32>
    %mul3A_182 = arith.mulf %scan3A_40, %mul3A_181 : vector<16xf32>
    %sub3A_183 = arith.subf %get3A_174, %mul3A_182 : vector<16xf32>
    %swap3A_184 = arith.constant 0 : index
    %swap3A_185 = tpu.vector_load %arg16[%swap3A_184] {strides = array<i32>} : memref<16xf32, #tpu.memory_space<vmem>>, vector<16xf32>,
    %swap3A_186 = vector.shape_cast %swap3A_185 : vector<16xf32> to vector<16xf32>
    %swap3A_187 = vector.shape_cast %sub3A_183 : vector<16xf32> to vector<16xf32>
    tpu.vector_store %arg16[%swap3A_184], %swap3A_187 {strides = array<i32>} : memref<16xf32, #tpu.memory_space<vmem>>, vector<16xf32>,
    "tpu.region"() ({
      %run_scoped3A = tpu.sem_alloc : memref<!tpu.dma_semaphore, #tpu.memory_space<semaphore_mem>>
      %dma_start3A = arith.constant 0 : i32
      %dma_start3A_195 = tpu.memref_slice %arg5[%add3A, %dma_start3A] : memref<32x16xf32, #tpu.memory_space<hbm>> -> memref<1x16xf32, #tpu.memory_space<hbm>>
      %dma_start3A_196 = tpu.memref_squeeze %dma_start3A_195 : memref<1x16xf32, #tpu.memory_space<hbm>> -> memref<16xf32, #tpu.memory_space<hbm>>
      %dma_start3A_197 = arith.constant 0 : i32
      %dma_start3A_198 = tpu.memref_slice %arg5[%add3A, %dma_start3A_197] : memref<32x16xf32, #tpu.memory_space<hbm>> -> memref<1x16xf32, #tpu.memory_space<hbm>>
      %dma_start3A_199 = tpu.memref_squeeze %dma_start3A_198 : memref<1x16xf32, #tpu.memory_space<hbm>> -> memref<16xf32, #tpu.memory_space<hbm>>
      tpu.enqueue_dma source(%arg16 : memref<16xf32, #tpu.memory_space<vmem>>) target(%dma_start3A_199 : memref<16xf32, #tpu.memory_space<hbm>>) target_semaphore(%run_scoped3A : memref<!tpu.dma_semaphore, #tpu.memory_space<semaphore_mem>>)
      %dma_wait3A = arith.constant 0 : i32
      %dma_wait3A_200 = tpu.memref_slice %arg5[%add3A, %dma_wait3A] : memref<32x16xf32, #tpu.memory_space<hbm>> -> memref<1x16xf32, #tpu.memory_space<hbm>>
      %dma_wait3A_201 = tpu.memref_squeeze %dma_wait3A_200 : memref<1x16xf32, #tpu.memory_space<hbm>> -> memref<16xf32, #tpu.memory_space<hbm>>
      %dma_wait3A_202 = arith.constant 0 : i32
      %dma_wait3A_203 = tpu.memref_slice %arg5[%add3A, %dma_wait3A_202] : memref<32x16xf32, #tpu.memory_space<hbm>> -> memref<1x16xf32, #tpu.memory_space<hbm>>
      %dma_wait3A_204 = tpu.memref_squeeze %dma_wait3A_203 : memref<1x16xf32, #tpu.memory_space<hbm>> -> memref<16xf32, #tpu.memory_space<hbm>>
      tpu.wait_dma2 semaphore(%run_scoped3A : memref<!tpu.dma_semaphore, #tpu.memory_space<semaphore_mem>>) src(%arg16 : memref<16xf32, #tpu.memory_space<vmem>>) dst(%dma_wait3A_204 : memref<16xf32, #tpu.memory_space<hbm>>)
      tpu.yield
    }) : () -> ()
    %convert_element_type3A_188 = arith.sitofp %scan3A_47 : i32 to f32
    %mul3A_189 = vector.broadcast %convert_element_type3A_188 : f32 to vector<16xf32>
    %mul3A_190 = arith.mulf %scan3A_40, %mul3A_189 : vector<16xf32>
    %swap3A_191 = arith.constant 0 : index
    %swap3A_192 = tpu.vector_load %arg16[%swap3A_191] {strides = array<i32>} : memref<16xf32, #tpu.memory_space<vmem>>, vector<16xf32>,
    %swap3A_193 = vector.shape_cast %swap3A_192 : vector<16xf32> to vector<16xf32>
    %swap3A_194 = vector.shape_cast %mul3A_190 : vector<16xf32> to vector<16xf32>
    tpu.vector_store %arg16[%swap3A_191], %swap3A_194 {strides = array<i32>} : memref<16xf32, #tpu.memory_space<vmem>>, vector<16xf32>,
    "tpu.region"() ({
      %run_scoped3A = tpu.sem_alloc : memref<!tpu.dma_semaphore, #tpu.memory_space<semaphore_mem>>
      %dma_start3A = arith.constant 0 : i32
      %dma_start3A_195 = tpu.memref_slice %arg6[%add3A, %dma_start3A] : memref<32x16xf32, #tpu.memory_space<hbm>> -> memref<1x16xf32, #tpu.memory_space<hbm>>
      %dma_start3A_196 = tpu.memref_squeeze %dma_start3A_195 : memref<1x16xf32, #tpu.memory_space<hbm>> -> memref<16xf32, #tpu.memory_space<hbm>>
      %dma_start3A_197 = arith.constant 0 : i32
      %dma_start3A_198 = tpu.memref_slice %arg6[%add3A, %dma_start3A_197] : memref<32x16xf32, #tpu.memory_space<hbm>> -> memref<1x16xf32, #tpu.memory_space<hbm>>
      %dma_start3A_199 = tpu.memref_squeeze %dma_start3A_198 : memref<1x16xf32, #tpu.memory_space<hbm>> -> memref<16xf32, #tpu.memory_space<hbm>>
      tpu.enqueue_dma source(%arg16 : memref<16xf32, #tpu.memory_space<vmem>>) target(%dma_start3A_199 : memref<16xf32, #tpu.memory_space<hbm>>) target_semaphore(%run_scoped3A : memref<!tpu.dma_semaphore, #tpu.memory_space<semaphore_mem>>)
      %dma_wait3A = arith.constant 0 : i32
      %dma_wait3A_200 = tpu.memref_slice %arg6[%add3A, %dma_wait3A] : memref<32x16xf32, #tpu.memory_space<hbm>> -> memref<1x16xf32, #tpu.memory_space<hbm>>
      %dma_wait3A_201 = tpu.memref_squeeze %dma_wait3A_200 : memref<1x16xf32, #tpu.memory_space<hbm>> -> memref<16xf32, #tpu.memory_space<hbm>>
      %dma_wait3A_202 = arith.constant 0 : i32
      %dma_wait3A_203 = tpu.memref_slice %arg6[%add3A, %dma_wait3A_202] : memref<32x16xf32, #tpu.memory_space<hbm>> -> memref<1x16xf32, #tpu.memory_space<hbm>>
      %dma_wait3A_204 = tpu.memref_squeeze %dma_wait3A_203 : memref<1x16xf32, #tpu.memory_space<hbm>> -> memref<16xf32, #tpu.memory_space<hbm>>
      tpu.wait_dma2 semaphore(%run_scoped3A : memref<!tpu.dma_semaphore, #tpu.memory_space<semaphore_mem>>) src(%arg16 : memref<16xf32, #tpu.memory_space<vmem>>) dst(%dma_wait3A_204 : memref<16xf32, #tpu.memory_space<hbm>>)
      tpu.yield
    }) : () -> ()
    return
  }
}

</mosaic_0001>

<sc_bundles>
// kernel: kernel.3.cloned.1.call-start
scs
__scs_entry_jumppad:
0x0: {  	(pc) =	sbr.rel $0x88, $3  }
0x1: {  	(tag) =	ssettag $0x0;
	lr =	simm.s32 $0x1  }
0x2: {  	[smem:$0x3F9E] =	sst lr;
	_ =	strace $0xD0000000  }
0x3: {  	_ = 	snop  }
0x4: {  	_ = 	snop  }
0x5: {  	_ = 	snop  }
0x6: {  	_ = 	snop  }
0x7: {  	_ = 	snop  }
__scs_overlays_trampoline_lowered:
0x8: {  	[smem:$0x3FAD] =	sst s0  }
0x9: {  	[smem:$0x3FAE] =	sst s1  }
0xa: {  	[smem:$0x3FAF] =	sst s2  }
0xb: {  	[smem:$0x3FB0] =	sst s3  }
0xc: {  	[smem:$0x3FB1] =	sst s4  }
0xd: {  	[smem:$0x3FB2] =	sst s5  }
0xe: {  	[smem:$0x3FB3] =	sst s6  }
0xf: {  	[smem:$0x3FB4] =	sst s7  }
0x10: {  	[smem:$0x3FB5] =	sst s8  }
0x11: {  	[smem:$0x3FB6] =	sst s9;
	s0 =	simm.s32 @!p0 $0x0  }
0x12: {  	s1 =	sld [smem:$0x3F9C];
	s0 =	simm.s32 @p0 $0x1  }
0x13: {  	[smem:$0x3FB7] =	sst s0;
	s0 =	simm.s32 @!p1 $0x0  }
0x14: {  	s2 =	sld [smem:$0x3F9B];
	s0 =	simm.s32 @p1 $0x1  }
0x15: {  	[smem:$0x3FB8] =	sst s0;
	s0 =	simm.s32 @!p2 $0x0  }
0x16: {  	s3 =	sld [smem:$0x3FDB];
	s0 =	simm.s32 @p2 $0x1  }
0x17: {  	s4 =	simm.s32 $0x1BF5;
	[smem:$0x3FBA] =	sst s0  }
0x18: {  	s0 =	sld [smem:$0x3F9D];
	_ =	swait.ge [sflag:s4], $0x0  }
0x19: {  	s7 =	sld [smem:$0x3F9E]  }
0x1a: {  	s8 =	sadd.s32 $0xFFFFE003, lr  }
0x1b: {  	s9 =	sadd.s32 $0xFFFFFEF7, lr;
	s5 =	simm.s32 $0xFFFFFFFF;
	p2 =	slt.u32 s8, $0xFFFFF086  }
0x1c: {  	p1 =	slt.u32 s9, $0xF7A;
	s5 =	simm.s32 @!p2 $0x0  }
0x1d: {  	s5 =	simm.s32 @p1 $0x1;
	p0 =	seq.s32 s7, s2  }
0x1e: {  	s7 =	smul.u32 @!p0 $0xF7A, s2;
	p2 =	seq.s32 @!p0 s5, $0x0  }
0x1f: {  	s9 =	smul.u32 $0xF7A, s1;
	s8 =	simm.s32 @!p0 $0x1BF5;
	p2 =	por !p2, p0  }
0x20: {  	[sflag:s8] =	ssyncset.s32 @!p0 $0xFFFFF086;
	s6 =	sadd.s32 @!p0 s3, s7;
	s7 =	simm.s32 @!p0 $0x108  }
0x21: {  	s3 =	sadd.s32 s3, s9;
	s6 =	sadd.s32 @!p0 $0x88, s6;
	s7 =	simm.s32 @p2 $0x1082  }
0x22: {  	[simem:s7], [sflag:s8] =	dma.local @!p0 [hbm:s6], $0xF7A  }
0x23: {  	s9 =	sor.u32 $0xD0000000, s2;
	s6 =	simm.s32 $0x108;
	_ =	swait.ge @!p0 [sflag:s8], $0x0  }
0x24: {  	s3 =	sadd.s32 $0x88, s3;
	s6 =	simm.s32 @!p1 $0x1082;
	[sflag:s4] =	ssyncset.s32 $0xFFFFF086  }
0x25: {  	[simem:s6], [sflag:s4] =	dma.local [hbm:s3], $0xF7A  }
0x26: {  	[smem:$0x3F9E] =	sst s1;
	(tag) =	ssettag s2;
	_ =	strace s9  }
0x27: {  	s1 =	sld [smem:$0x3FAE]  }
0x28: {  	s2 =	sld [smem:$0x3FAF]  }
0x29: {  	s4 =	sld [smem:$0x3FB1]  }
0x2a: {  	p0 =	seq.s32 s5, $0x0;
	s5 =	sld [smem:$0x3FB2]  }
0x2b: {  	s6 =	sld [smem:$0x3FB3]  }
0x2c: {  	s7 =	sld [smem:$0x3FB4]  }
0x2d: {  	s3 =	simm.s32 $0x108;
	s8 =	sld [smem:$0x3FB5]  }
0x2e: {  	s3 =	simm.s32 @!p0 $0x1082;
	s9 =	sld [smem:$0x3FB6]  }
0x2f: {  	lr =	sadd.s32 s0, s3;
	s0 =	sld [smem:$0x3FAD]  }
0x30: {  	s3 =	sld [smem:$0x3FB0]  }
0x31: {  	[smem:$0x3FB9] =	sst s10  }
0x32: {  	s10 =	sld [smem:$0x3FB7];
	_ =	sdelay $0x3  }
0x33: {  	p0 =	seq.s32 s10, $0x1;
	s10 =	sld [smem:$0x3FB9];
	_ =	sdelay $0x3  }
0x34: {  	[smem:$0x3FB9] =	sst s10  }
0x35: {  	s10 =	sld [smem:$0x3FB8];
	_ =	sdelay $0x3  }
0x36: {  	p1 =	seq.s32 s10, $0x1;
	s10 =	sld [smem:$0x3FB9];
	_ =	sdelay $0x3  }
0x37: {  	[smem:$0x3FB9] =	sst s10  }
0x38: {  	s10 =	sld [smem:$0x3FBA]  }
0x39: {  	_ = 	snop;
	(pc) =	sbr.ind lr, $3  }
0x3a: {  	_ = 	snop  }
0x3b: {  	_ = 	snop  }
0x3c: {  	p2 =	seq.s32 s10, $0x1;
	s10 =	sld [smem:$0x3FB9]  }
0x3d: {  	_ =	shalt  }
0x3e: {  	_ =	shalt  }
0x3f: {  	_ =	shalt  }
0x40: {  	_ =	shalt  }
0x41: {  	_ =	shalt  }
0x42: {  	_ =	shalt  }
0x43: {  	_ =	shalt  }
0x44: {  	_ =	shalt  }
0x45: {  	_ =	shalt  }
0x46: {  	_ =	shalt  }
0x47: {  	_ =	shalt  }
0x48: {  	_ =	shalt  }
0x49: {  	_ =	shalt  }
0x4a: {  	_ =	shalt  }
0x4b: {  	_ =	shalt  }
0x4c: {  	_ =	shalt  }
0x4d: {  	_ =	shalt  }
0x4e: {  	_ =	shalt  }
0x4f: {  	_ =	shalt  }
0x50: {  	_ =	shalt  }
0x51: {  	_ =	shalt  }
0x52: {  	_ =	shalt  }
0x53: {  	_ =	shalt  }
0x54: {  	_ =	shalt  }
0x55: {  	_ =	shalt  }
0x56: {  	_ =	shalt  }
0x57: {  	_ =	shalt  }
0x58: {  	_ =	shalt  }
0x59: {  	_ =	shalt  }
0x5a: {  	_ =	shalt  }
0x5b: {  	_ =	shalt  }
0x5c: {  	_ =	shalt  }
0x5d: {  	_ =	shalt  }
0x5e: {  	_ =	shalt  }
0x5f: {  	_ =	shalt  }
0x60: {  	_ =	shalt  }
0x61: {  	_ =	shalt  }
0x62: {  	_ =	shalt  }
0x63: {  	_ =	shalt  }
0x64: {  	_ =	shalt  }
0x65: {  	_ =	shalt  }
0x66: {  	_ =	shalt  }
0x67: {  	_ =	shalt  }
0x68: {  	_ =	shalt  }
0x69: {  	_ =	shalt  }
0x6a: {  	_ =	shalt  }
0x6b: {  	_ =	shalt  }
0x6c: {  	_ =	shalt  }
0x6d: {  	_ =	shalt  }
0x6e: {  	_ =	shalt  }
0x6f: {  	_ =	shalt  }
0x70: {  	_ =	shalt  }
0x71: {  	_ =	shalt  }
0x72: {  	_ =	shalt  }
0x73: {  	_ =	shalt  }
0x74: {  	_ =	shalt  }
0x75: {  	_ =	shalt  }
0x76: {  	_ =	shalt  }
0x77: {  	_ =	shalt  }
0x78: {  	_ =	shalt  }
0x79: {  	_ =	shalt  }
0x7a: {  	_ =	shalt  }
0x7b: {  	_ =	shalt  }
0x7c: {  	_ =	shalt  }
0x7d: {  	_ =	shalt  }
0x7e: {  	_ =	shalt  }
0x7f: {  	_ =	shalt  }
0x80: {  	_ =	shalt  }
0x81: {  	_ =	shalt  }
0x82: {  	_ =	shalt  }
0x83: {  	_ =	shalt  }
0x84: {  	_ =	shalt  }
0x85: {  	_ =	shalt  }
0x86: {  	_ =	shalt  }
0x87: {  	_ =	shalt  }
.Lfunc_end0:
.L_simem_size_0:
called_computation_lowered:
.L_overlay_start_0:
0x88: {  	s2 =	sld [smem:$0x3FD9]  }
0x89: {  	s3 =	sld [smem:$0x3FFE];
	_ =	sdelay $0x1  }
0x8a: {  	s1 =	srdreg.scid  }
0x8b: {  	s0 =	sand.u32 $0x1, s1  }
0x8c: {  	s17 =	sshll.u32 s0, $0xA;
	s2 =	sadd.s32 s3, s2  }
0x8d: {  	s2 =	sadd.s32 s2, s17  }
0x8e: {  	[smem:$0x3FC5] =	sst s2  }
0x8f: {  	_ = 	snop  }
0x90: {  	s2 =	sld [smem:$0x3FC8]  }
0x91: {  	s18 =	sld [smem:$0x3FC7];
	(tm) =	ssettm $0x1  }
0x92: {  	s4 =	sld [smem:$0x3FFB];
	_ =	sdelay $0x3  }
0x93: {  	_ =	strace s4  }
0x94: {  	s4 =	sld [smem:$0x3FFC];
	_ =	sdelay $0x3  }
0x95: {  	_ =	strace s4  }
0x96: {  	s4 =	sld [smem:$0x3FFD];
	_ =	sdelay $0x3  }
0x97: {  	_ =	strace s4  }
0x98: {  	_ =	strace $0x8FFFFFFF  }
0x99: {  	s19 =	sld [smem:$0x3FDB];
	_ =	sdelay $0x1  }
0x9a: {  	s5 =	simm.s32 $_scs_section_size  }
0x9b: {  	s6 =	simm.s32 $_size__tile_overlayer_lowered;
	s7 =	simm.s32 $_tile_overlayer_lowered  }
0x9c: {  	s22 =	simm.s32 $0x1BFF;
	s21 =	sshll.u32 s7, $0x1;
	s4 =	sadd.s32 s5, s19  }
0x9d: {  	s8 =	simm.s32 $0x0;
	s20 =	sshll.u32 s6, $0x1;
	s6 =	sadd.s32 s21, s4  }
0x9e: {  	[timem:s8], [sflag:s22] =	dma.local [hbm:s6], s20  }
0x9f: {  	_ =	swait.ge [sflag:s22], s20  }
0xa0: {  	s5 =	ssub.s32 $0x0, s20;
	[sflag:s22] =	ssyncset.done $0x0  }
0xa1: {  	[sflag:s22] =	ssyncadd.s32 s5;
	_ =	sdelay $0x1  }
0xa2: {  	s23 =	simm.s32 $0x1B8B  }
0xa3: {  	_ =	swait.ge [sflag:s23], $0x1  }
0xa4: {  	[sflag:s23] =	ssyncset.done $0x0  }
0xa5: {  	s25 =	simm.s32 $0x1B8E;
	s24 =	sld [smem:$0x3FFE];
	[sflag:s23] =	ssyncadd.s32 $0xFFFFFFFF  }
0xa6: {  	s26 =	simm.s32 $execute0_lowered;
	[smem:$0x3FD2] =	sst s25  }
0xa7: {  	s6 =	sshll.u32 s26, $0x1;
	_ =	strace $0x80000046;
	[dreg:$0x1] =	wrdreg $0xFFFFFFFF  }
0xa8: {  	s28 =	simm.s32 $_size_execute0_lowered;
	s4 =	sadd.s32 s4, s6;
	[dreg:$0x0] =	wrdreg $0x0  }
0xa9: {  	s6 =	sshll.u32 s28, $0x1;
	[dreg:$0x2] =	wrdreg s4  }
0xaa: {  	[dreg:$0x3] =	wrdreg s6  }
0xab: {  	[dreg:$0x4] =	wrdreg $0xC0  }
0xac: {  	_ =	task [dreg:s8], $0x5FFFF  }
0xad: {  	[dreg:$0x1] =	wrdreg $0xFFFFFFFF  }
0xae: {  	[dreg:$0x0] =	wrdreg $0x60  }
0xaf: {  	[dreg:$0x2] =	wrdreg s24  }
0xb0: {  	[dreg:$0x3] =	wrdreg s18  }
0xb1: {  	[dreg:$0x4] =	wrdreg s2  }
0xb2: {  	[dreg:$0x5] =	wrdreg $0x9  }
0xb3: {  	_ =	task.clear_ibuf [dreg:s8], $0x6FFFF;
	_ =	strace $0x90000046  }
0xb4: {  	s29 =	simm.s32 $0x9;
	_ =	strace $0x80000048  }
0xb5: {  	_ =	swait.ge [sflag:s29], $0x1  }
0xb6: {  	[sflag:s29] =	ssyncadd.s32 $0xFFFFFFFF  }
0xb7: {  	_ =	strace $0x90000048  }
0xb8: {  	_ =	sfence  }
0xb9: {  	s30 =	sld [smem:$0x0];
	_ =	sdelay $0x2  }
0xba: {  	s31 =	sshll.u32 s1, $0xD;
	s1 =	sshrl.u32 s1, $0x2  }
0xbb: {  	s3 =	sand.u32 $0x4000, s31;
	s1 =	sadd.s32 s1, s30  }
0xbc: {  	s0 =	sor.u32 s3, s0;
	s1 =	sshll.u32 s1, $0x11  }
0xbd: {  	s0 =	sor.u32 s1, s0  }
0xbe: {  	s0 =	sadd.s32 $0x8F2B, s0  }
0xbf: {  	[sflag:s0] =	ssyncadd.remote.s32 $0x1  }
0xc0: {  	_ =	sfence.sel $0xFFFF  }
0xc1: {  	[dreg:$0x0] =	wrdreg $0xFFFFFFFF;
	(pc) =	sbr.abs _section_cstart, $3  }
0xc2: {  	[dreg:$0x1] =	wrdreg $0xFFFFFFFF  }
0xc3: {  	_ =	task.clear_ibuf [dreg:s8], $0x2FFFF;
	_ =	strace $0x9FFFFFFF  }
0xc4: {  	(tm) =	ssettm $0x7FFFFFFF  }
0xc5: {  	_ =	shalt  }
tec
execute0_lowered:
.L_overlay_start_1:
0x0: {  	(tag) =	ssettag $0x1  }
0x1: {  	s0 =	srdreg.scid;
	s1 =	rddreg [dreg:$0x0]  }
0x2: {  	s2 =	stileid.u32;
	s10 =	rddreg [dreg:$0x1]  }
0x3: {  	s23 =	rddreg [dreg:$0x2];
	s17 =	simm.s32 $0x0;
	s5 =	simm.s32 $0x1  }
0x4: {  	s0 =	sand.u32 $0x1, s0;
	s3 =	sshll.u32 s2, $0x1;
	[smem:$0x7FF] =	sst s17  }
0x5: {  	s20 =	sadd.s32 $0x100, s10;
	s24 =	sadd.s32 $0x200, s10;
	s25 =	sadd.s32 $0x300, s10  }
0x6: {  	s26 =	sadd.s32 $0x100, s23;
	s13 =	sadd.s32 $0x200, s23;
	s14 =	sadd.s32 $0x300, s23  }
0x7: {  	s4 =	sor.u32 s0, s3;
	_ =	strace $0x80000047;
	[dreg:$0x5] =	wrdreg s20  }
0x8: {  	p1 =	seq.s32 s0, $0x1;
	[dreg:$0x6] =	wrdreg s24;
	p0 =	seq.s32 s4, $0x0  }
0x9: {  	s6 =	ssub.s32 $0x2, s0;
	[dreg:$0x7] =	wrdreg s25;
	p0 =	por !p0, !p1  }
0xa: {  	v0 =	vimm.f32 $0.0e+00;
	s3 =	simm.s32 $0x4;
	[dreg:$0x8] =	wrdreg s26;
	p0 =	por !p0, !p0  }
0xb: {  	vm0 =	vcmask $0x300;
	vm1 =	vcmask $0x704;
	vm2 =	vcmask $0xB08;
	s4 =	sshll.u32 s4, $0x4;
	s8 =	sshrl.u32 s6, $0x1;
	s5 =	simm.s32 @!p0 $0x0  }
0xc: {  	vm3 =	vcmask $0xF0C;
	vm4 =	vcmask $0x1310;
	vm5 =	vcmask $0x1714;
	s4 =	sadd.s32 s4, s1;
	s8 =	ssub.s32 s6, s8;
	s5 =	ssub.s32 s2, s5  }
0xd: {  	vm6 =	vcmask $0x1B18;
	vm7 =	vcmask $0x1F1C;
	vm8 =	vcmask $0x2320;
	s29 =	sadd.s32 $0xA00, s4;
	s7 =	sshll.u32 s5, $0xA;
	s5 =	sshll.u32 s5, $0x7  }
.Ltmp0:
0xe: {  	vm9 =	vcmask $0x2724;
	vm10 =	vcmask $0x2B28;
	vm11 =	vcmask $0x2F2C;
	s9 =	sand.u32 $0xFFFFE000, s7;
	s5 =	sand.u32 $0x380, s5;
	(pc) =	sbr.rel .LBB2_1-.Ltmp0, $4  }
0xf: {  	v3 =	vlaneseq.u32;
	vm12 =	vcmask $0x3330;
	vm13 =	vcmask $0x3734;
	s30 =	sadd.s32 $0x800, s4;
	[dreg:$0x9] =	wrdreg s29;
	s5 =	sor.u32 s5, s9  }
0x10: {  	vm14 =	vcmask $0x3B38;
	vm15 =	vmmov $0xffff;
	v4 =	vimm.s32 $0x0;
	s31 =	smax.u32 s8, $0x1;
	[dreg:$0xa] =	wrdreg s30;
	s28 =	sshrl.u32 s5, $0x3  }
0x11: {  	v2 =	vshrl.u32 v3, $0x3;
	v1 =	vand.u32 $0x7, v3;
	v4 =	vsel vm15, $0xFFFFFFFF, v4;
	s6 =	sshll.u32 s0, $0x9;
	[dreg:$0xb] =	wrdreg s31;
	s0 =	sadd.s32 s1, s28  }
0x12: {  	v3 =	vor.u32 $0x8, v3;
	v2 =	vmul.u32 $0x8, v2;
	[tilespmem:$0x1FFF0] =	vst v4;
	v4 =	vimm.s32 $0x0;
	s7 =	sor.u32 s6, s7;
	s1 =	simm.s32 $0x0;
	[dreg:$0x4] =	wrdreg s0  }
.LBB2_44:
0x13: {  	s0 =	sshll.u32 s30, $0x4  }
0x14: {  	s0 =	ssub.s32 s0, s29  }
0x15: {  	s0 =	scvt.s32.f32 s0  }
0x16: {  	v6 =	vld [tilespmem:$0x19800]  }
0x17: {  	s0 =	smul.f32 $6.887591480e-01, s0;
	_ =	sdelay $0x1  }
0x18: {  	v7 =	vmul.f32 s0, v5;
	_ =	sdelay $0x1  }
0x19: {  	v6 =	vsub.f32 v6, v7  }
0x1a: {  	s26 =	rddreg [dreg:$0x9]  }
0x1b: {  	s1 =	simm.s32 $0x19880;
	s28 =	scvt.s32.f32 s29;
	s3 =	simm.s32 $0x4;
	[tilespmem:$0x19880] =	vst v6  }
0x1c: {  	[hbm4b:s26+s17] =	stream.linear.scatter [tilespmem:s1], [sflag:$0x4], $0x80, $0x38;
	[tilespmem:$0x19900] =	vst v63  }
0x1d: {  	_ =	swait.ge [sflag:s3], $0x80  }
0x1e: {  	v5 =	vmul.f32 s28, v5;
	[sflag:s3] =	ssyncset.done $0x0  }
0x1f: {  	[sflag:s3] =	ssyncadd.s32 $0xFFFFFF80  }
0x20: {  	s29 =	rddreg [dreg:$0xa];
	[tilespmem:$0x19880] =	vst v5  }
0x21: {  	[hbm4b:s29+s17] =	stream.linear.scatter [tilespmem:s1], [sflag:$0x4], $0x80, $0x38;
	[tilespmem:$0x19900] =	vst v63  }
0x22: {  	_ =	swait.ge [sflag:s3], $0x80  }
0x23: {  	s30 =	rddreg [dreg:$0xc]  }
0x24: {  	s31 =	rddreg [dreg:$0xb];
	s1 =	sadd.s32 $0x1, s30  }
0x25: {  	p0 =	sne.s32 s1, s31  }
.Ltmp1:
0x26: {  	_ = 	snop;
	(pc) =	sbr.rel @!p0 .LBB2_45-.Ltmp1, $3  }
0x27: {  	_ =	sdelay $0x1  }
0x28: {  	[sflag:s3] =	ssyncset.done $0x0  }
0x29: {  	[sflag:s3] =	ssyncadd.s32 $0xFFFFFF80  }
.LBB2_1:
0x2a: {  	[dreg:$0xc] =	wrdreg s1  }
0x2b: {  	s0 =	rddreg [dreg:$0x4];
	s30 =	simm.s32 $0x80;
	s2 =	simm.s32 $0x400  }
0x2c: {  	[tilespmem:s17], [sflag:$0x4] =	stream.strided.gather [hbm4b:s0+s30], $0x400, s2, s30, $0x38;
	[tilespmem:$0x19900] =	vst v63  }
0x2d: {  	_ =	swait.ge [sflag:s3], $0x400  }
0x2e: {  	[sflag:s3] =	ssyncset.done $0x0  }
0x2f: {  	s31 =	simm.s32 $0x0;
	[sflag:s3] =	ssyncadd.s32 $0xFFFFFC00  }
0x30: {  	v5 =	vimm.f32 $0.0e+00;
	s0 =	simm.s32 $0x40;
	v6 =	vld [tilespmem:s31+$0x0]  }
.LBB2_2:
0x31: {  	p0 =	sne.s32 s0, $0xFC0  }
.Ltmp2:
0x32: {  	_ = 	snop;
	(pc) =	sbr.rel @p0 .LBB2_2-.Ltmp2, $3  }
0x33: {  	_ =	sdelay $0x1  }
0x34: {  	s1 =	sshra.s32 s0, $0x2;
	s0 =	sadd.s32 $0x40, s0;
	v5 =	vadd.f32 v6, v5  }
0x35: {  	v6 =	vld [tilespmem:s1+$0x0]  }
0x36: {  	s23 =	simm.s32 $0x0  }
0x37: {  	s0 =	sand.u32 $0x180, s23  }
0x38: {  	s1 =	sand.u32 $0x70, s23;
	s0 =	sadd.s32 s0, s6  }
0x39: {  	s0 =	sadd.s32 s1, s0  }
0x3a: {  	v7 =	vld [tilespmem:s0+$0x0];
	_ =	sdelay $0x4  }
0x3b: {  	(v2sf) =	vpush v7, $0xF  }
0x3c: {  	(v2sf) =	vpush v7, $0xE  }
0x3d: {  	(v2sf) =	vpush v7, $0xD  }
0x3e: {  	(v2sf) =	vpush v7, $0x8  }
0x3f: {  	(v2sf) =	vpush v7, $0xA  }
0x40: {  	(v2sf) =	vpush v7, $0x7  }
0x41: {  	(v2sf) =	vpush v7, $0x6  }
0x42: {  	(v2sf) =	vpush v7, $0x5  }
0x43: {  	(v2sf) =	vpush v7, $0x4  }
0x44: {  	(v2sf) =	vpush v7, $0x2  }
0x45: {  	(v2sf) =	vpush v7, $0x3  }
0x46: {  	(v2sf) =	vpush v7, $0x1  }
0x47: {  	(v2sf) =	vpush v7, $0x0;
	_ =	sdelay $0x2  }
0x48: {  	s20 =	spop (v2sf)  }
0x49: {  	s21 =	spop (v2sf)  }
0x4a: {  	s18 =	simm.s32 $0x20;
	s0 =	simm.s32 $0x10;
	(v2sf) =	vpush v7, $0xC;
	s4 =	spop (v2sf)  }
0x4b: {  	s30 =	simm.s32 $0x1;
	s25 =	sand.u32 $0x180, s0;
	(v2sf) =	vpush v7, $0x9;
	s5 =	spop (v2sf)  }
0x4c: {  	s26 =	sadd.s32 s25, s6;
	p4 =	sgt.f32 s21, $5.000000000e-01;
	s8 =	spop (v2sf)  }
0x4d: {  	s21 =	sand.u32 $0x70, s0;
	s16 =	spop (v2sf);
	p0 =	sgt.f32 s8, $5.000000000e-01  }
0x4e: {  	p3 =	sgt.f32 s20, $5.000000000e-01;
	s21 =	sadd.s32 s21, s26;
	s17 =	spop (v2sf)  }
0x4f: {  	p5 =	sgt.f32 s16, $5.000000000e-01;
	s19 =	spop (v2sf);
	s1 =	simm.s32 @!p0 $0x0  }
0x50: {  	s16 =	simm.s32 $0x1;
	s15 =	spop (v2sf);
	s1 =	simm.s32 @p0 $0x1  }
0x51: {  	p0 =	sgt.f32 s4, $5.000000000e-01;
	s4 =	simm.s32 $0x1;
	s20 =	spop (v2sf)  }
0x52: {  	[smem:$0x7FB] =	sst s1;
	s1 =	sadd.s32 $0x0, s7;
	s24 =	spop (v2sf)  }
0x53: {  	s2 =	simm.s32 @!p0 $0x0;
	p2 =	sgt.f32 s20, $5.000000000e-01;
	s8 =	spop (v2sf)  }
0x54: {  	s29 =	sadd.s32 $0x7, s1;
	s31 =	sadd.s32 $0x5, s1;
	s22 =	spop (v2sf)  }
0x55: {  	v5 =	vadd.f32 v6, v5;
	v6 =	vld [tilespmem:s21+$0x0];
	s26 =	sadd.s32 $0x3, s1;
	s21 =	sadd.s32 $0xC, s1;
	p1 =	sgt.f32 s22, $5.000000000e-01  }
0x56: {  	s2 =	simm.s32 @p0 $0x1;
	p0 =	sgt.f32 s19, $5.000000000e-01;
	s19 =	sadd.s32 $0x2, s1  }
0x57: {  	p6 =	sgt.f32 s24, $5.000000000e-01;
	s4 =	simm.s32 @!p1 $0x0;
	p1 =	sgt.f32 s5, $5.000000000e-01  }
0x58: {  	[smem:$0x7FC] =	sst s2;
	s16 =	simm.s32 @!p2 $0x0;
	s30 =	simm.s32 @!p0 $0x0  }
0x59: {  	p0 =	sgt.f32 s17, $5.000000000e-01;
	s20 =	spop (v2sf);
	s2 =	simm.s32 @!p1 $0x0  }
0x5a: {  	s22 =	sadd.s32 $0x8, s1;
	s28 =	spop (v2sf);
	s2 =	simm.s32 @p1 $0x1  }
0x5b: {  	s17 =	sadd.s32 $0x1, s1;
	(v2sf) =	vpush v7, $0xB;
	p2 =	sgt.f32 s28, $5.000000000e-01;
	[smem:$0x7FD] =	sst s2  }
.LBB2_4:
0x5c: {  	p1 =	sgt.f32 s8, $5.000000000e-01;
	s24 =	sadd.s32 $0x4, s1;
	s28 =	simm.s32 $0x1  }
0x5d: {  	s8 =	smov.u32 s0;
	s0 =	smov.u32 s18;
	[smem:s23] =	sst s1  }
0x5e: {  	s11 =	sadd.s32 s4, s23;
	s25 =	simm.s32 $0x1;
	s2 =	simm.s32 $0x1  }
0x5f: {  	s3 =	simm.s32 $0x1;
	s5 =	sadd.s32 $0x9, s1;
	s9 =	simm.s32 $0x1  }
0x60: {  	s4 =	sadd.s32 $0xD, s1;
	s10 =	sld [smem:$0x7FB];
	s28 =	simm.s32 @!p2 $0x0  }
0x61: {  	s25 =	simm.s32 @!p0 $0x0;
	p0 =	sgt.f32 s15, $5.000000000e-01;
	s15 =	sadd.s32 $0x6, s1;
	(v2sf) =	vpush v6, $0xF  }
0x62: {  	s2 =	simm.s32 @!p5 $0x0;
	[smem:s11] =	sst s17;
	s3 =	simm.s32 @!p1 $0x0  }
0x63: {  	s17 =	simm.s32 $0x1;
	p1 =	sgt.f32 s20, $5.000000000e-01;
	s3 =	sadd.s32 s3, s11;
	(v2sf) =	vpush v6, $0xE  }
0x64: {  	s17 =	simm.s32 @!p6 $0x0;
	s16 =	sadd.s32 s16, s3;
	[smem:s3] =	sst s19  }
0x65: {  	s20 =	simm.s32 $0x1;
	s9 =	simm.s32 @!p0 $0x0;
	[smem:s16] =	sst s26  }
0x66: {  	s19 =	sand.u32 $0x180, s0;
	s23 =	sadd.s32 s17, s16;
	s26 =	sld [smem:$0x7FC]  }
0x67: {  	s17 =	simm.s32 $0x1;
	s16 =	simm.s32 $0x1;
	(v2sf) =	vpush v6, $0xD;
	[smem:s23] =	sst s24  }
0x68: {  	s17 =	simm.s32 @!p1 $0x0;
	s9 =	sadd.s32 s9, s23;
	s23 =	sld [smem:$0x7FD]  }
0x69: {  	s24 =	sadd.s32 $0xA, s1;
	(v2sf) =	vpush v6, $0x8;
	s11 =	sadd.s32 s30, s9;
	[smem:s9] =	sst s31  }
0x6a: {  	p1 =	sne.s32 s18, $0x1F0;
	[smem:s11] =	sst s15;
	s3 =	sadd.s32 s25, s11  }
0x6b: {  	s9 =	simm.s32 $0x1;
	[smem:s3] =	sst s29;
	s12 =	spop (v2sf)  }
0x6c: {  	s2 =	sadd.s32 s2, s3;
	s3 =	simm.s32 $0x1;
	p0 =	sgt.f32 s12, $5.000000000e-01  }
0x6d: {  	s30 =	simm.s32 $0x1;
	s15 =	simm.s32 $0x1;
	s3 =	simm.s32 @!p4 $0x0  }
0x6e: {  	[smem:s2] =	sst s22;
	s20 =	simm.s32 @!p0 $0x0;
	p0 =	seq.s32 s10, $0x1  }
0x6f: {  	s12 =	sadd.s32 $0xB, s1;
	s16 =	simm.s32 @!p0 $0x0;
	p0 =	seq.s32 s23, $0x1  }
0x70: {  	(v2sf) =	vpush v6, $0xA;
	s9 =	simm.s32 @!p0 $0x0;
	p0 =	seq.s32 s26, $0x1;
	s10 =	spop (v2sf)  }
0x71: {  	(v2sf) =	vpush v6, $0x7;
	s15 =	simm.s32 @!p0 $0x0;
	s2 =	sadd.s32 s9, s2;
	s9 =	simm.s32 $0x1  }
0x72: {  	(v2sf) =	vpush v6, $0x6;
	s11 =	spop (v2sf);
	p0 =	sgt.f32 s10, $5.000000000e-01;
	s9 =	simm.s32 @!p3 $0x0  }
0x73: {  	(v2sf) =	vpush v6, $0x5;
	[smem:s2] =	sst s5;
	s2 =	sadd.s32 s28, s2;
	s5 =	sadd.s32 $0xE, s1  }
0x74: {  	(v2sf) =	vpush v6, $0x4;
	[smem:s2] =	sst s24;
	s2 =	sadd.s32 s16, s2;
	s10 =	simm.s32 @!p0 $0x0  }
0x75: {  	s16 =	simm.s32 $0x1;
	[smem:s2] =	sst s12;
	s2 =	sadd.s32 s20, s2  }
0x76: {  	(v2sf) =	vpush v6, $0x2;
	s10 =	simm.s32 @p0 $0x1;
	s12 =	spop (v2sf);
	p0 =	sgt.f32 s11, $5.000000000e-01  }
0x77: {  	(v2sf) =	vpush v6, $0x3;
	s11 =	sand.u32 $0x70, s0;
	[smem:$0x7F9] =	sst s10;
	s17 =	sadd.s32 s17, s2  }
0x78: {  	(v2sf) =	vpush v6, $0x1;
	s20 =	spop (v2sf);
	[smem:s2] =	sst s21;
	s2 =	sadd.s32 s19, s6  }
0x79: {  	s22 =	sadd.s32 s15, s17;
	[smem:s17] =	sst s4;
	s4 =	simm.s32 @!p0 $0x0  }
0x7a: {  	(v2sf) =	vpush v6, $0x0;
	s2 =	sadd.s32 s11, s2;
	p3 =	sgt.f32 s20, $5.000000000e-01;
	s3 =	sadd.s32 s3, s22  }
0x7b: {  	(v2sf) =	vpush v6, $0xC;
	s4 =	simm.s32 @p0 $0x1;
	[smem:s22] =	sst s5;
	s5 =	sadd.s32 $0xF, s1  }
0x7c: {  	(v2sf) =	vpush v6, $0x9;
	s1 =	sadd.s32 s8, s7;
	[smem:$0x7FA] =	sst s4;
	s23 =	sadd.s32 s9, s3  }
0x7d: {  	s9 =	sadd.s32 $0x10, s18;
	[smem:s3] =	sst s5;
	s5 =	simm.s32 @!p3 $0x0  }
0x7e: {  	s22 =	sadd.s32 $0x8, s1;
	s19 =	sadd.s32 $0x2, s1;
	s5 =	simm.s32 @p3 $0x1  }
0x7f: {  	s29 =	sadd.s32 $0x7, s1;
	s24 =	spop (v2sf);
	[smem:$0x7FD] =	sst s5  }
0x80: {  	s17 =	sadd.s32 $0x1, s1;
	s25 =	spop (v2sf);
	p0 =	sgt.f32 s24, $5.000000000e-01  }
0x81: {  	s31 =	sadd.s32 $0x5, s1;
	s26 =	spop (v2sf);
	p5 =	sgt.f32 s25, $5.000000000e-01  }
0x82: {  	s25 =	sld [smem:$0x7F9];
	s10 =	simm.s32 @!p0 $0x0;
	s28 =	spop (v2sf)  }
0x83: {  	s10 =	simm.s32 @p0 $0x1;
	s15 =	spop (v2sf);
	p0 =	sgt.f32 s12, $5.000000000e-01  }
0x84: {  	s18 =	smov.u32 s9;
	p2 =	sgt.f32 s28, $5.000000000e-01;
	s28 =	sld [smem:$0x7FA]  }
0x85: {  	[smem:$0x7FB] =	sst s10;
	s10 =	spop (v2sf);
	s4 =	simm.s32 @!p0 $0x0  }
0x86: {  	s12 =	spop (v2sf);
	p4 =	sgt.f32 s10, $5.000000000e-01;
	s30 =	simm.s32 @!p2 $0x0  }
0x87: {  	s4 =	simm.s32 @p0 $0x1;
	p0 =	sgt.f32 s26, $5.000000000e-01;
	s8 =	spop (v2sf)  }
.Ltmp3:
0x88: {  	p6 =	sgt.f32 s12, $5.000000000e-01;
	s26 =	sadd.s32 $0x3, s1;
	(pc) =	sbr.rel @p1 .LBB2_4-.Ltmp3, $4  }
0x89: {  	[smem:$0x7FC] =	sst s4;
	s21 =	spop (v2sf);
	s4 =	simm.s32 $0x1  }
0x8a: {  	s16 =	simm.s32 @!p4 $0x0;
	s20 =	spop (v2sf);
	p3 =	sgt.f32 s21, $5.000000000e-01  }
0x8b: {  	p4 =	seq.s32 s28, $0x1;
	s21 =	sadd.s32 $0xC, s1;
	s24 =	spop (v2sf)  }
0x8c: {  	(v2sf) =	vpush v6, $0xB;
	v6 =	vld [tilespmem:s2+$0x0];
	p2 =	sgt.f32 s24, $5.000000000e-01;
	s4 =	simm.s32 @!p3 $0x0;
	p3 =	seq.s32 s25, $0x1  }
0x8d: {  	_ =	sdelay $0x4  }
0x8e: {  	(v2sf) =	vpush v6, $0xF  }
0x8f: {  	s28 =	simm.s32 $0x1;
	(v2sf) =	vpush v6, $0xE  }
0x90: {  	s2 =	simm.s32 $0x1;
	s3 =	simm.s32 $0x1;
	s10 =	sld [smem:$0x7FB];
	(v2sf) =	vpush v6, $0xD  }
0x91: {  	s9 =	simm.s32 $0x1;
	p1 =	sgt.f32 s15, $5.000000000e-01;
	s12 =	sld [smem:$0x7FD];
	(v2sf) =	vpush v6, $0x8  }
0x92: {  	s24 =	simm.s32 $0x1;
	s25 =	simm.s32 $0x1;
	s11 =	sld [smem:$0x7FC];
	(v2sf) =	vpush v6, $0xA  }
0x93: {  	s18 =	simm.s32 $0x1;
	s15 =	simm.s32 $0x1;
	[smem:s23] =	sst s1  }
0x94: {  	s4 =	sadd.s32 s4, s23;
	s23 =	sadd.s32 $0x6, s1;
	s0 =	sadd.s32 s0, s7;
	(v2sf) =	vpush v6, $0x7  }
0x95: {  	s28 =	simm.s32 @!p2 $0x0;
	s2 =	simm.s32 @!p0 $0x0;
	p0 =	sgt.f32 s8, $5.000000000e-01;
	(v2sf) =	vpush v6, $0x6  }
0x96: {  	s3 =	simm.s32 @!p5 $0x0;
	s25 =	simm.s32 @!p6 $0x0;
	s8 =	simm.s32 $0x1;
	(v2sf) =	vpush v6, $0x5  }
0x97: {  	s24 =	simm.s32 @!p1 $0x0;
	p1 =	sgt.f32 s20, $5.000000000e-01;
	s5 =	spop (v2sf);
	(v2sf) =	vpush v6, $0x4  }
0x98: {  	[smem:s4] =	sst s17;
	s9 =	simm.s32 @!p0 $0x0;
	p0 =	sgt.f32 s5, $5.000000000e-01;
	(v2sf) =	vpush v6, $0x2  }
0x99: {  	s20 =	simm.s32 $0x1;
	s8 =	simm.s32 @!p1 $0x0;
	s4 =	sadd.s32 s9, s4;
	(v2sf) =	vpush v6, $0x3  }
0x9a: {  	s5 =	simm.s32 $0x1;
	s18 =	simm.s32 @!p0 $0x0;
	(v2sf) =	vpush v6, $0x1;
	p0 =	seq.s32 s10, $0x1  }
0x9b: {  	[smem:s4] =	sst s19;
	s5 =	simm.s32 @!p0 $0x0;
	(v2sf) =	vpush v6, $0x0;
	p0 =	seq.s32 s12, $0x1  }
0x9c: {  	s10 =	sadd.s32 $0x4, s1;
	s20 =	simm.s32 @!p0 $0x0;
	p0 =	seq.s32 s11, $0x1;
	(v2sf) =	vpush v6, $0xC  }
0x9d: {  	s9 =	spop (v2sf);
	s11 =	sadd.s32 s16, s4;
	s4 =	sadd.s32 $0x9, s1;
	(v2sf) =	vpush v6, $0x9  }
0x9e: {  	s15 =	simm.s32 @!p0 $0x0;
	s16 =	spop (v2sf);
	s19 =	sadd.s32 s25, s11  }
0x9f: {  	[smem:s11] =	sst s26;
	s17 =	spop (v2sf);
	s12 =	sadd.s32 s24, s19  }
0xa0: {  	[smem:s19] =	sst s10;
	(v2sf) =	vpush v6, $0xB;
	s25 =	spop (v2sf);
	s26 =	sadd.s32 s30, s12  }
0xa1: {  	[smem:s12] =	sst s31;
	s31 =	sadd.s32 $0xA, s1;
	s24 =	spop (v2sf)  }
0xa2: {  	[smem:s26] =	sst s23;
	s2 =	sadd.s32 s2, s26;
	s26 =	simm.s32 $0x1  }
0xa3: {  	s30 =	spop (v2sf);
	[smem:s2] =	sst s29;
	s2 =	sadd.s32 s3, s2  }
0xa4: {  	s26 =	simm.s32 @!p4 $0x0;
	s29 =	simm.s32 $0x1;
	s10 =	spop (v2sf)  }
0xa5: {  	[smem:s2] =	sst s22;
	s2 =	sadd.s32 s20, s2;
	s19 =	spop (v2sf)  }
0xa6: {  	s29 =	simm.s32 @!p3 $0x0;
	s22 =	simm.s32 $0x1;
	s3 =	spop (v2sf)  }
0xa7: {  	[smem:s2] =	sst s4;
	s2 =	sadd.s32 s28, s2;
	s12 =	spop (v2sf)  }
0xa8: {  	s4 =	simm.s32 $0x1;
	p0 =	sgt.f32 s19, $5.000000000e-01;
	s20 =	spop (v2sf)  }
0xa9: {  	[smem:s2] =	sst s31;
	s19 =	simm.s32 $0x1;
	s23 =	spop (v2sf)  }
0xaa: {  	s2 =	sadd.s32 s5, s2;
	s19 =	simm.s32 @!p0 $0x0;
	s31 =	spop (v2sf)  }
0xab: {  	p0 =	sgt.f32 s12, $5.000000000e-01;
	s12 =	simm.s32 $0x1;
	s11 =	spop (v2sf)  }
0xac: {  	p1 =	sgt.f32 s31, $5.000000000e-01;
	s31 =	simm.s32 $0x1;
	s28 =	spop (v2sf)  }
0xad: {  	s31 =	simm.s32 @!p0 $0x0;
	p0 =	sgt.f32 s10, $5.000000000e-01;
	s10 =	simm.s32 $0x1  }
0xae: {  	s12 =	simm.s32 @!p1 $0x0;
	p1 =	sgt.f32 s28, $5.000000000e-01;
	s28 =	simm.s32 $0x1  }
0xaf: {  	s5 =	spop (v2sf);
	s22 =	simm.s32 @!p0 $0x0;
	p0 =	sgt.f32 s23, $5.000000000e-01  }
0xb0: {  	s23 =	sadd.s32 $0xB, s1;
	s4 =	simm.s32 @!p1 $0x0;
	p1 =	sgt.f32 s30, $5.000000000e-01  }
0xb1: {  	[smem:s2] =	sst s23;
	s30 =	simm.s32 $0x1;
	s2 =	sadd.s32 s18, s2  }
0xb2: {  	s10 =	simm.s32 @!p0 $0x0;
	p0 =	sgt.f32 s20, $5.000000000e-01;
	s20 =	simm.s32 $0x1  }
0xb3: {  	[smem:s2] =	sst s21;
	s2 =	sadd.s32 s8, s2;
	s8 =	simm.s32 $0x1  }
0xb4: {  	s28 =	simm.s32 @!p1 $0x0;
	p1 =	sgt.f32 s3, $5.000000000e-01;
	s3 =	simm.s32 $0x1  }
0xb5: {  	s21 =	sadd.s32 $0xF, s1;
	s15 =	sadd.s32 s15, s2;
	s3 =	simm.s32 @!p0 $0x0  }
0xb6: {  	p0 =	sgt.f32 s11, $5.000000000e-01;
	s18 =	sadd.s32 s26, s15;
	s11 =	rddreg [dreg:$0x1]  }
0xb7: {  	s20 =	simm.s32 @!p1 $0x0;
	p1 =	sgt.f32 s5, $5.000000000e-01;
	s5 =	simm.s32 $0x1  }
0xb8: {  	s23 =	sadd.s32 s29, s18;
	s30 =	simm.s32 @!p0 $0x0;
	p0 =	sgt.f32 s9, $5.000000000e-01  }
0xb9: {  	s5 =	simm.s32 @!p1 $0x0;
	p1 =	sgt.f32 s24, $5.000000000e-01;
	s24 =	sadd.s32 $0xD, s1  }
0xba: {  	s9 =	simm.s32 $0x1;
	s12 =	sadd.s32 s12, s23;
	[smem:s2] =	sst s24  }
0xbb: {  	s9 =	simm.s32 @!p1 $0x0;
	p1 =	sgt.f32 s25, $5.000000000e-01;
	s25 =	sadd.s32 $0xE, s1  }
0xbc: {  	s26 =	sadd.s32 $0x3, s0;
	s10 =	sadd.s32 s10, s12;
	[smem:s15] =	sst s25  }
0xbd: {  	s2 =	simm.s32 $0x1;
	s24 =	sadd.s32 $0x2, s0;
	[smem:s18] =	sst s21  }
0xbe: {  	s25 =	sadd.s32 $0x1, s0;
	s8 =	simm.s32 @!p1 $0x0;
	[smem:s23] =	sst s0  }
0xbf: {  	p1 =	sgt.f32 s17, $5.000000000e-01;
	s18 =	sadd.s32 $0x5, s0;
	[smem:s12] =	sst s25  }
0xc0: {  	s21 =	sadd.s32 s31, s10;
	s23 =	sadd.s32 $0x4, s0;
	[smem:s10] =	sst s24  }
0xc1: {  	s3 =	sadd.s32 s3, s21;
	s2 =	simm.s32 @!p1 $0x0;
	[smem:s21] =	sst s26  }
0xc2: {  	p1 =	sgt.f32 s16, $5.000000000e-01;
	s25 =	sadd.s32 s20, s3;
	[smem:s3] =	sst s23  }
0xc3: {  	s24 =	sadd.s32 $0x6, s0;
	s31 =	sadd.s32 s19, s25;
	[smem:s25] =	sst s18  }
0xc4: {  	s16 =	sadd.s32 $0x7, s0;
	s10 =	sadd.s32 s22, s31;
	[smem:s31] =	sst s24  }
0xc5: {  	s1 =	sadd.s32 $0x8, s0;
	[smem:s10] =	sst s16;
	s10 =	sadd.s32 s28, s10  }
0xc6: {  	s26 =	sadd.s32 $0x9, s0;
	[smem:s10] =	sst s1;
	s20 =	sadd.s32 s8, s10  }
0xc7: {  	s17 =	sadd.s32 $0xD, s0;
	s12 =	sadd.s32 $0xC, s0;
	[smem:s20] =	sst s26  }
0xc8: {  	s19 =	sadd.s32 $0xA, s0;
	s1 =	sadd.s32 s4, s20;
	s20 =	rddreg [dreg:$0x5]  }
0xc9: {  	s18 =	sadd.s32 $0xB, s0;
	[smem:s1] =	sst s19;
	s1 =	sadd.s32 s9, s1  }
0xca: {  	s3 =	simm.s32 $0x1;
	[smem:s1] =	sst s18;
	s1 =	sadd.s32 s5, s1  }
0xcb: {  	s22 =	sadd.s32 $0xE, s0;
	s3 =	simm.s32 @!p0 $0x0;
	[smem:s1] =	sst s12  }
0xcc: {  	s8 =	simm.s32 $0x1;
	s21 =	sadd.s32 s30, s1;
	s12 =	rddreg [dreg:$0x2]  }
0xcd: {  	s8 =	simm.s32 @!p1 $0x0;
	s2 =	sadd.s32 s2, s21;
	[smem:s21] =	sst s17  }
0xce: {  	s0 =	sadd.s32 $0xF, s0;
	s23 =	sadd.s32 s8, s2;
	[smem:s2] =	sst s22  }
0xcf: {  	s29 =	sadd.s32 s3, s23;
	[smem:s23] =	sst s0  }
0xd0: {  	[smem:s29] =	sst s7  }
0xd1: {  	s24 =	sadd.s32 $0xF, s29;
	[smem:s29+$0x1] =	sst s7  }
0xd2: {  	s25 =	sand.u32 $0xF, s24;
	[smem:s29+$0x2] =	sst s7  }
0xd3: {  	s26 =	sshra.s32 s24, $0x1F;
	p6 =	sne.s32 s25, $0x0;
	s25 =	rddreg [dreg:$0x7]  }
0xd4: {  	s31 =	sshrl.u32 s26, $0x1C;
	s26 =	rddreg [dreg:$0x8]  }
0xd5: {  	[smem:s29+$0x3] =	sst s7  }
0xd6: {  	p5 =	slt.s32 s24, $0x1;
	s0 =	sadd.s32 s31, s24;
	s24 =	rddreg [dreg:$0x6]  }
0xd7: {  	[smem:s29+$0x4] =	sst s7  }
0xd8: {  	[smem:s29+$0x5] =	sst s7  }
0xd9: {  	p0 =	por !p5, !p6;
	[smem:s29+$0x6] =	sst s7  }
0xda: {  	s1 =	simm.s32 $0x1;
	p0 =	por !p0, !p0;
	[smem:s29+$0x7] =	sst s7  }
0xdb: {  	s0 =	sshra.s32 s0, $0x4;
	s1 =	simm.s32 @!p0 $0x0;
	[smem:s29+$0x8] =	sst s7  }
0xdc: {  	s30 =	ssub.s32 s0, s1;
	[smem:s29+$0x9] =	sst s7  }
0xdd: {  	p0 =	slt.s32 s30, $0x1;
	[smem:s29+$0xA] =	sst s7  }
.Ltmp4:
0xde: {  	[smem:s29+$0xB] =	sst s7;
	(pc) =	sbr.rel @p0 .LBB2_15-.Ltmp4, $4  }
0xdf: {  	[smem:s29+$0xC] =	sst s7  }
0xe0: {  	[smem:s29+$0xD] =	sst s7  }
0xe1: {  	s28 =	simm.s32 $0x2;
	s10 =	simm.s32 $0x3;
	[smem:s29+$0xE] =	sst s7  }
0xe2: {  	[tilespmem:$0x19800] =	vst v0;
	s19 =	simm.s32 $0x1;
	s17 =	simm.s32 $0x0;
	[smem:s29+$0xF] =	sst s7  }
0xe3: {  	p2 =	sne.s32 s30, $0x1  }
.Ltmp5:
0xe4: {  	_ = 	snop;
	(pc) =	sbr.rel @!p2 .LBB2_7-.Ltmp5, $3  }
0xe5: {  	_ =	sdelay $0x1  }
0xe6: {  	s0 =	simm.s32 $0x18400;
	s1 =	simm.s32 $0x8;
	s16 =	sld [smem:$0xF]  }
0xe7: {  	s5 =	sadd.s32 $0xFFFFFFFF, s30;
	p0 =	por $0x0, $0x0;
	p1 =	por $0x0, $0x0  }
0xe8: {  	s1 =	sld [smem:$0x0]  }
0xe9: {  	s2 =	sld [smem:$0x1]  }
0xea: {  	v6 =	vmov s16;
	s3 =	sld [smem:$0x2]  }
0xeb: {  	s4 =	sld [smem:$0x3];
	v6 =	vsel vm0, s1, v6  }
0xec: {  	s15 =	sld [smem:$0x4];
	v6 =	vsel vm1, s2, v6  }
0xed: {  	s16 =	sld [smem:$0x5];
	v6 =	vsel vm2, s3, v6  }
0xee: {  	s18 =	sld [smem:$0x6];
	v6 =	vsel vm3, s4, v6  }
0xef: {  	s21 =	sld [smem:$0x7];
	v6 =	vsel vm4, s15, v6  }
0xf0: {  	s22 =	sld [smem:$0x8];
	v6 =	vsel vm5, s16, v6  }
0xf1: {  	s23 =	sld [smem:$0x9];
	v6 =	vsel vm6, s18, v6  }
0xf2: {  	p2 =	sne.s32 s5, $0x1;
	s31 =	sld [smem:$0xA];
	v6 =	vsel vm7, s21, v6  }
.Ltmp6:
0xf3: {  	s8 =	sld [smem:$0xB];
	v6 =	vsel vm8, s22, v6;
	(pc) =	sbr.rel @!p2 .LBB2_9-.Ltmp6, $4  }
0xf4: {  	s9 =	sld [smem:$0xC];
	v6 =	vsel vm9, s23, v6  }
0xf5: {  	s4 =	sld [smem:$0xD];
	v6 =	vsel vm10, s31, v6  }
0xf6: {  	s5 =	sadd.s32 $0xFFFFFFFF, s5;
	s15 =	sld [smem:$0xE];
	v6 =	vsel vm11, s8, v6  }
0xf7: {  	p0 =	por $0x1, $0x1;
	s1 =	simm.s32 $0x18;
	s16 =	sld [smem:$0x1F];
	v6 =	vsel vm12, s9, v6  }
0xf8: {  	s1 =	sld [smem:$0x10];
	v6 =	vsel vm13, s4, v6  }
0xf9: {  	s2 =	sld [smem:$0x11];
	v6 =	vsel vm14, s15, v6  }
0xfa: {  	s3 =	sld [smem:$0x12];
	[tilespmem:s0+$0x0] =	vst v6;
	v6 =	vmov s16  }
0xfb: {  	s10 =	sld [smem:$0x13];
	v6 =	vsel vm0, s1, v6  }
0xfc: {  	s15 =	sld [smem:$0x14];
	v6 =	vsel vm1, s2, v6  }
0xfd: {  	s16 =	sld [smem:$0x15];
	v6 =	vsel vm2, s3, v6  }
0xfe: {  	s18 =	sld [smem:$0x16];
	v6 =	vsel vm3, s10, v6  }
0xff: {  	s21 =	sld [smem:$0x17];
	v6 =	vsel vm4, s15, v6  }
0x100: {  	s22 =	sld [smem:$0x18];
	v6 =	vsel vm5, s16, v6  }
0x101: {  	s23 =	sld [smem:$0x19];
	v6 =	vsel vm6, s18, v6  }
0x102: {  	p2 =	sne.s32 s5, $0x1;
	s31 =	sld [smem:$0x1A];
	v6 =	vsel vm7, s21, v6  }
.Ltmp7:
0x103: {  	s8 =	sld [smem:$0x1B];
	v6 =	vsel vm8, s22, v6;
	(pc) =	sbr.rel @!p2 .LBB2_11-.Ltmp7, $4  }
0x104: {  	s9 =	sld [smem:$0x1C];
	v6 =	vsel vm9, s23, v6  }
0x105: {  	s4 =	sld [smem:$0x1D];
	v6 =	vsel vm10, s31, v6  }
0x106: {  	s5 =	sadd.s32 $0xFFFFFFFF, s5;
	p1 =	por $0x1, $0x1;
	s15 =	sld [smem:$0x1E];
	v6 =	vsel vm11, s8, v6  }
0x107: {  	s1 =	simm.s32 $0x28;
	s8 =	simm.s32 $0x18400;
	s16 =	sld [smem:$0x2F];
	v6 =	vsel vm12, s9, v6  }
.LBB2_12:
0x108: {  	p2 =	sne.s32 s5, $0x1;
	s2 =	sld [smem:s1+$0xFFFFFFF8];
	v6 =	vsel vm13, s4, v6  }
0x109: {  	s8 =	sadd.s32 $0x80, s8;
	s3 =	sld [smem:s1+$0xFFFFFFF9];
	v6 =	vsel vm14, s15, v6  }
0x10a: {  	s4 =	sld [smem:s1+$0xFFFFFFFA];
	v7 =	vmov s16;
	[tilespmem:s8+$0x0] =	vst v6  }
0x10b: {  	s9 =	sld [smem:s1+$0xFFFFFFFB];
	v6 =	vsel vm0, s2, v7  }
0x10c: {  	s2 =	sld [smem:s1+$0xFFFFFFFC];
	v6 =	vsel vm1, s3, v6  }
0x10d: {  	s3 =	sld [smem:s1+$0xFFFFFFFD];
	v6 =	vsel vm2, s4, v6  }
0x10e: {  	s4 =	sld [smem:s1+$0xFFFFFFFE];
	v6 =	vsel vm3, s9, v6  }
0x10f: {  	s9 =	sld [smem:s1+$0xFFFFFFFF];
	v6 =	vsel vm4, s2, v6  }
0x110: {  	s2 =	sld [smem:s1+$0x0];
	v6 =	vsel vm5, s3, v6  }
0x111: {  	s3 =	sld [smem:s1+$0x1];
	v6 =	vsel vm6, s4, v6  }
0x112: {  	s10 =	sld [smem:s1+$0x2];
	v6 =	vsel vm7, s9, v6  }
.Ltmp8:
0x113: {  	s9 =	sld [smem:s1+$0x3];
	v6 =	vsel vm8, s2, v6;
	(pc) =	sbr.rel @p2 .LBB2_12-.Ltmp8, $4  }
0x114: {  	s2 =	sld [smem:s1+$0x4];
	v6 =	vsel vm9, s3, v6  }
0x115: {  	s4 =	sld [smem:s1+$0x5];
	v6 =	vsel vm10, s10, v6  }
0x116: {  	s15 =	sld [smem:s1+$0x6];
	v6 =	vsel vm11, s9, v6;
	s1 =	sadd.s32 $0x10, s1  }
0x117: {  	s5 =	sadd.s32 $0xFFFFFFFF, s5;
	s16 =	sld [smem:s1+$0x7];
	v6 =	vsel vm12, s2, v6  }
0x118: {  	s10 =	simm.s32 $0x3  }
.LBB2_14:
0x119: {  	s2 =	sld [smem:s1+$0xFFFFFFF8]  }
0x11a: {  	s3 =	sld [smem:s1+$0xFFFFFFF9]  }
0x11b: {  	s5 =	sld [smem:s1+$0xFFFFFFFA];
	v7 =	vmov s16  }
0x11c: {  	s9 =	sld [smem:s1+$0xFFFFFFFB];
	v7 =	vsel vm0, s2, v7  }
0x11d: {  	s16 =	sld [smem:s1+$0xFFFFFFFC];
	v7 =	vsel vm1, s3, v7  }
0x11e: {  	s18 =	sld [smem:s1+$0xFFFFFFFD];
	v7 =	vsel vm2, s5, v7  }
0x11f: {  	s21 =	sld [smem:s1+$0xFFFFFFFE];
	v7 =	vsel vm3, s9, v7  }
0x120: {  	s22 =	sld [smem:s1+$0xFFFFFFFF];
	v7 =	vsel vm4, s16, v7  }
0x121: {  	s23 =	sld [smem:s1+$0x0];
	v7 =	vsel vm5, s18, v7  }
0x122: {  	s31 =	sld [smem:s1+$0x1];
	v7 =	vsel vm6, s21, v7  }
0x123: {  	s9 =	sld [smem:s1+$0x2];
	v7 =	vsel vm7, s22, v7  }
0x124: {  	s16 =	sld [smem:s1+$0x3];
	v7 =	vsel vm8, s23, v7  }
0x125: {  	s18 =	sld [smem:s1+$0x4];
	v7 =	vsel vm9, s31, v7  }
0x126: {  	s21 =	sld [smem:s1+$0x5];
	v7 =	vsel vm10, s9, v7  }
0x127: {  	s8 =	sadd.s32 @p1 $0x80, s8;
	s5 =	simm.s32 $0x18400;
	s22 =	sld [smem:s1+$0x6];
	v7 =	vsel vm11, s16, v7  }
0x128: {  	v6 =	vsel @p0 vm13, s4, v6;
	s5 =	smov.u32 @p1 s8;
	v7 =	vsel vm12, s18, v7  }
0x129: {  	v6 =	vsel @p0 vm14, s15, v6;
	s2 =	sadd.s32 @p0 $0x80, s5;
	v7 =	vsel vm13, s21, v7  }
0x12a: {  	[tilespmem:s5+$0x0] =	vst @p0 v6;
	s0 =	smov.u32 @p0 s2;
	v6 =	vsel vm14, s22, v7  }
0x12b: {  	[tilespmem:s0+$0x0] =	vst v6  }
0x12c: {  	v6 =	vld [tilespmem:$0x18400];
	_ =	sdelay $0x4  }
0x12d: {  	v7 =	vshll.u32 v6, $0x3  }
0x12e: {  	v6 =	vand.u32 $0x7, v6;
	v7 =	vand.u32 $0xFFFFFFC0, v7  }
0x12f: {  	v6 =	vor.u32 v6, v7  }
0x130: {  	v7 =	vperm.xlane v6, v1  }
0x131: {  	v8 =	vld [tilespmem:$0x1FFF0]  }
0x132: {  	v7 =	vadd.s32 v2, v7;
	_ =	sdelay $0x3  }
0x133: {  	vm15 =	vnez.u8 v8;
	s23 =	simm.s32 $0x400  }
0x134: {  	[tilespmem:s23], [sflag:$0x1] =	stream.indirect_vreg.gather [hbm4b:s11+s17], $0x80, v7, vm15, $0xb8;
	[tilespmem:$0x19900] =	vst v63  }
0x135: {  	s31 =	simm.s32 $0xC00;
	v6 =	vperm.xlane v6, v3  }
0x136: {  	[tilespmem:s31], [sflag:$0x1] =	stream.indirect_vreg.gather [hbm4b:s20+s17], $0x80, v7, vm15, $0xb8;
	[tilespmem:$0x19900] =	vst v63  }
0x137: {  	s1 =	simm.s32 $0x1400;
	v6 =	vadd.s32 v2, v6  }
0x138: {  	[tilespmem:s1], [sflag:$0x1] =	stream.indirect_vreg.gather [hbm4b:s24+s17], $0x80, v7, vm15, $0xb8;
	[tilespmem:$0x19900] =	vst v63  }
0x139: {  	s2 =	simm.s32 $0x1C00  }
0x13a: {  	[tilespmem:s2], [sflag:$0x1] =	stream.indirect_vreg.gather [hbm4b:s25+s17], $0x80, v7, vm15, $0xb8;
	[tilespmem:$0x19900] =	vst v63  }
0x13b: {  	s3 =	simm.s32 $0x2400  }
0x13c: {  	[tilespmem:s3], [sflag:$0x1] =	stream.indirect_vreg.gather [hbm4b:s11+s17], $0x80, v6, vm15, $0xb8;
	[tilespmem:$0x19900] =	vst v63  }
0x13d: {  	s4 =	simm.s32 $0x2C00  }
0x13e: {  	[tilespmem:s4], [sflag:$0x1] =	stream.indirect_vreg.gather [hbm4b:s20+s17], $0x80, v6, vm15, $0xb8;
	[tilespmem:$0x19900] =	vst v63  }
0x13f: {  	s5 =	simm.s32 $0x3400  }
0x140: {  	[tilespmem:s5], [sflag:$0x1] =	stream.indirect_vreg.gather [hbm4b:s24+s17], $0x80, v6, vm15, $0xb8;
	[tilespmem:$0x19900] =	vst v63  }
0x141: {  	s8 =	simm.s32 $0x3C00  }
0x142: {  	[tilespmem:s8], [sflag:$0x1] =	stream.indirect_vreg.gather [hbm4b:s25+s17], $0x80, v6, vm15, $0xb8;
	[tilespmem:$0x19900] =	vst v63  }
0x143: {  	v6 =	vld [tilespmem:$0x18400];
	_ =	sdelay $0x4  }
0x144: {  	v7 =	vshll.u32 v6, $0x3  }
0x145: {  	v6 =	vand.u32 $0x7, v6;
	v7 =	vand.u32 $0xFFFFFFC0, v7  }
0x146: {  	v6 =	vor.u32 v6, v7  }
0x147: {  	v7 =	vperm.xlane v6, v1;
	_ =	sdelay $0x1  }
0x148: {  	v7 =	vadd.s32 v2, v7;
	_ =	sdelay $0x3  }
0x149: {  	s9 =	simm.s32 $0x4400  }
0x14a: {  	[tilespmem:s9], [sflag:$0x1] =	stream.indirect_vreg.gather [hbm4b:s12+s17], $0x80, v7, vm15, $0xb8;
	[tilespmem:$0x19900] =	vst v63  }
0x14b: {  	s15 =	simm.s32 $0x4C00;
	v6 =	vperm.xlane v6, v3  }
0x14c: {  	[tilespmem:s15], [sflag:$0x1] =	stream.indirect_vreg.gather [hbm4b:s26+s17], $0x80, v7, vm15, $0xb8;
	[tilespmem:$0x19900] =	vst v63  }
0x14d: {  	s16 =	simm.s32 $0x5400;
	v6 =	vadd.s32 v2, v6  }
0x14e: {  	[tilespmem:s16], [sflag:$0x1] =	stream.indirect_vreg.gather [hbm4b:s13+s17], $0x80, v7, vm15, $0xb8;
	[tilespmem:$0x19900] =	vst v63  }
0x14f: {  	s18 =	simm.s32 $0x5C00  }
0x150: {  	[tilespmem:s18], [sflag:$0x1] =	stream.indirect_vreg.gather [hbm4b:s14+s17], $0x80, v7, vm15, $0xb8;
	[tilespmem:$0x19900] =	vst v63  }
0x151: {  	s21 =	simm.s32 $0x6400  }
0x152: {  	[tilespmem:s21], [sflag:$0x1] =	stream.indirect_vreg.gather [hbm4b:s12+s17], $0x80, v6, vm15, $0xb8;
	[tilespmem:$0x19900] =	vst v63  }
0x153: {  	s22 =	simm.s32 $0x6C00  }
0x154: {  	[tilespmem:s22], [sflag:$0x1] =	stream.indirect_vreg.gather [hbm4b:s26+s17], $0x80, v6, vm15, $0xb8;
	[tilespmem:$0x19900] =	vst v63  }
0x155: {  	s23 =	simm.s32 $0x7400  }
0x156: {  	[tilespmem:s23], [sflag:$0x1] =	stream.indirect_vreg.gather [hbm4b:s13+s17], $0x80, v6, vm15, $0xb8;
	[tilespmem:$0x19900] =	vst v63  }
0x157: {  	p0 =	seq.s32 s30, $0x1;
	s31 =	simm.s32 $0x7C00  }
0x158: {  	[tilespmem:s31], [sflag:$0x1] =	stream.indirect_vreg.gather [hbm4b:s14+s17], $0x80, v6, vm15, $0xb8;
	[tilespmem:$0x19900] =	vst v63  }
0x159: {  	v6 =	vld @!p0 [tilespmem:$0x18480];
	_ =	sdelay $0x4  }
0x15a: {  	v7 =	vshll.u32 @!p0 v6, $0x3  }
0x15b: {  	v8 =	vlaneseq.u32 @!p0;
	v6 =	vand.u32 @!p0 $0x7, v6;
	v7 =	vand.u32 @!p0 $0xFFFFFFC0, v7  }
0x15c: {  	v9 =	vshrl.u32 @!p0 v8, $0x3;
	v6 =	vor.u32 @!p0 v6, v7;
	v7 =	vand.u32 @!p0 $0x7, v8  }
0x15d: {  	v9 =	vmul.u32 @!p0 $0x8, v9;
	v10 =	vperm.xlane @!p0 v6, v7;
	_ =	sdelay $0x1  }
0x15e: {  	v10 =	vadd.s32 @!p0 v9, v10;
	_ =	sdelay $0x3  }
0x15f: {  	s0 =	simm.s32 @!p0 $0x0;
	s1 =	simm.s32 @!p0 $0x8400;
	vm15 =	vmmov @!p0 $0xffff  }
0x160: {  	v8 =	vor.u32 @!p0 $0x8, v8;
	[tilespmem:s1], [sflag:$0x2] =	stream.indirect_vreg.gather @!p0 [hbm4b:s11+s0], $0x80, v10, vm15, $0xb8;
	[tilespmem:$0x19900] =	vst v63  }
0x161: {  	v6 =	vperm.xlane @!p0 v6, v8;
	s1 =	simm.s32 @!p0 $0x8C00  }
0x162: {  	[tilespmem:s1], [sflag:$0x2] =	stream.indirect_vreg.gather @!p0 [hbm4b:s20+s0], $0x80, v10, vm15, $0xb8;
	[tilespmem:$0x19900] =	vst v63  }
0x163: {  	v6 =	vadd.s32 @!p0 v9, v6;
	s1 =	simm.s32 @!p0 $0x9400  }
0x164: {  	[tilespmem:s1], [sflag:$0x2] =	stream.indirect_vreg.gather @!p0 [hbm4b:s24+s0], $0x80, v10, vm15, $0xb8;
	[tilespmem:$0x19900] =	vst v63  }
0x165: {  	s1 =	simm.s32 @!p0 $0x9C00  }
0x166: {  	[tilespmem:s1], [sflag:$0x2] =	stream.indirect_vreg.gather @!p0 [hbm4b:s25+s0], $0x80, v10, vm15, $0xb8;
	[tilespmem:$0x19900] =	vst v63  }
0x167: {  	s1 =	simm.s32 @!p0 $0xA400  }
0x168: {  	[tilespmem:s1], [sflag:$0x2] =	stream.indirect_vreg.gather @!p0 [hbm4b:s11+s0], $0x80, v6, vm15, $0xb8;
	[tilespmem:$0x19900] =	vst v63  }
0x169: {  	s1 =	simm.s32 @!p0 $0xAC00  }
0x16a: {  	[tilespmem:s1], [sflag:$0x2] =	stream.indirect_vreg.gather @!p0 [hbm4b:s20+s0], $0x80, v6, vm15, $0xb8;
	[tilespmem:$0x19900] =	vst v63  }
0x16b: {  	s1 =	simm.s32 @!p0 $0xB400  }
0x16c: {  	[tilespmem:s1], [sflag:$0x2] =	stream.indirect_vreg.gather @!p0 [hbm4b:s24+s0], $0x80, v6, vm15, $0xb8;
	[tilespmem:$0x19900] =	vst v63  }
0x16d: {  	s1 =	simm.s32 @!p0 $0xBC00  }
0x16e: {  	[tilespmem:s1], [sflag:$0x2] =	stream.indirect_vreg.gather @!p0 [hbm4b:s25+s0], $0x80, v6, vm15, $0xb8;
	[tilespmem:$0x19900] =	vst v63  }
0x16f: {  	v6 =	vld @!p0 [tilespmem:$0x18480];
	_ =	sdelay $0x4  }
0x170: {  	v10 =	vshll.u32 @!p0 v6, $0x3  }
0x171: {  	v6 =	vand.u32 @!p0 $0x7, v6;
	v10 =	vand.u32 @!p0 $0xFFFFFFC0, v10  }
0x172: {  	v6 =	vor.u32 @!p0 v6, v10  }
0x173: {  	v7 =	vperm.xlane @!p0 v6, v7;
	_ =	sdelay $0x1  }
0x174: {  	v7 =	vadd.s32 @!p0 v9, v7;
	_ =	sdelay $0x3  }
0x175: {  	s1 =	simm.s32 @!p0 $0xC400  }
0x176: {  	[tilespmem:s1], [sflag:$0x2] =	stream.indirect_vreg.gather @!p0 [hbm4b:s12+s0], $0x80, v7, vm15, $0xb8;
	[tilespmem:$0x19900] =	vst v63  }
0x177: {  	v6 =	vperm.xlane @!p0 v6, v8;
	s1 =	simm.s32 @!p0 $0xCC00  }
0x178: {  	[tilespmem:s1], [sflag:$0x2] =	stream.indirect_vreg.gather @!p0 [hbm4b:s26+s0], $0x80, v7, vm15, $0xb8;
	[tilespmem:$0x19900] =	vst v63  }
0x179: {  	v6 =	vadd.s32 @!p0 v9, v6;
	s1 =	simm.s32 @!p0 $0xD400  }
0x17a: {  	[tilespmem:s1], [sflag:$0x2] =	stream.indirect_vreg.gather @!p0 [hbm4b:s13+s0], $0x80, v7, vm15, $0xb8;
	[tilespmem:$0x19900] =	vst v63  }
0x17b: {  	s1 =	simm.s32 @!p0 $0xDC00  }
0x17c: {  	[tilespmem:s1], [sflag:$0x2] =	stream.indirect_vreg.gather @!p0 [hbm4b:s14+s0], $0x80, v7, vm15, $0xb8;
	[tilespmem:$0x19900] =	vst v63  }
0x17d: {  	s1 =	simm.s32 @!p0 $0xE400  }
0x17e: {  	[tilespmem:s1], [sflag:$0x2] =	stream.indirect_vreg.gather @!p0 [hbm4b:s12+s0], $0x80, v6, vm15, $0xb8;
	[tilespmem:$0x19900] =	vst v63  }
0x17f: {  	s1 =	simm.s32 @!p0 $0xEC00  }
0x180: {  	[tilespmem:s1], [sflag:$0x2] =	stream.indirect_vreg.gather @!p0 [hbm4b:s26+s0], $0x80, v6, vm15, $0xb8;
	[tilespmem:$0x19900] =	vst v63  }
0x181: {  	s1 =	simm.s32 @!p0 $0xF400  }
0x182: {  	[tilespmem:s1], [sflag:$0x2] =	stream.indirect_vreg.gather @!p0 [hbm4b:s13+s0], $0x80, v6, vm15, $0xb8;
	[tilespmem:$0x19900] =	vst v63  }
0x183: {  	s1 =	simm.s32 @!p0 $0xFC00  }
0x184: {  	[tilespmem:s1], [sflag:$0x2] =	stream.indirect_vreg.gather @!p0 [hbm4b:s14+s0], $0x80, v6, vm15, $0xb8;
	[tilespmem:$0x19900] =	vst v63  }
.LBB2_15:
.Ltmp9:
0x185: {  	(pc) =	sbr.rel .LBB2_16-.Ltmp9, $2  }
0x186: {  	_ =	sdelay $0x2  }
0x187: {  	s31 =	simm.s32 $0x0  }
.LBB2_43:
0x188: {  	s31 =	sadd.s32 $0x1, s31  }
0x189: {  	p0 =	sne.s32 s31, $0xB  }
.Ltmp10:
0x18a: {  	_ = 	snop;
	(pc) =	sbr.rel @!p0 .LBB2_44-.Ltmp10, $1  }
0x18b: {  	_ =	sdelay $0x3  }
.LBB2_16:
0x18c: {  	s0 =	smul.u32 $0x3, s31;
	_ =	sdelay $0x1  }
0x18d: {  	p0 =	sge.s32 s0, s30  }
.Ltmp11:
0x18e: {  	_ = 	snop;
	(pc) =	sbr.rel @p0 .LBB2_25-.Ltmp11, $2  }
0x18f: {  	_ =	sdelay $0x2  }
0x190: {  	s1 =	sadd.s32 $0x2, s0  }
0x191: {  	p0 =	sge.u32 s1, s30  }
0x192: {  	s2 =	sshll.u32 @!p0 s1, $0x7  }
0x193: {  	s2 =	sand.u32 @!p0 $0x3FFFFF80, s2  }
0x194: {  	v6 =	vld @!p0 [tilespmem:s2+$0x18400];
	_ =	sdelay $0x4  }
0x195: {  	v7 =	vshll.u32 @!p0 v6, $0x3  }
0x196: {  	v8 =	vlaneseq.u32 @!p0;
	v6 =	vand.u32 @!p0 $0x7, v6;
	v7 =	vand.u32 @!p0 $0xFFFFFFC0, v7  }
0x197: {  	v9 =	vshrl.u32 @!p0 v8, $0x3;
	v6 =	vor.u32 @!p0 v6, v7;
	v7 =	vand.u32 @!p0 $0x7, v8  }
0x198: {  	v9 =	vmul.u32 @!p0 $0x8, v9;
	v10 =	vperm.xlane @!p0 v6, v7;
	_ =	sdelay $0x1  }
0x199: {  	v10 =	vadd.s32 @!p0 v9, v10;
	_ =	sdelay $0x3  }
0x19a: {  	vm15 =	vmmov @!p0 $0xffff;
	s3 =	simm.s32 @!p0 $0x0;
	s4 =	simm.s32 @!p0 $0x10400  }
0x19b: {  	v8 =	vor.u32 @!p0 $0x8, v8;
	[tilespmem:s4], [sflag:$0x3] =	stream.indirect_vreg.gather @!p0 [hbm4b:s11+s3], $0x80, v10, vm15, $0xb8;
	[tilespmem:$0x19900] =	vst v63  }
0x19c: {  	v6 =	vperm.xlane @!p0 v6, v8;
	s4 =	simm.s32 @!p0 $0x10C00  }
0x19d: {  	[tilespmem:s4], [sflag:$0x3] =	stream.indirect_vreg.gather @!p0 [hbm4b:s20+s3], $0x80, v10, vm15, $0xb8;
	[tilespmem:$0x19900] =	vst v63  }
0x19e: {  	v6 =	vadd.s32 @!p0 v9, v6;
	s4 =	simm.s32 @!p0 $0x11400  }
0x19f: {  	[tilespmem:s4], [sflag:$0x3] =	stream.indirect_vreg.gather @!p0 [hbm4b:s24+s3], $0x80, v10, vm15, $0xb8;
	[tilespmem:$0x19900] =	vst v63  }
0x1a0: {  	s4 =	simm.s32 @!p0 $0x11C00  }
0x1a1: {  	[tilespmem:s4], [sflag:$0x3] =	stream.indirect_vreg.gather @!p0 [hbm4b:s25+s3], $0x80, v10, vm15, $0xb8;
	[tilespmem:$0x19900] =	vst v63  }
0x1a2: {  	s4 =	simm.s32 @!p0 $0x12400  }
0x1a3: {  	[tilespmem:s4], [sflag:$0x3] =	stream.indirect_vreg.gather @!p0 [hbm4b:s11+s3], $0x80, v6, vm15, $0xb8;
	[tilespmem:$0x19900] =	vst v63  }
0x1a4: {  	s4 =	simm.s32 @!p0 $0x12C00  }
0x1a5: {  	[tilespmem:s4], [sflag:$0x3] =	stream.indirect_vreg.gather @!p0 [hbm4b:s20+s3], $0x80, v6, vm15, $0xb8;
	[tilespmem:$0x19900] =	vst v63  }
0x1a6: {  	s4 =	simm.s32 @!p0 $0x13400  }
0x1a7: {  	[tilespmem:s4], [sflag:$0x3] =	stream.indirect_vreg.gather @!p0 [hbm4b:s24+s3], $0x80, v6, vm15, $0xb8;
	[tilespmem:$0x19900] =	vst v63  }
0x1a8: {  	s4 =	simm.s32 @!p0 $0x13C00  }
0x1a9: {  	[tilespmem:s4], [sflag:$0x3] =	stream.indirect_vreg.gather @!p0 [hbm4b:s25+s3], $0x80, v6, vm15, $0xb8;
	[tilespmem:$0x19900] =	vst v63  }
0x1aa: {  	v6 =	vld @!p0 [tilespmem:s2+$0x18400];
	_ =	sdelay $0x4  }
0x1ab: {  	v10 =	vshll.u32 @!p0 v6, $0x3  }
0x1ac: {  	v6 =	vand.u32 @!p0 $0x7, v6;
	v10 =	vand.u32 @!p0 $0xFFFFFFC0, v10  }
0x1ad: {  	v6 =	vor.u32 @!p0 v6, v10  }
0x1ae: {  	v7 =	vperm.xlane @!p0 v6, v7;
	_ =	sdelay $0x1  }
0x1af: {  	v7 =	vadd.s32 @!p0 v9, v7;
	_ =	sdelay $0x3  }
0x1b0: {  	s2 =	simm.s32 @!p0 $0x14400  }
0x1b1: {  	[tilespmem:s2], [sflag:$0x3] =	stream.indirect_vreg.gather @!p0 [hbm4b:s12+s3], $0x80, v7, vm15, $0xb8;
	[tilespmem:$0x19900] =	vst v63  }
0x1b2: {  	v6 =	vperm.xlane @!p0 v6, v8;
	s2 =	simm.s32 @!p0 $0x14C00  }
0x1b3: {  	[tilespmem:s2], [sflag:$0x3] =	stream.indirect_vreg.gather @!p0 [hbm4b:s26+s3], $0x80, v7, vm15, $0xb8;
	[tilespmem:$0x19900] =	vst v63  }
0x1b4: {  	v6 =	vadd.s32 @!p0 v9, v6;
	s2 =	simm.s32 @!p0 $0x15400  }
0x1b5: {  	[tilespmem:s2], [sflag:$0x3] =	stream.indirect_vreg.gather @!p0 [hbm4b:s13+s3], $0x80, v7, vm15, $0xb8;
	[tilespmem:$0x19900] =	vst v63  }
0x1b6: {  	s2 =	simm.s32 @!p0 $0x15C00  }
0x1b7: {  	[tilespmem:s2], [sflag:$0x3] =	stream.indirect_vreg.gather @!p0 [hbm4b:s14+s3], $0x80, v7, vm15, $0xb8;
	[tilespmem:$0x19900] =	vst v63  }
0x1b8: {  	s2 =	simm.s32 @!p0 $0x16400  }
0x1b9: {  	[tilespmem:s2], [sflag:$0x3] =	stream.indirect_vreg.gather @!p0 [hbm4b:s12+s3], $0x80, v6, vm15, $0xb8;
	[tilespmem:$0x19900] =	vst v63  }
0x1ba: {  	s2 =	simm.s32 @!p0 $0x16C00  }
0x1bb: {  	[tilespmem:s2], [sflag:$0x3] =	stream.indirect_vreg.gather @!p0 [hbm4b:s26+s3], $0x80, v6, vm15, $0xb8;
	[tilespmem:$0x19900] =	vst v63  }
0x1bc: {  	s23 =	smul.u32 $0xFFFFFFD0, s31;
	s2 =	simm.s32 @!p0 $0x17400  }
0x1bd: {  	[tilespmem:s2], [sflag:$0x3] =	stream.indirect_vreg.gather @!p0 [hbm4b:s13+s3], $0x80, v6, vm15, $0xb8;
	[tilespmem:$0x19900] =	vst v63  }
0x1be: {  	s4 =	sadd.s32 s29, s23;
	s2 =	simm.s32 @!p0 $0x17C00  }
0x1bf: {  	[tilespmem:s2], [sflag:$0x3] =	stream.indirect_vreg.gather @!p0 [hbm4b:s14+s3], $0x80, v6, vm15, $0xb8;
	[tilespmem:$0x19900] =	vst v63  }
0x1c0: {  	p0 =	sgt.s32 s4, $0xF;
	_ =	swait.ge [sflag:s19], $0x4000  }
.Ltmp12:
0x1c1: {  	[sflag:s19] =	ssyncset.done $0x0;
	(pc) =	sbr.rel @p0 .LBB2_22-.Ltmp12, $4  }
0x1c2: {  	[sflag:s19] =	ssyncadd.s32 $0xFFFFC000  }
0x1c3: {  	_ =	swait.ge [sflag:s19], $0x4000  }
0x1c4: {  	[sflag:s19] =	ssyncset.done $0x0  }
0x1c5: {  	[sflag:s19] =	ssyncadd.s32 $0xFFFFC000  }
0x1c6: {  	p0 =	sgt.s32 s4, $0x0  }
0x1c7: {  	s4 =	simm.s32 @!p0 $0x0  }
.LBB2_19:
0x1c8: {  	s2 =	sshll.u32 s4, $0xA;
	s3 =	sshll.u32 s4, $0x7  }
0x1c9: {  	s5 =	simm.s32 $0x0;
	s2 =	sand.u32 $0x2000, s2;
	s3 =	sand.u32 $0x380, s3  }
0x1ca: {  	s22 =	sand.u32 $0x1C00, s5;
	s8 =	sor.u32 s2, s3  }
0x1cb: {  	s23 =	sand.u32 $0x70, s5;
	s2 =	sor.u32 s22, s8  }
0x1cc: {  	s15 =	simm.s32 $0x10;
	s16 =	sor.u32 s23, s2  }
.LBB2_20:
0x1cd: {  	p0 =	sne.s32 s15, $0x3F0  }
0x1ce: {  	[tilespmem:s16+$0x400] =	vst v0;
	s5 =	sadd.s32 $0x80, s5;
	s2 =	smov.u32 s15;
	s15 =	sadd.s32 $0x10, s15  }
.Ltmp13:
0x1cf: {  	[tilespmem:s16+$0x4400] =	vst v4;
	(pc) =	sbr.rel @p0 .LBB2_20-.Ltmp13, $4  }
0x1d0: {  	_ = 	snop  }
0x1d1: {  	s3 =	sand.u32 $0x1C00, s5  }
0x1d2: {  	s2 =	sand.u32 $0x70, s2;
	s3 =	sor.u32 s3, s8  }
0x1d3: {  	s16 =	sor.u32 s2, s3  }
0x1d4: {  	p0 =	slt.u32 s4, $0xF  }
.Ltmp14:
0x1d5: {  	_ = 	snop;
	(pc) =	sbr.rel @p0 .LBB2_19-.Ltmp14, $3  }
0x1d6: {  	_ =	sdelay $0x1  }
0x1d7: {  	[tilespmem:s16+$0x400] =	vst v0;
	s2 =	sadd.s32 $0x1, s4  }
0x1d8: {  	[tilespmem:s16+$0x4400] =	vst v4;
	s4 =	smov.u32 s2  }
.LBB2_22:
0x1d9: {  	s21 =	simm.s32 $0x0  }
0x1da: {  	s2 =	sand.u32 $0x70, s21;
	s3 =	sand.u32 $0x1C00, s21  }
0x1db: {  	s2 =	sor.u32 s2, s3  }
0x1dc: {  	v6 =	vld [tilespmem:s2+$0x6600]  }
0x1dd: {  	s9 =	sor.u32 s21, s21;
	v7 =	vld [tilespmem:s2+$0x6680]  }
0x1de: {  	s4 =	sor.u32 $0x2380, s9;
	v8 =	vld [tilespmem:s2+$0x6700]  }
0x1df: {  	v9 =	vld [tilespmem:s4+$0x4400]  }
0x1e0: {  	v10 =	vld [tilespmem:s2+$0x6400]  }
0x1e1: {  	v11 =	vld [tilespmem:s2+$0x6480]  }
0x1e2: {  	v12 =	vld [tilespmem:s2+$0x6500]  }
0x1e3: {  	v13 =	vld [tilespmem:s2+$0x6580]  }
0x1e4: {  	v14 =	vld [tilespmem:s2+$0x4600]  }
0x1e5: {  	v15 =	vld [tilespmem:s2+$0x4680]  }
0x1e6: {  	s3 =	sor.u32 $0x380, s9;
	v16 =	vld [tilespmem:s2+$0x4700]  }
0x1e7: {  	v17 =	vld [tilespmem:s3+$0x4400]  }
0x1e8: {  	v18 =	vld [tilespmem:s2+$0x4400]  }
0x1e9: {  	v19 =	vld [tilespmem:s2+$0x4480]  }
0x1ea: {  	v20 =	vld [tilespmem:s2+$0x4500]  }
0x1eb: {  	v21 =	vld [tilespmem:s2+$0x4580]  }
0x1ec: {  	v22 =	vld [tilespmem:s2+$0x2600]  }
0x1ed: {  	v23 =	vld [tilespmem:s2+$0x2680]  }
0x1ee: {  	v24 =	vld [tilespmem:s2+$0x2700]  }
0x1ef: {  	v25 =	vld [tilespmem:s4+$0x400]  }
0x1f0: {  	v26 =	vld [tilespmem:s2+$0x2400]  }
0x1f1: {  	v27 =	vld [tilespmem:s2+$0x2480]  }
0x1f2: {  	v28 =	vld [tilespmem:s2+$0x2500]  }
0x1f3: {  	v29 =	vld [tilespmem:s2+$0x2580]  }
0x1f4: {  	v30 =	vld [tilespmem:s2+$0x600]  }
0x1f5: {  	v31 =	vld [tilespmem:s2+$0x680];
	v6 =	vshll.u32 v6, $0x1F  }
0x1f6: {  	v32 =	vld [tilespmem:s2+$0x700];
	v7 =	vshll.u32 v7, $0x1F;
	v8 =	vshll.u32 v8, $0x1F;
	v9 =	vshll.u32 v9, $0x1F  }
0x1f7: {  	v33 =	vld [tilespmem:s3+$0x400];
	v10 =	vshll.u32 v10, $0x1F;
	v11 =	vshll.u32 v11, $0x1F;
	v12 =	vshll.u32 v12, $0x1F  }
0x1f8: {  	v34 =	vld [tilespmem:s2+$0x400];
	v14 =	vshll.u32 v14, $0x1F;
	v15 =	vshll.u32 v15, $0x1F;
	v13 =	vshll.u32 v13, $0x1F  }
0x1f9: {  	v35 =	vld [tilespmem:s2+$0x480];
	v16 =	vshll.u32 v16, $0x1F;
	v18 =	vshll.u32 v18, $0x1F;
	v19 =	vshll.u32 v19, $0x1F  }
0x1fa: {  	v36 =	vld [tilespmem:s2+$0x500];
	v17 =	vshll.u32 v17, $0x1F;
	v20 =	vshll.u32 v20, $0x1F;
	v21 =	vshll.u32 v21, $0x1F  }
0x1fb: {  	v37 =	vld [tilespmem:s2+$0x580];
	v38 =	vor.u32 $0x80000000, v22;
	v39 =	vor.u32 $0x80000000, v23;
	v40 =	vor.u32 $0x80000000, v24  }
0x1fc: {  	v41 =	vor.u32 $0x80000000, v26;
	v42 =	vor.u32 $0x80000000, v25;
	v43 =	vor.u32 $0x80000000, v27  }
0x1fd: {  	v44 =	vor.u32 $0x80000000, v28;
	v45 =	vor.u32 $0x80000000, v29;
	v46 =	vor.u32 $0x80000000, v30  }
0x1fe: {  	v47 =	vor.u32 $0x80000000, v31;
	v48 =	vor.u32 $0x80000000, v34;
	v49 =	vor.u32 $0x80000000, v32  }
0x1ff: {  	v50 =	vor.u32 $0x80000000, v33;
	v51 =	vor.u32 $0x80000000, v35;
	v52 =	vor.u32 $0x80000000, v36  }
0x200: {  	v53 =	vor.u32 $0x80000000, v37;
	v6 =	vxor.u32 v22, v6;
	v22 =	vxor.u32 v23, v7  }
0x201: {  	v8 =	vxor.u32 v24, v8;
	v7 =	vmul.f32 $1.442695020e+00, v38;
	v23 =	vmul.f32 $1.442695020e+00, v39  }
0x202: {  	v9 =	vxor.u32 v25, v9;
	v10 =	vxor.u32 v26, v10;
	v24 =	vmul.f32 $1.442695020e+00, v40  }
0x203: {  	v25 =	vmul.f32 $1.442695020e+00, v42;
	v26 =	vmul.f32 $1.442695020e+00, v41;
	v11 =	vxor.u32 v27, v11  }
0x204: {  	v27 =	vmul.f32 $1.442695020e+00, v43;
	v12 =	vxor.u32 v28, v12;
	v28 =	vmul.f32 $1.442695020e+00, v44  }
0x205: {  	v13 =	vxor.u32 v29, v13;
	v14 =	vxor.u32 v30, v14;
	v15 =	vxor.u32 v31, v15  }
0x206: {  	v16 =	vxor.u32 v32, v16;
	v17 =	vxor.u32 v33, v17;
	v18 =	vxor.u32 v34, v18  }
0x207: {  	v19 =	vxor.u32 v35, v19;
	v20 =	vxor.u32 v36, v20;
	v29 =	vmul.f32 $1.442695020e+00, v52  }
0x208: {  	v22 =	vmax.f32 v22, $0.0e+00;
	v8 =	vmax.f32 v8, $0.0e+00;
	(erf) = vpow2.f32 v7  }
0x209: {  	v9 =	vmax.f32 v9, $0.0e+00;
	v10 =	vmax.f32 v10, $0.0e+00;
	(erf) = vpow2.f32 v23  }
0x20a: {  	v11 =	vmax.f32 v11, $0.0e+00;
	v12 =	vmax.f32 v12, $0.0e+00;
	(erf) = vpow2.f32 v24  }
0x20b: {  	v13 =	vmax.f32 v13, $0.0e+00;
	v7 =	vmul.f32 $1.442695020e+00, v45;
	(erf) = vpow2.f32 v25  }
0x20c: {  	v14 =	vmax.f32 v14, $0.0e+00;
	v23 =	vmul.f32 $1.442695020e+00, v46;
	(erf) = vpow2.f32 v26  }
0x20d: {  	v15 =	vmax.f32 v15, $0.0e+00;
	v24 =	vmul.f32 $1.442695020e+00, v47;
	(erf) = vpow2.f32 v27  }
0x20e: {  	v16 =	vmax.f32 v16, $0.0e+00;
	v25 =	vmul.f32 $1.442695020e+00, v49;
	(erf) = vpow2.f32 v28  }
0x20f: {  	v17 =	vmax.f32 v17, $0.0e+00;
	v26 =	vmul.f32 $1.442695020e+00, v50;
	(erf) = vpow2.f32 v7  }
0x210: {  	v18 =	vmax.f32 v18, $0.0e+00;
	v27 =	vmul.f32 $1.442695020e+00, v48;
	(erf) = vpow2.f32 v23  }
0x211: {  	v19 =	vmax.f32 v19, $0.0e+00;
	v28 =	vmul.f32 $1.442695020e+00, v51;
	(erf) = vpow2.f32 v24  }
0x212: {  	v7 =	vxor.u32 v37, v21;
	v21 =	vmul.f32 $1.442695020e+00, v53;
	v23 =	vpop (erf);
	(erf) = vpow2.f32 v25  }
0x213: {  	v20 =	vmax.f32 v20, $0.0e+00;
	v25 =	vpop (erf);
	v30 =	vmul.f32 $2.518130840e-01, v23;
	(erf) = vpow2.f32 v26  }
0x214: {  	v7 =	vmax.f32 v7, $0.0e+00;
	v26 =	vpop (erf);
	v31 =	vmul.f32 $2.518130840e-01, v25;
	(erf) = vpow2.f32 v27  }
0x215: {  	v27 =	vpop (erf);
	v55 =	vmul.f32 $2.518130840e-01, v26;
	v30 =	vsub.f32 $9.405722020e-01, v30;
	(erf) = vpow2.f32 v28  }
0x216: {  	v24 =	vmax.f32 v6, $0.0e+00;
	v28 =	vpop (erf);
	v57 =	vmul.f32 $2.518130840e-01, v27;
	(erf) = vpow2.f32 v29  }
0x217: {  	s15 =	simm.s32 $0x10;
	s22 =	simm.s32 $0x80;
	v31 =	vsub.f32 $9.405722020e-01, v31;
	v29 =	vpop (erf);
	v56 =	vmul.f32 $2.518130840e-01, v28;
	v23 =	vmul.f32 v30, v23  }
0x218: {  	s16 =	sand.u32 $0x70, s15;
	s18 =	sand.u32 $0x1C00, s22;
	v32 =	vsub.f32 $9.405722020e-01, v55;
	(erf) = vpow2.f32 v21;
	v21 =	vpop (erf);
	v58 =	vmul.f32 $2.518130840e-01, v29  }
0x219: {  	s18 =	sor.u32 s16, s18;
	v35 =	vsub.f32 $9.405722020e-01, v57;
	v25 =	vmul.f32 v31, v25;
	v59 =	vmul.f32 $2.518130840e-01, v21  }
0x21a: {  	v30 =	vld [tilespmem:s18+$0x6580];
	v33 =	vpop (erf);
	v34 =	vsub.f32 $9.405722020e-01, v56;
	v26 =	vmul.f32 v32, v26;
	v23 =	vadd.f32 v23, v24  }
0x21b: {  	v36 =	vpop (erf);
	v61 =	vmul.f32 $2.518130840e-01, v33;
	v37 =	vsub.f32 $9.405722020e-01, v58;
	v27 =	vmul.f32 v35, v27  }
0x21c: {  	v22 =	vadd.f32 v25, v22;
	v39 =	vpop (erf);
	v60 =	vmul.f32 $2.518130840e-01, v36;
	v38 =	vsub.f32 $9.405722020e-01, v59  }
0x21d: {  	v28 =	vmul.f32 v34, v28;
	v8 =	vadd.f32 v26, v8;
	v44 =	vmul.f32 $2.518130840e-01, v39  }
0x21e: {  	v42 =	vpop (erf);
	v41 =	vsub.f32 $9.405722020e-01, v61;
	v29 =	vmul.f32 v37, v29;
	v9 =	vadd.f32 v27, v9  }
0x21f: {  	v26 =	vld [tilespmem:s18+$0x4480];
	v30 =	vshll.u32 v30, $0x1F;
	v45 =	vmul.f32 $2.518130840e-01, v42;
	v46 =	vpop (erf);
	v40 =	vsub.f32 $9.405722020e-01, v60  }
0x220: {  	v35 =	vld [tilespmem:s18+$0x2400];
	v21 =	vmul.f32 v38, v21;
	v10 =	vadd.f32 v28, v10;
	v48 =	vmul.f32 $2.518130840e-01, v46  }
0x221: {  	v49 =	vpop (erf);
	v44 =	vsub.f32 $9.405722020e-01, v44;
	v33 =	vmul.f32 v41, v33;
	v11 =	vadd.f32 v29, v11  }
0x222: {  	v51 =	vmul.f32 $2.518130840e-01, v49;
	v52 =	vpop (erf);
	v45 =	vsub.f32 $9.405722020e-01, v45;
	v36 =	vmul.f32 v40, v36  }
0x223: {  	v28 =	vld [tilespmem:s18+$0x4500];
	v12 =	vadd.f32 v21, v12;
	v54 =	vmul.f32 $2.518130840e-01, v52;
	v48 =	vsub.f32 $9.405722020e-01, v48  }
0x224: {  	v43 =	vld [tilespmem:s18+$0x6600];
	v55 =	vpop (erf);
	v39 =	vmul.f32 v44, v39;
	v13 =	vadd.f32 v33, v13;
	v41 =	vshll.u32 v26, $0x1F  }
0x225: {  	v21 =	vld [tilespmem:s18+$0x4580];
	v44 =	vor.u32 $0x80000000, v35;
	v57 =	vmul.f32 $2.518130840e-01, v55;
	v58 =	vpop (erf);
	v31 =	vsub.f32 $9.405722020e-01, v51  }
0x226: {  	v47 =	vld [tilespmem:s18+$0x6680];
	v42 =	vmul.f32 v45, v42;
	v14 =	vadd.f32 v36, v14;
	v60 =	vmul.f32 $2.518130840e-01, v58  }
0x227: {  	v33 =	vld [tilespmem:s18+$0x2600];
	v62 =	vsub.f32 $9.405722020e-01, v54;
	v25 =	vmul.f32 v48, v46;
	v15 =	vadd.f32 v39, v15  }
0x228: {  	v50 =	vld [tilespmem:s18+$0x6700];
	v28 =	vshll.u32 v28, $0x1F;
	v63 =	vsub.f32 $9.405722020e-01, v57;
	v27 =	vmul.f32 v31, v49  }
0x229: {  	v51 =	vld [tilespmem:s18+$0x4700];
	v16 =	vadd.f32 v42, v16;
	v54 =	vsub.f32 $9.405722020e-01, v60;
	v29 =	vmul.f32 v62, v52  }
0x22a: {  	s2 =	sor.u32 s15, s22;
	v40 =	vld [tilespmem:s18+$0x500];
	v17 =	vadd.f32 v25, v17;
	v62 =	vshll.u32 v43, $0x1F;
	v42 =	vshll.u32 v21, $0x1F  }
0x22b: {  	s23 =	sor.u32 $0x2380, s2;
	v25 =	vld [tilespmem:s18+$0x2680];
	v31 =	vmul.f32 v63, v55;
	v18 =	vadd.f32 v27, v18;
	v63 =	vshll.u32 v47, $0x1F  }
0x22c: {  	v53 =	vld [tilespmem:s23+$0x4400];
	v21 =	vor.u32 $0x80000000, v33;
	v33 =	vxor.u32 v33, v62;
	v60 =	vmul.f32 v54, v58  }
0x22d: {  	v27 =	vld [tilespmem:s18+$0x2700];
	v19 =	vadd.f32 v29, v19;
	v29 =	vimm.f32 $0.0e+00;
	v20 =	vadd.f32 v31, v20  }
0x22e: {  	v56 =	vld [tilespmem:s18+$0x6400];
	v38 =	vshll.u32 v51, $0x1F;
	v18 =	vadd.f32 $0.0e+00, v18;
	v7 =	vadd.f32 v60, v7  }
0x22f: {  	v19 =	vadd.f32 $0.0e+00, v19;
	v60 =	vor.u32 $0x80000000, v40;
	v20 =	vadd.f32 $0.0e+00, v20  }
0x230: {  	v31 =	vld [tilespmem:s23+$0x400];
	v14 =	vadd.f32 v14, v18;
	v26 =	vor.u32 $0x80000000, v25;
	v62 =	vxor.u32 v25, v63  }
0x231: {  	v7 =	vadd.f32 $0.0e+00, v7;
	v15 =	vadd.f32 v15, v19;
	v19 =	vshll.u32 v50, $0x1F  }
0x232: {  	v59 =	vld [tilespmem:s18+$0x6480];
	v43 =	vor.u32 $0x80000000, v27;
	v25 =	vmul.f32 $1.442695020e+00, v26;
	v16 =	vadd.f32 v16, v20  }
0x233: {  	v32 =	vld [tilespmem:s18+$0x4600];
	v20 =	vshll.u32 v53, $0x1F;
	v10 =	vadd.f32 v10, v14;
	v14 =	vshll.u32 v56, $0x1F  }
0x234: {  	v61 =	vld [tilespmem:s18+$0x6500];
	v63 =	vxor.u32 v27, v19;
	v19 =	vmul.f32 $1.442695020e+00, v21;
	v27 =	vmul.f32 $1.442695020e+00, v44  }
0x235: {  	v18 =	vld [tilespmem:s18+$0x2500];
	v7 =	vadd.f32 v17, v7;
	v11 =	vadd.f32 v11, v15;
	v45 =	vor.u32 $0x80000000, v31  }
0x236: {  	v34 =	vld [tilespmem:s18+$0x4680];
	v31 =	vxor.u32 v31, v20;
	v35 =	vxor.u32 v35, v14;
	v20 =	vmul.f32 $1.442695020e+00, v43  }
0x237: {  	v24 =	vld [tilespmem:s18+$0x4400];
	v12 =	vadd.f32 v12, v16;
	v16 =	vshll.u32 v59, $0x1F;
	v10 =	vadd.f32 v23, v10  }
0x238: {  	v17 =	vld [tilespmem:s18+$0x2580];
	v26 =	vmul.f32 $1.442695020e+00, v45;
	(erf) = vpow2.f32 v19;
	v19 =	vxor.u32 v40, v28  }
0x239: {  	s5 =	sor.u32 $0x380, s2;
	v15 =	vld [tilespmem:s18+$0x600];
	v28 =	vmul.f32 $1.442695020e+00, v60;
	v7 =	vadd.f32 v13, v7;
	v11 =	vadd.f32 v22, v11  }
0x23a: {  	v57 =	vld [tilespmem:s5+$0x4400];
	v22 =	vshll.u32 v61, $0x1F;
	v46 =	vor.u32 $0x80000000, v18;
	(erf) = vpow2.f32 v25  }
0x23b: {  	v23 =	vld [tilespmem:s18+$0x700];
	v8 =	vadd.f32 v8, v12;
	v12 =	vshll.u32 v34, $0x1F;
	v14 =	vxor.u32 v18, v22  }
0x23c: {  	v6 =	vld [tilespmem:s21+$0x0];
	(erf) = vpow2.f32 v20;
	v7 =	vadd.f32 v9, v7;
	v9 =	vshll.u32 v32, $0x1F  }
0x23d: {  	v13 =	vld [tilespmem:s18+$0x680];
	v10 =	vadd.f32 v11, v10;
	(erf) = vpow2.f32 v26;
	v47 =	vor.u32 $0x80000000, v17  }
0x23e: {  	v37 =	vld [tilespmem:s18+$0x2480];
	v48 =	vor.u32 $0x80000000, v15;
	v21 =	vxor.u32 v17, v30;
	v22 =	vxor.u32 v15, v9  }
0x23f: {  	v34 =	vld [tilespmem:s18+$0x400];
	(erf) = vpow2.f32 v27;
	v7 =	vadd.f32 v7, v8;
	v8 =	vshll.u32 v24, $0x1F  }
0x240: {  	v32 =	vld [tilespmem:s5+$0x400];
	v24 =	vshll.u32 v57, $0x1F;
	v57 =	vor.u32 $0x80000000, v23;
	v17 =	vmul.f32 $1.442695020e+00, v47  }
0x241: {  	v11 =	vld [tilespmem:s18+$0x480];
	v9 =	vmul.f32 $1.442695020e+00, v48;
	v26 =	vxor.u32 v23, v38;
	v7 =	vadd.f32 v7, v10  }
0x242: {  	v49 =	vor.u32 $0x80000000, v13;
	v25 =	vxor.u32 v13, v12;
	v13 =	vmul.f32 $1.442695020e+00, v57  }
0x243: {  	v12 =	vmul.f32 $1.442695020e+00, v49;
	v6 =	vmul.f32 v7, v6;
	v7 =	vor.u32 $0x80000000, v37  }
0x244: {  	v23 =	vxor.u32 v34, v8;
	v8 =	vmax.f32 v33, $0.0e+00;
	v7 =	vmul.f32 $1.442695020e+00, v7  }
0x245: {  	v10 =	vld [tilespmem:s18+$0x580];
	v58 =	vor.u32 $0x80000000, v32;
	v37 =	vxor.u32 v37, v16;
	v16 =	vmul.f32 $1.442695020e+00, v46  }
0x246: {  	v59 =	vor.u32 $0x80000000, v11;
	v24 =	vxor.u32 v32, v24;
	(erf) = vpow2.f32 v7  }
0x247: {  	v20 =	vxor.u32 v11, v41;
	v18 =	vmul.f32 $1.442695020e+00, v58;
	(erf) = vpow2.f32 v16  }
0x248: {  	v6 =	vadd.f32 v6, v29;
	v29 =	vor.u32 $0x80000000, v34;
	(erf) = vpow2.f32 v17  }
0x249: {  	v11 =	vmax.f32 v31, $0.0e+00;
	v30 =	vmul.f32 $1.442695020e+00, v29;
	(erf) = vpow2.f32 v9  }
0x24a: {  	v15 =	vpop (erf);
	v61 =	vor.u32 $0x80000000, v10;
	v29 =	vmul.f32 $1.442695020e+00, v59;
	(erf) = vpow2.f32 v12  }
0x24b: {  	v7 =	vxor.u32 v10, v42;
	v10 =	vmax.f32 v63, $0.0e+00;
	v16 =	vpop (erf);
	(erf) = vpow2.f32 v13  }
0x24c: {  	v27 =	vmul.f32 $1.442695020e+00, v61;
	v17 =	vpop (erf);
	v9 =	vmax.f32 v62, $0.0e+00;
	(erf) = vpow2.f32 v18  }
0x24d: {  	s23 =	simm.s32 $0x20;
	v12 =	vmax.f32 v35, $0.0e+00;
	v13 =	vmax.f32 v37, $0.0e+00;
	v18 =	vpop (erf);
	(erf) = vpow2.f32 v30  }
.LBB2_23:
0x24e: {  	p0 =	sne.s32 s23, $0x3F0;
	v30 =	vmax.f32 v14, $0.0e+00;
	v21 =	vmax.f32 v21, $0.0e+00;
	(erf) = vpow2.f32 v29;
	v29 =	vpop (erf)  }
0x24f: {  	v22 =	vmax.f32 v22, $0.0e+00;
	v25 =	vmax.f32 v25, $0.0e+00;
	(erf) = vpow2.f32 v28;
	v28 =	vpop (erf)  }
0x250: {  	v26 =	vmax.f32 v26, $0.0e+00;
	v31 =	vmul.f32 $2.518130840e-01, v15;
	(erf) = vpow2.f32 v27;
	v27 =	vpop (erf)  }
0x251: {  	v24 =	vmax.f32 v24, $0.0e+00;
	v32 =	vmul.f32 $2.518130840e-01, v16;
	v33 =	vmul.f32 $2.518130840e-01, v17;
	v34 =	vpop (erf)  }
0x252: {  	v23 =	vmax.f32 v23, $0.0e+00;
	v36 =	vmul.f32 $2.518130840e-01, v18;
	s22 =	sadd.s32 $0x80, s22;
	v35 =	vmul.f32 $2.518130840e-01, v29;
	v37 =	vpop (erf)  }
0x253: {  	s2 =	sand.u32 $0x70, s23;
	v20 =	vmax.f32 v20, $0.0e+00;
	s21 =	sadd.s32 $0x10, s21;
	s3 =	sand.u32 $0x1C00, s22;
	v38 =	vmul.f32 $2.518130840e-01, v28;
	v39 =	vmul.f32 $2.518130840e-01, v27;
	v40 =	vpop (erf)  }
0x254: {  	v19 =	vmax.f32 v19, $0.0e+00;
	s18 =	sor.u32 s2, s3;
	v42 =	vmul.f32 $2.518130840e-01, v34;
	v41 =	vmul.f32 $2.518130840e-01, v37;
	v14 =	vld [tilespmem:s21+$0x0];
	v43 =	vpop (erf)  }
0x255: {  	v31 =	vsub.f32 $9.405722020e-01, v31;
	v45 =	vmul.f32 $2.518130840e-01, v40;
	v44 =	vld [tilespmem:s18+$0x6600];
	v46 =	vmul.f32 $2.518130840e-01, v43;
	v47 =	vpop (erf)  }
0x256: {  	s2 =	sor.u32 s23, s22;
	v32 =	vsub.f32 $9.405722020e-01, v32;
	v33 =	vsub.f32 $9.405722020e-01, v33;
	v48 =	vld [tilespmem:s18+$0x6680];
	v49 =	vmul.f32 $2.518130840e-01, v47;
	v50 =	vpop (erf)  }
0x257: {  	v36 =	vsub.f32 $9.405722020e-01, v36;
	s8 =	sor.u32 $0x2380, s2;
	v35 =	vsub.f32 $9.405722020e-01, v35;
	v51 =	vld [tilespmem:s18+$0x6700];
	v52 =	vmul.f32 $2.518130840e-01, v50;
	v53 =	vpop (erf)  }
0x258: {  	v38 =	vsub.f32 $9.405722020e-01, v38;
	v39 =	vsub.f32 $9.405722020e-01, v39;
	v54 =	vld [tilespmem:s8+$0x4400];
	v55 =	vmul.f32 $2.518130840e-01, v53;
	v56 =	vpop (erf)  }
0x259: {  	v42 =	vsub.f32 $9.405722020e-01, v42;
	v41 =	vsub.f32 $9.405722020e-01, v41;
	v57 =	vld [tilespmem:s18+$0x6400];
	v58 =	vmul.f32 $2.518130840e-01, v56;
	v59 =	vpop (erf)  }
0x25a: {  	v45 =	vsub.f32 $9.405722020e-01, v45;
	v46 =	vsub.f32 $9.405722020e-01, v46;
	v60 =	vld [tilespmem:s18+$0x6480];
	v61 =	vmul.f32 $2.518130840e-01, v59  }
0x25b: {  	v15 =	vmul.f32 v31, v15;
	v16 =	vmul.f32 v32, v16;
	v49 =	vsub.f32 $9.405722020e-01, v49;
	v62 =	vld [tilespmem:s18+$0x6500]  }
0x25c: {  	v17 =	vmul.f32 v33, v17;
	v18 =	vmul.f32 v36, v18;
	v32 =	vsub.f32 $9.405722020e-01, v52;
	v31 =	vld [tilespmem:s18+$0x6580]  }
0x25d: {  	v29 =	vmul.f32 v35, v29;
	v28 =	vmul.f32 v38, v28;
	v36 =	vsub.f32 $9.405722020e-01, v55;
	v33 =	vld [tilespmem:s18+$0x4600]  }
0x25e: {  	v27 =	vmul.f32 v39, v27;
	v34 =	vmul.f32 v42, v34;
	v38 =	vsub.f32 $9.405722020e-01, v58;
	v35 =	vld [tilespmem:s18+$0x4680]  }
0x25f: {  	s4 =	sor.u32 $0x380, s2;
	v37 =	vmul.f32 v41, v37;
	v40 =	vmul.f32 v45, v40;
	v42 =	vsub.f32 $9.405722020e-01, v61;
	v39 =	vld [tilespmem:s18+$0x4700]  }
0x260: {  	v8 =	vadd.f32 v15, v8;
	v9 =	vadd.f32 v16, v9;
	v43 =	vmul.f32 v46, v43;
	v41 =	vld [tilespmem:s4+$0x4400]  }
0x261: {  	v10 =	vadd.f32 v17, v10;
	v11 =	vadd.f32 v18, v11;
	v16 =	vmul.f32 v49, v47;
	v15 =	vld [tilespmem:s18+$0x4400]  }
0x262: {  	v12 =	vadd.f32 v29, v12;
	v13 =	vadd.f32 v28, v13;
	v18 =	vmul.f32 v32, v50;
	v17 =	vld [tilespmem:s18+$0x4480]  }
0x263: {  	v27 =	vadd.f32 v27, v30;
	v21 =	vadd.f32 v34, v21;
	v29 =	vmul.f32 v36, v53;
	v28 =	vld [tilespmem:s18+$0x4500]  }
0x264: {  	v22 =	vadd.f32 v37, v22;
	v25 =	vadd.f32 v40, v25;
	v32 =	vmul.f32 v38, v56;
	v30 =	vld [tilespmem:s18+$0x4580]  }
0x265: {  	v26 =	vadd.f32 v43, v26;
	v16 =	vadd.f32 v16, v24;
	v36 =	vmul.f32 v42, v59;
	v34 =	vld [tilespmem:s18+$0x2600]  }
0x266: {  	v7 =	vmax.f32 v7, $0.0e+00;
	v18 =	vadd.f32 v18, v23;
	v20 =	vadd.f32 v29, v20;
	v24 =	vld [tilespmem:s18+$0x2680]  }
0x267: {  	v19 =	vadd.f32 v32, v19;
	v7 =	vadd.f32 v36, v7;
	v23 =	vld [tilespmem:s18+$0x2700]  }
0x268: {  	v18 =	vadd.f32 $0.0e+00, v18;
	v20 =	vadd.f32 $0.0e+00, v20;
	v29 =	vld [tilespmem:s8+$0x400]  }
0x269: {  	v36 =	vshll.u32 v44, $0x1F;
	v19 =	vadd.f32 $0.0e+00, v19;
	v7 =	vadd.f32 $0.0e+00, v7;
	v32 =	vld [tilespmem:s18+$0x2400]  }
0x26a: {  	v38 =	vshll.u32 v48, $0x1F;
	v18 =	vadd.f32 v22, v18;
	v20 =	vadd.f32 v25, v20;
	v37 =	vld [tilespmem:s18+$0x2480]  }
0x26b: {  	v25 =	vshll.u32 v51, $0x1F;
	v19 =	vadd.f32 v26, v19;
	v7 =	vadd.f32 v16, v7;
	v22 =	vld [tilespmem:s18+$0x2500]  }
0x26c: {  	v26 =	vshll.u32 v54, $0x1F;
	v12 =	vadd.f32 v12, v18;
	v13 =	vadd.f32 v13, v20;
	v16 =	vld [tilespmem:s18+$0x2580]  }
0x26d: {  	v20 =	vshll.u32 v57, $0x1F;
	v19 =	vadd.f32 v27, v19;
	v7 =	vadd.f32 v21, v7;
	v18 =	vld [tilespmem:s18+$0x600]  }
0x26e: {  	v8 =	vadd.f32 v8, v12;
	v21 =	vshll.u32 v60, $0x1F;
	v9 =	vadd.f32 v9, v13;
	v27 =	vld [tilespmem:s18+$0x680]  }
0x26f: {  	v13 =	vshll.u32 v62, $0x1F;
	v10 =	vadd.f32 v10, v19;
	v7 =	vadd.f32 v11, v7;
	v12 =	vld [tilespmem:s18+$0x700]  }
0x270: {  	v31 =	vshll.u32 v31, $0x1F;
	v19 =	vshll.u32 v35, $0x1F;
	v11 =	vshll.u32 v33, $0x1F;
	v33 =	vld [tilespmem:s4+$0x400]  }
0x271: {  	v39 =	vshll.u32 v39, $0x1F;
	v8 =	vadd.f32 v9, v8;
	v7 =	vadd.f32 v7, v10;
	v35 =	vld [tilespmem:s18+$0x400]  }
0x272: {  	v9 =	vshll.u32 v15, $0x1F;
	v15 =	vshll.u32 v17, $0x1F;
	v17 =	vshll.u32 v41, $0x1F;
	v10 =	vld [tilespmem:s18+$0x480]  }
0x273: {  	v28 =	vshll.u32 v28, $0x1F;
	v30 =	vshll.u32 v30, $0x1F;
	v7 =	vadd.f32 v7, v8;
	v40 =	vld [tilespmem:s18+$0x500]  }
0x274: {  	v41 =	vor.u32 $0x80000000, v34;
	v42 =	vor.u32 $0x80000000, v24;
	v43 =	vor.u32 $0x80000000, v23;
	v8 =	vld [tilespmem:s18+$0x580]  }
0x275: {  	v45 =	vor.u32 $0x80000000, v29;
	v44 =	vor.u32 $0x80000000, v32;
	v7 =	vmul.f32 v7, v14  }
0x276: {  	v14 =	vor.u32 $0x80000000, v37;
	v46 =	vor.u32 $0x80000000, v22;
	v47 =	vor.u32 $0x80000000, v16  }
0x277: {  	v6 =	vadd.f32 v7, v6;
	v48 =	vor.u32 $0x80000000, v18;
	v49 =	vor.u32 $0x80000000, v27  }
0x278: {  	v50 =	vor.u32 $0x80000000, v12;
	v51 =	vor.u32 $0x80000000, v33;
	v7 =	vor.u32 $0x80000000, v35  }
0x279: {  	v52 =	vor.u32 $0x80000000, v10;
	v53 =	vor.u32 $0x80000000, v40;
	v54 =	vor.u32 $0x80000000, v8  }
0x27a: {  	v34 =	vxor.u32 v34, v36;
	v36 =	vxor.u32 v24, v38;
	v38 =	vxor.u32 v23, v25  }
0x27b: {  	v23 =	vmul.f32 $1.442695020e+00, v41;
	v24 =	vmul.f32 $1.442695020e+00, v42;
	v41 =	vxor.u32 v29, v26  }
0x27c: {  	v32 =	vxor.u32 v32, v20;
	v20 =	vmul.f32 $1.442695020e+00, v43;
	v26 =	vmul.f32 $1.442695020e+00, v45  }
0x27d: {  	v29 =	vmul.f32 $1.442695020e+00, v44;
	v37 =	vxor.u32 v37, v21;
	v42 =	vmul.f32 $1.442695020e+00, v14  }
0x27e: {  	v14 =	vxor.u32 v22, v13;
	v13 =	vmul.f32 $1.442695020e+00, v46;
	(erf) = vpow2.f32 v23  }
0x27f: {  	v21 =	vxor.u32 v16, v31;
	v16 =	vmul.f32 $1.442695020e+00, v47;
	(erf) = vpow2.f32 v24  }
0x280: {  	v22 =	vxor.u32 v18, v11;
	v11 =	vmul.f32 $1.442695020e+00, v48;
	(erf) = vpow2.f32 v20  }
0x281: {  	v25 =	vxor.u32 v27, v19;
	v18 =	vmul.f32 $1.442695020e+00, v49;
	(erf) = vpow2.f32 v26  }
0x282: {  	v26 =	vxor.u32 v12, v39;
	v12 =	vmul.f32 $1.442695020e+00, v50;
	(erf) = vpow2.f32 v29  }
0x283: {  	v24 =	vxor.u32 v33, v17;
	v17 =	vmul.f32 $1.442695020e+00, v51;
	(erf) = vpow2.f32 v42  }
0x284: {  	v31 =	vmul.f32 $1.442695020e+00, v7;
	v23 =	vxor.u32 v35, v9;
	(erf) = vpow2.f32 v13  }
0x285: {  	v20 =	vxor.u32 v10, v15;
	v29 =	vmul.f32 $1.442695020e+00, v52;
	(erf) = vpow2.f32 v16  }
.Ltmp15:
0x286: {  	v19 =	vxor.u32 v40, v28;
	v28 =	vmul.f32 $1.442695020e+00, v53;
	(erf) = vpow2.f32 v11;
	(pc) =	sbr.rel @p0 .LBB2_23-.Ltmp15, $4  }
0x287: {  	v7 =	vxor.u32 v8, v30;
	v27 =	vmul.f32 $1.442695020e+00, v54;
	(erf) = vpow2.f32 v18;
	v15 =	vpop (erf)  }
0x288: {  	v8 =	vmax.f32 v34, $0.0e+00;
	v9 =	vmax.f32 v36, $0.0e+00;
	(erf) = vpow2.f32 v12;
	v16 =	vpop (erf)  }
0x289: {  	v10 =	vmax.f32 v38, $0.0e+00;
	v11 =	vmax.f32 v41, $0.0e+00;
	(erf) = vpow2.f32 v17;
	v17 =	vpop (erf)  }
0x28a: {  	s23 =	sadd.s32 $0x10, s23;
	v13 =	vmax.f32 v37, $0.0e+00;
	v12 =	vmax.f32 v32, $0.0e+00;
	(erf) = vpow2.f32 v31;
	v18 =	vpop (erf)  }
0x28b: {  	v14 =	vmax.f32 v14, $0.0e+00;
	v21 =	vmax.f32 v21, $0.0e+00;
	(erf) = vpow2.f32 v29  }
0x28c: {  	v22 =	vmax.f32 v22, $0.0e+00;
	v25 =	vmax.f32 v25, $0.0e+00;
	v26 =	vmax.f32 v26, $0.0e+00  }
0x28d: {  	v30 =	vmul.f32 $2.518130840e-01, v15;
	v24 =	vmax.f32 v24, $0.0e+00;
	v31 =	vmul.f32 $2.518130840e-01, v16  }
0x28e: {  	v29 =	vpop (erf);
	v32 =	vmul.f32 $2.518130840e-01, v17;
	v23 =	vmax.f32 v23, $0.0e+00;
	v35 =	vmul.f32 $2.518130840e-01, v18  }
0x28f: {  	v20 =	vmax.f32 v20, $0.0e+00;
	v19 =	vmax.f32 v19, $0.0e+00;
	(erf) = vpow2.f32 v28;
	v28 =	vpop (erf)  }
0x290: {  	v34 =	vmul.f32 $2.518130840e-01, v29;
	(erf) = vpow2.f32 v27;
	v57 =	vpop (erf);
	v30 =	vsub.f32 $9.405722020e-01, v30  }
0x291: {  	v37 =	vmul.f32 $2.518130840e-01, v28;
	v31 =	vsub.f32 $9.405722020e-01, v31;
	v32 =	vsub.f32 $9.405722020e-01, v32;
	v33 =	vpop (erf)  }
0x292: {  	v35 =	vsub.f32 $9.405722020e-01, v35;
	v38 =	vmul.f32 $2.518130840e-01, v57;
	v41 =	vmul.f32 $2.518130840e-01, v33  }
0x293: {  	v34 =	vsub.f32 $9.405722020e-01, v34;
	v58 =	vmul.f32 v30, v15;
	v59 =	vmul.f32 v31, v16  }
0x294: {  	v36 =	vpop (erf);
	v37 =	vsub.f32 $9.405722020e-01, v37;
	v61 =	vmul.f32 v32, v17;
	v62 =	vmul.f32 v35, v18  }
0x295: {  	v39 =	vpop (erf);
	v40 =	vmul.f32 $2.518130840e-01, v36;
	v38 =	vsub.f32 $9.405722020e-01, v38;
	v29 =	vmul.f32 v34, v29  }
0x296: {  	v43 =	vmul.f32 $2.518130840e-01, v39;
	v41 =	vsub.f32 $9.405722020e-01, v41;
	v8 =	vadd.f32 v58, v8  }
0x297: {  	v42 =	vpop (erf);
	v28 =	vmul.f32 v37, v28;
	v9 =	vadd.f32 v59, v9;
	v10 =	vadd.f32 v61, v10  }
0x298: {  	v11 =	vadd.f32 v62, v11;
	v44 =	vmul.f32 $2.518130840e-01, v42;
	v45 =	vpop (erf);
	v40 =	vsub.f32 $9.405722020e-01, v40  }
0x299: {  	v27 =	vmul.f32 v38, v57;
	v12 =	vadd.f32 v29, v12;
	v46 =	vmul.f32 $2.518130840e-01, v45  }
0x29a: {  	v47 =	vpop (erf);
	v43 =	vsub.f32 $9.405722020e-01, v43;
	v33 =	vmul.f32 v41, v33;
	v13 =	vadd.f32 v28, v13  }
0x29b: {  	v48 =	vmul.f32 $2.518130840e-01, v47;
	v49 =	vpop (erf);
	v44 =	vsub.f32 $9.405722020e-01, v44;
	v14 =	vadd.f32 v27, v14  }
0x29c: {  	v50 =	vmul.f32 $2.518130840e-01, v49;
	v51 =	vpop (erf);
	v46 =	vsub.f32 $9.405722020e-01, v46;
	v59 =	vadd.f32 v33, v21  }
0x29d: {  	v52 =	vmul.f32 $2.518130840e-01, v51;
	v53 =	vpop (erf);
	v60 =	vsub.f32 $9.405722020e-01, v48;
	v55 =	vmul.f32 v44, v42  }
0x29e: {  	v54 =	vmul.f32 $2.518130840e-01, v53;
	v63 =	vsub.f32 $9.405722020e-01, v50;
	v56 =	vmul.f32 v46, v45  }
0x29f: {  	v48 =	vsub.f32 $9.405722020e-01, v52;
	v52 =	vmul.f32 v40, v36;
	v57 =	vmul.f32 v60, v47  }
0x2a0: {  	v26 =	vadd.f32 v55, v26;
	v50 =	vsub.f32 $9.405722020e-01, v54;
	v54 =	vmul.f32 v43, v39  }
0x2a1: {  	v58 =	vmul.f32 v63, v49;
	v15 =	vadd.f32 v56, v24;
	v60 =	vmul.f32 v48, v51  }
0x2a2: {  	v22 =	vadd.f32 v52, v22;
	v16 =	vadd.f32 v57, v23;
	v61 =	vmul.f32 v50, v53  }
0x2a3: {  	v7 =	vmax.f32 v7, $0.0e+00;
	v25 =	vadd.f32 v54, v25;
	v17 =	vadd.f32 v58, v20  }
0x2a4: {  	v19 =	vadd.f32 v60, v19;
	v7 =	vadd.f32 v61, v7  }
0x2a5: {  	v16 =	vadd.f32 $0.0e+00, v16;
	v17 =	vadd.f32 $0.0e+00, v17  }
0x2a6: {  	v19 =	vadd.f32 $0.0e+00, v19;
	v7 =	vadd.f32 $0.0e+00, v7  }
0x2a7: {  	v16 =	vadd.f32 v22, v16;
	v17 =	vadd.f32 v25, v17  }
0x2a8: {  	v19 =	vadd.f32 v26, v19;
	v7 =	vadd.f32 v15, v7  }
0x2a9: {  	v12 =	vadd.f32 v12, v16;
	v13 =	vadd.f32 v13, v17  }
0x2aa: {  	v14 =	vadd.f32 v14, v19;
	v7 =	vadd.f32 v59, v7  }
0x2ab: {  	v8 =	vadd.f32 v8, v12;
	v9 =	vadd.f32 v9, v13  }
0x2ac: {  	s2 =	sadd.s32 $0x10, s21;
	v10 =	vadd.f32 v10, v14;
	v7 =	vadd.f32 v11, v7  }
0x2ad: {  	v62 =	vld [tilespmem:s2+$0x0]  }
0x2ae: {  	v8 =	vadd.f32 v9, v8;
	v7 =	vadd.f32 v7, v10;
	_ =	sdelay $0x1  }
0x2af: {  	v7 =	vadd.f32 v7, v8  }
0x2b0: {  	v63 =	vld [tilespmem:$0x19800]  }
0x2b1: {  	v7 =	vmul.f32 v7, v62;
	_ =	sdelay $0x1  }
0x2b2: {  	v6 =	vadd.f32 v7, v6;
	_ =	sdelay $0x1  }
0x2b3: {  	v6 =	vadd.f32 v63, v6;
	_ =	sdelay $0x1  }
0x2b4: {  	[tilespmem:$0x19800] =	vst v6  }
.LBB2_25:
0x2b5: {  	s4 =	sadd.s32 $0x1, s0  }
0x2b6: {  	p0 =	sge.s32 s4, s30  }
.Ltmp16:
0x2b7: {  	_ = 	snop;
	(pc) =	sbr.rel @p0 .LBB2_34-.Ltmp16, $1  }
0x2b8: {  	_ =	sdelay $0x3  }
0x2b9: {  	s2 =	sadd.s32 $0x3, s0  }
0x2ba: {  	p0 =	sge.s32 s2, s30  }
0x2bb: {  	s2 =	sshll.u32 @!p0 s2, $0x7  }
0x2bc: {  	s2 =	sand.u32 @!p0 $0x3FFFFF80, s2  }
0x2bd: {  	v6 =	vld @!p0 [tilespmem:s2+$0x18400];
	_ =	sdelay $0x4  }
0x2be: {  	v7 =	vshll.u32 @!p0 v6, $0x3  }
0x2bf: {  	v8 =	vlaneseq.u32 @!p0;
	v6 =	vand.u32 @!p0 $0x7, v6;
	v7 =	vand.u32 @!p0 $0xFFFFFFC0, v7  }
0x2c0: {  	v9 =	vshrl.u32 @!p0 v8, $0x3;
	v6 =	vor.u32 @!p0 v6, v7;
	v7 =	vand.u32 @!p0 $0x7, v8  }
0x2c1: {  	v9 =	vmul.u32 @!p0 $0x8, v9;
	v10 =	vperm.xlane @!p0 v6, v7;
	_ =	sdelay $0x1  }
0x2c2: {  	v10 =	vadd.s32 @!p0 v9, v10;
	_ =	sdelay $0x3  }
0x2c3: {  	vm15 =	vmmov @!p0 $0xffff;
	s3 =	simm.s32 @!p0 $0x0;
	s5 =	simm.s32 @!p0 $0x400  }
0x2c4: {  	v8 =	vor.u32 @!p0 $0x8, v8;
	[tilespmem:s5], [sflag:$0x1] =	stream.indirect_vreg.gather @!p0 [hbm4b:s11+s3], $0x80, v10, vm15, $0xb8;
	[tilespmem:$0x19900] =	vst v63  }
0x2c5: {  	v6 =	vperm.xlane @!p0 v6, v8;
	s5 =	simm.s32 @!p0 $0xC00  }
0x2c6: {  	[tilespmem:s5], [sflag:$0x1] =	stream.indirect_vreg.gather @!p0 [hbm4b:s20+s3], $0x80, v10, vm15, $0xb8;
	[tilespmem:$0x19900] =	vst v63  }
0x2c7: {  	v6 =	vadd.s32 @!p0 v9, v6;
	s5 =	simm.s32 @!p0 $0x1400  }
0x2c8: {  	[tilespmem:s5], [sflag:$0x1] =	stream.indirect_vreg.gather @!p0 [hbm4b:s24+s3], $0x80, v10, vm15, $0xb8;
	[tilespmem:$0x19900] =	vst v63  }
0x2c9: {  	s5 =	simm.s32 @!p0 $0x1C00  }
0x2ca: {  	[tilespmem:s5], [sflag:$0x1] =	stream.indirect_vreg.gather @!p0 [hbm4b:s25+s3], $0x80, v10, vm15, $0xb8;
	[tilespmem:$0x19900] =	vst v63  }
0x2cb: {  	s5 =	simm.s32 @!p0 $0x2400  }
0x2cc: {  	[tilespmem:s5], [sflag:$0x1] =	stream.indirect_vreg.gather @!p0 [hbm4b:s11+s3], $0x80, v6, vm15, $0xb8;
	[tilespmem:$0x19900] =	vst v63  }
0x2cd: {  	s5 =	simm.s32 @!p0 $0x2C00  }
0x2ce: {  	[tilespmem:s5], [sflag:$0x1] =	stream.indirect_vreg.gather @!p0 [hbm4b:s20+s3], $0x80, v6, vm15, $0xb8;
	[tilespmem:$0x19900] =	vst v63  }
0x2cf: {  	s5 =	simm.s32 @!p0 $0x3400  }
0x2d0: {  	[tilespmem:s5], [sflag:$0x1] =	stream.indirect_vreg.gather @!p0 [hbm4b:s24+s3], $0x80, v6, vm15, $0xb8;
	[tilespmem:$0x19900] =	vst v63  }
0x2d1: {  	s5 =	simm.s32 @!p0 $0x3C00  }
0x2d2: {  	[tilespmem:s5], [sflag:$0x1] =	stream.indirect_vreg.gather @!p0 [hbm4b:s25+s3], $0x80, v6, vm15, $0xb8;
	[tilespmem:$0x19900] =	vst v63  }
0x2d3: {  	v6 =	vld @!p0 [tilespmem:s2+$0x18400];
	_ =	sdelay $0x4  }
0x2d4: {  	v10 =	vshll.u32 @!p0 v6, $0x3  }
0x2d5: {  	v6 =	vand.u32 @!p0 $0x7, v6;
	v10 =	vand.u32 @!p0 $0xFFFFFFC0, v10  }
0x2d6: {  	v6 =	vor.u32 @!p0 v6, v10  }
0x2d7: {  	v7 =	vperm.xlane @!p0 v6, v7;
	_ =	sdelay $0x1  }
0x2d8: {  	v7 =	vadd.s32 @!p0 v9, v7;
	_ =	sdelay $0x3  }
0x2d9: {  	s2 =	simm.s32 @!p0 $0x4400  }
0x2da: {  	[tilespmem:s2], [sflag:$0x1] =	stream.indirect_vreg.gather @!p0 [hbm4b:s12+s3], $0x80, v7, vm15, $0xb8;
	[tilespmem:$0x19900] =	vst v63  }
0x2db: {  	v6 =	vperm.xlane @!p0 v6, v8;
	s2 =	simm.s32 @!p0 $0x4C00  }
0x2dc: {  	[tilespmem:s2], [sflag:$0x1] =	stream.indirect_vreg.gather @!p0 [hbm4b:s26+s3], $0x80, v7, vm15, $0xb8;
	[tilespmem:$0x19900] =	vst v63  }
0x2dd: {  	v6 =	vadd.s32 @!p0 v9, v6;
	s2 =	simm.s32 @!p0 $0x5400  }
0x2de: {  	[tilespmem:s2], [sflag:$0x1] =	stream.indirect_vreg.gather @!p0 [hbm4b:s13+s3], $0x80, v7, vm15, $0xb8;
	[tilespmem:$0x19900] =	vst v63  }
0x2df: {  	s2 =	simm.s32 @!p0 $0x5C00  }
0x2e0: {  	[tilespmem:s2], [sflag:$0x1] =	stream.indirect_vreg.gather @!p0 [hbm4b:s14+s3], $0x80, v7, vm15, $0xb8;
	[tilespmem:$0x19900] =	vst v63  }
0x2e1: {  	s2 =	simm.s32 @!p0 $0x6400  }
0x2e2: {  	[tilespmem:s2], [sflag:$0x1] =	stream.indirect_vreg.gather @!p0 [hbm4b:s12+s3], $0x80, v6, vm15, $0xb8;
	[tilespmem:$0x19900] =	vst v63  }
0x2e3: {  	s2 =	simm.s32 @!p0 $0x6C00  }
0x2e4: {  	[tilespmem:s2], [sflag:$0x1] =	stream.indirect_vreg.gather @!p0 [hbm4b:s26+s3], $0x80, v6, vm15, $0xb8;
	[tilespmem:$0x19900] =	vst v63  }
0x2e5: {  	s23 =	sshll.u32 s4, $0x4;
	s2 =	simm.s32 @!p0 $0x7400  }
0x2e6: {  	[tilespmem:s2], [sflag:$0x1] =	stream.indirect_vreg.gather @!p0 [hbm4b:s13+s3], $0x80, v6, vm15, $0xb8;
	[tilespmem:$0x19900] =	vst v63  }
0x2e7: {  	s4 =	ssub.s32 s29, s23;
	s2 =	simm.s32 @!p0 $0x7C00  }
0x2e8: {  	[tilespmem:s2], [sflag:$0x1] =	stream.indirect_vreg.gather @!p0 [hbm4b:s14+s3], $0x80, v6, vm15, $0xb8;
	[tilespmem:$0x19900] =	vst v63  }
0x2e9: {  	p0 =	sgt.s32 s4, $0xF;
	_ =	swait.ge [sflag:s28], $0x4000  }
.Ltmp17:
0x2ea: {  	[sflag:s28] =	ssyncset.done $0x0;
	(pc) =	sbr.rel @p0 .LBB2_31-.Ltmp17, $4  }
0x2eb: {  	[sflag:s28] =	ssyncadd.s32 $0xFFFFC000  }
0x2ec: {  	_ =	swait.ge [sflag:s28], $0x4000  }
0x2ed: {  	[sflag:s28] =	ssyncset.done $0x0  }
0x2ee: {  	[sflag:s28] =	ssyncadd.s32 $0xFFFFC000  }
0x2ef: {  	p0 =	sgt.s32 s4, $0x0  }
0x2f0: {  	s4 =	simm.s32 @!p0 $0x0  }
.LBB2_28:
0x2f1: {  	s2 =	sshll.u32 s4, $0xA;
	s3 =	sshll.u32 s4, $0x7  }
0x2f2: {  	s5 =	simm.s32 $0x0;
	s2 =	sand.u32 $0x2000, s2;
	s3 =	sand.u32 $0x380, s3  }
0x2f3: {  	s22 =	sand.u32 $0x1C00, s5;
	s8 =	sor.u32 s2, s3  }
0x2f4: {  	s23 =	sand.u32 $0x70, s5;
	s2 =	sor.u32 s22, s8  }
0x2f5: {  	s15 =	simm.s32 $0x10;
	s16 =	sor.u32 s23, s2  }
.LBB2_29:
0x2f6: {  	p0 =	sne.s32 s15, $0x3F0  }
0x2f7: {  	[tilespmem:s16+$0x8400] =	vst v0;
	s5 =	sadd.s32 $0x80, s5;
	s2 =	smov.u32 s15;
	s15 =	sadd.s32 $0x10, s15  }
.Ltmp18:
0x2f8: {  	[tilespmem:s16+$0xC400] =	vst v4;
	(pc) =	sbr.rel @p0 .LBB2_29-.Ltmp18, $4  }
0x2f9: {  	_ = 	snop  }
0x2fa: {  	s3 =	sand.u32 $0x1C00, s5  }
0x2fb: {  	s2 =	sand.u32 $0x70, s2;
	s3 =	sor.u32 s3, s8  }
0x2fc: {  	s16 =	sor.u32 s2, s3  }
0x2fd: {  	p0 =	slt.u32 s4, $0xF  }
.Ltmp19:
0x2fe: {  	_ = 	snop;
	(pc) =	sbr.rel @p0 .LBB2_28-.Ltmp19, $3  }
0x2ff: {  	_ =	sdelay $0x1  }
0x300: {  	[tilespmem:s16+$0x8400] =	vst v0;
	s2 =	sadd.s32 $0x1, s4  }
0x301: {  	[tilespmem:s16+$0xC400] =	vst v4;
	s4 =	smov.u32 s2  }
.LBB2_31:
0x302: {  	s21 =	simm.s32 $0x0  }
0x303: {  	s2 =	sand.u32 $0x70, s21;
	s3 =	sand.u32 $0x1C00, s21  }
0x304: {  	s2 =	sor.u32 s2, s3  }
0x305: {  	v6 =	vld [tilespmem:s2+$0xE600]  }
0x306: {  	s9 =	sor.u32 s21, s21;
	v7 =	vld [tilespmem:s2+$0xE680]  }
0x307: {  	s4 =	sor.u32 $0x2380, s9;
	v8 =	vld [tilespmem:s2+$0xE700]  }
0x308: {  	v9 =	vld [tilespmem:s4+$0xC400]  }
0x309: {  	v10 =	vld [tilespmem:s2+$0xE400]  }
0x30a: {  	v11 =	vld [tilespmem:s2+$0xE480]  }
0x30b: {  	v12 =	vld [tilespmem:s2+$0xE500]  }
0x30c: {  	v13 =	vld [tilespmem:s2+$0xE580]  }
0x30d: {  	v14 =	vld [tilespmem:s2+$0xC600]  }
0x30e: {  	v15 =	vld [tilespmem:s2+$0xC680]  }
0x30f: {  	s3 =	sor.u32 $0x380, s9;
	v16 =	vld [tilespmem:s2+$0xC700]  }
0x310: {  	v17 =	vld [tilespmem:s3+$0xC400]  }
0x311: {  	v18 =	vld [tilespmem:s2+$0xC400]  }
0x312: {  	v19 =	vld [tilespmem:s2+$0xC480]  }
0x313: {  	v20 =	vld [tilespmem:s2+$0xC500]  }
0x314: {  	v21 =	vld [tilespmem:s2+$0xC580]  }
0x315: {  	v22 =	vld [tilespmem:s2+$0xA600]  }
0x316: {  	v23 =	vld [tilespmem:s2+$0xA680]  }
0x317: {  	v24 =	vld [tilespmem:s2+$0xA700]  }
0x318: {  	v25 =	vld [tilespmem:s4+$0x8400]  }
0x319: {  	v26 =	vld [tilespmem:s2+$0xA400]  }
0x31a: {  	v27 =	vld [tilespmem:s2+$0xA480]  }
0x31b: {  	v28 =	vld [tilespmem:s2+$0xA500]  }
0x31c: {  	v29 =	vld [tilespmem:s2+$0xA580]  }
0x31d: {  	v30 =	vld [tilespmem:s2+$0x8600]  }
0x31e: {  	v31 =	vld [tilespmem:s2+$0x8680];
	v6 =	vshll.u32 v6, $0x1F  }
0x31f: {  	v32 =	vld [tilespmem:s2+$0x8700];
	v7 =	vshll.u32 v7, $0x1F;
	v8 =	vshll.u32 v8, $0x1F;
	v9 =	vshll.u32 v9, $0x1F  }
0x320: {  	v33 =	vld [tilespmem:s3+$0x8400];
	v10 =	vshll.u32 v10, $0x1F;
	v11 =	vshll.u32 v11, $0x1F;
	v12 =	vshll.u32 v12, $0x1F  }
0x321: {  	v34 =	vld [tilespmem:s2+$0x8400];
	v14 =	vshll.u32 v14, $0x1F;
	v15 =	vshll.u32 v15, $0x1F;
	v13 =	vshll.u32 v13, $0x1F  }
0x322: {  	v35 =	vld [tilespmem:s2+$0x8480];
	v16 =	vshll.u32 v16, $0x1F;
	v18 =	vshll.u32 v18, $0x1F;
	v19 =	vshll.u32 v19, $0x1F  }
0x323: {  	v36 =	vld [tilespmem:s2+$0x8500];
	v17 =	vshll.u32 v17, $0x1F;
	v20 =	vshll.u32 v20, $0x1F;
	v21 =	vshll.u32 v21, $0x1F  }
0x324: {  	v37 =	vld [tilespmem:s2+$0x8580];
	v38 =	vor.u32 $0x80000000, v22;
	v39 =	vor.u32 $0x80000000, v23;
	v40 =	vor.u32 $0x80000000, v24  }
0x325: {  	v41 =	vor.u32 $0x80000000, v26;
	v42 =	vor.u32 $0x80000000, v25;
	v43 =	vor.u32 $0x80000000, v27  }
0x326: {  	v44 =	vor.u32 $0x80000000, v28;
	v45 =	vor.u32 $0x80000000, v29;
	v46 =	vor.u32 $0x80000000, v30  }
0x327: {  	v47 =	vor.u32 $0x80000000, v31;
	v48 =	vor.u32 $0x80000000, v34;
	v49 =	vor.u32 $0x80000000, v32  }
0x328: {  	v50 =	vor.u32 $0x80000000, v33;
	v51 =	vor.u32 $0x80000000, v35;
	v52 =	vor.u32 $0x80000000, v36  }
0x329: {  	v53 =	vor.u32 $0x80000000, v37;
	v6 =	vxor.u32 v22, v6;
	v22 =	vxor.u32 v23, v7  }
0x32a: {  	v8 =	vxor.u32 v24, v8;
	v7 =	vmul.f32 $1.442695020e+00, v38;
	v23 =	vmul.f32 $1.442695020e+00, v39  }
0x32b: {  	v9 =	vxor.u32 v25, v9;
	v10 =	vxor.u32 v26, v10;
	v24 =	vmul.f32 $1.442695020e+00, v40  }
0x32c: {  	v25 =	vmul.f32 $1.442695020e+00, v42;
	v26 =	vmul.f32 $1.442695020e+00, v41;
	v11 =	vxor.u32 v27, v11  }
0x32d: {  	v27 =	vmul.f32 $1.442695020e+00, v43;
	v12 =	vxor.u32 v28, v12;
	v28 =	vmul.f32 $1.442695020e+00, v44  }
0x32e: {  	v13 =	vxor.u32 v29, v13;
	v14 =	vxor.u32 v30, v14;
	v15 =	vxor.u32 v31, v15  }
0x32f: {  	v16 =	vxor.u32 v32, v16;
	v17 =	vxor.u32 v33, v17;
	v18 =	vxor.u32 v34, v18  }
0x330: {  	v19 =	vxor.u32 v35, v19;
	v20 =	vxor.u32 v36, v20;
	v29 =	vmul.f32 $1.442695020e+00, v52  }
0x331: {  	v22 =	vmax.f32 v22, $0.0e+00;
	v8 =	vmax.f32 v8, $0.0e+00;
	(erf) = vpow2.f32 v7  }
0x332: {  	v9 =	vmax.f32 v9, $0.0e+00;
	v10 =	vmax.f32 v10, $0.0e+00;
	(erf) = vpow2.f32 v23  }
0x333: {  	v11 =	vmax.f32 v11, $0.0e+00;
	v12 =	vmax.f32 v12, $0.0e+00;
	(erf) = vpow2.f32 v24  }
0x334: {  	v13 =	vmax.f32 v13, $0.0e+00;
	v7 =	vmul.f32 $1.442695020e+00, v45;
	(erf) = vpow2.f32 v25  }
0x335: {  	v14 =	vmax.f32 v14, $0.0e+00;
	v23 =	vmul.f32 $1.442695020e+00, v46;
	(erf) = vpow2.f32 v26  }
0x336: {  	v15 =	vmax.f32 v15, $0.0e+00;
	v24 =	vmul.f32 $1.442695020e+00, v47;
	(erf) = vpow2.f32 v27  }
0x337: {  	v16 =	vmax.f32 v16, $0.0e+00;
	v25 =	vmul.f32 $1.442695020e+00, v49;
	(erf) = vpow2.f32 v28  }
0x338: {  	v17 =	vmax.f32 v17, $0.0e+00;
	v26 =	vmul.f32 $1.442695020e+00, v50;
	(erf) = vpow2.f32 v7  }
0x339: {  	v18 =	vmax.f32 v18, $0.0e+00;
	v27 =	vmul.f32 $1.442695020e+00, v48;
	(erf) = vpow2.f32 v23  }
0x33a: {  	v19 =	vmax.f32 v19, $0.0e+00;
	v28 =	vmul.f32 $1.442695020e+00, v51;
	(erf) = vpow2.f32 v24  }
0x33b: {  	v7 =	vxor.u32 v37, v21;
	v21 =	vmul.f32 $1.442695020e+00, v53;
	v23 =	vpop (erf);
	(erf) = vpow2.f32 v25  }
0x33c: {  	v20 =	vmax.f32 v20, $0.0e+00;
	v25 =	vpop (erf);
	v30 =	vmul.f32 $2.518130840e-01, v23;
	(erf) = vpow2.f32 v26  }
0x33d: {  	v7 =	vmax.f32 v7, $0.0e+00;
	v26 =	vpop (erf);
	v31 =	vmul.f32 $2.518130840e-01, v25;
	(erf) = vpow2.f32 v27  }
0x33e: {  	v27 =	vpop (erf);
	v55 =	vmul.f32 $2.518130840e-01, v26;
	v30 =	vsub.f32 $9.405722020e-01, v30;
	(erf) = vpow2.f32 v28  }
0x33f: {  	v24 =	vmax.f32 v6, $0.0e+00;
	v28 =	vpop (erf);
	v57 =	vmul.f32 $2.518130840e-01, v27;
	(erf) = vpow2.f32 v29  }
0x340: {  	s15 =	simm.s32 $0x10;
	s22 =	simm.s32 $0x80;
	v31 =	vsub.f32 $9.405722020e-01, v31;
	v29 =	vpop (erf);
	v56 =	vmul.f32 $2.518130840e-01, v28;
	v23 =	vmul.f32 v30, v23  }
0x341: {  	s16 =	sand.u32 $0x70, s15;
	s18 =	sand.u32 $0x1C00, s22;
	v32 =	vsub.f32 $9.405722020e-01, v55;
	(erf) = vpow2.f32 v21;
	v21 =	vpop (erf);
	v58 =	vmul.f32 $2.518130840e-01, v29  }
0x342: {  	s18 =	sor.u32 s16, s18;
	v35 =	vsub.f32 $9.405722020e-01, v57;
	v25 =	vmul.f32 v31, v25;
	v59 =	vmul.f32 $2.518130840e-01, v21  }
0x343: {  	v30 =	vld [tilespmem:s18+$0xE580];
	v33 =	vpop (erf);
	v34 =	vsub.f32 $9.405722020e-01, v56;
	v26 =	vmul.f32 v32, v26;
	v23 =	vadd.f32 v23, v24  }
0x344: {  	v36 =	vpop (erf);
	v61 =	vmul.f32 $2.518130840e-01, v33;
	v37 =	vsub.f32 $9.405722020e-01, v58;
	v27 =	vmul.f32 v35, v27  }
0x345: {  	v22 =	vadd.f32 v25, v22;
	v39 =	vpop (erf);
	v60 =	vmul.f32 $2.518130840e-01, v36;
	v38 =	vsub.f32 $9.405722020e-01, v59  }
0x346: {  	v28 =	vmul.f32 v34, v28;
	v8 =	vadd.f32 v26, v8;
	v44 =	vmul.f32 $2.518130840e-01, v39  }
0x347: {  	v42 =	vpop (erf);
	v41 =	vsub.f32 $9.405722020e-01, v61;
	v29 =	vmul.f32 v37, v29;
	v9 =	vadd.f32 v27, v9  }
0x348: {  	v26 =	vld [tilespmem:s18+$0xC480];
	v30 =	vshll.u32 v30, $0x1F;
	v45 =	vmul.f32 $2.518130840e-01, v42;
	v46 =	vpop (erf);
	v40 =	vsub.f32 $9.405722020e-01, v60  }
0x349: {  	v35 =	vld [tilespmem:s18+$0xA400];
	v21 =	vmul.f32 v38, v21;
	v10 =	vadd.f32 v28, v10;
	v48 =	vmul.f32 $2.518130840e-01, v46  }
0x34a: {  	v49 =	vpop (erf);
	v44 =	vsub.f32 $9.405722020e-01, v44;
	v33 =	vmul.f32 v41, v33;
	v11 =	vadd.f32 v29, v11  }
0x34b: {  	v51 =	vmul.f32 $2.518130840e-01, v49;
	v52 =	vpop (erf);
	v45 =	vsub.f32 $9.405722020e-01, v45;
	v36 =	vmul.f32 v40, v36  }
0x34c: {  	v28 =	vld [tilespmem:s18+$0xC500];
	v12 =	vadd.f32 v21, v12;
	v54 =	vmul.f32 $2.518130840e-01, v52;
	v48 =	vsub.f32 $9.405722020e-01, v48  }
0x34d: {  	v43 =	vld [tilespmem:s18+$0xE600];
	v55 =	vpop (erf);
	v39 =	vmul.f32 v44, v39;
	v13 =	vadd.f32 v33, v13;
	v41 =	vshll.u32 v26, $0x1F  }
0x34e: {  	v21 =	vld [tilespmem:s18+$0xC580];
	v44 =	vor.u32 $0x80000000, v35;
	v57 =	vmul.f32 $2.518130840e-01, v55;
	v58 =	vpop (erf);
	v31 =	vsub.f32 $9.405722020e-01, v51  }
0x34f: {  	v47 =	vld [tilespmem:s18+$0xE680];
	v42 =	vmul.f32 v45, v42;
	v14 =	vadd.f32 v36, v14;
	v60 =	vmul.f32 $2.518130840e-01, v58  }
0x350: {  	v33 =	vld [tilespmem:s18+$0xA600];
	v62 =	vsub.f32 $9.405722020e-01, v54;
	v25 =	vmul.f32 v48, v46;
	v15 =	vadd.f32 v39, v15  }
0x351: {  	v50 =	vld [tilespmem:s18+$0xE700];
	v28 =	vshll.u32 v28, $0x1F;
	v63 =	vsub.f32 $9.405722020e-01, v57;
	v27 =	vmul.f32 v31, v49  }
0x352: {  	v51 =	vld [tilespmem:s18+$0xC700];
	v16 =	vadd.f32 v42, v16;
	v54 =	vsub.f32 $9.405722020e-01, v60;
	v29 =	vmul.f32 v62, v52  }
0x353: {  	s2 =	sor.u32 s15, s22;
	v40 =	vld [tilespmem:s18+$0x8500];
	v17 =	vadd.f32 v25, v17;
	v62 =	vshll.u32 v43, $0x1F;
	v42 =	vshll.u32 v21, $0x1F  }
0x354: {  	s23 =	sor.u32 $0x2380, s2;
	v25 =	vld [tilespmem:s18+$0xA680];
	v31 =	vmul.f32 v63, v55;
	v18 =	vadd.f32 v27, v18;
	v63 =	vshll.u32 v47, $0x1F  }
0x355: {  	v53 =	vld [tilespmem:s23+$0xC400];
	v21 =	vor.u32 $0x80000000, v33;
	v33 =	vxor.u32 v33, v62;
	v60 =	vmul.f32 v54, v58  }
0x356: {  	v27 =	vld [tilespmem:s18+$0xA700];
	v19 =	vadd.f32 v29, v19;
	v29 =	vimm.f32 $0.0e+00;
	v20 =	vadd.f32 v31, v20  }
0x357: {  	v56 =	vld [tilespmem:s18+$0xE400];
	v38 =	vshll.u32 v51, $0x1F;
	v18 =	vadd.f32 $0.0e+00, v18;
	v7 =	vadd.f32 v60, v7  }
0x358: {  	v19 =	vadd.f32 $0.0e+00, v19;
	v60 =	vor.u32 $0x80000000, v40;
	v20 =	vadd.f32 $0.0e+00, v20  }
0x359: {  	v31 =	vld [tilespmem:s23+$0x8400];
	v14 =	vadd.f32 v14, v18;
	v26 =	vor.u32 $0x80000000, v25;
	v62 =	vxor.u32 v25, v63  }
0x35a: {  	v7 =	vadd.f32 $0.0e+00, v7;
	v15 =	vadd.f32 v15, v19;
	v19 =	vshll.u32 v50, $0x1F  }
0x35b: {  	v59 =	vld [tilespmem:s18+$0xE480];
	v43 =	vor.u32 $0x80000000, v27;
	v25 =	vmul.f32 $1.442695020e+00, v26;
	v16 =	vadd.f32 v16, v20  }
0x35c: {  	v32 =	vld [tilespmem:s18+$0xC600];
	v20 =	vshll.u32 v53, $0x1F;
	v10 =	vadd.f32 v10, v14;
	v14 =	vshll.u32 v56, $0x1F  }
0x35d: {  	v61 =	vld [tilespmem:s18+$0xE500];
	v63 =	vxor.u32 v27, v19;
	v19 =	vmul.f32 $1.442695020e+00, v21;
	v27 =	vmul.f32 $1.442695020e+00, v44  }
0x35e: {  	v18 =	vld [tilespmem:s18+$0xA500];
	v7 =	vadd.f32 v17, v7;
	v11 =	vadd.f32 v11, v15;
	v45 =	vor.u32 $0x80000000, v31  }
0x35f: {  	v34 =	vld [tilespmem:s18+$0xC680];
	v31 =	vxor.u32 v31, v20;
	v35 =	vxor.u32 v35, v14;
	v20 =	vmul.f32 $1.442695020e+00, v43  }
0x360: {  	v24 =	vld [tilespmem:s18+$0xC400];
	v12 =	vadd.f32 v12, v16;
	v16 =	vshll.u32 v59, $0x1F;
	v10 =	vadd.f32 v23, v10  }
0x361: {  	v17 =	vld [tilespmem:s18+$0xA580];
	v26 =	vmul.f32 $1.442695020e+00, v45;
	(erf) = vpow2.f32 v19;
	v19 =	vxor.u32 v40, v28  }
0x362: {  	s5 =	sor.u32 $0x380, s2;
	v15 =	vld [tilespmem:s18+$0x8600];
	v28 =	vmul.f32 $1.442695020e+00, v60;
	v7 =	vadd.f32 v13, v7;
	v11 =	vadd.f32 v22, v11  }
0x363: {  	v57 =	vld [tilespmem:s5+$0xC400];
	v22 =	vshll.u32 v61, $0x1F;
	v46 =	vor.u32 $0x80000000, v18;
	(erf) = vpow2.f32 v25  }
0x364: {  	v23 =	vld [tilespmem:s18+$0x8700];
	v8 =	vadd.f32 v8, v12;
	v12 =	vshll.u32 v34, $0x1F;
	v14 =	vxor.u32 v18, v22  }
0x365: {  	v6 =	vld [tilespmem:s21+$0x0];
	(erf) = vpow2.f32 v20;
	v7 =	vadd.f32 v9, v7;
	v9 =	vshll.u32 v32, $0x1F  }
0x366: {  	v13 =	vld [tilespmem:s18+$0x8680];
	v10 =	vadd.f32 v11, v10;
	(erf) = vpow2.f32 v26;
	v47 =	vor.u32 $0x80000000, v17  }
0x367: {  	v37 =	vld [tilespmem:s18+$0xA480];
	v48 =	vor.u32 $0x80000000, v15;
	v21 =	vxor.u32 v17, v30;
	v22 =	vxor.u32 v15, v9  }
0x368: {  	v34 =	vld [tilespmem:s18+$0x8400];
	(erf) = vpow2.f32 v27;
	v7 =	vadd.f32 v7, v8;
	v8 =	vshll.u32 v24, $0x1F  }
0x369: {  	v32 =	vld [tilespmem:s5+$0x8400];
	v24 =	vshll.u32 v57, $0x1F;
	v57 =	vor.u32 $0x80000000, v23;
	v17 =	vmul.f32 $1.442695020e+00, v47  }
0x36a: {  	v11 =	vld [tilespmem:s18+$0x8480];
	v9 =	vmul.f32 $1.442695020e+00, v48;
	v26 =	vxor.u32 v23, v38;
	v7 =	vadd.f32 v7, v10  }
0x36b: {  	v49 =	vor.u32 $0x80000000, v13;
	v25 =	vxor.u32 v13, v12;
	v13 =	vmul.f32 $1.442695020e+00, v57  }
0x36c: {  	v12 =	vmul.f32 $1.442695020e+00, v49;
	v6 =	vmul.f32 v7, v6;
	v7 =	vor.u32 $0x80000000, v37  }
0x36d: {  	v23 =	vxor.u32 v34, v8;
	v8 =	vmax.f32 v33, $0.0e+00;
	v7 =	vmul.f32 $1.442695020e+00, v7  }
0x36e: {  	v10 =	vld [tilespmem:s18+$0x8580];
	v58 =	vor.u32 $0x80000000, v32;
	v37 =	vxor.u32 v37, v16;
	v16 =	vmul.f32 $1.442695020e+00, v46  }
0x36f: {  	v59 =	vor.u32 $0x80000000, v11;
	v24 =	vxor.u32 v32, v24;
	(erf) = vpow2.f32 v7  }
0x370: {  	v20 =	vxor.u32 v11, v41;
	v18 =	vmul.f32 $1.442695020e+00, v58;
	(erf) = vpow2.f32 v16  }
0x371: {  	v6 =	vadd.f32 v6, v29;
	v29 =	vor.u32 $0x80000000, v34;
	(erf) = vpow2.f32 v17  }
0x372: {  	v11 =	vmax.f32 v31, $0.0e+00;
	v30 =	vmul.f32 $1.442695020e+00, v29;
	(erf) = vpow2.f32 v9  }
0x373: {  	v15 =	vpop (erf);
	v61 =	vor.u32 $0x80000000, v10;
	v29 =	vmul.f32 $1.442695020e+00, v59;
	(erf) = vpow2.f32 v12  }
0x374: {  	v7 =	vxor.u32 v10, v42;
	v10 =	vmax.f32 v63, $0.0e+00;
	v16 =	vpop (erf);
	(erf) = vpow2.f32 v13  }
0x375: {  	v27 =	vmul.f32 $1.442695020e+00, v61;
	v17 =	vpop (erf);
	v9 =	vmax.f32 v62, $0.0e+00;
	(erf) = vpow2.f32 v18  }
0x376: {  	s23 =	simm.s32 $0x20;
	v12 =	vmax.f32 v35, $0.0e+00;
	v13 =	vmax.f32 v37, $0.0e+00;
	v18 =	vpop (erf);
	(erf) = vpow2.f32 v30  }
.LBB2_32:
0x377: {  	p0 =	sne.s32 s23, $0x3F0;
	v30 =	vmax.f32 v14, $0.0e+00;
	v21 =	vmax.f32 v21, $0.0e+00;
	(erf) = vpow2.f32 v29;
	v29 =	vpop (erf)  }
0x378: {  	v22 =	vmax.f32 v22, $0.0e+00;
	v25 =	vmax.f32 v25, $0.0e+00;
	(erf) = vpow2.f32 v28;
	v28 =	vpop (erf)  }
0x379: {  	v26 =	vmax.f32 v26, $0.0e+00;
	v31 =	vmul.f32 $2.518130840e-01, v15;
	(erf) = vpow2.f32 v27;
	v27 =	vpop (erf)  }
0x37a: {  	v24 =	vmax.f32 v24, $0.0e+00;
	v32 =	vmul.f32 $2.518130840e-01, v16;
	v33 =	vmul.f32 $2.518130840e-01, v17;
	v34 =	vpop (erf)  }
0x37b: {  	v23 =	vmax.f32 v23, $0.0e+00;
	v36 =	vmul.f32 $2.518130840e-01, v18;
	s22 =	sadd.s32 $0x80, s22;
	v35 =	vmul.f32 $2.518130840e-01, v29;
	v37 =	vpop (erf)  }
0x37c: {  	s2 =	sand.u32 $0x70, s23;
	v20 =	vmax.f32 v20, $0.0e+00;
	s21 =	sadd.s32 $0x10, s21;
	s3 =	sand.u32 $0x1C00, s22;
	v38 =	vmul.f32 $2.518130840e-01, v28;
	v39 =	vmul.f32 $2.518130840e-01, v27;
	v40 =	vpop (erf)  }
0x37d: {  	v19 =	vmax.f32 v19, $0.0e+00;
	s18 =	sor.u32 s2, s3;
	v42 =	vmul.f32 $2.518130840e-01, v34;
	v41 =	vmul.f32 $2.518130840e-01, v37;
	v14 =	vld [tilespmem:s21+$0x0];
	v43 =	vpop (erf)  }
0x37e: {  	v31 =	vsub.f32 $9.405722020e-01, v31;
	v45 =	vmul.f32 $2.518130840e-01, v40;
	v44 =	vld [tilespmem:s18+$0xE600];
	v46 =	vmul.f32 $2.518130840e-01, v43;
	v47 =	vpop (erf)  }
0x37f: {  	s2 =	sor.u32 s23, s22;
	v32 =	vsub.f32 $9.405722020e-01, v32;
	v33 =	vsub.f32 $9.405722020e-01, v33;
	v48 =	vld [tilespmem:s18+$0xE680];
	v49 =	vmul.f32 $2.518130840e-01, v47;
	v50 =	vpop (erf)  }
0x380: {  	v36 =	vsub.f32 $9.405722020e-01, v36;
	s8 =	sor.u32 $0x2380, s2;
	v35 =	vsub.f32 $9.405722020e-01, v35;
	v51 =	vld [tilespmem:s18+$0xE700];
	v52 =	vmul.f32 $2.518130840e-01, v50;
	v53 =	vpop (erf)  }
0x381: {  	v38 =	vsub.f32 $9.405722020e-01, v38;
	v39 =	vsub.f32 $9.405722020e-01, v39;
	v54 =	vld [tilespmem:s8+$0xC400];
	v55 =	vmul.f32 $2.518130840e-01, v53;
	v56 =	vpop (erf)  }
0x382: {  	v42 =	vsub.f32 $9.405722020e-01, v42;
	v41 =	vsub.f32 $9.405722020e-01, v41;
	v57 =	vld [tilespmem:s18+$0xE400];
	v58 =	vmul.f32 $2.518130840e-01, v56;
	v59 =	vpop (erf)  }
0x383: {  	v45 =	vsub.f32 $9.405722020e-01, v45;
	v46 =	vsub.f32 $9.405722020e-01, v46;
	v60 =	vld [tilespmem:s18+$0xE480];
	v61 =	vmul.f32 $2.518130840e-01, v59  }
0x384: {  	v15 =	vmul.f32 v31, v15;
	v16 =	vmul.f32 v32, v16;
	v49 =	vsub.f32 $9.405722020e-01, v49;
	v62 =	vld [tilespmem:s18+$0xE500]  }
0x385: {  	v17 =	vmul.f32 v33, v17;
	v18 =	vmul.f32 v36, v18;
	v32 =	vsub.f32 $9.405722020e-01, v52;
	v31 =	vld [tilespmem:s18+$0xE580]  }
0x386: {  	v29 =	vmul.f32 v35, v29;
	v28 =	vmul.f32 v38, v28;
	v36 =	vsub.f32 $9.405722020e-01, v55;
	v33 =	vld [tilespmem:s18+$0xC600]  }
0x387: {  	v27 =	vmul.f32 v39, v27;
	v34 =	vmul.f32 v42, v34;
	v38 =	vsub.f32 $9.405722020e-01, v58;
	v35 =	vld [tilespmem:s18+$0xC680]  }
0x388: {  	s4 =	sor.u32 $0x380, s2;
	v37 =	vmul.f32 v41, v37;
	v40 =	vmul.f32 v45, v40;
	v42 =	vsub.f32 $9.405722020e-01, v61;
	v39 =	vld [tilespmem:s18+$0xC700]  }
0x389: {  	v8 =	vadd.f32 v15, v8;
	v9 =	vadd.f32 v16, v9;
	v43 =	vmul.f32 v46, v43;
	v41 =	vld [tilespmem:s4+$0xC400]  }
0x38a: {  	v10 =	vadd.f32 v17, v10;
	v11 =	vadd.f32 v18, v11;
	v16 =	vmul.f32 v49, v47;
	v15 =	vld [tilespmem:s18+$0xC400]  }
0x38b: {  	v12 =	vadd.f32 v29, v12;
	v13 =	vadd.f32 v28, v13;
	v18 =	vmul.f32 v32, v50;
	v17 =	vld [tilespmem:s18+$0xC480]  }
0x38c: {  	v27 =	vadd.f32 v27, v30;
	v21 =	vadd.f32 v34, v21;
	v29 =	vmul.f32 v36, v53;
	v28 =	vld [tilespmem:s18+$0xC500]  }
0x38d: {  	v22 =	vadd.f32 v37, v22;
	v25 =	vadd.f32 v40, v25;
	v32 =	vmul.f32 v38, v56;
	v30 =	vld [tilespmem:s18+$0xC580]  }
0x38e: {  	v26 =	vadd.f32 v43, v26;
	v16 =	vadd.f32 v16, v24;
	v36 =	vmul.f32 v42, v59;
	v34 =	vld [tilespmem:s18+$0xA600]  }
0x38f: {  	v7 =	vmax.f32 v7, $0.0e+00;
	v18 =	vadd.f32 v18, v23;
	v20 =	vadd.f32 v29, v20;
	v24 =	vld [tilespmem:s18+$0xA680]  }
0x390: {  	v19 =	vadd.f32 v32, v19;
	v7 =	vadd.f32 v36, v7;
	v23 =	vld [tilespmem:s18+$0xA700]  }
0x391: {  	v18 =	vadd.f32 $0.0e+00, v18;
	v20 =	vadd.f32 $0.0e+00, v20;
	v29 =	vld [tilespmem:s8+$0x8400]  }
0x392: {  	v36 =	vshll.u32 v44, $0x1F;
	v19 =	vadd.f32 $0.0e+00, v19;
	v7 =	vadd.f32 $0.0e+00, v7;
	v32 =	vld [tilespmem:s18+$0xA400]  }
0x393: {  	v38 =	vshll.u32 v48, $0x1F;
	v18 =	vadd.f32 v22, v18;
	v20 =	vadd.f32 v25, v20;
	v37 =	vld [tilespmem:s18+$0xA480]  }
0x394: {  	v25 =	vshll.u32 v51, $0x1F;
	v19 =	vadd.f32 v26, v19;
	v7 =	vadd.f32 v16, v7;
	v22 =	vld [tilespmem:s18+$0xA500]  }
0x395: {  	v26 =	vshll.u32 v54, $0x1F;
	v12 =	vadd.f32 v12, v18;
	v13 =	vadd.f32 v13, v20;
	v16 =	vld [tilespmem:s18+$0xA580]  }
0x396: {  	v20 =	vshll.u32 v57, $0x1F;
	v19 =	vadd.f32 v27, v19;
	v7 =	vadd.f32 v21, v7;
	v18 =	vld [tilespmem:s18+$0x8600]  }
0x397: {  	v8 =	vadd.f32 v8, v12;
	v21 =	vshll.u32 v60, $0x1F;
	v9 =	vadd.f32 v9, v13;
	v27 =	vld [tilespmem:s18+$0x8680]  }
0x398: {  	v13 =	vshll.u32 v62, $0x1F;
	v10 =	vadd.f32 v10, v19;
	v7 =	vadd.f32 v11, v7;
	v12 =	vld [tilespmem:s18+$0x8700]  }
0x399: {  	v31 =	vshll.u32 v31, $0x1F;
	v19 =	vshll.u32 v35, $0x1F;
	v11 =	vshll.u32 v33, $0x1F;
	v33 =	vld [tilespmem:s4+$0x8400]  }
0x39a: {  	v39 =	vshll.u32 v39, $0x1F;
	v8 =	vadd.f32 v9, v8;
	v7 =	vadd.f32 v7, v10;
	v35 =	vld [tilespmem:s18+$0x8400]  }
0x39b: {  	v9 =	vshll.u32 v15, $0x1F;
	v15 =	vshll.u32 v17, $0x1F;
	v17 =	vshll.u32 v41, $0x1F;
	v10 =	vld [tilespmem:s18+$0x8480]  }
0x39c: {  	v28 =	vshll.u32 v28, $0x1F;
	v30 =	vshll.u32 v30, $0x1F;
	v7 =	vadd.f32 v7, v8;
	v40 =	vld [tilespmem:s18+$0x8500]  }
0x39d: {  	v41 =	vor.u32 $0x80000000, v34;
	v42 =	vor.u32 $0x80000000, v24;
	v43 =	vor.u32 $0x80000000, v23;
	v8 =	vld [tilespmem:s18+$0x8580]  }
0x39e: {  	v45 =	vor.u32 $0x80000000, v29;
	v44 =	vor.u32 $0x80000000, v32;
	v7 =	vmul.f32 v7, v14  }
0x39f: {  	v14 =	vor.u32 $0x80000000, v37;
	v46 =	vor.u32 $0x80000000, v22;
	v47 =	vor.u32 $0x80000000, v16  }
0x3a0: {  	v6 =	vadd.f32 v7, v6;
	v48 =	vor.u32 $0x80000000, v18;
	v49 =	vor.u32 $0x80000000, v27  }
0x3a1: {  	v50 =	vor.u32 $0x80000000, v12;
	v51 =	vor.u32 $0x80000000, v33;
	v7 =	vor.u32 $0x80000000, v35  }
0x3a2: {  	v52 =	vor.u32 $0x80000000, v10;
	v53 =	vor.u32 $0x80000000, v40;
	v54 =	vor.u32 $0x80000000, v8  }
0x3a3: {  	v34 =	vxor.u32 v34, v36;
	v36 =	vxor.u32 v24, v38;
	v38 =	vxor.u32 v23, v25  }
0x3a4: {  	v23 =	vmul.f32 $1.442695020e+00, v41;
	v24 =	vmul.f32 $1.442695020e+00, v42;
	v41 =	vxor.u32 v29, v26  }
0x3a5: {  	v32 =	vxor.u32 v32, v20;
	v20 =	vmul.f32 $1.442695020e+00, v43;
	v26 =	vmul.f32 $1.442695020e+00, v45  }
0x3a6: {  	v29 =	vmul.f32 $1.442695020e+00, v44;
	v37 =	vxor.u32 v37, v21;
	v42 =	vmul.f32 $1.442695020e+00, v14  }
0x3a7: {  	v14 =	vxor.u32 v22, v13;
	v13 =	vmul.f32 $1.442695020e+00, v46;
	(erf) = vpow2.f32 v23  }
0x3a8: {  	v21 =	vxor.u32 v16, v31;
	v16 =	vmul.f32 $1.442695020e+00, v47;
	(erf) = vpow2.f32 v24  }
0x3a9: {  	v22 =	vxor.u32 v18, v11;
	v11 =	vmul.f32 $1.442695020e+00, v48;
	(erf) = vpow2.f32 v20  }
0x3aa: {  	v25 =	vxor.u32 v27, v19;
	v18 =	vmul.f32 $1.442695020e+00, v49;
	(erf) = vpow2.f32 v26  }
0x3ab: {  	v26 =	vxor.u32 v12, v39;
	v12 =	vmul.f32 $1.442695020e+00, v50;
	(erf) = vpow2.f32 v29  }
0x3ac: {  	v24 =	vxor.u32 v33, v17;
	v17 =	vmul.f32 $1.442695020e+00, v51;
	(erf) = vpow2.f32 v42  }
0x3ad: {  	v31 =	vmul.f32 $1.442695020e+00, v7;
	v23 =	vxor.u32 v35, v9;
	(erf) = vpow2.f32 v13  }
0x3ae: {  	v20 =	vxor.u32 v10, v15;
	v29 =	vmul.f32 $1.442695020e+00, v52;
	(erf) = vpow2.f32 v16  }
.Ltmp20:
0x3af: {  	v19 =	vxor.u32 v40, v28;
	v28 =	vmul.f32 $1.442695020e+00, v53;
	(erf) = vpow2.f32 v11;
	(pc) =	sbr.rel @p0 .LBB2_32-.Ltmp20, $4  }
0x3b0: {  	v7 =	vxor.u32 v8, v30;
	v27 =	vmul.f32 $1.442695020e+00, v54;
	(erf) = vpow2.f32 v18;
	v15 =	vpop (erf)  }
0x3b1: {  	v8 =	vmax.f32 v34, $0.0e+00;
	v9 =	vmax.f32 v36, $0.0e+00;
	(erf) = vpow2.f32 v12;
	v16 =	vpop (erf)  }
0x3b2: {  	v10 =	vmax.f32 v38, $0.0e+00;
	v11 =	vmax.f32 v41, $0.0e+00;
	(erf) = vpow2.f32 v17;
	v17 =	vpop (erf)  }
0x3b3: {  	s23 =	sadd.s32 $0x10, s23;
	v13 =	vmax.f32 v37, $0.0e+00;
	v12 =	vmax.f32 v32, $0.0e+00;
	(erf) = vpow2.f32 v31;
	v18 =	vpop (erf)  }
0x3b4: {  	v14 =	vmax.f32 v14, $0.0e+00;
	v21 =	vmax.f32 v21, $0.0e+00;
	(erf) = vpow2.f32 v29  }
0x3b5: {  	v22 =	vmax.f32 v22, $0.0e+00;
	v25 =	vmax.f32 v25, $0.0e+00;
	v26 =	vmax.f32 v26, $0.0e+00  }
0x3b6: {  	v30 =	vmul.f32 $2.518130840e-01, v15;
	v24 =	vmax.f32 v24, $0.0e+00;
	v31 =	vmul.f32 $2.518130840e-01, v16  }
0x3b7: {  	v29 =	vpop (erf);
	v32 =	vmul.f32 $2.518130840e-01, v17;
	v23 =	vmax.f32 v23, $0.0e+00;
	v35 =	vmul.f32 $2.518130840e-01, v18  }
0x3b8: {  	v20 =	vmax.f32 v20, $0.0e+00;
	v19 =	vmax.f32 v19, $0.0e+00;
	(erf) = vpow2.f32 v28;
	v28 =	vpop (erf)  }
0x3b9: {  	v34 =	vmul.f32 $2.518130840e-01, v29;
	(erf) = vpow2.f32 v27;
	v57 =	vpop (erf);
	v30 =	vsub.f32 $9.405722020e-01, v30  }
0x3ba: {  	v37 =	vmul.f32 $2.518130840e-01, v28;
	v31 =	vsub.f32 $9.405722020e-01, v31;
	v32 =	vsub.f32 $9.405722020e-01, v32;
	v33 =	vpop (erf)  }
0x3bb: {  	v35 =	vsub.f32 $9.405722020e-01, v35;
	v38 =	vmul.f32 $2.518130840e-01, v57;
	v41 =	vmul.f32 $2.518130840e-01, v33  }
0x3bc: {  	v34 =	vsub.f32 $9.405722020e-01, v34;
	v58 =	vmul.f32 v30, v15;
	v59 =	vmul.f32 v31, v16  }
0x3bd: {  	v36 =	vpop (erf);
	v37 =	vsub.f32 $9.405722020e-01, v37;
	v61 =	vmul.f32 v32, v17;
	v62 =	vmul.f32 v35, v18  }
0x3be: {  	v39 =	vpop (erf);
	v40 =	vmul.f32 $2.518130840e-01, v36;
	v38 =	vsub.f32 $9.405722020e-01, v38;
	v29 =	vmul.f32 v34, v29  }
0x3bf: {  	v43 =	vmul.f32 $2.518130840e-01, v39;
	v41 =	vsub.f32 $9.405722020e-01, v41;
	v8 =	vadd.f32 v58, v8  }
0x3c0: {  	v42 =	vpop (erf);
	v28 =	vmul.f32 v37, v28;
	v9 =	vadd.f32 v59, v9;
	v10 =	vadd.f32 v61, v10  }
0x3c1: {  	v11 =	vadd.f32 v62, v11;
	v44 =	vmul.f32 $2.518130840e-01, v42;
	v45 =	vpop (erf);
	v40 =	vsub.f32 $9.405722020e-01, v40  }
0x3c2: {  	v27 =	vmul.f32 v38, v57;
	v12 =	vadd.f32 v29, v12;
	v46 =	vmul.f32 $2.518130840e-01, v45  }
0x3c3: {  	v47 =	vpop (erf);
	v43 =	vsub.f32 $9.405722020e-01, v43;
	v33 =	vmul.f32 v41, v33;
	v13 =	vadd.f32 v28, v13  }
0x3c4: {  	v48 =	vmul.f32 $2.518130840e-01, v47;
	v49 =	vpop (erf);
	v44 =	vsub.f32 $9.405722020e-01, v44;
	v14 =	vadd.f32 v27, v14  }
0x3c5: {  	v50 =	vmul.f32 $2.518130840e-01, v49;
	v51 =	vpop (erf);
	v46 =	vsub.f32 $9.405722020e-01, v46;
	v59 =	vadd.f32 v33, v21  }
0x3c6: {  	v52 =	vmul.f32 $2.518130840e-01, v51;
	v53 =	vpop (erf);
	v60 =	vsub.f32 $9.405722020e-01, v48;
	v55 =	vmul.f32 v44, v42  }
0x3c7: {  	v54 =	vmul.f32 $2.518130840e-01, v53;
	v63 =	vsub.f32 $9.405722020e-01, v50;
	v56 =	vmul.f32 v46, v45  }
0x3c8: {  	v48 =	vsub.f32 $9.405722020e-01, v52;
	v52 =	vmul.f32 v40, v36;
	v57 =	vmul.f32 v60, v47  }
0x3c9: {  	v26 =	vadd.f32 v55, v26;
	v50 =	vsub.f32 $9.405722020e-01, v54;
	v54 =	vmul.f32 v43, v39  }
0x3ca: {  	v58 =	vmul.f32 v63, v49;
	v15 =	vadd.f32 v56, v24;
	v60 =	vmul.f32 v48, v51  }
0x3cb: {  	v22 =	vadd.f32 v52, v22;
	v16 =	vadd.f32 v57, v23;
	v61 =	vmul.f32 v50, v53  }
0x3cc: {  	v7 =	vmax.f32 v7, $0.0e+00;
	v25 =	vadd.f32 v54, v25;
	v17 =	vadd.f32 v58, v20  }
0x3cd: {  	v19 =	vadd.f32 v60, v19;
	v7 =	vadd.f32 v61, v7  }
0x3ce: {  	v16 =	vadd.f32 $0.0e+00, v16;
	v17 =	vadd.f32 $0.0e+00, v17  }
0x3cf: {  	v19 =	vadd.f32 $0.0e+00, v19;
	v7 =	vadd.f32 $0.0e+00, v7  }
0x3d0: {  	v16 =	vadd.f32 v22, v16;
	v17 =	vadd.f32 v25, v17  }
0x3d1: {  	v19 =	vadd.f32 v26, v19;
	v7 =	vadd.f32 v15, v7  }
0x3d2: {  	v12 =	vadd.f32 v12, v16;
	v13 =	vadd.f32 v13, v17  }
0x3d3: {  	v14 =	vadd.f32 v14, v19;
	v7 =	vadd.f32 v59, v7  }
0x3d4: {  	v8 =	vadd.f32 v8, v12;
	v9 =	vadd.f32 v9, v13  }
0x3d5: {  	s2 =	sadd.s32 $0x10, s21;
	v10 =	vadd.f32 v10, v14;
	v7 =	vadd.f32 v11, v7  }
0x3d6: {  	v62 =	vld [tilespmem:s2+$0x0]  }
0x3d7: {  	v8 =	vadd.f32 v9, v8;
	v7 =	vadd.f32 v7, v10;
	_ =	sdelay $0x1  }
0x3d8: {  	v7 =	vadd.f32 v7, v8  }
0x3d9: {  	v63 =	vld [tilespmem:$0x19800]  }
0x3da: {  	v7 =	vmul.f32 v7, v62;
	_ =	sdelay $0x1  }
0x3db: {  	v6 =	vadd.f32 v7, v6;
	_ =	sdelay $0x1  }
0x3dc: {  	v6 =	vadd.f32 v63, v6;
	_ =	sdelay $0x1  }
0x3dd: {  	[tilespmem:$0x19800] =	vst v6  }
.LBB2_34:
0x3de: {  	p0 =	sge.s32 s1, s30  }
.Ltmp21:
0x3df: {  	_ = 	snop;
	(pc) =	sbr.rel @p0 .LBB2_43-.Ltmp21, $1  }
0x3e0: {  	_ =	sdelay $0x3  }
0x3e1: {  	s0 =	sadd.s32 $0x4, s0  }
0x3e2: {  	p0 =	sge.s32 s0, s30  }
0x3e3: {  	s0 =	sshll.u32 @!p0 s0, $0x7  }
0x3e4: {  	s0 =	sand.u32 @!p0 $0x3FFFFF80, s0  }
0x3e5: {  	v6 =	vld @!p0 [tilespmem:s0+$0x18400];
	_ =	sdelay $0x4  }
0x3e6: {  	v7 =	vshll.u32 @!p0 v6, $0x3  }
0x3e7: {  	v8 =	vlaneseq.u32 @!p0;
	v6 =	vand.u32 @!p0 $0x7, v6;
	v7 =	vand.u32 @!p0 $0xFFFFFFC0, v7  }
0x3e8: {  	v9 =	vshrl.u32 @!p0 v8, $0x3;
	v6 =	vor.u32 @!p0 v6, v7;
	v7 =	vand.u32 @!p0 $0x7, v8  }
0x3e9: {  	v9 =	vmul.u32 @!p0 $0x8, v9;
	v10 =	vperm.xlane @!p0 v6, v7;
	_ =	sdelay $0x1  }
0x3ea: {  	v10 =	vadd.s32 @!p0 v9, v10;
	_ =	sdelay $0x3  }
0x3eb: {  	vm15 =	vmmov @!p0 $0xffff;
	s2 =	simm.s32 @!p0 $0x0;
	s3 =	simm.s32 @!p0 $0x8400  }
0x3ec: {  	v8 =	vor.u32 @!p0 $0x8, v8;
	[tilespmem:s3], [sflag:$0x2] =	stream.indirect_vreg.gather @!p0 [hbm4b:s11+s2], $0x80, v10, vm15, $0xb8;
	[tilespmem:$0x19900] =	vst v63  }
0x3ed: {  	v6 =	vperm.xlane @!p0 v6, v8;
	s3 =	simm.s32 @!p0 $0x8C00  }
0x3ee: {  	[tilespmem:s3], [sflag:$0x2] =	stream.indirect_vreg.gather @!p0 [hbm4b:s20+s2], $0x80, v10, vm15, $0xb8;
	[tilespmem:$0x19900] =	vst v63  }
0x3ef: {  	v6 =	vadd.s32 @!p0 v9, v6;
	s3 =	simm.s32 @!p0 $0x9400  }
0x3f0: {  	[tilespmem:s3], [sflag:$0x2] =	stream.indirect_vreg.gather @!p0 [hbm4b:s24+s2], $0x80, v10, vm15, $0xb8;
	[tilespmem:$0x19900] =	vst v63  }
0x3f1: {  	s3 =	simm.s32 @!p0 $0x9C00  }
0x3f2: {  	[tilespmem:s3], [sflag:$0x2] =	stream.indirect_vreg.gather @!p0 [hbm4b:s25+s2], $0x80, v10, vm15, $0xb8;
	[tilespmem:$0x19900] =	vst v63  }
0x3f3: {  	s3 =	simm.s32 @!p0 $0xA400  }
0x3f4: {  	[tilespmem:s3], [sflag:$0x2] =	stream.indirect_vreg.gather @!p0 [hbm4b:s11+s2], $0x80, v6, vm15, $0xb8;
	[tilespmem:$0x19900] =	vst v63  }
0x3f5: {  	s3 =	simm.s32 @!p0 $0xAC00  }
0x3f6: {  	[tilespmem:s3], [sflag:$0x2] =	stream.indirect_vreg.gather @!p0 [hbm4b:s20+s2], $0x80, v6, vm15, $0xb8;
	[tilespmem:$0x19900] =	vst v63  }
0x3f7: {  	s3 =	simm.s32 @!p0 $0xB400  }
0x3f8: {  	[tilespmem:s3], [sflag:$0x2] =	stream.indirect_vreg.gather @!p0 [hbm4b:s24+s2], $0x80, v6, vm15, $0xb8;
	[tilespmem:$0x19900] =	vst v63  }
0x3f9: {  	s3 =	simm.s32 @!p0 $0xBC00  }
0x3fa: {  	[tilespmem:s3], [sflag:$0x2] =	stream.indirect_vreg.gather @!p0 [hbm4b:s25+s2], $0x80, v6, vm15, $0xb8;
	[tilespmem:$0x19900] =	vst v63  }
0x3fb: {  	v6 =	vld @!p0 [tilespmem:s0+$0x18400];
	_ =	sdelay $0x4  }
0x3fc: {  	v10 =	vshll.u32 @!p0 v6, $0x3  }
0x3fd: {  	v6 =	vand.u32 @!p0 $0x7, v6;
	v10 =	vand.u32 @!p0 $0xFFFFFFC0, v10  }
0x3fe: {  	v6 =	vor.u32 @!p0 v6, v10  }
0x3ff: {  	v7 =	vperm.xlane @!p0 v6, v7;
	_ =	sdelay $0x1  }
0x400: {  	v7 =	vadd.s32 @!p0 v9, v7;
	_ =	sdelay $0x3  }
0x401: {  	s0 =	simm.s32 @!p0 $0xC400  }
0x402: {  	[tilespmem:s0], [sflag:$0x2] =	stream.indirect_vreg.gather @!p0 [hbm4b:s12+s2], $0x80, v7, vm15, $0xb8;
	[tilespmem:$0x19900] =	vst v63  }
0x403: {  	v6 =	vperm.xlane @!p0 v6, v8;
	s0 =	simm.s32 @!p0 $0xCC00  }
0x404: {  	[tilespmem:s0], [sflag:$0x2] =	stream.indirect_vreg.gather @!p0 [hbm4b:s26+s2], $0x80, v7, vm15, $0xb8;
	[tilespmem:$0x19900] =	vst v63  }
0x405: {  	v6 =	vadd.s32 @!p0 v9, v6;
	s0 =	simm.s32 @!p0 $0xD400  }
0x406: {  	[tilespmem:s0], [sflag:$0x2] =	stream.indirect_vreg.gather @!p0 [hbm4b:s13+s2], $0x80, v7, vm15, $0xb8;
	[tilespmem:$0x19900] =	vst v63  }
0x407: {  	s0 =	simm.s32 @!p0 $0xDC00  }
0x408: {  	[tilespmem:s0], [sflag:$0x2] =	stream.indirect_vreg.gather @!p0 [hbm4b:s14+s2], $0x80, v7, vm15, $0xb8;
	[tilespmem:$0x19900] =	vst v63  }
0x409: {  	s0 =	simm.s32 @!p0 $0xE400  }
0x40a: {  	[tilespmem:s0], [sflag:$0x2] =	stream.indirect_vreg.gather @!p0 [hbm4b:s12+s2], $0x80, v6, vm15, $0xb8;
	[tilespmem:$0x19900] =	vst v63  }
0x40b: {  	s0 =	simm.s32 @!p0 $0xEC00  }
0x40c: {  	[tilespmem:s0], [sflag:$0x2] =	stream.indirect_vreg.gather @!p0 [hbm4b:s26+s2], $0x80, v6, vm15, $0xb8;
	[tilespmem:$0x19900] =	vst v63  }
0x40d: {  	s0 =	simm.s32 @!p0 $0xF400  }
0x40e: {  	[tilespmem:s0], [sflag:$0x2] =	stream.indirect_vreg.gather @!p0 [hbm4b:s13+s2], $0x80, v6, vm15, $0xb8;
	[tilespmem:$0x19900] =	vst v63  }
0x40f: {  	s23 =	sshll.u32 s1, $0x4;
	s0 =	simm.s32 @!p0 $0xFC00  }
0x410: {  	[tilespmem:s0], [sflag:$0x2] =	stream.indirect_vreg.gather @!p0 [hbm4b:s14+s2], $0x80, v6, vm15, $0xb8;
	[tilespmem:$0x19900] =	vst v63  }
0x411: {  	s0 =	ssub.s32 s29, s23  }
0x412: {  	_ =	swait.ge [sflag:s10], $0x4000;
	p0 =	sgt.s32 s0, $0xF  }
.Ltmp22:
0x413: {  	[sflag:s10] =	ssyncset.done $0x0;
	(pc) =	sbr.rel @p0 .LBB2_40-.Ltmp22, $4  }
0x414: {  	[sflag:s10] =	ssyncadd.s32 $0xFFFFC000  }
0x415: {  	_ =	swait.ge [sflag:s10], $0x4000  }
0x416: {  	[sflag:s10] =	ssyncset.done $0x0  }
0x417: {  	[sflag:s10] =	ssyncadd.s32 $0xFFFFC000  }
0x418: {  	p0 =	sgt.s32 s0, $0x0  }
0x419: {  	s0 =	simm.s32 @!p0 $0x0  }
.LBB2_37:
0x41a: {  	s1 =	sshll.u32 s0, $0xA;
	s2 =	sshll.u32 s0, $0x7  }
0x41b: {  	s3 =	sand.u32 $0x2000, s1;
	s2 =	sand.u32 $0x380, s2;
	s1 =	simm.s32 $0x0  }
0x41c: {  	s4 =	sor.u32 s3, s2;
	s22 =	sand.u32 $0x1C00, s1  }
0x41d: {  	s23 =	sand.u32 $0x70, s1;
	s2 =	sor.u32 s22, s4  }
0x41e: {  	s5 =	simm.s32 $0x10;
	s8 =	sor.u32 s23, s2  }
.LBB2_38:
0x41f: {  	p0 =	sne.s32 s5, $0x3F0  }
0x420: {  	[tilespmem:s8+$0x10400] =	vst v0;
	s1 =	sadd.s32 $0x80, s1;
	s2 =	smov.u32 s5;
	s5 =	sadd.s32 $0x10, s5  }
.Ltmp23:
0x421: {  	[tilespmem:s8+$0x14400] =	vst v4;
	(pc) =	sbr.rel @p0 .LBB2_38-.Ltmp23, $4  }
0x422: {  	_ = 	snop  }
0x423: {  	s3 =	sand.u32 $0x1C00, s1  }
0x424: {  	s2 =	sand.u32 $0x70, s2;
	s3 =	sor.u32 s3, s4  }
0x425: {  	s8 =	sor.u32 s2, s3  }
0x426: {  	p0 =	slt.u32 s0, $0xF  }
.Ltmp24:
0x427: {  	_ = 	snop;
	(pc) =	sbr.rel @p0 .LBB2_37-.Ltmp24, $3  }
0x428: {  	_ =	sdelay $0x1  }
0x429: {  	[tilespmem:s8+$0x10400] =	vst v0;
	s1 =	sadd.s32 $0x1, s0  }
0x42a: {  	[tilespmem:s8+$0x14400] =	vst v4;
	s0 =	smov.u32 s1  }
.LBB2_40:
0x42b: {  	s0 =	simm.s32 $0x0  }
0x42c: {  	s1 =	sand.u32 $0x70, s0;
	s2 =	sand.u32 $0x1C00, s0  }
0x42d: {  	s1 =	sor.u32 s1, s2  }
0x42e: {  	v6 =	vld [tilespmem:s1+$0x16600]  }
0x42f: {  	s18 =	sor.u32 s0, s0;
	v7 =	vld [tilespmem:s1+$0x16680]  }
0x430: {  	s3 =	sor.u32 $0x2380, s18;
	v8 =	vld [tilespmem:s1+$0x16700]  }
0x431: {  	v9 =	vld [tilespmem:s3+$0x14400]  }
0x432: {  	v10 =	vld [tilespmem:s1+$0x16400]  }
0x433: {  	v11 =	vld [tilespmem:s1+$0x16480]  }
0x434: {  	v12 =	vld [tilespmem:s1+$0x16500]  }
0x435: {  	v13 =	vld [tilespmem:s1+$0x16580]  }
0x436: {  	v14 =	vld [tilespmem:s1+$0x14600]  }
0x437: {  	v15 =	vld [tilespmem:s1+$0x14680]  }
0x438: {  	s2 =	sor.u32 $0x380, s18;
	v16 =	vld [tilespmem:s1+$0x14700]  }
0x439: {  	v17 =	vld [tilespmem:s2+$0x14400]  }
0x43a: {  	v18 =	vld [tilespmem:s1+$0x14400]  }
0x43b: {  	v19 =	vld [tilespmem:s1+$0x14480]  }
0x43c: {  	v20 =	vld [tilespmem:s1+$0x14500]  }
0x43d: {  	v21 =	vld [tilespmem:s1+$0x14580]  }
0x43e: {  	v22 =	vld [tilespmem:s1+$0x12600]  }
0x43f: {  	v23 =	vld [tilespmem:s1+$0x12680]  }
0x440: {  	v24 =	vld [tilespmem:s1+$0x12700]  }
0x441: {  	v25 =	vld [tilespmem:s3+$0x10400]  }
0x442: {  	v26 =	vld [tilespmem:s1+$0x12400]  }
0x443: {  	v27 =	vld [tilespmem:s1+$0x12480]  }
0x444: {  	v28 =	vld [tilespmem:s1+$0x12500]  }
0x445: {  	v29 =	vld [tilespmem:s1+$0x12580]  }
0x446: {  	v30 =	vld [tilespmem:s1+$0x10600]  }
0x447: {  	v31 =	vld [tilespmem:s1+$0x10680];
	v6 =	vshll.u32 v6, $0x1F  }
0x448: {  	v32 =	vld [tilespmem:s1+$0x10700];
	v7 =	vshll.u32 v7, $0x1F;
	v8 =	vshll.u32 v8, $0x1F;
	v9 =	vshll.u32 v9, $0x1F  }
0x449: {  	v33 =	vld [tilespmem:s2+$0x10400];
	v10 =	vshll.u32 v10, $0x1F;
	v11 =	vshll.u32 v11, $0x1F;
	v12 =	vshll.u32 v12, $0x1F  }
0x44a: {  	v34 =	vld [tilespmem:s1+$0x10400];
	v14 =	vshll.u32 v14, $0x1F;
	v15 =	vshll.u32 v15, $0x1F;
	v13 =	vshll.u32 v13, $0x1F  }
0x44b: {  	v35 =	vld [tilespmem:s1+$0x10480];
	v16 =	vshll.u32 v16, $0x1F;
	v18 =	vshll.u32 v18, $0x1F;
	v19 =	vshll.u32 v19, $0x1F  }
0x44c: {  	v36 =	vld [tilespmem:s1+$0x10500];
	v17 =	vshll.u32 v17, $0x1F;
	v20 =	vshll.u32 v20, $0x1F;
	v21 =	vshll.u32 v21, $0x1F  }
0x44d: {  	v37 =	vld [tilespmem:s1+$0x10580];
	v38 =	vor.u32 $0x80000000, v22;
	v39 =	vor.u32 $0x80000000, v23;
	v40 =	vor.u32 $0x80000000, v24  }
0x44e: {  	v41 =	vor.u32 $0x80000000, v26;
	v42 =	vor.u32 $0x80000000, v25;
	v43 =	vor.u32 $0x80000000, v27  }
0x44f: {  	v44 =	vor.u32 $0x80000000, v28;
	v45 =	vor.u32 $0x80000000, v29;
	v46 =	vor.u32 $0x80000000, v30  }
0x450: {  	v47 =	vor.u32 $0x80000000, v31;
	v48 =	vor.u32 $0x80000000, v34;
	v49 =	vor.u32 $0x80000000, v32  }
0x451: {  	v50 =	vor.u32 $0x80000000, v33;
	v51 =	vor.u32 $0x80000000, v35;
	v52 =	vor.u32 $0x80000000, v36  }
0x452: {  	v53 =	vor.u32 $0x80000000, v37;
	v6 =	vxor.u32 v22, v6;
	v22 =	vxor.u32 v23, v7  }
0x453: {  	v8 =	vxor.u32 v24, v8;
	v7 =	vmul.f32 $1.442695020e+00, v38;
	v23 =	vmul.f32 $1.442695020e+00, v39  }
0x454: {  	v9 =	vxor.u32 v25, v9;
	v10 =	vxor.u32 v26, v10;
	v24 =	vmul.f32 $1.442695020e+00, v40  }
0x455: {  	v25 =	vmul.f32 $1.442695020e+00, v42;
	v26 =	vmul.f32 $1.442695020e+00, v41;
	v11 =	vxor.u32 v27, v11  }
0x456: {  	v27 =	vmul.f32 $1.442695020e+00, v43;
	v12 =	vxor.u32 v28, v12;
	v28 =	vmul.f32 $1.442695020e+00, v44  }
0x457: {  	v13 =	vxor.u32 v29, v13;
	v14 =	vxor.u32 v30, v14;
	v15 =	vxor.u32 v31, v15  }
0x458: {  	v16 =	vxor.u32 v32, v16;
	v17 =	vxor.u32 v33, v17;
	v18 =	vxor.u32 v34, v18  }
0x459: {  	v19 =	vxor.u32 v35, v19;
	v20 =	vxor.u32 v36, v20;
	v29 =	vmul.f32 $1.442695020e+00, v52  }
0x45a: {  	v22 =	vmax.f32 v22, $0.0e+00;
	v8 =	vmax.f32 v8, $0.0e+00;
	(erf) = vpow2.f32 v7  }
0x45b: {  	v9 =	vmax.f32 v9, $0.0e+00;
	v10 =	vmax.f32 v10, $0.0e+00;
	(erf) = vpow2.f32 v23  }
0x45c: {  	v11 =	vmax.f32 v11, $0.0e+00;
	v12 =	vmax.f32 v12, $0.0e+00;
	(erf) = vpow2.f32 v24  }
0x45d: {  	v13 =	vmax.f32 v13, $0.0e+00;
	v7 =	vmul.f32 $1.442695020e+00, v45;
	(erf) = vpow2.f32 v25  }
0x45e: {  	v14 =	vmax.f32 v14, $0.0e+00;
	v23 =	vmul.f32 $1.442695020e+00, v46;
	(erf) = vpow2.f32 v26  }
0x45f: {  	v15 =	vmax.f32 v15, $0.0e+00;
	v24 =	vmul.f32 $1.442695020e+00, v47;
	(erf) = vpow2.f32 v27  }
0x460: {  	v16 =	vmax.f32 v16, $0.0e+00;
	v25 =	vmul.f32 $1.442695020e+00, v49;
	(erf) = vpow2.f32 v28  }
0x461: {  	v17 =	vmax.f32 v17, $0.0e+00;
	v26 =	vmul.f32 $1.442695020e+00, v50;
	(erf) = vpow2.f32 v7  }
0x462: {  	v18 =	vmax.f32 v18, $0.0e+00;
	v27 =	vmul.f32 $1.442695020e+00, v48;
	(erf) = vpow2.f32 v23  }
0x463: {  	v19 =	vmax.f32 v19, $0.0e+00;
	v28 =	vmul.f32 $1.442695020e+00, v51;
	(erf) = vpow2.f32 v24  }
0x464: {  	v7 =	vxor.u32 v37, v21;
	v21 =	vmul.f32 $1.442695020e+00, v53;
	v23 =	vpop (erf);
	(erf) = vpow2.f32 v25  }
0x465: {  	v20 =	vmax.f32 v20, $0.0e+00;
	v25 =	vpop (erf);
	v30 =	vmul.f32 $2.518130840e-01, v23;
	(erf) = vpow2.f32 v26  }
0x466: {  	v7 =	vmax.f32 v7, $0.0e+00;
	v26 =	vpop (erf);
	v31 =	vmul.f32 $2.518130840e-01, v25;
	(erf) = vpow2.f32 v27  }
0x467: {  	v27 =	vpop (erf);
	v55 =	vmul.f32 $2.518130840e-01, v26;
	v30 =	vsub.f32 $9.405722020e-01, v30;
	(erf) = vpow2.f32 v28  }
0x468: {  	v24 =	vmax.f32 v6, $0.0e+00;
	v28 =	vpop (erf);
	v57 =	vmul.f32 $2.518130840e-01, v27;
	(erf) = vpow2.f32 v29  }
0x469: {  	s21 =	simm.s32 $0x10;
	s1 =	simm.s32 $0x80;
	v31 =	vsub.f32 $9.405722020e-01, v31;
	v29 =	vpop (erf);
	v56 =	vmul.f32 $2.518130840e-01, v28;
	v23 =	vmul.f32 v30, v23  }
0x46a: {  	s22 =	sand.u32 $0x70, s21;
	s4 =	sand.u32 $0x1C00, s1;
	v32 =	vsub.f32 $9.405722020e-01, v55;
	(erf) = vpow2.f32 v21;
	v21 =	vpop (erf);
	v58 =	vmul.f32 $2.518130840e-01, v29  }
0x46b: {  	s18 =	sor.u32 s22, s4;
	v35 =	vsub.f32 $9.405722020e-01, v57;
	v25 =	vmul.f32 v31, v25;
	v59 =	vmul.f32 $2.518130840e-01, v21  }
0x46c: {  	v30 =	vld [tilespmem:s18+$0x16580];
	v33 =	vpop (erf);
	v34 =	vsub.f32 $9.405722020e-01, v56;
	v26 =	vmul.f32 v32, v26;
	v23 =	vadd.f32 v23, v24  }
0x46d: {  	v36 =	vpop (erf);
	v61 =	vmul.f32 $2.518130840e-01, v33;
	v37 =	vsub.f32 $9.405722020e-01, v58;
	v27 =	vmul.f32 v35, v27  }
0x46e: {  	v22 =	vadd.f32 v25, v22;
	v39 =	vpop (erf);
	v60 =	vmul.f32 $2.518130840e-01, v36;
	v38 =	vsub.f32 $9.405722020e-01, v59  }
0x46f: {  	v28 =	vmul.f32 v34, v28;
	v8 =	vadd.f32 v26, v8;
	v44 =	vmul.f32 $2.518130840e-01, v39  }
0x470: {  	v42 =	vpop (erf);
	v41 =	vsub.f32 $9.405722020e-01, v61;
	v29 =	vmul.f32 v37, v29;
	v9 =	vadd.f32 v27, v9  }
0x471: {  	v26 =	vld [tilespmem:s18+$0x14480];
	v30 =	vshll.u32 v30, $0x1F;
	v45 =	vmul.f32 $2.518130840e-01, v42;
	v46 =	vpop (erf);
	v40 =	vsub.f32 $9.405722020e-01, v60  }
0x472: {  	v35 =	vld [tilespmem:s18+$0x12400];
	v21 =	vmul.f32 v38, v21;
	v10 =	vadd.f32 v28, v10;
	v48 =	vmul.f32 $2.518130840e-01, v46  }
0x473: {  	v49 =	vpop (erf);
	v44 =	vsub.f32 $9.405722020e-01, v44;
	v33 =	vmul.f32 v41, v33;
	v11 =	vadd.f32 v29, v11  }
0x474: {  	v51 =	vmul.f32 $2.518130840e-01, v49;
	v52 =	vpop (erf);
	v45 =	vsub.f32 $9.405722020e-01, v45;
	v36 =	vmul.f32 v40, v36  }
0x475: {  	v28 =	vld [tilespmem:s18+$0x14500];
	v12 =	vadd.f32 v21, v12;
	v54 =	vmul.f32 $2.518130840e-01, v52;
	v48 =	vsub.f32 $9.405722020e-01, v48  }
0x476: {  	v43 =	vld [tilespmem:s18+$0x16600];
	v55 =	vpop (erf);
	v39 =	vmul.f32 v44, v39;
	v13 =	vadd.f32 v33, v13;
	v41 =	vshll.u32 v26, $0x1F  }
0x477: {  	v21 =	vld [tilespmem:s18+$0x14580];
	v44 =	vor.u32 $0x80000000, v35;
	v57 =	vmul.f32 $2.518130840e-01, v55;
	v58 =	vpop (erf);
	v31 =	vsub.f32 $9.405722020e-01, v51  }
0x478: {  	v47 =	vld [tilespmem:s18+$0x16680];
	v42 =	vmul.f32 v45, v42;
	v14 =	vadd.f32 v36, v14;
	v60 =	vmul.f32 $2.518130840e-01, v58  }
0x479: {  	v33 =	vld [tilespmem:s18+$0x12600];
	v62 =	vsub.f32 $9.405722020e-01, v54;
	v25 =	vmul.f32 v48, v46;
	v15 =	vadd.f32 v39, v15  }
0x47a: {  	v50 =	vld [tilespmem:s18+$0x16700];
	v28 =	vshll.u32 v28, $0x1F;
	v63 =	vsub.f32 $9.405722020e-01, v57;
	v27 =	vmul.f32 v31, v49  }
0x47b: {  	v51 =	vld [tilespmem:s18+$0x14700];
	v16 =	vadd.f32 v42, v16;
	v54 =	vsub.f32 $9.405722020e-01, v60;
	v29 =	vmul.f32 v62, v52  }
0x47c: {  	s2 =	sor.u32 s21, s1;
	v40 =	vld [tilespmem:s18+$0x10500];
	v17 =	vadd.f32 v25, v17;
	v62 =	vshll.u32 v43, $0x1F;
	v42 =	vshll.u32 v21, $0x1F  }
0x47d: {  	s23 =	sor.u32 $0x2380, s2;
	v25 =	vld [tilespmem:s18+$0x12680];
	v31 =	vmul.f32 v63, v55;
	v18 =	vadd.f32 v27, v18;
	v63 =	vshll.u32 v47, $0x1F  }
0x47e: {  	v53 =	vld [tilespmem:s23+$0x14400];
	v21 =	vor.u32 $0x80000000, v33;
	v33 =	vxor.u32 v33, v62;
	v60 =	vmul.f32 v54, v58  }
0x47f: {  	v27 =	vld [tilespmem:s18+$0x12700];
	v19 =	vadd.f32 v29, v19;
	v29 =	vimm.f32 $0.0e+00;
	v20 =	vadd.f32 v31, v20  }
0x480: {  	v56 =	vld [tilespmem:s18+$0x16400];
	v38 =	vshll.u32 v51, $0x1F;
	v18 =	vadd.f32 $0.0e+00, v18;
	v7 =	vadd.f32 v60, v7  }
0x481: {  	v19 =	vadd.f32 $0.0e+00, v19;
	v60 =	vor.u32 $0x80000000, v40;
	v20 =	vadd.f32 $0.0e+00, v20  }
0x482: {  	v31 =	vld [tilespmem:s23+$0x10400];
	v14 =	vadd.f32 v14, v18;
	v26 =	vor.u32 $0x80000000, v25;
	v62 =	vxor.u32 v25, v63  }
0x483: {  	v7 =	vadd.f32 $0.0e+00, v7;
	v15 =	vadd.f32 v15, v19;
	v19 =	vshll.u32 v50, $0x1F  }
0x484: {  	v59 =	vld [tilespmem:s18+$0x16480];
	v43 =	vor.u32 $0x80000000, v27;
	v25 =	vmul.f32 $1.442695020e+00, v26;
	v16 =	vadd.f32 v16, v20  }
0x485: {  	v32 =	vld [tilespmem:s18+$0x14600];
	v20 =	vshll.u32 v53, $0x1F;
	v10 =	vadd.f32 v10, v14;
	v14 =	vshll.u32 v56, $0x1F  }
0x486: {  	v61 =	vld [tilespmem:s18+$0x16500];
	v63 =	vxor.u32 v27, v19;
	v19 =	vmul.f32 $1.442695020e+00, v21;
	v27 =	vmul.f32 $1.442695020e+00, v44  }
0x487: {  	v18 =	vld [tilespmem:s18+$0x12500];
	v7 =	vadd.f32 v17, v7;
	v11 =	vadd.f32 v11, v15;
	v45 =	vor.u32 $0x80000000, v31  }
0x488: {  	v34 =	vld [tilespmem:s18+$0x14680];
	v31 =	vxor.u32 v31, v20;
	v35 =	vxor.u32 v35, v14;
	v20 =	vmul.f32 $1.442695020e+00, v43  }
0x489: {  	v24 =	vld [tilespmem:s18+$0x14400];
	v12 =	vadd.f32 v12, v16;
	v16 =	vshll.u32 v59, $0x1F;
	v10 =	vadd.f32 v23, v10  }
0x48a: {  	v17 =	vld [tilespmem:s18+$0x12580];
	v26 =	vmul.f32 $1.442695020e+00, v45;
	(erf) = vpow2.f32 v19;
	v19 =	vxor.u32 v40, v28  }
0x48b: {  	s5 =	sor.u32 $0x380, s2;
	v15 =	vld [tilespmem:s18+$0x10600];
	v28 =	vmul.f32 $1.442695020e+00, v60;
	v7 =	vadd.f32 v13, v7;
	v11 =	vadd.f32 v22, v11  }
0x48c: {  	v57 =	vld [tilespmem:s5+$0x14400];
	v22 =	vshll.u32 v61, $0x1F;
	v46 =	vor.u32 $0x80000000, v18;
	(erf) = vpow2.f32 v25  }
0x48d: {  	v23 =	vld [tilespmem:s18+$0x10700];
	v8 =	vadd.f32 v8, v12;
	v12 =	vshll.u32 v34, $0x1F;
	v14 =	vxor.u32 v18, v22  }
0x48e: {  	v6 =	vld [tilespmem:s0+$0x0];
	(erf) = vpow2.f32 v20;
	v7 =	vadd.f32 v9, v7;
	v9 =	vshll.u32 v32, $0x1F  }
0x48f: {  	v13 =	vld [tilespmem:s18+$0x10680];
	v10 =	vadd.f32 v11, v10;
	(erf) = vpow2.f32 v26;
	v47 =	vor.u32 $0x80000000, v17  }
0x490: {  	v37 =	vld [tilespmem:s18+$0x12480];
	v48 =	vor.u32 $0x80000000, v15;
	v21 =	vxor.u32 v17, v30;
	v22 =	vxor.u32 v15, v9  }
0x491: {  	v34 =	vld [tilespmem:s18+$0x10400];
	(erf) = vpow2.f32 v27;
	v7 =	vadd.f32 v7, v8;
	v8 =	vshll.u32 v24, $0x1F  }
0x492: {  	v32 =	vld [tilespmem:s5+$0x10400];
	v24 =	vshll.u32 v57, $0x1F;
	v57 =	vor.u32 $0x80000000, v23;
	v17 =	vmul.f32 $1.442695020e+00, v47  }
0x493: {  	v11 =	vld [tilespmem:s18+$0x10480];
	v9 =	vmul.f32 $1.442695020e+00, v48;
	v26 =	vxor.u32 v23, v38;
	v7 =	vadd.f32 v7, v10  }
0x494: {  	v49 =	vor.u32 $0x80000000, v13;
	v25 =	vxor.u32 v13, v12;
	v13 =	vmul.f32 $1.442695020e+00, v57  }
0x495: {  	v12 =	vmul.f32 $1.442695020e+00, v49;
	v6 =	vmul.f32 v7, v6;
	v7 =	vor.u32 $0x80000000, v37  }
0x496: {  	v23 =	vxor.u32 v34, v8;
	v8 =	vmax.f32 v33, $0.0e+00;
	v7 =	vmul.f32 $1.442695020e+00, v7  }
0x497: {  	v10 =	vld [tilespmem:s18+$0x10580];
	v58 =	vor.u32 $0x80000000, v32;
	v37 =	vxor.u32 v37, v16;
	v16 =	vmul.f32 $1.442695020e+00, v46  }
0x498: {  	v59 =	vor.u32 $0x80000000, v11;
	v24 =	vxor.u32 v32, v24;
	(erf) = vpow2.f32 v7  }
0x499: {  	v20 =	vxor.u32 v11, v41;
	v18 =	vmul.f32 $1.442695020e+00, v58;
	(erf) = vpow2.f32 v16  }
0x49a: {  	v6 =	vadd.f32 v6, v29;
	v29 =	vor.u32 $0x80000000, v34;
	(erf) = vpow2.f32 v17  }
0x49b: {  	v11 =	vmax.f32 v31, $0.0e+00;
	v30 =	vmul.f32 $1.442695020e+00, v29;
	(erf) = vpow2.f32 v9  }
0x49c: {  	v15 =	vpop (erf);
	v61 =	vor.u32 $0x80000000, v10;
	v29 =	vmul.f32 $1.442695020e+00, v59;
	(erf) = vpow2.f32 v12  }
0x49d: {  	v7 =	vxor.u32 v10, v42;
	v10 =	vmax.f32 v63, $0.0e+00;
	v16 =	vpop (erf);
	(erf) = vpow2.f32 v13  }
0x49e: {  	v27 =	vmul.f32 $1.442695020e+00, v61;
	v17 =	vpop (erf);
	v9 =	vmax.f32 v62, $0.0e+00;
	(erf) = vpow2.f32 v18  }
0x49f: {  	s21 =	simm.s32 $0x20;
	v12 =	vmax.f32 v35, $0.0e+00;
	v13 =	vmax.f32 v37, $0.0e+00;
	v18 =	vpop (erf);
	(erf) = vpow2.f32 v30  }
.LBB2_41:
0x4a0: {  	p0 =	sne.s32 s21, $0x3F0;
	v30 =	vmax.f32 v14, $0.0e+00;
	v21 =	vmax.f32 v21, $0.0e+00;
	(erf) = vpow2.f32 v29;
	v29 =	vpop (erf)  }
0x4a1: {  	v22 =	vmax.f32 v22, $0.0e+00;
	v25 =	vmax.f32 v25, $0.0e+00;
	(erf) = vpow2.f32 v28;
	v28 =	vpop (erf)  }
0x4a2: {  	v26 =	vmax.f32 v26, $0.0e+00;
	v31 =	vmul.f32 $2.518130840e-01, v15;
	(erf) = vpow2.f32 v27;
	v27 =	vpop (erf)  }
0x4a3: {  	v24 =	vmax.f32 v24, $0.0e+00;
	v32 =	vmul.f32 $2.518130840e-01, v16;
	v33 =	vmul.f32 $2.518130840e-01, v17;
	v34 =	vpop (erf)  }
0x4a4: {  	v23 =	vmax.f32 v23, $0.0e+00;
	v36 =	vmul.f32 $2.518130840e-01, v18;
	s1 =	sadd.s32 $0x80, s1;
	v35 =	vmul.f32 $2.518130840e-01, v29;
	v37 =	vpop (erf)  }
0x4a5: {  	s2 =	sand.u32 $0x70, s21;
	v20 =	vmax.f32 v20, $0.0e+00;
	s0 =	sadd.s32 $0x10, s0;
	s3 =	sand.u32 $0x1C00, s1;
	v38 =	vmul.f32 $2.518130840e-01, v28;
	v39 =	vmul.f32 $2.518130840e-01, v27;
	v40 =	vpop (erf)  }
0x4a6: {  	v19 =	vmax.f32 v19, $0.0e+00;
	s18 =	sor.u32 s2, s3;
	v42 =	vmul.f32 $2.518130840e-01, v34;
	v41 =	vmul.f32 $2.518130840e-01, v37;
	v14 =	vld [tilespmem:s0+$0x0];
	v43 =	vpop (erf)  }
0x4a7: {  	v31 =	vsub.f32 $9.405722020e-01, v31;
	v45 =	vmul.f32 $2.518130840e-01, v40;
	v44 =	vld [tilespmem:s18+$0x16600];
	v46 =	vmul.f32 $2.518130840e-01, v43;
	v47 =	vpop (erf)  }
0x4a8: {  	s2 =	sor.u32 s21, s1;
	v32 =	vsub.f32 $9.405722020e-01, v32;
	v33 =	vsub.f32 $9.405722020e-01, v33;
	v48 =	vld [tilespmem:s18+$0x16680];
	v49 =	vmul.f32 $2.518130840e-01, v47;
	v50 =	vpop (erf)  }
0x4a9: {  	v36 =	vsub.f32 $9.405722020e-01, v36;
	s8 =	sor.u32 $0x2380, s2;
	v35 =	vsub.f32 $9.405722020e-01, v35;
	v51 =	vld [tilespmem:s18+$0x16700];
	v52 =	vmul.f32 $2.518130840e-01, v50;
	v53 =	vpop (erf)  }
0x4aa: {  	v38 =	vsub.f32 $9.405722020e-01, v38;
	v39 =	vsub.f32 $9.405722020e-01, v39;
	v54 =	vld [tilespmem:s8+$0x14400];
	v55 =	vmul.f32 $2.518130840e-01, v53;
	v56 =	vpop (erf)  }
0x4ab: {  	v42 =	vsub.f32 $9.405722020e-01, v42;
	v41 =	vsub.f32 $9.405722020e-01, v41;
	v57 =	vld [tilespmem:s18+$0x16400];
	v58 =	vmul.f32 $2.518130840e-01, v56;
	v59 =	vpop (erf)  }
0x4ac: {  	v45 =	vsub.f32 $9.405722020e-01, v45;
	v46 =	vsub.f32 $9.405722020e-01, v46;
	v60 =	vld [tilespmem:s18+$0x16480];
	v61 =	vmul.f32 $2.518130840e-01, v59  }
0x4ad: {  	v15 =	vmul.f32 v31, v15;
	v16 =	vmul.f32 v32, v16;
	v49 =	vsub.f32 $9.405722020e-01, v49;
	v62 =	vld [tilespmem:s18+$0x16500]  }
0x4ae: {  	v17 =	vmul.f32 v33, v17;
	v18 =	vmul.f32 v36, v18;
	v32 =	vsub.f32 $9.405722020e-01, v52;
	v31 =	vld [tilespmem:s18+$0x16580]  }
0x4af: {  	v29 =	vmul.f32 v35, v29;
	v28 =	vmul.f32 v38, v28;
	v36 =	vsub.f32 $9.405722020e-01, v55;
	v33 =	vld [tilespmem:s18+$0x14600]  }
0x4b0: {  	v27 =	vmul.f32 v39, v27;
	v34 =	vmul.f32 v42, v34;
	v38 =	vsub.f32 $9.405722020e-01, v58;
	v35 =	vld [tilespmem:s18+$0x14680]  }
0x4b1: {  	s4 =	sor.u32 $0x380, s2;
	v37 =	vmul.f32 v41, v37;
	v40 =	vmul.f32 v45, v40;
	v42 =	vsub.f32 $9.405722020e-01, v61;
	v39 =	vld [tilespmem:s18+$0x14700]  }
0x4b2: {  	v8 =	vadd.f32 v15, v8;
	v9 =	vadd.f32 v16, v9;
	v43 =	vmul.f32 v46, v43;
	v41 =	vld [tilespmem:s4+$0x14400]  }
0x4b3: {  	v10 =	vadd.f32 v17, v10;
	v11 =	vadd.f32 v18, v11;
	v16 =	vmul.f32 v49, v47;
	v15 =	vld [tilespmem:s18+$0x14400]  }
0x4b4: {  	v12 =	vadd.f32 v29, v12;
	v13 =	vadd.f32 v28, v13;
	v18 =	vmul.f32 v32, v50;
	v17 =	vld [tilespmem:s18+$0x14480]  }
0x4b5: {  	v27 =	vadd.f32 v27, v30;
	v21 =	vadd.f32 v34, v21;
	v29 =	vmul.f32 v36, v53;
	v28 =	vld [tilespmem:s18+$0x14500]  }
0x4b6: {  	v22 =	vadd.f32 v37, v22;
	v25 =	vadd.f32 v40, v25;
	v32 =	vmul.f32 v38, v56;
	v30 =	vld [tilespmem:s18+$0x14580]  }
0x4b7: {  	v26 =	vadd.f32 v43, v26;
	v16 =	vadd.f32 v16, v24;
	v36 =	vmul.f32 v42, v59;
	v34 =	vld [tilespmem:s18+$0x12600]  }
0x4b8: {  	v7 =	vmax.f32 v7, $0.0e+00;
	v18 =	vadd.f32 v18, v23;
	v20 =	vadd.f32 v29, v20;
	v24 =	vld [tilespmem:s18+$0x12680]  }
0x4b9: {  	v19 =	vadd.f32 v32, v19;
	v7 =	vadd.f32 v36, v7;
	v23 =	vld [tilespmem:s18+$0x12700]  }
0x4ba: {  	v18 =	vadd.f32 $0.0e+00, v18;
	v20 =	vadd.f32 $0.0e+00, v20;
	v29 =	vld [tilespmem:s8+$0x10400]  }
0x4bb: {  	v36 =	vshll.u32 v44, $0x1F;
	v19 =	vadd.f32 $0.0e+00, v19;
	v7 =	vadd.f32 $0.0e+00, v7;
	v32 =	vld [tilespmem:s18+$0x12400]  }
0x4bc: {  	v38 =	vshll.u32 v48, $0x1F;
	v18 =	vadd.f32 v22, v18;
	v20 =	vadd.f32 v25, v20;
	v37 =	vld [tilespmem:s18+$0x12480]  }
0x4bd: {  	v25 =	vshll.u32 v51, $0x1F;
	v19 =	vadd.f32 v26, v19;
	v7 =	vadd.f32 v16, v7;
	v22 =	vld [tilespmem:s18+$0x12500]  }
0x4be: {  	v26 =	vshll.u32 v54, $0x1F;
	v12 =	vadd.f32 v12, v18;
	v13 =	vadd.f32 v13, v20;
	v16 =	vld [tilespmem:s18+$0x12580]  }
0x4bf: {  	v20 =	vshll.u32 v57, $0x1F;
	v19 =	vadd.f32 v27, v19;
	v7 =	vadd.f32 v21, v7;
	v18 =	vld [tilespmem:s18+$0x10600]  }
0x4c0: {  	v8 =	vadd.f32 v8, v12;
	v21 =	vshll.u32 v60, $0x1F;
	v9 =	vadd.f32 v9, v13;
	v27 =	vld [tilespmem:s18+$0x10680]  }
0x4c1: {  	v13 =	vshll.u32 v62, $0x1F;
	v10 =	vadd.f32 v10, v19;
	v7 =	vadd.f32 v11, v7;
	v12 =	vld [tilespmem:s18+$0x10700]  }
0x4c2: {  	v31 =	vshll.u32 v31, $0x1F;
	v19 =	vshll.u32 v35, $0x1F;
	v11 =	vshll.u32 v33, $0x1F;
	v33 =	vld [tilespmem:s4+$0x10400]  }
0x4c3: {  	v39 =	vshll.u32 v39, $0x1F;
	v8 =	vadd.f32 v9, v8;
	v7 =	vadd.f32 v7, v10;
	v35 =	vld [tilespmem:s18+$0x10400]  }
0x4c4: {  	v9 =	vshll.u32 v15, $0x1F;
	v15 =	vshll.u32 v17, $0x1F;
	v17 =	vshll.u32 v41, $0x1F;
	v10 =	vld [tilespmem:s18+$0x10480]  }
0x4c5: {  	v28 =	vshll.u32 v28, $0x1F;
	v30 =	vshll.u32 v30, $0x1F;
	v7 =	vadd.f32 v7, v8;
	v40 =	vld [tilespmem:s18+$0x10500]  }
0x4c6: {  	v41 =	vor.u32 $0x80000000, v34;
	v42 =	vor.u32 $0x80000000, v24;
	v43 =	vor.u32 $0x80000000, v23;
	v8 =	vld [tilespmem:s18+$0x10580]  }
0x4c7: {  	v45 =	vor.u32 $0x80000000, v29;
	v44 =	vor.u32 $0x80000000, v32;
	v7 =	vmul.f32 v7, v14  }
0x4c8: {  	v14 =	vor.u32 $0x80000000, v37;
	v46 =	vor.u32 $0x80000000, v22;
	v47 =	vor.u32 $0x80000000, v16  }
0x4c9: {  	v6 =	vadd.f32 v7, v6;
	v48 =	vor.u32 $0x80000000, v18;
	v49 =	vor.u32 $0x80000000, v27  }
0x4ca: {  	v50 =	vor.u32 $0x80000000, v12;
	v51 =	vor.u32 $0x80000000, v33;
	v7 =	vor.u32 $0x80000000, v35  }
0x4cb: {  	v52 =	vor.u32 $0x80000000, v10;
	v53 =	vor.u32 $0x80000000, v40;
	v54 =	vor.u32 $0x80000000, v8  }
0x4cc: {  	v34 =	vxor.u32 v34, v36;
	v36 =	vxor.u32 v24, v38;
	v38 =	vxor.u32 v23, v25  }
0x4cd: {  	v23 =	vmul.f32 $1.442695020e+00, v41;
	v24 =	vmul.f32 $1.442695020e+00, v42;
	v41 =	vxor.u32 v29, v26  }
0x4ce: {  	v32 =	vxor.u32 v32, v20;
	v20 =	vmul.f32 $1.442695020e+00, v43;
	v26 =	vmul.f32 $1.442695020e+00, v45  }
0x4cf: {  	v29 =	vmul.f32 $1.442695020e+00, v44;
	v37 =	vxor.u32 v37, v21;
	v42 =	vmul.f32 $1.442695020e+00, v14  }
0x4d0: {  	v14 =	vxor.u32 v22, v13;
	v13 =	vmul.f32 $1.442695020e+00, v46;
	(erf) = vpow2.f32 v23  }
0x4d1: {  	v21 =	vxor.u32 v16, v31;
	v16 =	vmul.f32 $1.442695020e+00, v47;
	(erf) = vpow2.f32 v24  }
0x4d2: {  	v22 =	vxor.u32 v18, v11;
	v11 =	vmul.f32 $1.442695020e+00, v48;
	(erf) = vpow2.f32 v20  }
0x4d3: {  	v25 =	vxor.u32 v27, v19;
	v18 =	vmul.f32 $1.442695020e+00, v49;
	(erf) = vpow2.f32 v26  }
0x4d4: {  	v26 =	vxor.u32 v12, v39;
	v12 =	vmul.f32 $1.442695020e+00, v50;
	(erf) = vpow2.f32 v29  }
0x4d5: {  	v24 =	vxor.u32 v33, v17;
	v17 =	vmul.f32 $1.442695020e+00, v51;
	(erf) = vpow2.f32 v42  }
0x4d6: {  	v31 =	vmul.f32 $1.442695020e+00, v7;
	v23 =	vxor.u32 v35, v9;
	(erf) = vpow2.f32 v13  }
0x4d7: {  	v20 =	vxor.u32 v10, v15;
	v29 =	vmul.f32 $1.442695020e+00, v52;
	(erf) = vpow2.f32 v16  }
.Ltmp25:
0x4d8: {  	v19 =	vxor.u32 v40, v28;
	v28 =	vmul.f32 $1.442695020e+00, v53;
	(erf) = vpow2.f32 v11;
	(pc) =	sbr.rel @p0 .LBB2_41-.Ltmp25, $4  }
0x4d9: {  	v7 =	vxor.u32 v8, v30;
	v27 =	vmul.f32 $1.442695020e+00, v54;
	(erf) = vpow2.f32 v18;
	v15 =	vpop (erf)  }
0x4da: {  	v8 =	vmax.f32 v34, $0.0e+00;
	v9 =	vmax.f32 v36, $0.0e+00;
	(erf) = vpow2.f32 v12;
	v16 =	vpop (erf)  }
0x4db: {  	v10 =	vmax.f32 v38, $0.0e+00;
	v11 =	vmax.f32 v41, $0.0e+00;
	(erf) = vpow2.f32 v17;
	v17 =	vpop (erf)  }
0x4dc: {  	s21 =	sadd.s32 $0x10, s21;
	v13 =	vmax.f32 v37, $0.0e+00;
	v12 =	vmax.f32 v32, $0.0e+00;
	(erf) = vpow2.f32 v31;
	v18 =	vpop (erf)  }
0x4dd: {  	v14 =	vmax.f32 v14, $0.0e+00;
	v21 =	vmax.f32 v21, $0.0e+00;
	(erf) = vpow2.f32 v29  }
0x4de: {  	v22 =	vmax.f32 v22, $0.0e+00;
	v25 =	vmax.f32 v25, $0.0e+00;
	v26 =	vmax.f32 v26, $0.0e+00  }
0x4df: {  	v30 =	vmul.f32 $2.518130840e-01, v15;
	v24 =	vmax.f32 v24, $0.0e+00;
	v31 =	vmul.f32 $2.518130840e-01, v16  }
0x4e0: {  	v29 =	vpop (erf);
	v32 =	vmul.f32 $2.518130840e-01, v17;
	v23 =	vmax.f32 v23, $0.0e+00;
	v35 =	vmul.f32 $2.518130840e-01, v18  }
0x4e1: {  	v20 =	vmax.f32 v20, $0.0e+00;
	v19 =	vmax.f32 v19, $0.0e+00;
	(erf) = vpow2.f32 v28;
	v28 =	vpop (erf)  }
0x4e2: {  	v34 =	vmul.f32 $2.518130840e-01, v29;
	(erf) = vpow2.f32 v27;
	v57 =	vpop (erf);
	v30 =	vsub.f32 $9.405722020e-01, v30  }
0x4e3: {  	v37 =	vmul.f32 $2.518130840e-01, v28;
	v31 =	vsub.f32 $9.405722020e-01, v31;
	v32 =	vsub.f32 $9.405722020e-01, v32;
	v33 =	vpop (erf)  }
0x4e4: {  	v35 =	vsub.f32 $9.405722020e-01, v35;
	v38 =	vmul.f32 $2.518130840e-01, v57;
	v41 =	vmul.f32 $2.518130840e-01, v33  }
0x4e5: {  	v34 =	vsub.f32 $9.405722020e-01, v34;
	v58 =	vmul.f32 v30, v15;
	v59 =	vmul.f32 v31, v16  }
0x4e6: {  	v36 =	vpop (erf);
	v37 =	vsub.f32 $9.405722020e-01, v37;
	v61 =	vmul.f32 v32, v17;
	v62 =	vmul.f32 v35, v18  }
0x4e7: {  	v39 =	vpop (erf);
	v40 =	vmul.f32 $2.518130840e-01, v36;
	v38 =	vsub.f32 $9.405722020e-01, v38;
	v29 =	vmul.f32 v34, v29  }
0x4e8: {  	v43 =	vmul.f32 $2.518130840e-01, v39;
	v41 =	vsub.f32 $9.405722020e-01, v41;
	v8 =	vadd.f32 v58, v8  }
0x4e9: {  	v42 =	vpop (erf);
	v28 =	vmul.f32 v37, v28;
	v9 =	vadd.f32 v59, v9;
	v10 =	vadd.f32 v61, v10  }
0x4ea: {  	v11 =	vadd.f32 v62, v11;
	v44 =	vmul.f32 $2.518130840e-01, v42;
	v45 =	vpop (erf);
	v40 =	vsub.f32 $9.405722020e-01, v40  }
0x4eb: {  	v27 =	vmul.f32 v38, v57;
	v12 =	vadd.f32 v29, v12;
	v46 =	vmul.f32 $2.518130840e-01, v45  }
0x4ec: {  	v47 =	vpop (erf);
	v43 =	vsub.f32 $9.405722020e-01, v43;
	v33 =	vmul.f32 v41, v33;
	v13 =	vadd.f32 v28, v13  }
0x4ed: {  	v48 =	vmul.f32 $2.518130840e-01, v47;
	v49 =	vpop (erf);
	v44 =	vsub.f32 $9.405722020e-01, v44;
	v14 =	vadd.f32 v27, v14  }
0x4ee: {  	v50 =	vmul.f32 $2.518130840e-01, v49;
	v51 =	vpop (erf);
	v46 =	vsub.f32 $9.405722020e-01, v46;
	v59 =	vadd.f32 v33, v21  }
0x4ef: {  	v52 =	vmul.f32 $2.518130840e-01, v51;
	v53 =	vpop (erf);
	v60 =	vsub.f32 $9.405722020e-01, v48;
	v55 =	vmul.f32 v44, v42  }
0x4f0: {  	v54 =	vmul.f32 $2.518130840e-01, v53;
	v63 =	vsub.f32 $9.405722020e-01, v50;
	v56 =	vmul.f32 v46, v45  }
0x4f1: {  	v48 =	vsub.f32 $9.405722020e-01, v52;
	v52 =	vmul.f32 v40, v36;
	v57 =	vmul.f32 v60, v47  }
0x4f2: {  	v26 =	vadd.f32 v55, v26;
	v50 =	vsub.f32 $9.405722020e-01, v54;
	v54 =	vmul.f32 v43, v39  }
0x4f3: {  	v58 =	vmul.f32 v63, v49;
	v15 =	vadd.f32 v56, v24;
	v60 =	vmul.f32 v48, v51  }
0x4f4: {  	v22 =	vadd.f32 v52, v22;
	v16 =	vadd.f32 v57, v23;
	v61 =	vmul.f32 v50, v53  }
0x4f5: {  	v7 =	vmax.f32 v7, $0.0e+00;
	v25 =	vadd.f32 v54, v25;
	v17 =	vadd.f32 v58, v20  }
0x4f6: {  	v19 =	vadd.f32 v60, v19;
	v7 =	vadd.f32 v61, v7  }
0x4f7: {  	v16 =	vadd.f32 $0.0e+00, v16;
	v17 =	vadd.f32 $0.0e+00, v17  }
0x4f8: {  	v19 =	vadd.f32 $0.0e+00, v19;
	v7 =	vadd.f32 $0.0e+00, v7  }
0x4f9: {  	v16 =	vadd.f32 v22, v16;
	v17 =	vadd.f32 v25, v17  }
0x4fa: {  	v19 =	vadd.f32 v26, v19;
	v7 =	vadd.f32 v15, v7  }
0x4fb: {  	v12 =	vadd.f32 v12, v16;
	v13 =	vadd.f32 v13, v17  }
0x4fc: {  	v14 =	vadd.f32 v14, v19;
	v7 =	vadd.f32 v59, v7  }
0x4fd: {  	v8 =	vadd.f32 v8, v12;
	v9 =	vadd.f32 v9, v13  }
0x4fe: {  	s0 =	sadd.s32 $0x10, s0;
	v10 =	vadd.f32 v10, v14;
	v7 =	vadd.f32 v11, v7  }
0x4ff: {  	v62 =	vld [tilespmem:s0+$0x0]  }
0x500: {  	v8 =	vadd.f32 v9, v8;
	v7 =	vadd.f32 v7, v10;
	_ =	sdelay $0x1  }
0x501: {  	v7 =	vadd.f32 v7, v8  }
0x502: {  	v63 =	vld [tilespmem:$0x19800]  }
0x503: {  	v7 =	vmul.f32 v7, v62;
	_ =	sdelay $0x1  }
.Ltmp26:
0x504: {  	v6 =	vadd.f32 v7, v6;
	(pc) =	sbr.rel .LBB2_43-.Ltmp26, $3  }
0x505: {  	_ = 	snop  }
0x506: {  	v6 =	vadd.f32 v63, v6;
	_ =	sdelay $0x1  }
0x507: {  	[tilespmem:$0x19800] =	vst v6  }
.LBB2_7:
.Ltmp27:
0x508: {  	(pc) =	sbr.rel .LBB2_14-.Ltmp27, $2  }
0x509: {  	_ =	sdelay $0x2  }
0x50a: {  	s8 =	simm.s32 $0x18400  }
.LBB2_9:
.Ltmp28:
0x50b: {  	(pc) =	sbr.rel .LBB2_14-.Ltmp28, $2  }
0x50c: {  	_ =	sdelay $0x2  }
0x50d: {  	s8 =	simm.s32 $0x18400  }
.LBB2_11:
.Ltmp29:
0x50e: {  	(pc) =	sbr.rel .LBB2_14-.Ltmp29, $2  }
0x50f: {  	_ =	sdelay $0x2  }
0x510: {  	s8 =	simm.s32 $0x18400;
	s10 =	simm.s32 $0x3  }
.LBB2_45:
0x511: {  	_ =	sfence.sel $0x180000  }
0x512: {  	[bflag:$0x0] =	sbarrier.arrive $0xFFFF  }
0x513: {  	_ =	strace $0x90000047  }
0x514: {  	s0 =	stileid.u32;
	[bflag:$0x2] =	sbarrier.arrive $0xFFFF  }
0x515: {  	p0 =	sne.s32 s0, $0x0;
	s0 =	rddreg [dreg:$0x3]  }
0x516: {  	s0 =	sadd.s32 @!p0 $0x100000, s0  }
0x517: {  	[sflag:s0] =	ssyncadd.tile.s32 @!p0 $0x1;
	_ =	shalt  }
.Lfunc_end2:
_tile_overlayer_lowered:
.L_overlay_start_2:
0x518: {  	(tag) =	ssettag $0x2  }
0x519: {  	s0 =	rddreg [dreg:$0x0];
	s2 =	stileid.u32  }
0x51a: {  	s1 =	rddreg [dreg:$0x1];
	p0 =	sne.s32 s2, $0x0  }
0x51b: {  	s3 =	rddreg [dreg:$0x2];
	[bflag:$0x3] =	sbarrier.arrive $0xFFFF;
	s2 =	simm.s32 @!p0 $0x1C04  }
0x51c: {  	[timem:s3], [sflag:s2] =	dma.local @!p0 [hbm:s0], s1  }
0x51d: {  	s0 =	simm.s32 @!p0 $0x4  }
0x51e: {  	_ =	swait.ge @!p0 [sflag:s0], s1  }
0x51f: {  	s1 =	ssub.s32 @!p0 $0x0, s1;
	[sflag:s0] =	ssyncset.done @!p0 $0x0  }
0x520: {  	[sflag:s0] =	ssyncadd.s32 @!p0 s1  }
0x521: {  	[bflag:$0x3] =	sbarrier.arrive $0xFFFF  }
0x522: {  	_ =	shalt  }

</sc_bundles>
